<compile_context>
chip_gen: v7x
topology: tpu7x:2x2x1
jax: 0.10.2.dev20260603
libtpu: 0.0.44.dev20260713+nightly
codegen_flags: <defaults>
</compile_context>

<pallas_src>
import dataclasses

import jax
import jax.numpy as jnp
from jax import lax
from jax.experimental import pallas as pl
from jax.experimental.pallas import tpu as pltpu
from jax.experimental.pallas import tpu_sc as plsc

N = 10000
E = 320000
F = 128
H = 256
A = 17
TW = 144
EB = 3200
PB = EB // 128
NB = 1000

_bf16 = jnp.bfloat16
_f32 = jnp.float32


GW = 128


NCH = 1
EC = E // NCH


def _sc_gather(T, rc2d, kk):
    mesh = plsc.VectorSubcoreMesh(core_axis_name="c", subcore_axis_name="s")
    r0 = kk * (EC // GW)

    @pl.kernel(out_type=jax.ShapeDtypeStruct((EC, 2 * F), _f32), mesh=mesh)
    def k(t_hbm, i_hbm, o_hbm):
        def body(ir_vmem, ic_vmem, o1_vmem, o2_vmem):
            pltpu.sync_copy(t_hbm.at[ir_vmem.at[0]], o1_vmem)
            pltpu.sync_copy(t_hbm.at[ic_vmem.at[0]], o2_vmem)

        pltpu.emit_pipeline(
            body,
            grid=(EC // GW,),
            in_specs=[pl.BlockSpec((1, GW), lambda i: (0, r0 + i)),
                      pl.BlockSpec((1, GW), lambda i: (0, E // GW + r0 + i))],
            out_specs=[pl.BlockSpec((GW, F), lambda i: (i, 0)),
                       pl.BlockSpec((GW, F), lambda i: (i, 1))],
            core_axis_name=("c", "s"),
            dimension_semantics=(pltpu.PARALLEL,),
        )(i_hbm, i_hbm, o_hbm, o_hbm)

    return k(T, rc2d)


EBC = 128
NT = N // 16


NW = 624


def _sc_agg(ef, rc2d, z128, kk):
    mesh = plsc.VectorSubcoreMesh(core_axis_name="c", subcore_axis_name="s")
    r0 = kk * (EC // EBC)

    @pl.kernel(
        out_type=jax.ShapeDtypeStruct((N, H), _f32),
        mesh=mesh,
        scratch_types=[pltpu.VMEM_SHARED((N, F), _f32)],
    )
    def k(ef_hbm, rc_hbm, z128_hbm, agg_hbm, agg_sh):
        cid = lax.axis_index("c")
        sid = lax.axis_index("s")
        pltpu.sync_copy(z128_hbm, agg_sh.at[pl.ds(sid * NT, NT)])
        plsc.subcore_barrier()

        def body(ef_vmem, ridx_vmem):
            pltpu.sync_copy(ef_vmem, agg_sh.at[ridx_vmem.at[0]], add=True)

        pltpu.emit_pipeline(
            body,
            grid=(EC // EBC,),
            in_specs=[
                pl.BlockSpec((EBC, F), lambda i: (i, cid)),
                pl.BlockSpec((1, EBC), lambda i: (0, r0 + i)),
            ],
            core_axis_name="s",
            dimension_semantics=(pltpu.PARALLEL,),
        )(ef_hbm, rc_hbm)

        plsc.subcore_barrier()
        pltpu.sync_copy(agg_sh.at[pl.ds(sid * NW, NW)],
                        agg_hbm.at[pl.ds(sid * NW, NW), pl.ds(cid * F, F)])

        @pl.when(sid == 15)
        def _tail():
            pltpu.sync_copy(agg_sh.at[pl.ds(16 * NW, N - 16 * NW)],
                            agg_hbm.at[pl.ds(16 * NW, N - 16 * NW), pl.ds(cid * F, F)])

    return k(ef, rc2d, z128)


def _sc_coords(phi_pack, rc2d, coords3, z128, kk):
    mesh = plsc.VectorSubcoreMesh(core_axis_name="c", subcore_axis_name="s")
    r0 = kk * (EC // EBC)

    cp = pltpu.CompilerParams()
    if "needs_layout_passes" in pltpu.CompilerParams.__dataclass_fields__:
        cp = dataclasses.replace(cp, needs_layout_passes=False)

    @pl.kernel(
        out_type=jax.ShapeDtypeStruct((2, N, 128), _f32),
        mesh=mesh,
        compiler_params=cp,
        scratch_types=[
            pltpu.VMEM_SHARED((N, 128), _f32),
            pltpu.VMEM((3, N), _f32),
            pltpu.VMEM((64, 128), _f32),
            pltpu.VMEM((1, 64), jnp.int32),
        ],
    )
    def k(phi_hbm, rc_hbm, c3_hbm, z128_hbm, csp_hbm, cs_sh, ctab, stage, idx_s):
        cid = lax.axis_index("c")
        sid = lax.axis_index("s")
        pltpu.sync_copy(c3_hbm, ctab)
        pltpu.sync_copy(z128_hbm, cs_sh.at[pl.ds(sid * NT, NT)])
        pltpu.sync_copy(z128_hbm.at[pl.ds(0, 64)], stage)
        plsc.subcore_barrier()

        lanes = lax.iota(jnp.int32, 16)

        def body(ridx_vmem, cidx_vmem, phi_vmem):
            for j in range(4):
                sl = pl.ds(cid * 64 + j * 16, 16)
                idxr = ridx_vmem[0, sl]
                idxc = cidx_vmem[0, sl]
                p = phi_vmem[0, 0, sl]
                idx_s[0, pl.ds(j * 16, 16)] = idxr
                rows = jnp.full((16,), j * 16, jnp.int32) + lanes
                for d in range(3):
                    dsplat = jnp.full((16,), d, jnp.int32)
                    a = plsc.load_gather(ctab, [dsplat, idxr])
                    b = plsc.load_gather(ctab, [dsplat, idxc])
                    plsc.store_scatter(stage, [rows, dsplat], (a - b) * p)
            pltpu.sync_copy(stage, cs_sh.at[idx_s.at[0]], add=True)

        pltpu.emit_pipeline(
            body,
            grid=(EC // EBC,),
            in_specs=[
                pl.BlockSpec((1, EBC), lambda i: (0, r0 + i)),
                pl.BlockSpec((1, EBC), lambda i: (0, E // EBC + r0 + i)),
                pl.BlockSpec((1, 1, 128), lambda i: (i // PB, i % PB, 0)),
            ],
            core_axis_name="s",
            dimension_semantics=(pltpu.PARALLEL,),
        )(rc_hbm, rc_hbm, phi_hbm)

        plsc.subcore_barrier()
        pltpu.sync_copy(cs_sh.at[pl.ds(sid * NW, NW)],
                        csp_hbm.at[cid].at[pl.ds(sid * NW, NW)])

        @pl.when(sid == 15)
        def _tail():
            pltpu.sync_copy(cs_sh.at[pl.ds(16 * NW, N - 16 * NW)],
                            csp_hbm.at[cid].at[pl.ds(16 * NW, N - 16 * NW)])

    return k(phi_pack, rc2d, coords3, z128)


def _edge_body(gs, ea, ws, wa, be, wc1, bc1, wc2, ef_out, phi_out):
    g = gs[...].astype(_bf16)
    x = jnp.dot(g, ws[...], preferred_element_type=_f32)
    x = x + jnp.dot(ea[...].astype(_bf16), wa[...], preferred_element_type=_f32)
    x = x + be[...]
    ef = jnp.maximum(x, 0.0)
    ef_out[...] = ef
    h = jnp.dot(ef.astype(_bf16), wc1[...], preferred_element_type=_f32) + bc1[...]
    h = jnp.maximum(h, 0.0)
    phi = jnp.dot(h.astype(_bf16), wc2[...], preferred_element_type=_f32)
    phi_out[...] = phi.reshape(1, EB // 128, 128)


def _edge_mlp(G, edge_attr, ws, wa, be2, wc1b, bc12, wc22, kk):
    nsteps = EC // EB
    a0 = kk * (EC // EB)
    return pl.pallas_call(
        _edge_body,
        grid=(nsteps,),
        in_specs=[
            pl.BlockSpec((EB, 2 * F), lambda i: (i, 0)),
            pl.BlockSpec((EB, A), lambda i: (a0 + i, 0)),
            pl.BlockSpec((2 * F, H), lambda i: (0, 0)),
            pl.BlockSpec((A, H), lambda i: (0, 0)),
            pl.BlockSpec((1, H), lambda i: (0, 0)),
            pl.BlockSpec((H, H), lambda i: (0, 0)),
            pl.BlockSpec((1, H), lambda i: (0, 0)),
            pl.BlockSpec((H, 1), lambda i: (0, 0)),
        ],
        out_specs=[
            pl.BlockSpec((EB, H), lambda i: (i, 0)),
            pl.BlockSpec((1, EB // 128, 128), lambda i: (i, 0, 0)),
        ],
        out_shape=[
            jax.ShapeDtypeStruct((EC, H), _f32),
            jax.ShapeDtypeStruct((EC // EB, EB // 128, 128), _f32),
        ],
    )(G, edge_attr, ws, wa, be2, wc1b, bc12, wc22)


def _node_body(nf, agg0, co, cs00, cs01, wna, wnb, bn, no_out, c_out):
    x = jnp.dot(nf[...].astype(_bf16), wna[...], preferred_element_type=_f32)
    x = x + jnp.dot(agg0[...].astype(_bf16), wnb[...], preferred_element_type=_f32)
    x = x + bn[...]
    no_out[...] = jnp.maximum(x, 0.0)
    c_out[...] = co[...] + cs00[0][:, :16] + cs01[0][:, :16]


def _node_mlp(node_feats, aggs, co16, csps, wna, wnb, bn2):
    return pl.pallas_call(
        _node_body,
        grid=(N // NB,),
        in_specs=[
            pl.BlockSpec((NB, F), lambda i: (i, 0)),
            pl.BlockSpec((NB, H), lambda i: (i, 0)),
            pl.BlockSpec((NB, 16), lambda i: (i, 0)),
            pl.BlockSpec((1, NB, 128), lambda i: (0, i, 0)),
            pl.BlockSpec((1, NB, 128), lambda i: (1, i, 0)),
            pl.BlockSpec((F, H), lambda i: (0, 0)),
            pl.BlockSpec((H, H), lambda i: (0, 0)),
            pl.BlockSpec((1, H), lambda i: (0, 0)),
        ],
        out_specs=[
            pl.BlockSpec((NB, H), lambda i: (i, 0)),
            pl.BlockSpec((NB, 16), lambda i: (i, 0)),
        ],
        out_shape=[
            jax.ShapeDtypeStruct((N, H), _f32),
            jax.ShapeDtypeStruct((N, 16), _f32),
        ],
    )(node_feats, aggs[0], co16, csps[0], csps[0], wna, wnb, bn2)


def kernel(node_feats, edge_index, edge_attr, coords, We, be, Wn, bn, Wc1, bc1, Wc2):
    co16 = jnp.pad(coords, ((0, 0), (0, 13)))
    rc2d = edge_index.reshape(1, 2 * E)

    ws = We[:, :2 * F].T.astype(_bf16)
    wa = We[:, 2 * F:].T.astype(_bf16)
    be2 = be.reshape(1, H)
    wc1b = Wc1.T.astype(_bf16)
    bc12 = bc1.reshape(1, H)
    wc22 = Wc2.reshape(H, 1).astype(_bf16)
    coords3 = coords.T
    z128 = jnp.zeros((NT, F), _f32)

    efs, aggs, csps = [], [], []
    for kk in range(NCH):
        Gk = _sc_gather(node_feats, rc2d, kk)
        efk, phik = _edge_mlp(Gk, edge_attr, ws, wa, be2, wc1b, bc12, wc22, kk)
        efs.append(efk)
        aggs.append(_sc_agg(efk, rc2d, z128, kk))
        csps.append(_sc_coords(phik, rc2d, coords3, z128, kk))
    ef = efs[0] if NCH == 1 else jnp.concatenate(efs, axis=0)

    wna = Wn[:, :F].T.astype(_bf16)
    wnb = Wn[:, F:].T.astype(_bf16)
    bn2 = bn.reshape(1, H)
    node_out, c_out = _node_mlp(node_feats, aggs, co16, csps, wna, wnb, bn2)
    return node_out, ef, c_out[:, :3]

# --- scband reference (transcript-rebuilt; emitter-appended) ---
"""Pipeline reference for scband-neclayer-146028888090 (READ-ONLY COPY).

The authoritative reference and input builder live on the scoring server;
editing this copy changes nothing except your own understanding.
"""

import jax, jax.numpy as jnp
import numpy as np

N = 10000
E = 320000
IN_NF = 128
HID = 256
EDGES_IN = 16
EDGE_ATTR_DIM = EDGES_IN + 1  # torch edge_mlp expects 2*in_nf + 1 + edges_in_dim inputs
EDGE_IN_DIM = 2 * IN_NF + 1 + EDGES_IN  # 273
NODE_IN_DIM = HID + IN_NF  # 384


def setup_inputs(seed: int = 0) -> dict:
    key = jax.random.key(seed)
    ks = jax.random.split(key, 12)
    node_feats = jax.random.normal(ks[0], (N, IN_NF), jnp.float32)
    edge_index = jax.random.randint(ks[1], (2, E), 0, N, jnp.int32)
    edge_attr = jax.random.normal(ks[2], (E, EDGE_ATTR_DIM), jnp.float32)
    coords = jax.random.normal(ks[3], (N, 3), jnp.float32)
    We = jax.random.normal(ks[4], (HID, EDGE_IN_DIM), jnp.float32) * (2.0 / (HID + EDGE_IN_DIM)) ** 0.5
    be = jnp.zeros((HID,), jnp.float32)
    Wn = jax.random.normal(ks[5], (HID, NODE_IN_DIM), jnp.float32) * (2.0 / (HID + NODE_IN_DIM)) ** 0.5
    bn = jnp.zeros((HID,), jnp.float32)
    Wc1 = jax.random.normal(ks[6], (HID, HID), jnp.float32) * (2.0 / (HID + HID)) ** 0.5
    bc1 = jnp.zeros((HID,), jnp.float32)
    Wc2 = jax.random.normal(ks[7], (1, HID), jnp.float32) * 0.001  # xavier gain=0.001, no bias
    return {"node_feats": node_feats, "edge_index": edge_index, "edge_attr": edge_attr,
            "coords": coords, "We": We, "be": be, "Wn": Wn, "bn": bn,
            "Wc1": Wc1, "bc1": bc1, "Wc2": Wc2}


def reference(node_feats, edge_index, edge_attr, coords, We, be, Wn, bn, Wc1, bc1, Wc2):
    row = edge_index[0]
    col = edge_index[1]
    # coords_diff (norm_coords=False)
    coords_diff = coords[row] - coords[col]
    # edge_model: cat([source, target, edge_attr]) -> Linear -> ReLU
    e_in = jnp.concatenate([node_feats[row], node_feats[col], edge_attr], axis=1)
    edge_feats = jax.nn.relu(e_in @ We.T + be)
    # coords_model: coords_mlp = Linear->ReLU->Linear(no bias); trans = coords_diff * phi; scatter-add by row
    h = jax.nn.relu(edge_feats @ Wc1.T + bc1)
    phi = h @ Wc2.T  # [E, 1]
    trans = coords_diff * phi
    coords_new = coords + jax.ops.segment_sum(trans, row, num_segments=N)
    # node_model: scatter-add edge_feats by row, cat with node_feats, Linear -> ReLU
    agg = jax.ops.segment_sum(edge_feats, row, num_segments=N)
    node_out = jax.nn.relu(jnp.concatenate([node_feats, agg], axis=1) @ Wn.T + bn)
    return (node_out, edge_feats, coords_new)

if __name__ == "__main__":
    import jax
    _d = setup_inputs()
    print(jax.jit(kernel)(*tuple(_d.values())))

</pallas_src>

<mosaic_0001>
#map = affine_map<(d0, d1) -> (0, 0)>
module attributes {stable_mosaic.version = 14 : i64} {
  func.func @k(%arg0: i32, %arg1: i32, %arg2: memref<320000x256xf32, #tpu.memory_space<hbm>>, %arg3: memref<1x640000xi32, #tpu.memory_space<hbm>>, %arg4: memref<625x128xf32, #tpu.memory_space<hbm>>, %arg5: memref<10000x256xf32, #tpu.memory_space<hbm>>, %arg6: memref<10000x128xf32, #tpu.memory_space<vmem_shared>>) attributes {dimension_semantics = [#tpu.dimension_semantics<core_parallel>, #tpu.dimension_semantics<subcore_parallel>], iteration_bounds = array<i64: 2, 16>, scalar_prefetch = 0 : i64, scratch_operands = 1 : i64, tpu.core_type = #tpu.core_type<sc_vector_subcore>, window_params = [{transform_indices = #map}, {transform_indices = #map}, {transform_indices = #map}, {transform_indices = #map}]} {
    %mul3A = arith.constant 625 : i32
    %mul3A_0 = arith.muli %arg1, %mul3A : i32
    "tpu.region"() ({
      %run_scoped3A = tpu.sem_alloc : memref<!tpu.dma_semaphore, #tpu.memory_space<semaphore_mem>>
      %dma_start3A = arith.constant 0 : i32
      %dma_start3A_21 = tpu.memref_slice %arg6[%mul3A_0, %dma_start3A] : memref<10000x128xf32, #tpu.memory_space<vmem_shared>> -> memref<625x128xf32, #tpu.memory_space<vmem_shared>>
      tpu.enqueue_dma source(%arg4 : memref<625x128xf32, #tpu.memory_space<hbm>>) target(%dma_start3A_21 : memref<625x128xf32, #tpu.memory_space<vmem_shared>>) target_semaphore(%run_scoped3A : memref<!tpu.dma_semaphore, #tpu.memory_space<semaphore_mem>>)
      %dma_wait3A = arith.constant 0 : i32
      %dma_wait3A_22 = tpu.memref_slice %arg6[%mul3A_0, %dma_wait3A] : memref<10000x128xf32, #tpu.memory_space<vmem_shared>> -> memref<625x128xf32, #tpu.memory_space<vmem_shared>>
      tpu.wait_dma2 semaphore(%run_scoped3A : memref<!tpu.dma_semaphore, #tpu.memory_space<semaphore_mem>>) src(%arg4 : memref<625x128xf32, #tpu.memory_space<hbm>>) dst(%dma_wait3A_22 : memref<625x128xf32, #tpu.memory_space<vmem_shared>>)
      tpu.yield
    }) : () -> ()
    %barrier3A = arith.constant 0 : index
    tpu.barrier barrier_id(%barrier3A)
    %lt3A = arith.constant 4 : i32
    %lt3A_1 = arith.cmpi slt, %arg1, %lt3A : i32
    %jit3A = arith.constant 157 : i32
    %jit3A_2 = arith.constant 156 : i32
    %select_n3A = arith.select %lt3A_1, %jit3A, %jit3A_2 : i32
    %lt3A_3 = arith.constant 4 : i32
    %lt3A_4 = arith.cmpi slt, %arg1, %lt3A_3 : i32
    %mul3A_5 = arith.muli %arg1, %select_n3A : i32
    %mul3A_6 = arith.constant 156 : i32
    %mul3A_7 = arith.muli %arg1, %mul3A_6 : i32
    %add3A = arith.constant 4 : i32
    %add3A_8 = arith.addi %mul3A_7, %add3A : i32
    %select_n3A_9 = arith.select %lt3A_4, %mul3A_5, %add3A_8 : i32
    %mul3A_10 = arith.constant 1 : i32
    %mul3A_11 = arith.muli %mul3A_10, %select_n3A : i32
    "tpu.region"() ({
      %run_scoped3A = memref.alloca() : memref<2x128x128xf32, #tpu.memory_space<vmem>>
      %run_scoped3A_21 = tpu.sem_alloc : memref<2x!tpu.dma_semaphore, #tpu.memory_space<semaphore_mem>>
      %run_scoped3A_22 = memref.alloca() : memref<2x1x128xi32, #tpu.memory_space<vmem>>
      %run_scoped3A_23 = tpu.sem_alloc : memref<2x!tpu.dma_semaphore, #tpu.memory_space<semaphore_mem>>
      %gt3A = arith.constant 0 : i32
      %gt3A_24 = arith.cmpi sgt, %mul3A_11, %gt3A : i32
      %convert_element_type3A_25 = arith.extui %gt3A_24 : i1 to i32
      %cond3A_26 = arith.constant 0 : i32
      %cond3A_27 = arith.cmpi ne, %convert_element_type3A_25, %cond3A_26 : i32
      scf.if %cond3A_27 {
        %mul3A_28 = arith.constant 1 : i32
        %mul3A_29 = arith.muli %mul3A_28, %select_n3A : i32
        %sub3A = arith.constant 1 : i32
        %sub3A_30 = arith.subi %mul3A_29, %sub3A : i32
        %eq3A_31 = arith.constant 0 : i32
        %eq3A_32 = arith.cmpi eq, %sub3A_30, %eq3A_31 : i32
        %add3A_33 = arith.constant 0 : i32
        %add3A_34 = arith.addi %add3A_33, %select_n3A_9 : i32
        %select_n3A_35 = arith.constant true
        %select_n3A_36 = arith.constant 0 : i32
        %select_n3A_37 = arith.constant -1 : i32
        %select_n3A_38 = arith.select %select_n3A_35, %select_n3A_37, %select_n3A_36 : i32
        %eq3A_39 = arith.constant -1 : i32
        %eq3A_40 = arith.cmpi eq, %select_n3A_38, %eq3A_39 : i32
        %sub3A_41 = arith.constant 1 : i32
        %sub3A_42 = arith.subi %select_n3A, %sub3A_41 : i32
        %select_n3A_43 = arith.select %eq3A_40, %sub3A_42, %select_n3A_38 : i32
        %add3A_44 = arith.addi %select_n3A_43, %select_n3A_9 : i32
        %select_n3A_45 = arith.constant true
        %select_n3A_46 = arith.constant 0 : i32
        %select_n3A_47 = arith.constant 1 : i32
        %select_n3A_48 = arith.select %select_n3A_45, %select_n3A_47, %select_n3A_46 : i32
        %eq3A_49 = arith.cmpi eq, %select_n3A_48, %select_n3A : i32
        %select_n3A_50 = arith.constant 0 : i32
        %select_n3A_51 = arith.select %eq3A_49, %select_n3A_50, %select_n3A_48 : i32
        %add3A_52 = arith.addi %select_n3A_51, %select_n3A_9 : i32
        %add3A_53 = arith.constant 1 : i32
        %add3A_54 = arith.addi %select_n3A_51, %add3A_53 : i32
        %select_n3A_55 = arith.constant true
        %select_n3A_56 = arith.select %select_n3A_55, %add3A_54, %select_n3A_51 : i32
        %eq3A_57 = arith.cmpi eq, %select_n3A_56, %select_n3A : i32
        %select_n3A_58 = arith.constant 0 : i32
        %select_n3A_59 = arith.select %eq3A_57, %select_n3A_58, %select_n3A_56 : i32
        %add3A_60 = arith.addi %select_n3A_59, %select_n3A_9 : i32
        "tpu.trace_start"() <{level = 10 : i32, message = "ep_initialize_0"}> : () -> ()
        %rem3A = arith.constant 0 : i32
        %rem3A_61 = arith.constant 2 : i32
        %rem3A_62 = arith.remui %rem3A, %rem3A_61 : i32
        %mul3A_63 = arith.constant 128 : i32
        %mul3A_64 = arith.muli %mul3A_63, %add3A_34 : i32
        %mul3A_65 = arith.constant 128 : i32
        %mul3A_66 = arith.muli %mul3A_65, %arg0 : i32
        %dma_start3A = arith.constant 0 : i32
        %dma_start3A_67 = arith.constant 0 : i32
        %dma_start3A_68 = tpu.memref_slice %run_scoped3A[%rem3A_62, %dma_start3A, %dma_start3A_67] : memref<2x128x128xf32, #tpu.memory_space<vmem>> -> memref<1x128x128xf32, #tpu.memory_space<vmem>>
        %dma_start3A_69 = tpu.memref_squeeze %dma_start3A_68 : memref<1x128x128xf32, #tpu.memory_space<vmem>> -> memref<128x128xf32, #tpu.memory_space<vmem>>
        %dma_start3A_70 = tpu.memref_slice %arg2[%mul3A_64, %mul3A_66] : memref<320000x256xf32, #tpu.memory_space<hbm>> -> memref<128x128xf32, #tpu.memory_space<hbm>>
        %dma_start3A_71 = tpu.memref_slice %run_scoped3A_21[%rem3A_62] : memref<2x!tpu.dma_semaphore, #tpu.memory_space<semaphore_mem>> -> memref<1x!tpu.dma_semaphore, #tpu.memory_space<semaphore_mem>>
        %dma_start3A_72 = tpu.memref_squeeze %dma_start3A_71 : memref<1x!tpu.dma_semaphore, #tpu.memory_space<semaphore_mem>> -> memref<!tpu.dma_semaphore, #tpu.memory_space<semaphore_mem>>
        %dma_start3A_73 = arith.constant 0 : i32
        %dma_start3A_74 = arith.constant 0 : i32
        %dma_start3A_75 = tpu.memref_slice %run_scoped3A[%rem3A_62, %dma_start3A_73, %dma_start3A_74] : memref<2x128x128xf32, #tpu.memory_space<vmem>> -> memref<1x128x128xf32, #tpu.memory_space<vmem>>
        %dma_start3A_76 = tpu.memref_squeeze %dma_start3A_75 : memref<1x128x128xf32, #tpu.memory_space<vmem>> -> memref<128x128xf32, #tpu.memory_space<vmem>>
        %dma_start3A_77 = tpu.memref_slice %arg2[%mul3A_64, %mul3A_66] : memref<320000x256xf32, #tpu.memory_space<hbm>> -> memref<128x128xf32, #tpu.memory_space<hbm>>
        tpu.enqueue_dma source(%dma_start3A_77 : memref<128x128xf32, #tpu.memory_space<hbm>>) target(%dma_start3A_76 : memref<128x128xf32, #tpu.memory_space<vmem>>) target_semaphore(%dma_start3A_72 : memref<!tpu.dma_semaphore, #tpu.memory_space<semaphore_mem>>)
        %add3A_78 = arith.constant 0 : i32
        %add3A_79 = arith.constant 1 : i32
        %add3A_80 = arith.addi %add3A_78, %add3A_79 : i32
        %select_n3A_81 = arith.constant true
        %select_n3A_82 = arith.constant 0 : i32
        %select_n3A_83 = arith.select %select_n3A_81, %add3A_80, %select_n3A_82 : i32
        %rem3A_84 = arith.constant 0 : i32
        %rem3A_85 = arith.constant 2 : i32
        %rem3A_86 = arith.remui %rem3A_84, %rem3A_85 : i32
        %add3A_87 = arith.constant 0 : i32
        %add3A_88 = arith.addi %add3A_87, %add3A_34 : i32
        %mul3A_89 = arith.constant 128 : i32
        %mul3A_90 = arith.muli %mul3A_89, %add3A_88 : i32
        %dma_start3A_91 = arith.constant 0 : i32
        %dma_start3A_92 = arith.constant 0 : i32
        %dma_start3A_93 = tpu.memref_slice %run_scoped3A_22[%rem3A_86, %dma_start3A_91, %dma_start3A_92] : memref<2x1x128xi32, #tpu.memory_space<vmem>> -> memref<1x1x128xi32, #tpu.memory_space<vmem>>
        %dma_start3A_94 = tpu.memref_squeeze %dma_start3A_93 : memref<1x1x128xi32, #tpu.memory_space<vmem>> -> memref<1x128xi32, #tpu.memory_space<vmem>>
        %dma_start3A_95 = arith.constant 0 : i32
        %dma_start3A_96 = tpu.memref_slice %arg3[%dma_start3A_95, %mul3A_90] : memref<1x640000xi32, #tpu.memory_space<hbm>> -> memref<1x128xi32, #tpu.memory_space<hbm>>
        %dma_start3A_97 = tpu.memref_slice %run_scoped3A_23[%rem3A_86] : memref<2x!tpu.dma_semaphore, #tpu.memory_space<semaphore_mem>> -> memref<1x!tpu.dma_semaphore, #tpu.memory_space<semaphore_mem>>
        %dma_start3A_98 = tpu.memref_squeeze %dma_start3A_97 : memref<1x!tpu.dma_semaphore, #tpu.memory_space<semaphore_mem>> -> memref<!tpu.dma_semaphore, #tpu.memory_space<semaphore_mem>>
        %dma_start3A_99 = arith.constant 0 : i32
        %dma_start3A_100 = arith.constant 0 : i32
        %dma_start3A_101 = tpu.memref_slice %run_scoped3A_22[%rem3A_86, %dma_start3A_99, %dma_start3A_100] : memref<2x1x128xi32, #tpu.memory_space<vmem>> -> memref<1x1x128xi32, #tpu.memory_space<vmem>>
        %dma_start3A_102 = tpu.memref_squeeze %dma_start3A_101 : memref<1x1x128xi32, #tpu.memory_space<vmem>> -> memref<1x128xi32, #tpu.memory_space<vmem>>
        %dma_start3A_103 = arith.constant 0 : i32
        %dma_start3A_104 = tpu.memref_slice %arg3[%dma_start3A_103, %mul3A_90] : memref<1x640000xi32, #tpu.memory_space<hbm>> -> memref<1x128xi32, #tpu.memory_space<hbm>>
        tpu.enqueue_dma source(%dma_start3A_104 : memref<1x128xi32, #tpu.memory_space<hbm>>) target(%dma_start3A_102 : memref<1x128xi32, #tpu.memory_space<vmem>>) target_semaphore(%dma_start3A_98 : memref<!tpu.dma_semaphore, #tpu.memory_space<semaphore_mem>>)
        %add3A_105 = arith.constant 0 : i32
        %add3A_106 = arith.constant 1 : i32
        %add3A_107 = arith.addi %add3A_105, %add3A_106 : i32
        %select_n3A_108 = arith.constant true
        %select_n3A_109 = arith.constant 0 : i32
        %select_n3A_110 = arith.select %select_n3A_108, %add3A_107, %select_n3A_109 : i32
        %while3A = arith.constant 0 : i32
        %while3A_111 = arith.constant 0 : i32
        %while3A_112 = arith.constant 0 : i32
        %while3A_113 = arith.constant 0 : i32
        "tpu.trace_stop"() : () -> ()
        %while3A_114 = arith.subi %mul3A_11, %while3A : i32
        %while3A_115 = arith.addi %while3A, %while3A_114 : i32
        %while3A_116 = arith.constant 1 : i32
        %while3A_117 = arith.divsi %while3A_114, %while3A_116 : i32
        %while3A_118 = arith.muli %while3A_117, %while3A_116 : i32
        %while3A_119 = arith.addi %while3A, %while3A_118 : i32
        %while3A_120 = arith.constant 1 : i32
        %while3A_121:5 = scf.for %while3A_175 = %while3A to %while3A_119 step %while3A_120 iter_args(%while3A_176 = %select_n3A_83, %while3A_177 = %while3A_111, %while3A_178 = %select_n3A_110, %while3A_179 = %while3A_112, %while3A_180 = %while3A_113) -> (i32, i32, i32, i32, i32)  : i32 {
          %mul3A_181 = arith.constant 1 : i32
          %mul3A_182 = arith.muli %mul3A_181, %select_n3A : i32
          %eq3A_183 = arith.constant 0 : i32
          %eq3A_184 = arith.cmpi eq, %while3A_175, %eq3A_183 : i32
          %sub3A_185 = arith.constant 1 : i32
          %sub3A_186 = arith.subi %mul3A_182, %sub3A_185 : i32
          %eq3A_187 = arith.cmpi eq, %while3A_175, %sub3A_186 : i32
          %add3A_188 = arith.addi %while3A_180, %select_n3A_9 : i32
          %sub3A_189 = arith.constant 1 : i32
          %sub3A_190 = arith.subi %while3A_180, %sub3A_189 : i32
          %select_n3A_191 = arith.constant true
          %select_n3A_192 = arith.select %select_n3A_191, %sub3A_190, %while3A_180 : i32
          %eq3A_193 = arith.constant -1 : i32
          %eq3A_194 = arith.cmpi eq, %select_n3A_192, %eq3A_193 : i32
          %sub3A_195 = arith.constant 1 : i32
          %sub3A_196 = arith.subi %select_n3A, %sub3A_195 : i32
          %select_n3A_197 = arith.select %eq3A_194, %sub3A_196, %select_n3A_192 : i32
          %add3A_198 = arith.addi %select_n3A_197, %select_n3A_9 : i32
          %add3A_199 = arith.constant 1 : i32
          %add3A_200 = arith.addi %while3A_180, %add3A_199 : i32
          %select_n3A_201 = arith.constant true
          %select_n3A_202 = arith.select %select_n3A_201, %add3A_200, %while3A_180 : i32
          %eq3A_203 = arith.cmpi eq, %select_n3A_202, %select_n3A : i32
          %select_n3A_204 = arith.constant 0 : i32
          %select_n3A_205 = arith.select %eq3A_203, %select_n3A_204, %select_n3A_202 : i32
          %add3A_206 = arith.addi %select_n3A_205, %select_n3A_9 : i32
          %add3A_207 = arith.constant 1 : i32
          %add3A_208 = arith.addi %select_n3A_205, %add3A_207 : i32
          %select_n3A_209 = arith.constant true
          %select_n3A_210 = arith.select %select_n3A_209, %add3A_208, %select_n3A_205 : i32
          %eq3A_211 = arith.cmpi eq, %select_n3A_210, %select_n3A : i32
          %select_n3A_212 = arith.constant 0 : i32
          %select_n3A_213 = arith.select %eq3A_211, %select_n3A_212, %select_n3A_210 : i32
          %add3A_214 = arith.addi %select_n3A_213, %select_n3A_9 : i32
          %ne3A = arith.cmpi ne, %add3A_188, %add3A_206 : i32
          %ne3A_215 = arith.cmpi ne, %arg0, %arg0 : i32
          %or3A = arith.constant false
          %or3A_216 = arith.ori %or3A, %ne3A : i1
          %or3A_217 = arith.ori %or3A_216, %ne3A_215 : i1
          %sub3A_218 = arith.constant 2 : i32
          %sub3A_219 = arith.subi %mul3A_182, %sub3A_218 : i32
          %add3A_220 = arith.constant 1 : i32
          %add3A_221 = arith.addi %sub3A_219, %add3A_220 : i32
          %ge3A = arith.cmpi sge, %while3A_175, %add3A_221 : i32
          %not3A = arith.constant true
          %not3A_222 = arith.xori %ge3A, %not3A : i1
          %and3A = arith.andi %or3A_217, %not3A_222 : i1
          %convert_element_type3A_223 = arith.extui %and3A : i1 to i32
          %cond3A_224 = arith.constant 0 : i32
          %cond3A_225 = arith.cmpi ne, %convert_element_type3A_223, %cond3A_224 : i32
          scf.if %cond3A_225 {
            "tpu.trace_start"() <{level = 10 : i32, message = "ep_copy_in"}> : () -> ()
            %rem3A_358 = arith.constant 2 : i32
            %rem3A_359 = arith.remui %while3A_176, %rem3A_358 : i32
            %mul3A_360 = arith.constant 128 : i32
            %mul3A_361 = arith.muli %mul3A_360, %add3A_206 : i32
            %mul3A_362 = arith.constant 128 : i32
            %mul3A_363 = arith.muli %mul3A_362, %arg0 : i32
            %dma_start3A_364 = arith.constant 0 : i32
            %dma_start3A_365 = arith.constant 0 : i32
            %dma_start3A_366 = tpu.memref_slice %run_scoped3A[%rem3A_359, %dma_start3A_364, %dma_start3A_365] : memref<2x128x128xf32, #tpu.memory_space<vmem>> -> memref<1x128x128xf32, #tpu.memory_space<vmem>>
            %dma_start3A_367 = tpu.memref_squeeze %dma_start3A_366 : memref<1x128x128xf32, #tpu.memory_space<vmem>> -> memref<128x128xf32, #tpu.memory_space<vmem>>
            %dma_start3A_368 = tpu.memref_slice %arg2[%mul3A_361, %mul3A_363] : memref<320000x256xf32, #tpu.memory_space<hbm>> -> memref<128x128xf32, #tpu.memory_space<hbm>>
            %dma_start3A_369 = tpu.memref_slice %run_scoped3A_21[%rem3A_359] : memref<2x!tpu.dma_semaphore, #tpu.memory_space<semaphore_mem>> -> memref<1x!tpu.dma_semaphore, #tpu.memory_space<semaphore_mem>>
            %dma_start3A_370 = tpu.memref_squeeze %dma_start3A_369 : memref<1x!tpu.dma_semaphore, #tpu.memory_space<semaphore_mem>> -> memref<!tpu.dma_semaphore, #tpu.memory_space<semaphore_mem>>
            %dma_start3A_371 = arith.constant 0 : i32
            %dma_start3A_372 = arith.constant 0 : i32
            %dma_start3A_373 = tpu.memref_slice %run_scoped3A[%rem3A_359, %dma_start3A_371, %dma_start3A_372] : memref<2x128x128xf32, #tpu.memory_space<vmem>> -> memref<1x128x128xf32, #tpu.memory_space<vmem>>
            %dma_start3A_374 = tpu.memref_squeeze %dma_start3A_373 : memref<1x128x128xf32, #tpu.memory_space<vmem>> -> memref<128x128xf32, #tpu.memory_space<vmem>>
            %dma_start3A_375 = tpu.memref_slice %arg2[%mul3A_361, %mul3A_363] : memref<320000x256xf32, #tpu.memory_space<hbm>> -> memref<128x128xf32, #tpu.memory_space<hbm>>
            tpu.enqueue_dma source(%dma_start3A_375 : memref<128x128xf32, #tpu.memory_space<hbm>>) target(%dma_start3A_374 : memref<128x128xf32, #tpu.memory_space<vmem>>) target_semaphore(%dma_start3A_370 : memref<!tpu.dma_semaphore, #tpu.memory_space<semaphore_mem>>)
            "tpu.trace_stop"() : () -> ()
          } else {
          }
          %and3A_226 = arith.constant true
          %and3A_227 = arith.andi %and3A, %and3A_226 : i1
          %add3A_228 = arith.constant 1 : i32
          %add3A_229 = arith.addi %while3A_176, %add3A_228 : i32
          %select_n3A_230 = arith.select %and3A_227, %add3A_229, %while3A_176 : i32
          %add3A_231 = arith.constant 0 : i32
          %add3A_232 = arith.addi %add3A_231, %add3A_188 : i32
          %add3A_233 = arith.constant 0 : i32
          %add3A_234 = arith.addi %add3A_233, %add3A_206 : i32
          %ne3A_235 = arith.cmpi ne, %add3A_232, %add3A_234 : i32
          %or3A_236 = arith.constant false
          %or3A_237 = arith.ori %or3A_236, %ne3A_235 : i1
          %sub3A_238 = arith.constant 2 : i32
          %sub3A_239 = arith.subi %mul3A_182, %sub3A_238 : i32
          %add3A_240 = arith.constant 1 : i32
          %add3A_241 = arith.addi %sub3A_239, %add3A_240 : i32
          %ge3A_242 = arith.cmpi sge, %while3A_175, %add3A_241 : i32
          %not3A_243 = arith.constant true
          %not3A_244 = arith.xori %ge3A_242, %not3A_243 : i1
          %and3A_245 = arith.andi %or3A_237, %not3A_244 : i1
          %convert_element_type3A_246 = arith.extui %and3A_245 : i1 to i32
          %cond3A_247 = arith.constant 0 : i32
          %cond3A_248 = arith.cmpi ne, %convert_element_type3A_246, %cond3A_247 : i32
          scf.if %cond3A_248 {
            "tpu.trace_start"() <{level = 10 : i32, message = "ep_copy_in"}> : () -> ()
            %rem3A_358 = arith.constant 2 : i32
            %rem3A_359 = arith.remui %while3A_178, %rem3A_358 : i32
            %add3A_360 = arith.constant 0 : i32
            %add3A_361 = arith.addi %add3A_360, %add3A_206 : i32
            %mul3A_362 = arith.constant 128 : i32
            %mul3A_363 = arith.muli %mul3A_362, %add3A_361 : i32
            %dma_start3A_364 = arith.constant 0 : i32
            %dma_start3A_365 = arith.constant 0 : i32
            %dma_start3A_366 = tpu.memref_slice %run_scoped3A_22[%rem3A_359, %dma_start3A_364, %dma_start3A_365] : memref<2x1x128xi32, #tpu.memory_space<vmem>> -> memref<1x1x128xi32, #tpu.memory_space<vmem>>
            %dma_start3A_367 = tpu.memref_squeeze %dma_start3A_366 : memref<1x1x128xi32, #tpu.memory_space<vmem>> -> memref<1x128xi32, #tpu.memory_space<vmem>>
            %dma_start3A_368 = arith.constant 0 : i32
            %dma_start3A_369 = tpu.memref_slice %arg3[%dma_start3A_368, %mul3A_363] : memref<1x640000xi32, #tpu.memory_space<hbm>> -> memref<1x128xi32, #tpu.memory_space<hbm>>
            %dma_start3A_370 = tpu.memref_slice %run_scoped3A_23[%rem3A_359] : memref<2x!tpu.dma_semaphore, #tpu.memory_space<semaphore_mem>> -> memref<1x!tpu.dma_semaphore, #tpu.memory_space<semaphore_mem>>
            %dma_start3A_371 = tpu.memref_squeeze %dma_start3A_370 : memref<1x!tpu.dma_semaphore, #tpu.memory_space<semaphore_mem>> -> memref<!tpu.dma_semaphore, #tpu.memory_space<semaphore_mem>>
            %dma_start3A_372 = arith.constant 0 : i32
            %dma_start3A_373 = arith.constant 0 : i32
            %dma_start3A_374 = tpu.memref_slice %run_scoped3A_22[%rem3A_359, %dma_start3A_372, %dma_start3A_373] : memref<2x1x128xi32, #tpu.memory_space<vmem>> -> memref<1x1x128xi32, #tpu.memory_space<vmem>>
            %dma_start3A_375 = tpu.memref_squeeze %dma_start3A_374 : memref<1x1x128xi32, #tpu.memory_space<vmem>> -> memref<1x128xi32, #tpu.memory_space<vmem>>
            %dma_start3A_376 = arith.constant 0 : i32
            %dma_start3A_377 = tpu.memref_slice %arg3[%dma_start3A_376, %mul3A_363] : memref<1x640000xi32, #tpu.memory_space<hbm>> -> memref<1x128xi32, #tpu.memory_space<hbm>>
            tpu.enqueue_dma source(%dma_start3A_377 : memref<1x128xi32, #tpu.memory_space<hbm>>) target(%dma_start3A_375 : memref<1x128xi32, #tpu.memory_space<vmem>>) target_semaphore(%dma_start3A_371 : memref<!tpu.dma_semaphore, #tpu.memory_space<semaphore_mem>>)
            "tpu.trace_stop"() : () -> ()
          } else {
          }
          %and3A_249 = arith.constant true
          %and3A_250 = arith.andi %and3A_245, %and3A_249 : i1
          %add3A_251 = arith.constant 1 : i32
          %add3A_252 = arith.addi %while3A_178, %add3A_251 : i32
          %select_n3A_253 = arith.select %and3A_250, %add3A_252, %while3A_178 : i32
          %ne3A_254 = arith.cmpi ne, %add3A_188, %add3A_198 : i32
          %ne3A_255 = arith.cmpi ne, %arg0, %arg0 : i32
          %or3A_256 = arith.constant false
          %or3A_257 = arith.ori %or3A_256, %ne3A_254 : i1
          %or3A_258 = arith.ori %or3A_257, %ne3A_255 : i1
          %or3A_259 = arith.ori %or3A_258, %eq3A_184 : i1
          %convert_element_type3A_260 = arith.extui %or3A_259 : i1 to i32
          %cond3A_261 = arith.constant 0 : i32
          %cond3A_262 = arith.cmpi ne, %convert_element_type3A_260, %cond3A_261 : i32
          scf.if %cond3A_262 {
            "tpu.trace_start"() <{level = 10 : i32, message = "ep_wait_in"}> : () -> ()
            %mul3A_358 = arith.constant 128 : i32
            %mul3A_359 = arith.muli %mul3A_358, %add3A_188 : i32
            %mul3A_360 = arith.constant 128 : i32
            %mul3A_361 = arith.muli %mul3A_360, %arg0 : i32
            %rem3A_362 = arith.constant 2 : i32
            %rem3A_363 = arith.remui %while3A_177, %rem3A_362 : i32
            %dma_wait3A = arith.constant 0 : i32
            %dma_wait3A_364 = arith.constant 0 : i32
            %dma_wait3A_365 = tpu.memref_slice %run_scoped3A[%rem3A_363, %dma_wait3A, %dma_wait3A_364] : memref<2x128x128xf32, #tpu.memory_space<vmem>> -> memref<1x128x128xf32, #tpu.memory_space<vmem>>
            %dma_wait3A_366 = tpu.memref_squeeze %dma_wait3A_365 : memref<1x128x128xf32, #tpu.memory_space<vmem>> -> memref<128x128xf32, #tpu.memory_space<vmem>>
            %dma_wait3A_367 = tpu.memref_slice %arg2[%mul3A_359, %mul3A_361] : memref<320000x256xf32, #tpu.memory_space<hbm>> -> memref<128x128xf32, #tpu.memory_space<hbm>>
            %dma_wait3A_368 = tpu.memref_slice %run_scoped3A_21[%rem3A_363] : memref<2x!tpu.dma_semaphore, #tpu.memory_space<semaphore_mem>> -> memref<1x!tpu.dma_semaphore, #tpu.memory_space<semaphore_mem>>
            %dma_wait3A_369 = tpu.memref_squeeze %dma_wait3A_368 : memref<1x!tpu.dma_semaphore, #tpu.memory_space<semaphore_mem>> -> memref<!tpu.dma_semaphore, #tpu.memory_space<semaphore_mem>>
            %dma_wait3A_370 = arith.constant 0 : i32
            %dma_wait3A_371 = arith.constant 0 : i32
            %dma_wait3A_372 = tpu.memref_slice %run_scoped3A[%rem3A_363, %dma_wait3A_370, %dma_wait3A_371] : memref<2x128x128xf32, #tpu.memory_space<vmem>> -> memref<1x128x128xf32, #tpu.memory_space<vmem>>
            %dma_wait3A_373 = tpu.memref_squeeze %dma_wait3A_372 : memref<1x128x128xf32, #tpu.memory_space<vmem>> -> memref<128x128xf32, #tpu.memory_space<vmem>>
            %dma_wait3A_374 = tpu.memref_slice %arg2[%mul3A_359, %mul3A_361] : memref<320000x256xf32, #tpu.memory_space<hbm>> -> memref<128x128xf32, #tpu.memory_space<hbm>>
            tpu.wait_dma2 semaphore(%dma_wait3A_369 : memref<!tpu.dma_semaphore, #tpu.memory_space<semaphore_mem>>) src(%dma_wait3A_374 : memref<128x128xf32, #tpu.memory_space<hbm>>) dst(%dma_wait3A_373 : memref<128x128xf32, #tpu.memory_space<vmem>>)
            "tpu.trace_stop"() : () -> ()
          } else {
          }
          %add3A_263 = arith.constant 0 : i32
          %add3A_264 = arith.addi %add3A_263, %add3A_188 : i32
          %add3A_265 = arith.constant 0 : i32
          %add3A_266 = arith.addi %add3A_265, %add3A_198 : i32
          %ne3A_267 = arith.cmpi ne, %add3A_264, %add3A_266 : i32
          %or3A_268 = arith.constant false
          %or3A_269 = arith.ori %or3A_268, %ne3A_267 : i1
          %or3A_270 = arith.ori %or3A_269, %eq3A_184 : i1
          %convert_element_type3A_271 = arith.extui %or3A_270 : i1 to i32
          %cond3A_272 = arith.constant 0 : i32
          %cond3A_273 = arith.cmpi ne, %convert_element_type3A_271, %cond3A_272 : i32
          scf.if %cond3A_273 {
            "tpu.trace_start"() <{level = 10 : i32, message = "ep_wait_in"}> : () -> ()
            %add3A_358 = arith.constant 0 : i32
            %add3A_359 = arith.addi %add3A_358, %add3A_188 : i32
            %mul3A_360 = arith.constant 128 : i32
            %mul3A_361 = arith.muli %mul3A_360, %add3A_359 : i32
            %rem3A_362 = arith.constant 2 : i32
            %rem3A_363 = arith.remui %while3A_179, %rem3A_362 : i32
            %dma_wait3A = arith.constant 0 : i32
            %dma_wait3A_364 = arith.constant 0 : i32
            %dma_wait3A_365 = tpu.memref_slice %run_scoped3A_22[%rem3A_363, %dma_wait3A, %dma_wait3A_364] : memref<2x1x128xi32, #tpu.memory_space<vmem>> -> memref<1x1x128xi32, #tpu.memory_space<vmem>>
            %dma_wait3A_366 = tpu.memref_squeeze %dma_wait3A_365 : memref<1x1x128xi32, #tpu.memory_space<vmem>> -> memref<1x128xi32, #tpu.memory_space<vmem>>
            %dma_wait3A_367 = arith.constant 0 : i32
            %dma_wait3A_368 = tpu.memref_slice %arg3[%dma_wait3A_367, %mul3A_361] : memref<1x640000xi32, #tpu.memory_space<hbm>> -> memref<1x128xi32, #tpu.memory_space<hbm>>
            %dma_wait3A_369 = tpu.memref_slice %run_scoped3A_23[%rem3A_363] : memref<2x!tpu.dma_semaphore, #tpu.memory_space<semaphore_mem>> -> memref<1x!tpu.dma_semaphore, #tpu.memory_space<semaphore_mem>>
            %dma_wait3A_370 = tpu.memref_squeeze %dma_wait3A_369 : memref<1x!tpu.dma_semaphore, #tpu.memory_space<semaphore_mem>> -> memref<!tpu.dma_semaphore, #tpu.memory_space<semaphore_mem>>
            %dma_wait3A_371 = arith.constant 0 : i32
            %dma_wait3A_372 = arith.constant 0 : i32
            %dma_wait3A_373 = tpu.memref_slice %run_scoped3A_22[%rem3A_363, %dma_wait3A_371, %dma_wait3A_372] : memref<2x1x128xi32, #tpu.memory_space<vmem>> -> memref<1x1x128xi32, #tpu.memory_space<vmem>>
            %dma_wait3A_374 = tpu.memref_squeeze %dma_wait3A_373 : memref<1x1x128xi32, #tpu.memory_space<vmem>> -> memref<1x128xi32, #tpu.memory_space<vmem>>
            %dma_wait3A_375 = arith.constant 0 : i32
            %dma_wait3A_376 = tpu.memref_slice %arg3[%dma_wait3A_375, %mul3A_361] : memref<1x640000xi32, #tpu.memory_space<hbm>> -> memref<1x128xi32, #tpu.memory_space<hbm>>
            tpu.wait_dma2 semaphore(%dma_wait3A_370 : memref<!tpu.dma_semaphore, #tpu.memory_space<semaphore_mem>>) src(%dma_wait3A_376 : memref<1x128xi32, #tpu.memory_space<hbm>>) dst(%dma_wait3A_374 : memref<1x128xi32, #tpu.memory_space<vmem>>)
            "tpu.trace_stop"() : () -> ()
          } else {
          }
          %rem3A_274 = arith.constant 2 : i32
          %rem3A_275 = arith.remui %while3A_177, %rem3A_274 : i32
          %rem3A_276 = arith.constant 2 : i32
          %rem3A_277 = arith.remui %while3A_179, %rem3A_276 : i32
          %run_scoped3A_278 = arith.constant 0 : i32
          "tpu.trace_start"() <{level = 10 : i32, message = "ep_run_kernel"}> : () -> ()
          "tpu.region"() ({
            %run_scoped3A_358 = tpu.sem_alloc : memref<!tpu.dma_semaphore, #tpu.memory_space<semaphore_mem>>
            %dma_start3A_359 = arith.constant 0 : i32
            %dma_start3A_360 = arith.constant 0 : i32
            %dma_start3A_361 = tpu.memref_slice %run_scoped3A[%rem3A_275, %dma_start3A_359, %dma_start3A_360] : memref<2x128x128xf32, #tpu.memory_space<vmem>> -> memref<1x128x128xf32, #tpu.memory_space<vmem>>
            %dma_start3A_362 = tpu.memref_squeeze %dma_start3A_361 : memref<1x128x128xf32, #tpu.memory_space<vmem>> -> memref<128x128xf32, #tpu.memory_space<vmem>>
            %dma_start3A_363 = arith.constant 0 : i32
            %dma_start3A_364 = arith.constant 0 : i32
            %dma_start3A_365 = tpu.memref_slice %run_scoped3A_22[%rem3A_277, %dma_start3A_363, %dma_start3A_364] : memref<2x1x128xi32, #tpu.memory_space<vmem>> -> memref<1x1x128xi32, #tpu.memory_space<vmem>>
            %dma_start3A_366 = tpu.memref_squeeze %dma_start3A_365 : memref<1x1x128xi32, #tpu.memory_space<vmem>> -> memref<1x128xi32, #tpu.memory_space<vmem>>
            %dma_start3A_367 = arith.constant 0 : i32
            %dma_start3A_368 = tpu.memref_slice %dma_start3A_366[%run_scoped3A_278, %dma_start3A_367] : memref<1x128xi32, #tpu.memory_space<vmem>> -> memref<1x128xi32, #tpu.memory_space<vmem>>
            %dma_start3A_369 = tpu.memref_squeeze %dma_start3A_368 : memref<1x128xi32, #tpu.memory_space<vmem>> -> memref<128xi32, #tpu.memory_space<vmem>>
            %dma_start3A_370 = arith.constant 0 : i32
            %dma_start3A_371 = arith.constant 0 : i32
            %dma_start3A_372 = tpu.memref_slice %arg6[%dma_start3A_370, %dma_start3A_371] : memref<10000x128xf32, #tpu.memory_space<vmem_shared>> -> memref<10000x128xf32, #tpu.memory_space<vmem_shared>>
            tpu.enqueue_indirect_dma source(%dma_start3A_362 : memref<128x128xf32, #tpu.memory_space<vmem>>) target(%dma_start3A_372 : memref<10000x128xf32, #tpu.memory_space<vmem_shared>>) offsets(%dma_start3A_369 : memref<128xi32, #tpu.memory_space<vmem>>) semaphore(%run_scoped3A_358 : memref<!tpu.dma_semaphore, #tpu.memory_space<semaphore_mem>>) {add = true}
            %dma_wait3A = arith.constant 0 : i32
            %dma_wait3A_373 = arith.constant 0 : i32
            %dma_wait3A_374 = tpu.memref_slice %run_scoped3A[%rem3A_275, %dma_wait3A, %dma_wait3A_373] : memref<2x128x128xf32, #tpu.memory_space<vmem>> -> memref<1x128x128xf32, #tpu.memory_space<vmem>>
            %dma_wait3A_375 = tpu.memref_squeeze %dma_wait3A_374 : memref<1x128x128xf32, #tpu.memory_space<vmem>> -> memref<128x128xf32, #tpu.memory_space<vmem>>
            %dma_wait3A_376 = arith.constant 0 : i32
            %dma_wait3A_377 = arith.constant 0 : i32
            %dma_wait3A_378 = tpu.memref_slice %run_scoped3A_22[%rem3A_277, %dma_wait3A_376, %dma_wait3A_377] : memref<2x1x128xi32, #tpu.memory_space<vmem>> -> memref<1x1x128xi32, #tpu.memory_space<vmem>>
            %dma_wait3A_379 = tpu.memref_squeeze %dma_wait3A_378 : memref<1x1x128xi32, #tpu.memory_space<vmem>> -> memref<1x128xi32, #tpu.memory_space<vmem>>
            %dma_wait3A_380 = arith.constant 0 : i32
            %dma_wait3A_381 = tpu.memref_slice %dma_wait3A_379[%run_scoped3A_278, %dma_wait3A_380] : memref<1x128xi32, #tpu.memory_space<vmem>> -> memref<1x128xi32, #tpu.memory_space<vmem>>
            %dma_wait3A_382 = tpu.memref_squeeze %dma_wait3A_381 : memref<1x128xi32, #tpu.memory_space<vmem>> -> memref<128xi32, #tpu.memory_space<vmem>>
            %dma_wait3A_383 = arith.constant 0 : i32
            %dma_wait3A_384 = arith.constant 0 : i32
            %dma_wait3A_385 = tpu.memref_slice %arg6[%dma_wait3A_383, %dma_wait3A_384] : memref<10000x128xf32, #tpu.memory_space<vmem_shared>> -> memref<10000x128xf32, #tpu.memory_space<vmem_shared>>
            tpu.wait_indirect_dma semaphore(%run_scoped3A_358 : memref<!tpu.dma_semaphore, #tpu.memory_space<semaphore_mem>>) src(%dma_wait3A_375 : memref<128x128xf32, #tpu.memory_space<vmem>>) dst(%dma_wait3A_385 : memref<10000x128xf32, #tpu.memory_space<vmem_shared>>)
            tpu.yield
          }) : () -> ()
          "tpu.trace_stop"() : () -> ()
          %ne3A_279 = arith.cmpi ne, %add3A_188, %add3A_206 : i32
          %ne3A_280 = arith.cmpi ne, %arg0, %arg0 : i32
          %or3A_281 = arith.constant false
          %or3A_282 = arith.ori %or3A_281, %ne3A_279 : i1
          %or3A_283 = arith.ori %or3A_282, %ne3A_280 : i1
          %or3A_284 = arith.ori %or3A_283, %eq3A_187 : i1
          %convert_element_type3A_285 = arith.extui %or3A_284 : i1 to i32
          %cond3A_286 = arith.constant 0 : i32
          %cond3A_287 = arith.cmpi ne, %convert_element_type3A_285, %cond3A_286 : i32
          scf.if %cond3A_287 {
          } else {
          }
          %and3A_288 = arith.constant false
          %and3A_289 = arith.andi %or3A_284, %and3A_288 : i1
          %add3A_290 = arith.constant 0 : i32
          %add3A_291 = arith.addi %add3A_290, %add3A_188 : i32
          %add3A_292 = arith.constant 0 : i32
          %add3A_293 = arith.addi %add3A_292, %add3A_206 : i32
          %ne3A_294 = arith.cmpi ne, %add3A_291, %add3A_293 : i32
          %or3A_295 = arith.constant false
          %or3A_296 = arith.ori %or3A_295, %ne3A_294 : i1
          %or3A_297 = arith.ori %or3A_296, %eq3A_187 : i1
          %convert_element_type3A_298 = arith.extui %or3A_297 : i1 to i32
          %cond3A_299 = arith.constant 0 : i32
          %cond3A_300 = arith.cmpi ne, %convert_element_type3A_298, %cond3A_299 : i32
          scf.if %cond3A_300 {
          } else {
          }
          %and3A_301 = arith.constant false
          %and3A_302 = arith.andi %or3A_297, %and3A_301 : i1
          %ne3A_303 = arith.cmpi ne, %add3A_188, %add3A_198 : i32
          %ne3A_304 = arith.cmpi ne, %arg0, %arg0 : i32
          %or3A_305 = arith.constant false
          %or3A_306 = arith.ori %or3A_305, %ne3A_303 : i1
          %or3A_307 = arith.ori %or3A_306, %ne3A_304 : i1
          %not3A_308 = arith.constant true
          %not3A_309 = arith.xori %eq3A_184, %not3A_308 : i1
          %and3A_310 = arith.andi %or3A_307, %not3A_309 : i1
          %convert_element_type3A_311 = arith.extui %and3A_310 : i1 to i32
          %cond3A_312 = arith.constant 0 : i32
          %cond3A_313 = arith.cmpi ne, %convert_element_type3A_311, %cond3A_312 : i32
          scf.if %cond3A_313 {
          } else {
          }
          %and3A_314 = arith.constant false
          %and3A_315 = arith.andi %and3A_310, %and3A_314 : i1
          %add3A_316 = arith.constant 0 : i32
          %add3A_317 = arith.addi %add3A_316, %add3A_188 : i32
          %add3A_318 = arith.constant 0 : i32
          %add3A_319 = arith.addi %add3A_318, %add3A_198 : i32
          %ne3A_320 = arith.cmpi ne, %add3A_317, %add3A_319 : i32
          %or3A_321 = arith.constant false
          %or3A_322 = arith.ori %or3A_321, %ne3A_320 : i1
          %not3A_323 = arith.constant true
          %not3A_324 = arith.xori %eq3A_184, %not3A_323 : i1
          %and3A_325 = arith.andi %or3A_322, %not3A_324 : i1
          %convert_element_type3A_326 = arith.extui %and3A_325 : i1 to i32
          %cond3A_327 = arith.constant 0 : i32
          %cond3A_328 = arith.cmpi ne, %convert_element_type3A_326, %cond3A_327 : i32
          scf.if %cond3A_328 {
          } else {
          }
          %and3A_329 = arith.constant false
          %and3A_330 = arith.andi %and3A_325, %and3A_329 : i1
          %ne3A_331 = arith.cmpi ne, %add3A_188, %add3A_206 : i32
          %ne3A_332 = arith.cmpi ne, %arg0, %arg0 : i32
          %or3A_333 = arith.constant false
          %or3A_334 = arith.ori %or3A_333, %ne3A_331 : i1
          %or3A_335 = arith.ori %or3A_334, %ne3A_332 : i1
          %or3A_336 = arith.ori %or3A_335, %eq3A_187 : i1
          %add3A_337 = arith.constant 1 : i32
          %add3A_338 = arith.addi %while3A_177, %add3A_337 : i32
          %select_n3A_339 = arith.select %or3A_336, %add3A_338, %while3A_177 : i32
          %add3A_340 = arith.constant 0 : i32
          %add3A_341 = arith.addi %add3A_340, %add3A_188 : i32
          %add3A_342 = arith.constant 0 : i32
          %add3A_343 = arith.addi %add3A_342, %add3A_206 : i32
          %ne3A_344 = arith.cmpi ne, %add3A_341, %add3A_343 : i32
          %or3A_345 = arith.constant false
          %or3A_346 = arith.ori %or3A_345, %ne3A_344 : i1
          %or3A_347 = arith.ori %or3A_346, %eq3A_187 : i1
          %add3A_348 = arith.constant 1 : i32
          %add3A_349 = arith.addi %while3A_179, %add3A_348 : i32
          %select_n3A_350 = arith.select %or3A_347, %add3A_349, %while3A_179 : i32
          %add3A_351 = arith.constant 1 : i32
          %add3A_352 = arith.addi %while3A_180, %add3A_351 : i32
          %select_n3A_353 = arith.constant true
          %select_n3A_354 = arith.select %select_n3A_353, %add3A_352, %while3A_180 : i32
          %eq3A_355 = arith.cmpi eq, %select_n3A_354, %select_n3A : i32
          %select_n3A_356 = arith.constant 0 : i32
          %select_n3A_357 = arith.select %eq3A_355, %select_n3A_356, %select_n3A_354 : i32
          scf.yield %select_n3A_230, %select_n3A_339, %select_n3A_253, %select_n3A_350, %select_n3A_357 : i32, i32, i32, i32, i32
        }
        %while3A_122 = arith.constant 1 : i32
        %while3A_123:5 = scf.for %while3A_175 = %while3A_119 to %while3A_115 step %while3A_122 iter_args(%while3A_176 = %while3A_121#0, %while3A_177 = %while3A_121#1, %while3A_178 = %while3A_121#2, %while3A_179 = %while3A_121#3, %while3A_180 = %while3A_121#4) -> (i32, i32, i32, i32, i32)  : i32 {
          %mul3A_181 = arith.constant 1 : i32
          %mul3A_182 = arith.muli %mul3A_181, %select_n3A : i32
          %eq3A_183 = arith.constant 0 : i32
          %eq3A_184 = arith.cmpi eq, %while3A_175, %eq3A_183 : i32
          %sub3A_185 = arith.constant 1 : i32
          %sub3A_186 = arith.subi %mul3A_182, %sub3A_185 : i32
          %eq3A_187 = arith.cmpi eq, %while3A_175, %sub3A_186 : i32
          %add3A_188 = arith.addi %while3A_180, %select_n3A_9 : i32
          %sub3A_189 = arith.constant 1 : i32
          %sub3A_190 = arith.subi %while3A_180, %sub3A_189 : i32
          %select_n3A_191 = arith.constant true
          %select_n3A_192 = arith.select %select_n3A_191, %sub3A_190, %while3A_180 : i32
          %eq3A_193 = arith.constant -1 : i32
          %eq3A_194 = arith.cmpi eq, %select_n3A_192, %eq3A_193 : i32
          %sub3A_195 = arith.constant 1 : i32
          %sub3A_196 = arith.subi %select_n3A, %sub3A_195 : i32
          %select_n3A_197 = arith.select %eq3A_194, %sub3A_196, %select_n3A_192 : i32
          %add3A_198 = arith.addi %select_n3A_197, %select_n3A_9 : i32
          %add3A_199 = arith.constant 1 : i32
          %add3A_200 = arith.addi %while3A_180, %add3A_199 : i32
          %select_n3A_201 = arith.constant true
          %select_n3A_202 = arith.select %select_n3A_201, %add3A_200, %while3A_180 : i32
          %eq3A_203 = arith.cmpi eq, %select_n3A_202, %select_n3A : i32
          %select_n3A_204 = arith.constant 0 : i32
          %select_n3A_205 = arith.select %eq3A_203, %select_n3A_204, %select_n3A_202 : i32
          %add3A_206 = arith.addi %select_n3A_205, %select_n3A_9 : i32
          %add3A_207 = arith.constant 1 : i32
          %add3A_208 = arith.addi %select_n3A_205, %add3A_207 : i32
          %select_n3A_209 = arith.constant true
          %select_n3A_210 = arith.select %select_n3A_209, %add3A_208, %select_n3A_205 : i32
          %eq3A_211 = arith.cmpi eq, %select_n3A_210, %select_n3A : i32
          %select_n3A_212 = arith.constant 0 : i32
          %select_n3A_213 = arith.select %eq3A_211, %select_n3A_212, %select_n3A_210 : i32
          %add3A_214 = arith.addi %select_n3A_213, %select_n3A_9 : i32
          %ne3A = arith.cmpi ne, %add3A_188, %add3A_206 : i32
          %ne3A_215 = arith.cmpi ne, %arg0, %arg0 : i32
          %or3A = arith.constant false
          %or3A_216 = arith.ori %or3A, %ne3A : i1
          %or3A_217 = arith.ori %or3A_216, %ne3A_215 : i1
          %sub3A_218 = arith.constant 2 : i32
          %sub3A_219 = arith.subi %mul3A_182, %sub3A_218 : i32
          %add3A_220 = arith.constant 1 : i32
          %add3A_221 = arith.addi %sub3A_219, %add3A_220 : i32
          %ge3A = arith.cmpi sge, %while3A_175, %add3A_221 : i32
          %not3A = arith.constant true
          %not3A_222 = arith.xori %ge3A, %not3A : i1
          %and3A = arith.andi %or3A_217, %not3A_222 : i1
          %convert_element_type3A_223 = arith.extui %and3A : i1 to i32
          %cond3A_224 = arith.constant 0 : i32
          %cond3A_225 = arith.cmpi ne, %convert_element_type3A_223, %cond3A_224 : i32
          scf.if %cond3A_225 {
            "tpu.trace_start"() <{level = 10 : i32, message = "ep_copy_in"}> : () -> ()
            %rem3A_358 = arith.constant 2 : i32
            %rem3A_359 = arith.remui %while3A_176, %rem3A_358 : i32
            %mul3A_360 = arith.constant 128 : i32
            %mul3A_361 = arith.muli %mul3A_360, %add3A_206 : i32
            %mul3A_362 = arith.constant 128 : i32
            %mul3A_363 = arith.muli %mul3A_362, %arg0 : i32
            %dma_start3A_364 = arith.constant 0 : i32
            %dma_start3A_365 = arith.constant 0 : i32
            %dma_start3A_366 = tpu.memref_slice %run_scoped3A[%rem3A_359, %dma_start3A_364, %dma_start3A_365] : memref<2x128x128xf32, #tpu.memory_space<vmem>> -> memref<1x128x128xf32, #tpu.memory_space<vmem>>
            %dma_start3A_367 = tpu.memref_squeeze %dma_start3A_366 : memref<1x128x128xf32, #tpu.memory_space<vmem>> -> memref<128x128xf32, #tpu.memory_space<vmem>>
            %dma_start3A_368 = tpu.memref_slice %arg2[%mul3A_361, %mul3A_363] : memref<320000x256xf32, #tpu.memory_space<hbm>> -> memref<128x128xf32, #tpu.memory_space<hbm>>
            %dma_start3A_369 = tpu.memref_slice %run_scoped3A_21[%rem3A_359] : memref<2x!tpu.dma_semaphore, #tpu.memory_space<semaphore_mem>> -> memref<1x!tpu.dma_semaphore, #tpu.memory_space<semaphore_mem>>
            %dma_start3A_370 = tpu.memref_squeeze %dma_start3A_369 : memref<1x!tpu.dma_semaphore, #tpu.memory_space<semaphore_mem>> -> memref<!tpu.dma_semaphore, #tpu.memory_space<semaphore_mem>>
            %dma_start3A_371 = arith.constant 0 : i32
            %dma_start3A_372 = arith.constant 0 : i32
            %dma_start3A_373 = tpu.memref_slice %run_scoped3A[%rem3A_359, %dma_start3A_371, %dma_start3A_372] : memref<2x128x128xf32, #tpu.memory_space<vmem>> -> memref<1x128x128xf32, #tpu.memory_space<vmem>>
            %dma_start3A_374 = tpu.memref_squeeze %dma_start3A_373 : memref<1x128x128xf32, #tpu.memory_space<vmem>> -> memref<128x128xf32, #tpu.memory_space<vmem>>
            %dma_start3A_375 = tpu.memref_slice %arg2[%mul3A_361, %mul3A_363] : memref<320000x256xf32, #tpu.memory_space<hbm>> -> memref<128x128xf32, #tpu.memory_space<hbm>>
            tpu.enqueue_dma source(%dma_start3A_375 : memref<128x128xf32, #tpu.memory_space<hbm>>) target(%dma_start3A_374 : memref<128x128xf32, #tpu.memory_space<vmem>>) target_semaphore(%dma_start3A_370 : memref<!tpu.dma_semaphore, #tpu.memory_space<semaphore_mem>>)
            "tpu.trace_stop"() : () -> ()
          } else {
          }
          %and3A_226 = arith.constant true
          %and3A_227 = arith.andi %and3A, %and3A_226 : i1
          %add3A_228 = arith.constant 1 : i32
          %add3A_229 = arith.addi %while3A_176, %add3A_228 : i32
          %select_n3A_230 = arith.select %and3A_227, %add3A_229, %while3A_176 : i32
          %add3A_231 = arith.constant 0 : i32
          %add3A_232 = arith.addi %add3A_231, %add3A_188 : i32
          %add3A_233 = arith.constant 0 : i32
          %add3A_234 = arith.addi %add3A_233, %add3A_206 : i32
          %ne3A_235 = arith.cmpi ne, %add3A_232, %add3A_234 : i32
          %or3A_236 = arith.constant false
          %or3A_237 = arith.ori %or3A_236, %ne3A_235 : i1
          %sub3A_238 = arith.constant 2 : i32
          %sub3A_239 = arith.subi %mul3A_182, %sub3A_238 : i32
          %add3A_240 = arith.constant 1 : i32
          %add3A_241 = arith.addi %sub3A_239, %add3A_240 : i32
          %ge3A_242 = arith.cmpi sge, %while3A_175, %add3A_241 : i32
          %not3A_243 = arith.constant true
          %not3A_244 = arith.xori %ge3A_242, %not3A_243 : i1
          %and3A_245 = arith.andi %or3A_237, %not3A_244 : i1
          %convert_element_type3A_246 = arith.extui %and3A_245 : i1 to i32
          %cond3A_247 = arith.constant 0 : i32
          %cond3A_248 = arith.cmpi ne, %convert_element_type3A_246, %cond3A_247 : i32
          scf.if %cond3A_248 {
            "tpu.trace_start"() <{level = 10 : i32, message = "ep_copy_in"}> : () -> ()
            %rem3A_358 = arith.constant 2 : i32
            %rem3A_359 = arith.remui %while3A_178, %rem3A_358 : i32
            %add3A_360 = arith.constant 0 : i32
            %add3A_361 = arith.addi %add3A_360, %add3A_206 : i32
            %mul3A_362 = arith.constant 128 : i32
            %mul3A_363 = arith.muli %mul3A_362, %add3A_361 : i32
            %dma_start3A_364 = arith.constant 0 : i32
            %dma_start3A_365 = arith.constant 0 : i32
            %dma_start3A_366 = tpu.memref_slice %run_scoped3A_22[%rem3A_359, %dma_start3A_364, %dma_start3A_365] : memref<2x1x128xi32, #tpu.memory_space<vmem>> -> memref<1x1x128xi32, #tpu.memory_space<vmem>>
            %dma_start3A_367 = tpu.memref_squeeze %dma_start3A_366 : memref<1x1x128xi32, #tpu.memory_space<vmem>> -> memref<1x128xi32, #tpu.memory_space<vmem>>
            %dma_start3A_368 = arith.constant 0 : i32
            %dma_start3A_369 = tpu.memref_slice %arg3[%dma_start3A_368, %mul3A_363] : memref<1x640000xi32, #tpu.memory_space<hbm>> -> memref<1x128xi32, #tpu.memory_space<hbm>>
            %dma_start3A_370 = tpu.memref_slice %run_scoped3A_23[%rem3A_359] : memref<2x!tpu.dma_semaphore, #tpu.memory_space<semaphore_mem>> -> memref<1x!tpu.dma_semaphore, #tpu.memory_space<semaphore_mem>>
            %dma_start3A_371 = tpu.memref_squeeze %dma_start3A_370 : memref<1x!tpu.dma_semaphore, #tpu.memory_space<semaphore_mem>> -> memref<!tpu.dma_semaphore, #tpu.memory_space<semaphore_mem>>
            %dma_start3A_372 = arith.constant 0 : i32
            %dma_start3A_373 = arith.constant 0 : i32
            %dma_start3A_374 = tpu.memref_slice %run_scoped3A_22[%rem3A_359, %dma_start3A_372, %dma_start3A_373] : memref<2x1x128xi32, #tpu.memory_space<vmem>> -> memref<1x1x128xi32, #tpu.memory_space<vmem>>
            %dma_start3A_375 = tpu.memref_squeeze %dma_start3A_374 : memref<1x1x128xi32, #tpu.memory_space<vmem>> -> memref<1x128xi32, #tpu.memory_space<vmem>>
            %dma_start3A_376 = arith.constant 0 : i32
            %dma_start3A_377 = tpu.memref_slice %arg3[%dma_start3A_376, %mul3A_363] : memref<1x640000xi32, #tpu.memory_space<hbm>> -> memref<1x128xi32, #tpu.memory_space<hbm>>
            tpu.enqueue_dma source(%dma_start3A_377 : memref<1x128xi32, #tpu.memory_space<hbm>>) target(%dma_start3A_375 : memref<1x128xi32, #tpu.memory_space<vmem>>) target_semaphore(%dma_start3A_371 : memref<!tpu.dma_semaphore, #tpu.memory_space<semaphore_mem>>)
            "tpu.trace_stop"() : () -> ()
          } else {
          }
          %and3A_249 = arith.constant true
          %and3A_250 = arith.andi %and3A_245, %and3A_249 : i1
          %add3A_251 = arith.constant 1 : i32
          %add3A_252 = arith.addi %while3A_178, %add3A_251 : i32
          %select_n3A_253 = arith.select %and3A_250, %add3A_252, %while3A_178 : i32
          %ne3A_254 = arith.cmpi ne, %add3A_188, %add3A_198 : i32
          %ne3A_255 = arith.cmpi ne, %arg0, %arg0 : i32
          %or3A_256 = arith.constant false
          %or3A_257 = arith.ori %or3A_256, %ne3A_254 : i1
          %or3A_258 = arith.ori %or3A_257, %ne3A_255 : i1
          %or3A_259 = arith.ori %or3A_258, %eq3A_184 : i1
          %convert_element_type3A_260 = arith.extui %or3A_259 : i1 to i32
          %cond3A_261 = arith.constant 0 : i32
          %cond3A_262 = arith.cmpi ne, %convert_element_type3A_260, %cond3A_261 : i32
          scf.if %cond3A_262 {
            "tpu.trace_start"() <{level = 10 : i32, message = "ep_wait_in"}> : () -> ()
            %mul3A_358 = arith.constant 128 : i32
            %mul3A_359 = arith.muli %mul3A_358, %add3A_188 : i32
            %mul3A_360 = arith.constant 128 : i32
            %mul3A_361 = arith.muli %mul3A_360, %arg0 : i32
            %rem3A_362 = arith.constant 2 : i32
            %rem3A_363 = arith.remui %while3A_177, %rem3A_362 : i32
            %dma_wait3A = arith.constant 0 : i32
            %dma_wait3A_364 = arith.constant 0 : i32
            %dma_wait3A_365 = tpu.memref_slice %run_scoped3A[%rem3A_363, %dma_wait3A, %dma_wait3A_364] : memref<2x128x128xf32, #tpu.memory_space<vmem>> -> memref<1x128x128xf32, #tpu.memory_space<vmem>>
            %dma_wait3A_366 = tpu.memref_squeeze %dma_wait3A_365 : memref<1x128x128xf32, #tpu.memory_space<vmem>> -> memref<128x128xf32, #tpu.memory_space<vmem>>
            %dma_wait3A_367 = tpu.memref_slice %arg2[%mul3A_359, %mul3A_361] : memref<320000x256xf32, #tpu.memory_space<hbm>> -> memref<128x128xf32, #tpu.memory_space<hbm>>
            %dma_wait3A_368 = tpu.memref_slice %run_scoped3A_21[%rem3A_363] : memref<2x!tpu.dma_semaphore, #tpu.memory_space<semaphore_mem>> -> memref<1x!tpu.dma_semaphore, #tpu.memory_space<semaphore_mem>>
            %dma_wait3A_369 = tpu.memref_squeeze %dma_wait3A_368 : memref<1x!tpu.dma_semaphore, #tpu.memory_space<semaphore_mem>> -> memref<!tpu.dma_semaphore, #tpu.memory_space<semaphore_mem>>
            %dma_wait3A_370 = arith.constant 0 : i32
            %dma_wait3A_371 = arith.constant 0 : i32
            %dma_wait3A_372 = tpu.memref_slice %run_scoped3A[%rem3A_363, %dma_wait3A_370, %dma_wait3A_371] : memref<2x128x128xf32, #tpu.memory_space<vmem>> -> memref<1x128x128xf32, #tpu.memory_space<vmem>>
            %dma_wait3A_373 = tpu.memref_squeeze %dma_wait3A_372 : memref<1x128x128xf32, #tpu.memory_space<vmem>> -> memref<128x128xf32, #tpu.memory_space<vmem>>
            %dma_wait3A_374 = tpu.memref_slice %arg2[%mul3A_359, %mul3A_361] : memref<320000x256xf32, #tpu.memory_space<hbm>> -> memref<128x128xf32, #tpu.memory_space<hbm>>
            tpu.wait_dma2 semaphore(%dma_wait3A_369 : memref<!tpu.dma_semaphore, #tpu.memory_space<semaphore_mem>>) src(%dma_wait3A_374 : memref<128x128xf32, #tpu.memory_space<hbm>>) dst(%dma_wait3A_373 : memref<128x128xf32, #tpu.memory_space<vmem>>)
            "tpu.trace_stop"() : () -> ()
          } else {
          }
          %add3A_263 = arith.constant 0 : i32
          %add3A_264 = arith.addi %add3A_263, %add3A_188 : i32
          %add3A_265 = arith.constant 0 : i32
          %add3A_266 = arith.addi %add3A_265, %add3A_198 : i32
          %ne3A_267 = arith.cmpi ne, %add3A_264, %add3A_266 : i32
          %or3A_268 = arith.constant false
          %or3A_269 = arith.ori %or3A_268, %ne3A_267 : i1
          %or3A_270 = arith.ori %or3A_269, %eq3A_184 : i1
          %convert_element_type3A_271 = arith.extui %or3A_270 : i1 to i32
          %cond3A_272 = arith.constant 0 : i32
          %cond3A_273 = arith.cmpi ne, %convert_element_type3A_271, %cond3A_272 : i32
          scf.if %cond3A_273 {
            "tpu.trace_start"() <{level = 10 : i32, message = "ep_wait_in"}> : () -> ()
            %add3A_358 = arith.constant 0 : i32
            %add3A_359 = arith.addi %add3A_358, %add3A_188 : i32
            %mul3A_360 = arith.constant 128 : i32
            %mul3A_361 = arith.muli %mul3A_360, %add3A_359 : i32
            %rem3A_362 = arith.constant 2 : i32
            %rem3A_363 = arith.remui %while3A_179, %rem3A_362 : i32
            %dma_wait3A = arith.constant 0 : i32
            %dma_wait3A_364 = arith.constant 0 : i32
            %dma_wait3A_365 = tpu.memref_slice %run_scoped3A_22[%rem3A_363, %dma_wait3A, %dma_wait3A_364] : memref<2x1x128xi32, #tpu.memory_space<vmem>> -> memref<1x1x128xi32, #tpu.memory_space<vmem>>
            %dma_wait3A_366 = tpu.memref_squeeze %dma_wait3A_365 : memref<1x1x128xi32, #tpu.memory_space<vmem>> -> memref<1x128xi32, #tpu.memory_space<vmem>>
            %dma_wait3A_367 = arith.constant 0 : i32
            %dma_wait3A_368 = tpu.memref_slice %arg3[%dma_wait3A_367, %mul3A_361] : memref<1x640000xi32, #tpu.memory_space<hbm>> -> memref<1x128xi32, #tpu.memory_space<hbm>>
            %dma_wait3A_369 = tpu.memref_slice %run_scoped3A_23[%rem3A_363] : memref<2x!tpu.dma_semaphore, #tpu.memory_space<semaphore_mem>> -> memref<1x!tpu.dma_semaphore, #tpu.memory_space<semaphore_mem>>
            %dma_wait3A_370 = tpu.memref_squeeze %dma_wait3A_369 : memref<1x!tpu.dma_semaphore, #tpu.memory_space<semaphore_mem>> -> memref<!tpu.dma_semaphore, #tpu.memory_space<semaphore_mem>>
            %dma_wait3A_371 = arith.constant 0 : i32
            %dma_wait3A_372 = arith.constant 0 : i32
            %dma_wait3A_373 = tpu.memref_slice %run_scoped3A_22[%rem3A_363, %dma_wait3A_371, %dma_wait3A_372] : memref<2x1x128xi32, #tpu.memory_space<vmem>> -> memref<1x1x128xi32, #tpu.memory_space<vmem>>
            %dma_wait3A_374 = tpu.memref_squeeze %dma_wait3A_373 : memref<1x1x128xi32, #tpu.memory_space<vmem>> -> memref<1x128xi32, #tpu.memory_space<vmem>>
            %dma_wait3A_375 = arith.constant 0 : i32
            %dma_wait3A_376 = tpu.memref_slice %arg3[%dma_wait3A_375, %mul3A_361] : memref<1x640000xi32, #tpu.memory_space<hbm>> -> memref<1x128xi32, #tpu.memory_space<hbm>>
            tpu.wait_dma2 semaphore(%dma_wait3A_370 : memref<!tpu.dma_semaphore, #tpu.memory_space<semaphore_mem>>) src(%dma_wait3A_376 : memref<1x128xi32, #tpu.memory_space<hbm>>) dst(%dma_wait3A_374 : memref<1x128xi32, #tpu.memory_space<vmem>>)
            "tpu.trace_stop"() : () -> ()
          } else {
          }
          %rem3A_274 = arith.constant 2 : i32
          %rem3A_275 = arith.remui %while3A_177, %rem3A_274 : i32
          %rem3A_276 = arith.constant 2 : i32
          %rem3A_277 = arith.remui %while3A_179, %rem3A_276 : i32
          %run_scoped3A_278 = arith.constant 0 : i32
          "tpu.trace_start"() <{level = 10 : i32, message = "ep_run_kernel"}> : () -> ()
          "tpu.region"() ({
            %run_scoped3A_358 = tpu.sem_alloc : memref<!tpu.dma_semaphore, #tpu.memory_space<semaphore_mem>>
            %dma_start3A_359 = arith.constant 0 : i32
            %dma_start3A_360 = arith.constant 0 : i32
            %dma_start3A_361 = tpu.memref_slice %run_scoped3A[%rem3A_275, %dma_start3A_359, %dma_start3A_360] : memref<2x128x128xf32, #tpu.memory_space<vmem>> -> memref<1x128x128xf32, #tpu.memory_space<vmem>>
            %dma_start3A_362 = tpu.memref_squeeze %dma_start3A_361 : memref<1x128x128xf32, #tpu.memory_space<vmem>> -> memref<128x128xf32, #tpu.memory_space<vmem>>
            %dma_start3A_363 = arith.constant 0 : i32
            %dma_start3A_364 = arith.constant 0 : i32
            %dma_start3A_365 = tpu.memref_slice %run_scoped3A_22[%rem3A_277, %dma_start3A_363, %dma_start3A_364] : memref<2x1x128xi32, #tpu.memory_space<vmem>> -> memref<1x1x128xi32, #tpu.memory_space<vmem>>
            %dma_start3A_366 = tpu.memref_squeeze %dma_start3A_365 : memref<1x1x128xi32, #tpu.memory_space<vmem>> -> memref<1x128xi32, #tpu.memory_space<vmem>>
            %dma_start3A_367 = arith.constant 0 : i32
            %dma_start3A_368 = tpu.memref_slice %dma_start3A_366[%run_scoped3A_278, %dma_start3A_367] : memref<1x128xi32, #tpu.memory_space<vmem>> -> memref<1x128xi32, #tpu.memory_space<vmem>>
            %dma_start3A_369 = tpu.memref_squeeze %dma_start3A_368 : memref<1x128xi32, #tpu.memory_space<vmem>> -> memref<128xi32, #tpu.memory_space<vmem>>
            %dma_start3A_370 = arith.constant 0 : i32
            %dma_start3A_371 = arith.constant 0 : i32
            %dma_start3A_372 = tpu.memref_slice %arg6[%dma_start3A_370, %dma_start3A_371] : memref<10000x128xf32, #tpu.memory_space<vmem_shared>> -> memref<10000x128xf32, #tpu.memory_space<vmem_shared>>
            tpu.enqueue_indirect_dma source(%dma_start3A_362 : memref<128x128xf32, #tpu.memory_space<vmem>>) target(%dma_start3A_372 : memref<10000x128xf32, #tpu.memory_space<vmem_shared>>) offsets(%dma_start3A_369 : memref<128xi32, #tpu.memory_space<vmem>>) semaphore(%run_scoped3A_358 : memref<!tpu.dma_semaphore, #tpu.memory_space<semaphore_mem>>) {add = true}
            %dma_wait3A = arith.constant 0 : i32
            %dma_wait3A_373 = arith.constant 0 : i32
            %dma_wait3A_374 = tpu.memref_slice %run_scoped3A[%rem3A_275, %dma_wait3A, %dma_wait3A_373] : memref<2x128x128xf32, #tpu.memory_space<vmem>> -> memref<1x128x128xf32, #tpu.memory_space<vmem>>
            %dma_wait3A_375 = tpu.memref_squeeze %dma_wait3A_374 : memref<1x128x128xf32, #tpu.memory_space<vmem>> -> memref<128x128xf32, #tpu.memory_space<vmem>>
            %dma_wait3A_376 = arith.constant 0 : i32
            %dma_wait3A_377 = arith.constant 0 : i32
            %dma_wait3A_378 = tpu.memref_slice %run_scoped3A_22[%rem3A_277, %dma_wait3A_376, %dma_wait3A_377] : memref<2x1x128xi32, #tpu.memory_space<vmem>> -> memref<1x1x128xi32, #tpu.memory_space<vmem>>
            %dma_wait3A_379 = tpu.memref_squeeze %dma_wait3A_378 : memref<1x1x128xi32, #tpu.memory_space<vmem>> -> memref<1x128xi32, #tpu.memory_space<vmem>>
            %dma_wait3A_380 = arith.constant 0 : i32
            %dma_wait3A_381 = tpu.memref_slice %dma_wait3A_379[%run_scoped3A_278, %dma_wait3A_380] : memref<1x128xi32, #tpu.memory_space<vmem>> -> memref<1x128xi32, #tpu.memory_space<vmem>>
            %dma_wait3A_382 = tpu.memref_squeeze %dma_wait3A_381 : memref<1x128xi32, #tpu.memory_space<vmem>> -> memref<128xi32, #tpu.memory_space<vmem>>
            %dma_wait3A_383 = arith.constant 0 : i32
            %dma_wait3A_384 = arith.constant 0 : i32
            %dma_wait3A_385 = tpu.memref_slice %arg6[%dma_wait3A_383, %dma_wait3A_384] : memref<10000x128xf32, #tpu.memory_space<vmem_shared>> -> memref<10000x128xf32, #tpu.memory_space<vmem_shared>>
            tpu.wait_indirect_dma semaphore(%run_scoped3A_358 : memref<!tpu.dma_semaphore, #tpu.memory_space<semaphore_mem>>) src(%dma_wait3A_375 : memref<128x128xf32, #tpu.memory_space<vmem>>) dst(%dma_wait3A_385 : memref<10000x128xf32, #tpu.memory_space<vmem_shared>>)
            tpu.yield
          }) : () -> ()
          "tpu.trace_stop"() : () -> ()
          %ne3A_279 = arith.cmpi ne, %add3A_188, %add3A_206 : i32
          %ne3A_280 = arith.cmpi ne, %arg0, %arg0 : i32
          %or3A_281 = arith.constant false
          %or3A_282 = arith.ori %or3A_281, %ne3A_279 : i1
          %or3A_283 = arith.ori %or3A_282, %ne3A_280 : i1
          %or3A_284 = arith.ori %or3A_283, %eq3A_187 : i1
          %convert_element_type3A_285 = arith.extui %or3A_284 : i1 to i32
          %cond3A_286 = arith.constant 0 : i32
          %cond3A_287 = arith.cmpi ne, %convert_element_type3A_285, %cond3A_286 : i32
          scf.if %cond3A_287 {
          } else {
          }
          %and3A_288 = arith.constant false
          %and3A_289 = arith.andi %or3A_284, %and3A_288 : i1
          %add3A_290 = arith.constant 0 : i32
          %add3A_291 = arith.addi %add3A_290, %add3A_188 : i32
          %add3A_292 = arith.constant 0 : i32
          %add3A_293 = arith.addi %add3A_292, %add3A_206 : i32
          %ne3A_294 = arith.cmpi ne, %add3A_291, %add3A_293 : i32
          %or3A_295 = arith.constant false
          %or3A_296 = arith.ori %or3A_295, %ne3A_294 : i1
          %or3A_297 = arith.ori %or3A_296, %eq3A_187 : i1
          %convert_element_type3A_298 = arith.extui %or3A_297 : i1 to i32
          %cond3A_299 = arith.constant 0 : i32
          %cond3A_300 = arith.cmpi ne, %convert_element_type3A_298, %cond3A_299 : i32
          scf.if %cond3A_300 {
          } else {
          }
          %and3A_301 = arith.constant false
          %and3A_302 = arith.andi %or3A_297, %and3A_301 : i1
          %ne3A_303 = arith.cmpi ne, %add3A_188, %add3A_198 : i32
          %ne3A_304 = arith.cmpi ne, %arg0, %arg0 : i32
          %or3A_305 = arith.constant false
          %or3A_306 = arith.ori %or3A_305, %ne3A_303 : i1
          %or3A_307 = arith.ori %or3A_306, %ne3A_304 : i1
          %not3A_308 = arith.constant true
          %not3A_309 = arith.xori %eq3A_184, %not3A_308 : i1
          %and3A_310 = arith.andi %or3A_307, %not3A_309 : i1
          %convert_element_type3A_311 = arith.extui %and3A_310 : i1 to i32
          %cond3A_312 = arith.constant 0 : i32
          %cond3A_313 = arith.cmpi ne, %convert_element_type3A_311, %cond3A_312 : i32
          scf.if %cond3A_313 {
          } else {
          }
          %and3A_314 = arith.constant false
          %and3A_315 = arith.andi %and3A_310, %and3A_314 : i1
          %add3A_316 = arith.constant 0 : i32
          %add3A_317 = arith.addi %add3A_316, %add3A_188 : i32
          %add3A_318 = arith.constant 0 : i32
          %add3A_319 = arith.addi %add3A_318, %add3A_198 : i32
          %ne3A_320 = arith.cmpi ne, %add3A_317, %add3A_319 : i32
          %or3A_321 = arith.constant false
          %or3A_322 = arith.ori %or3A_321, %ne3A_320 : i1
          %not3A_323 = arith.constant true
          %not3A_324 = arith.xori %eq3A_184, %not3A_323 : i1
          %and3A_325 = arith.andi %or3A_322, %not3A_324 : i1
          %convert_element_type3A_326 = arith.extui %and3A_325 : i1 to i32
          %cond3A_327 = arith.constant 0 : i32
          %cond3A_328 = arith.cmpi ne, %convert_element_type3A_326, %cond3A_327 : i32
          scf.if %cond3A_328 {
          } else {
          }
          %and3A_329 = arith.constant false
          %and3A_330 = arith.andi %and3A_325, %and3A_329 : i1
          %ne3A_331 = arith.cmpi ne, %add3A_188, %add3A_206 : i32
          %ne3A_332 = arith.cmpi ne, %arg0, %arg0 : i32
          %or3A_333 = arith.constant false
          %or3A_334 = arith.ori %or3A_333, %ne3A_331 : i1
          %or3A_335 = arith.ori %or3A_334, %ne3A_332 : i1
          %or3A_336 = arith.ori %or3A_335, %eq3A_187 : i1
          %add3A_337 = arith.constant 1 : i32
          %add3A_338 = arith.addi %while3A_177, %add3A_337 : i32
          %select_n3A_339 = arith.select %or3A_336, %add3A_338, %while3A_177 : i32
          %add3A_340 = arith.constant 0 : i32
          %add3A_341 = arith.addi %add3A_340, %add3A_188 : i32
          %add3A_342 = arith.constant 0 : i32
          %add3A_343 = arith.addi %add3A_342, %add3A_206 : i32
          %ne3A_344 = arith.cmpi ne, %add3A_341, %add3A_343 : i32
          %or3A_345 = arith.constant false
          %or3A_346 = arith.ori %or3A_345, %ne3A_344 : i1
          %or3A_347 = arith.ori %or3A_346, %eq3A_187 : i1
          %add3A_348 = arith.constant 1 : i32
          %add3A_349 = arith.addi %while3A_179, %add3A_348 : i32
          %select_n3A_350 = arith.select %or3A_347, %add3A_349, %while3A_179 : i32
          %add3A_351 = arith.constant 1 : i32
          %add3A_352 = arith.addi %while3A_180, %add3A_351 : i32
          %select_n3A_353 = arith.constant true
          %select_n3A_354 = arith.select %select_n3A_353, %add3A_352, %while3A_180 : i32
          %eq3A_355 = arith.cmpi eq, %select_n3A_354, %select_n3A : i32
          %select_n3A_356 = arith.constant 0 : i32
          %select_n3A_357 = arith.select %eq3A_355, %select_n3A_356, %select_n3A_354 : i32
          scf.yield %select_n3A_230, %select_n3A_339, %select_n3A_253, %select_n3A_350, %select_n3A_357 : i32, i32, i32, i32, i32
        }
        %sub3A_124 = arith.constant 1 : i32
        %sub3A_125 = arith.subi %while3A_123#4, %sub3A_124 : i32
        %select_n3A_126 = arith.constant true
        %select_n3A_127 = arith.select %select_n3A_126, %sub3A_125, %while3A_123#4 : i32
        %eq3A_128 = arith.constant -1 : i32
        %eq3A_129 = arith.cmpi eq, %select_n3A_127, %eq3A_128 : i32
        %sub3A_130 = arith.constant 1 : i32
        %sub3A_131 = arith.subi %select_n3A, %sub3A_130 : i32
        %select_n3A_132 = arith.select %eq3A_129, %sub3A_131, %select_n3A_127 : i32
        %sub3A_133 = arith.constant 1 : i32
        %sub3A_134 = arith.subi %mul3A_11, %sub3A_133 : i32
        %mul3A_135 = arith.constant 1 : i32
        %mul3A_136 = arith.muli %mul3A_135, %select_n3A : i32
        %eq3A_137 = arith.constant 0 : i32
        %eq3A_138 = arith.cmpi eq, %sub3A_134, %eq3A_137 : i32
        %sub3A_139 = arith.constant 1 : i32
        %sub3A_140 = arith.subi %mul3A_136, %sub3A_139 : i32
        %eq3A_141 = arith.cmpi eq, %sub3A_134, %sub3A_140 : i32
        %add3A_142 = arith.addi %select_n3A_132, %select_n3A_9 : i32
        %sub3A_143 = arith.constant 1 : i32
        %sub3A_144 = arith.subi %select_n3A_132, %sub3A_143 : i32
        %select_n3A_145 = arith.constant true
        %select_n3A_146 = arith.select %select_n3A_145, %sub3A_144, %select_n3A_132 : i32
        %eq3A_147 = arith.constant -1 : i32
        %eq3A_148 = arith.cmpi eq, %select_n3A_146, %eq3A_147 : i32
        %sub3A_149 = arith.constant 1 : i32
        %sub3A_150 = arith.subi %select_n3A, %sub3A_149 : i32
        %select_n3A_151 = arith.select %eq3A_148, %sub3A_150, %select_n3A_146 : i32
        %add3A_152 = arith.addi %select_n3A_151, %select_n3A_9 : i32
        %add3A_153 = arith.constant 1 : i32
        %add3A_154 = arith.addi %select_n3A_132, %add3A_153 : i32
        %select_n3A_155 = arith.constant true
        %select_n3A_156 = arith.select %select_n3A_155, %add3A_154, %select_n3A_132 : i32
        %eq3A_157 = arith.cmpi eq, %select_n3A_156, %select_n3A : i32
        %select_n3A_158 = arith.constant 0 : i32
        %select_n3A_159 = arith.select %eq3A_157, %select_n3A_158, %select_n3A_156 : i32
        %add3A_160 = arith.addi %select_n3A_159, %select_n3A_9 : i32
        %add3A_161 = arith.constant 1 : i32
        %add3A_162 = arith.addi %select_n3A_159, %add3A_161 : i32
        %select_n3A_163 = arith.constant true
        %select_n3A_164 = arith.select %select_n3A_163, %add3A_162, %select_n3A_159 : i32
        %eq3A_165 = arith.cmpi eq, %select_n3A_164, %select_n3A : i32
        %select_n3A_166 = arith.constant 0 : i32
        %select_n3A_167 = arith.select %eq3A_165, %select_n3A_166, %select_n3A_164 : i32
        %add3A_168 = arith.addi %select_n3A_167, %select_n3A_9 : i32
        %convert_element_type3A_169 = arith.extui %eq3A_141 : i1 to i32
        %cond3A_170 = arith.constant 0 : i32
        %cond3A_171 = arith.cmpi ne, %convert_element_type3A_169, %cond3A_170 : i32
        scf.if %cond3A_171 {
        } else {
        }
        %convert_element_type3A_172 = arith.extui %eq3A_141 : i1 to i32
        %cond3A_173 = arith.constant 0 : i32
        %cond3A_174 = arith.cmpi ne, %convert_element_type3A_172, %cond3A_173 : i32
        scf.if %cond3A_174 {
        } else {
        }
      } else {
      }
      tpu.yield
    }) : () -> ()
    %barrier3A_12 = arith.constant 0 : index
    tpu.barrier barrier_id(%barrier3A_12)
    %mul3A_13 = arith.constant 624 : i32
    %mul3A_14 = arith.muli %arg1, %mul3A_13 : i32
    %mul3A_15 = arith.constant 624 : i32
    %mul3A_16 = arith.muli %arg1, %mul3A_15 : i32
    %mul3A_17 = arith.constant 128 : i32
    %mul3A_18 = arith.muli %arg0, %mul3A_17 : i32
    "tpu.region"() ({
      %run_scoped3A = tpu.sem_alloc : memref<!tpu.dma_semaphore, #tpu.memory_space<semaphore_mem>>
      %dma_start3A = tpu.memref_slice %arg5[%mul3A_16, %mul3A_18] : memref<10000x256xf32, #tpu.memory_space<hbm>> -> memref<624x128xf32, #tpu.memory_space<hbm>>
      %dma_start3A_21 = arith.constant 0 : i32
      %dma_start3A_22 = tpu.memref_slice %arg6[%mul3A_14, %dma_start3A_21] : memref<10000x128xf32, #tpu.memory_space<vmem_shared>> -> memref<624x128xf32, #tpu.memory_space<vmem_shared>>
      tpu.enqueue_dma source(%dma_start3A_22 : memref<624x128xf32, #tpu.memory_space<vmem_shared>>) target(%dma_start3A : memref<624x128xf32, #tpu.memory_space<hbm>>) target_semaphore(%run_scoped3A : memref<!tpu.dma_semaphore, #tpu.memory_space<semaphore_mem>>)
      %dma_wait3A = tpu.memref_slice %arg5[%mul3A_16, %mul3A_18] : memref<10000x256xf32, #tpu.memory_space<hbm>> -> memref<624x128xf32, #tpu.memory_space<hbm>>
      %dma_wait3A_23 = arith.constant 0 : i32
      %dma_wait3A_24 = tpu.memref_slice %arg6[%mul3A_14, %dma_wait3A_23] : memref<10000x128xf32, #tpu.memory_space<vmem_shared>> -> memref<624x128xf32, #tpu.memory_space<vmem_shared>>
      tpu.wait_dma2 semaphore(%run_scoped3A : memref<!tpu.dma_semaphore, #tpu.memory_space<semaphore_mem>>) src(%dma_wait3A_24 : memref<624x128xf32, #tpu.memory_space<vmem_shared>>) dst(%dma_wait3A : memref<624x128xf32, #tpu.memory_space<hbm>>)
      tpu.yield
    }) : () -> ()
    %eq3A = arith.constant 15 : i32
    %eq3A_19 = arith.cmpi eq, %arg1, %eq3A : i32
    %convert_element_type3A = arith.extui %eq3A_19 : i1 to i32
    %cond3A = arith.constant 0 : i32
    %cond3A_20 = arith.cmpi ne, %convert_element_type3A, %cond3A : i32
    scf.if %cond3A_20 {
      %mul3A_21 = arith.constant 128 : i32
      %mul3A_22 = arith.muli %arg0, %mul3A_21 : i32
      "tpu.region"() ({
        %run_scoped3A = tpu.sem_alloc : memref<!tpu.dma_semaphore, #tpu.memory_space<semaphore_mem>>
        %dma_start3A = arith.constant 9984 : i32
        %dma_start3A_23 = tpu.memref_slice %arg5[%dma_start3A, %mul3A_22] : memref<10000x256xf32, #tpu.memory_space<hbm>> -> memref<16x128xf32, #tpu.memory_space<hbm>>
        %dma_start3A_24 = arith.constant 9984 : i32
        %dma_start3A_25 = arith.constant 0 : i32
        %dma_start3A_26 = tpu.memref_slice %arg6[%dma_start3A_24, %dma_start3A_25] : memref<10000x128xf32, #tpu.memory_space<vmem_shared>> -> memref<16x128xf32, #tpu.memory_space<vmem_shared>>
        tpu.enqueue_dma source(%dma_start3A_26 : memref<16x128xf32, #tpu.memory_space<vmem_shared>>) target(%dma_start3A_23 : memref<16x128xf32, #tpu.memory_space<hbm>>) target_semaphore(%run_scoped3A : memref<!tpu.dma_semaphore, #tpu.memory_space<semaphore_mem>>)
        %dma_wait3A = arith.constant 9984 : i32
        %dma_wait3A_27 = tpu.memref_slice %arg5[%dma_wait3A, %mul3A_22] : memref<10000x256xf32, #tpu.memory_space<hbm>> -> memref<16x128xf32, #tpu.memory_space<hbm>>
        %dma_wait3A_28 = arith.constant 9984 : i32
        %dma_wait3A_29 = arith.constant 0 : i32
        %dma_wait3A_30 = tpu.memref_slice %arg6[%dma_wait3A_28, %dma_wait3A_29] : memref<10000x128xf32, #tpu.memory_space<vmem_shared>> -> memref<16x128xf32, #tpu.memory_space<vmem_shared>>
        tpu.wait_dma2 semaphore(%run_scoped3A : memref<!tpu.dma_semaphore, #tpu.memory_space<semaphore_mem>>) src(%dma_wait3A_30 : memref<16x128xf32, #tpu.memory_space<vmem_shared>>) dst(%dma_wait3A_27 : memref<16x128xf32, #tpu.memory_space<hbm>>)
        tpu.yield
      }) : () -> ()
    } else {
    }
    return
  }
}

#map = affine_map<(d0, d1) -> (0, 0)>
module attributes {stable_mosaic.version = 14 : i64} {
  func.func @k(%arg0: i32, %arg1: i32, %arg2: memref<10000x128xf32, #tpu.memory_space<hbm>>, %arg3: memref<1x640000xi32, #tpu.memory_space<hbm>>, %arg4: memref<320000x256xf32, #tpu.memory_space<hbm>>) attributes {dimension_semantics = [#tpu.dimension_semantics<core_parallel>, #tpu.dimension_semantics<subcore_parallel>], iteration_bounds = array<i64: 2, 16>, scalar_prefetch = 0 : i64, scratch_operands = 0 : i64, tpu.core_type = #tpu.core_type<sc_vector_subcore>, window_params = [{transform_indices = #map}, {transform_indices = #map}, {transform_indices = #map}]} {
    %mul3A = arith.constant 1 : i32
    %mul3A_0 = arith.muli %arg1, %mul3A : i32
    %add3A = arith.constant 0 : i32
    %add3A_1 = arith.addi %add3A, %mul3A_0 : i32
    %mul3A_2 = arith.constant 16 : i32
    %mul3A_3 = arith.muli %arg0, %mul3A_2 : i32
    %add3A_4 = arith.addi %add3A_1, %mul3A_3 : i32
    %lt3A = arith.constant 4 : i32
    %lt3A_5 = arith.cmpi slt, %add3A_4, %lt3A : i32
    %jit3A = arith.constant 79 : i32
    %jit3A_6 = arith.constant 78 : i32
    %select_n3A = arith.select %lt3A_5, %jit3A, %jit3A_6 : i32
    %lt3A_7 = arith.constant 4 : i32
    %lt3A_8 = arith.cmpi slt, %add3A_4, %lt3A_7 : i32
    %mul3A_9 = arith.muli %add3A_4, %select_n3A : i32
    %mul3A_10 = arith.constant 78 : i32
    %mul3A_11 = arith.muli %add3A_4, %mul3A_10 : i32
    %add3A_12 = arith.constant 4 : i32
    %add3A_13 = arith.addi %mul3A_11, %add3A_12 : i32
    %select_n3A_14 = arith.select %lt3A_8, %mul3A_9, %add3A_13 : i32
    %mul3A_15 = arith.constant 1 : i32
    %mul3A_16 = arith.muli %mul3A_15, %select_n3A : i32
    "tpu.region"() ({
      %run_scoped3A = memref.alloca() : memref<2x1x128xi32, #tpu.memory_space<vmem>>
      %run_scoped3A_17 = tpu.sem_alloc : memref<2x!tpu.dma_semaphore, #tpu.memory_space<semaphore_mem>>
      %run_scoped3A_18 = memref.alloca() : memref<2x1x128xi32, #tpu.memory_space<vmem>>
      %run_scoped3A_19 = tpu.sem_alloc : memref<2x!tpu.dma_semaphore, #tpu.memory_space<semaphore_mem>>
      %run_scoped3A_20 = memref.alloca() : memref<2x128x128xf32, #tpu.memory_space<vmem>>
      %run_scoped3A_21 = tpu.sem_alloc : memref<2x!tpu.dma_semaphore, #tpu.memory_space<semaphore_mem>>
      %run_scoped3A_22 = memref.alloca() : memref<2x128x128xf32, #tpu.memory_space<vmem>>
      %run_scoped3A_23 = tpu.sem_alloc : memref<2x!tpu.dma_semaphore, #tpu.memory_space<semaphore_mem>>
      %gt3A = arith.constant 0 : i32
      %gt3A_24 = arith.cmpi sgt, %mul3A_16, %gt3A : i32
      %convert_element_type3A = arith.extui %gt3A_24 : i1 to i32
      %cond3A = arith.constant 0 : i32
      %cond3A_25 = arith.cmpi ne, %convert_element_type3A, %cond3A : i32
      scf.if %cond3A_25 {
        %mul3A_26 = arith.constant 1 : i32
        %mul3A_27 = arith.muli %mul3A_26, %select_n3A : i32
        %sub3A = arith.constant 1 : i32
        %sub3A_28 = arith.subi %mul3A_27, %sub3A : i32
        %eq3A = arith.constant 0 : i32
        %eq3A_29 = arith.cmpi eq, %sub3A_28, %eq3A : i32
        %add3A_30 = arith.constant 0 : i32
        %add3A_31 = arith.addi %add3A_30, %select_n3A_14 : i32
        %select_n3A_32 = arith.constant true
        %select_n3A_33 = arith.constant 0 : i32
        %select_n3A_34 = arith.constant -1 : i32
        %select_n3A_35 = arith.select %select_n3A_32, %select_n3A_34, %select_n3A_33 : i32
        %eq3A_36 = arith.constant -1 : i32
        %eq3A_37 = arith.cmpi eq, %select_n3A_35, %eq3A_36 : i32
        %sub3A_38 = arith.constant 1 : i32
        %sub3A_39 = arith.subi %select_n3A, %sub3A_38 : i32
        %select_n3A_40 = arith.select %eq3A_37, %sub3A_39, %select_n3A_35 : i32
        %add3A_41 = arith.addi %select_n3A_40, %select_n3A_14 : i32
        %select_n3A_42 = arith.constant true
        %select_n3A_43 = arith.constant 0 : i32
        %select_n3A_44 = arith.constant 1 : i32
        %select_n3A_45 = arith.select %select_n3A_42, %select_n3A_44, %select_n3A_43 : i32
        %eq3A_46 = arith.cmpi eq, %select_n3A_45, %select_n3A : i32
        %select_n3A_47 = arith.constant 0 : i32
        %select_n3A_48 = arith.select %eq3A_46, %select_n3A_47, %select_n3A_45 : i32
        %add3A_49 = arith.addi %select_n3A_48, %select_n3A_14 : i32
        %add3A_50 = arith.constant 1 : i32
        %add3A_51 = arith.addi %select_n3A_48, %add3A_50 : i32
        %select_n3A_52 = arith.constant true
        %select_n3A_53 = arith.select %select_n3A_52, %add3A_51, %select_n3A_48 : i32
        %eq3A_54 = arith.cmpi eq, %select_n3A_53, %select_n3A : i32
        %select_n3A_55 = arith.constant 0 : i32
        %select_n3A_56 = arith.select %eq3A_54, %select_n3A_55, %select_n3A_53 : i32
        %add3A_57 = arith.addi %select_n3A_56, %select_n3A_14 : i32
        "tpu.trace_start"() <{level = 10 : i32, message = "ep_initialize_0"}> : () -> ()
        %rem3A = arith.constant 0 : i32
        %rem3A_58 = arith.constant 2 : i32
        %rem3A_59 = arith.remui %rem3A, %rem3A_58 : i32
        %add3A_60 = arith.constant 0 : i32
        %add3A_61 = arith.addi %add3A_60, %add3A_31 : i32
        %mul3A_62 = arith.constant 128 : i32
        %mul3A_63 = arith.muli %mul3A_62, %add3A_61 : i32
        %dma_start3A = arith.constant 0 : i32
        %dma_start3A_64 = arith.constant 0 : i32
        %dma_start3A_65 = tpu.memref_slice %run_scoped3A[%rem3A_59, %dma_start3A, %dma_start3A_64] : memref<2x1x128xi32, #tpu.memory_space<vmem>> -> memref<1x1x128xi32, #tpu.memory_space<vmem>>
        %dma_start3A_66 = tpu.memref_squeeze %dma_start3A_65 : memref<1x1x128xi32, #tpu.memory_space<vmem>> -> memref<1x128xi32, #tpu.memory_space<vmem>>
        %dma_start3A_67 = arith.constant 0 : i32
        %dma_start3A_68 = tpu.memref_slice %arg3[%dma_start3A_67, %mul3A_63] : memref<1x640000xi32, #tpu.memory_space<hbm>> -> memref<1x128xi32, #tpu.memory_space<hbm>>
        %dma_start3A_69 = tpu.memref_slice %run_scoped3A_17[%rem3A_59] : memref<2x!tpu.dma_semaphore, #tpu.memory_space<semaphore_mem>> -> memref<1x!tpu.dma_semaphore, #tpu.memory_space<semaphore_mem>>
        %dma_start3A_70 = tpu.memref_squeeze %dma_start3A_69 : memref<1x!tpu.dma_semaphore, #tpu.memory_space<semaphore_mem>> -> memref<!tpu.dma_semaphore, #tpu.memory_space<semaphore_mem>>
        %dma_start3A_71 = arith.constant 0 : i32
        %dma_start3A_72 = arith.constant 0 : i32
        %dma_start3A_73 = tpu.memref_slice %run_scoped3A[%rem3A_59, %dma_start3A_71, %dma_start3A_72] : memref<2x1x128xi32, #tpu.memory_space<vmem>> -> memref<1x1x128xi32, #tpu.memory_space<vmem>>
        %dma_start3A_74 = tpu.memref_squeeze %dma_start3A_73 : memref<1x1x128xi32, #tpu.memory_space<vmem>> -> memref<1x128xi32, #tpu.memory_space<vmem>>
        %dma_start3A_75 = arith.constant 0 : i32
        %dma_start3A_76 = tpu.memref_slice %arg3[%dma_start3A_75, %mul3A_63] : memref<1x640000xi32, #tpu.memory_space<hbm>> -> memref<1x128xi32, #tpu.memory_space<hbm>>
        tpu.enqueue_dma source(%dma_start3A_76 : memref<1x128xi32, #tpu.memory_space<hbm>>) target(%dma_start3A_74 : memref<1x128xi32, #tpu.memory_space<vmem>>) target_semaphore(%dma_start3A_70 : memref<!tpu.dma_semaphore, #tpu.memory_space<semaphore_mem>>)
        %add3A_77 = arith.constant 0 : i32
        %add3A_78 = arith.constant 1 : i32
        %add3A_79 = arith.addi %add3A_77, %add3A_78 : i32
        %select_n3A_80 = arith.constant true
        %select_n3A_81 = arith.constant 0 : i32
        %select_n3A_82 = arith.select %select_n3A_80, %add3A_79, %select_n3A_81 : i32
        %rem3A_83 = arith.constant 0 : i32
        %rem3A_84 = arith.constant 2 : i32
        %rem3A_85 = arith.remui %rem3A_83, %rem3A_84 : i32
        %add3A_86 = arith.constant 2500 : i32
        %add3A_87 = arith.addi %add3A_86, %add3A_31 : i32
        %mul3A_88 = arith.constant 128 : i32
        %mul3A_89 = arith.muli %mul3A_88, %add3A_87 : i32
        %dma_start3A_90 = arith.constant 0 : i32
        %dma_start3A_91 = arith.constant 0 : i32
        %dma_start3A_92 = tpu.memref_slice %run_scoped3A_18[%rem3A_85, %dma_start3A_90, %dma_start3A_91] : memref<2x1x128xi32, #tpu.memory_space<vmem>> -> memref<1x1x128xi32, #tpu.memory_space<vmem>>
        %dma_start3A_93 = tpu.memref_squeeze %dma_start3A_92 : memref<1x1x128xi32, #tpu.memory_space<vmem>> -> memref<1x128xi32, #tpu.memory_space<vmem>>
        %dma_start3A_94 = arith.constant 0 : i32
        %dma_start3A_95 = tpu.memref_slice %arg3[%dma_start3A_94, %mul3A_89] : memref<1x640000xi32, #tpu.memory_space<hbm>> -> memref<1x128xi32, #tpu.memory_space<hbm>>
        %dma_start3A_96 = tpu.memref_slice %run_scoped3A_19[%rem3A_85] : memref<2x!tpu.dma_semaphore, #tpu.memory_space<semaphore_mem>> -> memref<1x!tpu.dma_semaphore, #tpu.memory_space<semaphore_mem>>
        %dma_start3A_97 = tpu.memref_squeeze %dma_start3A_96 : memref<1x!tpu.dma_semaphore, #tpu.memory_space<semaphore_mem>> -> memref<!tpu.dma_semaphore, #tpu.memory_space<semaphore_mem>>
        %dma_start3A_98 = arith.constant 0 : i32
        %dma_start3A_99 = arith.constant 0 : i32
        %dma_start3A_100 = tpu.memref_slice %run_scoped3A_18[%rem3A_85, %dma_start3A_98, %dma_start3A_99] : memref<2x1x128xi32, #tpu.memory_space<vmem>> -> memref<1x1x128xi32, #tpu.memory_space<vmem>>
        %dma_start3A_101 = tpu.memref_squeeze %dma_start3A_100 : memref<1x1x128xi32, #tpu.memory_space<vmem>> -> memref<1x128xi32, #tpu.memory_space<vmem>>
        %dma_start3A_102 = arith.constant 0 : i32
        %dma_start3A_103 = tpu.memref_slice %arg3[%dma_start3A_102, %mul3A_89] : memref<1x640000xi32, #tpu.memory_space<hbm>> -> memref<1x128xi32, #tpu.memory_space<hbm>>
        tpu.enqueue_dma source(%dma_start3A_103 : memref<1x128xi32, #tpu.memory_space<hbm>>) target(%dma_start3A_101 : memref<1x128xi32, #tpu.memory_space<vmem>>) target_semaphore(%dma_start3A_97 : memref<!tpu.dma_semaphore, #tpu.memory_space<semaphore_mem>>)
        %add3A_104 = arith.constant 0 : i32
        %add3A_105 = arith.constant 1 : i32
        %add3A_106 = arith.addi %add3A_104, %add3A_105 : i32
        %select_n3A_107 = arith.constant true
        %select_n3A_108 = arith.constant 0 : i32
        %select_n3A_109 = arith.select %select_n3A_107, %add3A_106, %select_n3A_108 : i32
        %while3A = arith.constant 0 : i32
        %while3A_110 = arith.constant 0 : i32
        %while3A_111 = arith.constant 0 : i32
        %while3A_112 = arith.constant 0 : i32
        %while3A_113 = arith.constant 0 : i32
        %while3A_114 = arith.constant 0 : i32
        %while3A_115 = arith.constant 0 : i32
        %while3A_116 = arith.constant 0 : i32
        "tpu.trace_stop"() : () -> ()
        %while3A_117 = arith.subi %mul3A_16, %while3A : i32
        %while3A_118 = arith.addi %while3A, %while3A_117 : i32
        %while3A_119 = arith.constant 1 : i32
        %while3A_120 = arith.divsi %while3A_117, %while3A_119 : i32
        %while3A_121 = arith.muli %while3A_120, %while3A_119 : i32
        %while3A_122 = arith.addi %while3A, %while3A_121 : i32
        %while3A_123 = arith.constant 1 : i32
        %while3A_124:9 = scf.for %while3A_184 = %while3A to %while3A_122 step %while3A_123 iter_args(%while3A_185 = %select_n3A_82, %while3A_186 = %while3A_110, %while3A_187 = %select_n3A_109, %while3A_188 = %while3A_111, %while3A_189 = %while3A_112, %while3A_190 = %while3A_113, %while3A_191 = %while3A_114, %while3A_192 = %while3A_115, %while3A_193 = %while3A_116) -> (i32, i32, i32, i32, i32, i32, i32, i32, i32)  : i32 {
          %mul3A_194 = arith.constant 1 : i32
          %mul3A_195 = arith.muli %mul3A_194, %select_n3A : i32
          %eq3A_196 = arith.constant 0 : i32
          %eq3A_197 = arith.cmpi eq, %while3A_184, %eq3A_196 : i32
          %sub3A_198 = arith.constant 1 : i32
          %sub3A_199 = arith.subi %mul3A_195, %sub3A_198 : i32
          %eq3A_200 = arith.cmpi eq, %while3A_184, %sub3A_199 : i32
          %add3A_201 = arith.addi %while3A_193, %select_n3A_14 : i32
          %sub3A_202 = arith.constant 1 : i32
          %sub3A_203 = arith.subi %while3A_193, %sub3A_202 : i32
          %select_n3A_204 = arith.constant true
          %select_n3A_205 = arith.select %select_n3A_204, %sub3A_203, %while3A_193 : i32
          %eq3A_206 = arith.constant -1 : i32
          %eq3A_207 = arith.cmpi eq, %select_n3A_205, %eq3A_206 : i32
          %sub3A_208 = arith.constant 1 : i32
          %sub3A_209 = arith.subi %select_n3A, %sub3A_208 : i32
          %select_n3A_210 = arith.select %eq3A_207, %sub3A_209, %select_n3A_205 : i32
          %add3A_211 = arith.addi %select_n3A_210, %select_n3A_14 : i32
          %add3A_212 = arith.constant 1 : i32
          %add3A_213 = arith.addi %while3A_193, %add3A_212 : i32
          %select_n3A_214 = arith.constant true
          %select_n3A_215 = arith.select %select_n3A_214, %add3A_213, %while3A_193 : i32
          %eq3A_216 = arith.cmpi eq, %select_n3A_215, %select_n3A : i32
          %select_n3A_217 = arith.constant 0 : i32
          %select_n3A_218 = arith.select %eq3A_216, %select_n3A_217, %select_n3A_215 : i32
          %add3A_219 = arith.addi %select_n3A_218, %select_n3A_14 : i32
          %add3A_220 = arith.constant 1 : i32
          %add3A_221 = arith.addi %select_n3A_218, %add3A_220 : i32
          %select_n3A_222 = arith.constant true
          %select_n3A_223 = arith.select %select_n3A_222, %add3A_221, %select_n3A_218 : i32
          %eq3A_224 = arith.cmpi eq, %select_n3A_223, %select_n3A : i32
          %select_n3A_225 = arith.constant 0 : i32
          %select_n3A_226 = arith.select %eq3A_224, %select_n3A_225, %select_n3A_223 : i32
          %add3A_227 = arith.addi %select_n3A_226, %select_n3A_14 : i32
          %add3A_228 = arith.constant 0 : i32
          %add3A_229 = arith.addi %add3A_228, %add3A_201 : i32
          %add3A_230 = arith.constant 0 : i32
          %add3A_231 = arith.addi %add3A_230, %add3A_219 : i32
          %ne3A = arith.cmpi ne, %add3A_229, %add3A_231 : i32
          %or3A = arith.constant false
          %or3A_232 = arith.ori %or3A, %ne3A : i1
          %sub3A_233 = arith.constant 2 : i32
          %sub3A_234 = arith.subi %mul3A_195, %sub3A_233 : i32
          %add3A_235 = arith.constant 1 : i32
          %add3A_236 = arith.addi %sub3A_234, %add3A_235 : i32
          %ge3A = arith.cmpi sge, %while3A_184, %add3A_236 : i32
          %not3A = arith.constant true
          %not3A_237 = arith.xori %ge3A, %not3A : i1
          %and3A = arith.andi %or3A_232, %not3A_237 : i1
          %convert_element_type3A_238 = arith.extui %and3A : i1 to i32
          %cond3A_239 = arith.constant 0 : i32
          %cond3A_240 = arith.cmpi ne, %convert_element_type3A_238, %cond3A_239 : i32
          scf.if %cond3A_240 {
            "tpu.trace_start"() <{level = 10 : i32, message = "ep_copy_in"}> : () -> ()
            %rem3A_490 = arith.constant 2 : i32
            %rem3A_491 = arith.remui %while3A_185, %rem3A_490 : i32
            %add3A_492 = arith.constant 0 : i32
            %add3A_493 = arith.addi %add3A_492, %add3A_219 : i32
            %mul3A_494 = arith.constant 128 : i32
            %mul3A_495 = arith.muli %mul3A_494, %add3A_493 : i32
            %dma_start3A_496 = arith.constant 0 : i32
            %dma_start3A_497 = arith.constant 0 : i32
            %dma_start3A_498 = tpu.memref_slice %run_scoped3A[%rem3A_491, %dma_start3A_496, %dma_start3A_497] : memref<2x1x128xi32, #tpu.memory_space<vmem>> -> memref<1x1x128xi32, #tpu.memory_space<vmem>>
            %dma_start3A_499 = tpu.memref_squeeze %dma_start3A_498 : memref<1x1x128xi32, #tpu.memory_space<vmem>> -> memref<1x128xi32, #tpu.memory_space<vmem>>
            %dma_start3A_500 = arith.constant 0 : i32
            %dma_start3A_501 = tpu.memref_slice %arg3[%dma_start3A_500, %mul3A_495] : memref<1x640000xi32, #tpu.memory_space<hbm>> -> memref<1x128xi32, #tpu.memory_space<hbm>>
            %dma_start3A_502 = tpu.memref_slice %run_scoped3A_17[%rem3A_491] : memref<2x!tpu.dma_semaphore, #tpu.memory_space<semaphore_mem>> -> memref<1x!tpu.dma_semaphore, #tpu.memory_space<semaphore_mem>>
            %dma_start3A_503 = tpu.memref_squeeze %dma_start3A_502 : memref<1x!tpu.dma_semaphore, #tpu.memory_space<semaphore_mem>> -> memref<!tpu.dma_semaphore, #tpu.memory_space<semaphore_mem>>
            %dma_start3A_504 = arith.constant 0 : i32
            %dma_start3A_505 = arith.constant 0 : i32
            %dma_start3A_506 = tpu.memref_slice %run_scoped3A[%rem3A_491, %dma_start3A_504, %dma_start3A_505] : memref<2x1x128xi32, #tpu.memory_space<vmem>> -> memref<1x1x128xi32, #tpu.memory_space<vmem>>
            %dma_start3A_507 = tpu.memref_squeeze %dma_start3A_506 : memref<1x1x128xi32, #tpu.memory_space<vmem>> -> memref<1x128xi32, #tpu.memory_space<vmem>>
            %dma_start3A_508 = arith.constant 0 : i32
            %dma_start3A_509 = tpu.memref_slice %arg3[%dma_start3A_508, %mul3A_495] : memref<1x640000xi32, #tpu.memory_space<hbm>> -> memref<1x128xi32, #tpu.memory_space<hbm>>
            tpu.enqueue_dma source(%dma_start3A_509 : memref<1x128xi32, #tpu.memory_space<hbm>>) target(%dma_start3A_507 : memref<1x128xi32, #tpu.memory_space<vmem>>) target_semaphore(%dma_start3A_503 : memref<!tpu.dma_semaphore, #tpu.memory_space<semaphore_mem>>)
            "tpu.trace_stop"() : () -> ()
          } else {
          }
          %and3A_241 = arith.constant true
          %and3A_242 = arith.andi %and3A, %and3A_241 : i1
          %add3A_243 = arith.constant 1 : i32
          %add3A_244 = arith.addi %while3A_185, %add3A_243 : i32
          %select_n3A_245 = arith.select %and3A_242, %add3A_244, %while3A_185 : i32
          %add3A_246 = arith.constant 2500 : i32
          %add3A_247 = arith.addi %add3A_246, %add3A_201 : i32
          %add3A_248 = arith.constant 2500 : i32
          %add3A_249 = arith.addi %add3A_248, %add3A_219 : i32
          %ne3A_250 = arith.cmpi ne, %add3A_247, %add3A_249 : i32
          %or3A_251 = arith.constant false
          %or3A_252 = arith.ori %or3A_251, %ne3A_250 : i1
          %sub3A_253 = arith.constant 2 : i32
          %sub3A_254 = arith.subi %mul3A_195, %sub3A_253 : i32
          %add3A_255 = arith.constant 1 : i32
          %add3A_256 = arith.addi %sub3A_254, %add3A_255 : i32
          %ge3A_257 = arith.cmpi sge, %while3A_184, %add3A_256 : i32
          %not3A_258 = arith.constant true
          %not3A_259 = arith.xori %ge3A_257, %not3A_258 : i1
          %and3A_260 = arith.andi %or3A_252, %not3A_259 : i1
          %convert_element_type3A_261 = arith.extui %and3A_260 : i1 to i32
          %cond3A_262 = arith.constant 0 : i32
          %cond3A_263 = arith.cmpi ne, %convert_element_type3A_261, %cond3A_262 : i32
          scf.if %cond3A_263 {
            "tpu.trace_start"() <{level = 10 : i32, message = "ep_copy_in"}> : () -> ()
            %rem3A_490 = arith.constant 2 : i32
            %rem3A_491 = arith.remui %while3A_187, %rem3A_490 : i32
            %add3A_492 = arith.constant 2500 : i32
            %add3A_493 = arith.addi %add3A_492, %add3A_219 : i32
            %mul3A_494 = arith.constant 128 : i32
            %mul3A_495 = arith.muli %mul3A_494, %add3A_493 : i32
            %dma_start3A_496 = arith.constant 0 : i32
            %dma_start3A_497 = arith.constant 0 : i32
            %dma_start3A_498 = tpu.memref_slice %run_scoped3A_18[%rem3A_491, %dma_start3A_496, %dma_start3A_497] : memref<2x1x128xi32, #tpu.memory_space<vmem>> -> memref<1x1x128xi32, #tpu.memory_space<vmem>>
            %dma_start3A_499 = tpu.memref_squeeze %dma_start3A_498 : memref<1x1x128xi32, #tpu.memory_space<vmem>> -> memref<1x128xi32, #tpu.memory_space<vmem>>
            %dma_start3A_500 = arith.constant 0 : i32
            %dma_start3A_501 = tpu.memref_slice %arg3[%dma_start3A_500, %mul3A_495] : memref<1x640000xi32, #tpu.memory_space<hbm>> -> memref<1x128xi32, #tpu.memory_space<hbm>>
            %dma_start3A_502 = tpu.memref_slice %run_scoped3A_19[%rem3A_491] : memref<2x!tpu.dma_semaphore, #tpu.memory_space<semaphore_mem>> -> memref<1x!tpu.dma_semaphore, #tpu.memory_space<semaphore_mem>>
            %dma_start3A_503 = tpu.memref_squeeze %dma_start3A_502 : memref<1x!tpu.dma_semaphore, #tpu.memory_space<semaphore_mem>> -> memref<!tpu.dma_semaphore, #tpu.memory_space<semaphore_mem>>
            %dma_start3A_504 = arith.constant 0 : i32
            %dma_start3A_505 = arith.constant 0 : i32
            %dma_start3A_506 = tpu.memref_slice %run_scoped3A_18[%rem3A_491, %dma_start3A_504, %dma_start3A_505] : memref<2x1x128xi32, #tpu.memory_space<vmem>> -> memref<1x1x128xi32, #tpu.memory_space<vmem>>
            %dma_start3A_507 = tpu.memref_squeeze %dma_start3A_506 : memref<1x1x128xi32, #tpu.memory_space<vmem>> -> memref<1x128xi32, #tpu.memory_space<vmem>>
            %dma_start3A_508 = arith.constant 0 : i32
            %dma_start3A_509 = tpu.memref_slice %arg3[%dma_start3A_508, %mul3A_495] : memref<1x640000xi32, #tpu.memory_space<hbm>> -> memref<1x128xi32, #tpu.memory_space<hbm>>
            tpu.enqueue_dma source(%dma_start3A_509 : memref<1x128xi32, #tpu.memory_space<hbm>>) target(%dma_start3A_507 : memref<1x128xi32, #tpu.memory_space<vmem>>) target_semaphore(%dma_start3A_503 : memref<!tpu.dma_semaphore, #tpu.memory_space<semaphore_mem>>)
            "tpu.trace_stop"() : () -> ()
          } else {
          }
          %and3A_264 = arith.constant true
          %and3A_265 = arith.andi %and3A_260, %and3A_264 : i1
          %add3A_266 = arith.constant 1 : i32
          %add3A_267 = arith.addi %while3A_187, %add3A_266 : i32
          %select_n3A_268 = arith.select %and3A_265, %add3A_267, %while3A_187 : i32
          %ne3A_269 = arith.cmpi ne, %add3A_201, %add3A_219 : i32
          %or3A_270 = arith.constant false
          %or3A_271 = arith.ori %or3A_270, %ne3A_269 : i1
          %or3A_272 = arith.constant false
          %or3A_273 = arith.ori %or3A_271, %or3A_272 : i1
          %sub3A_274 = arith.constant 2 : i32
          %sub3A_275 = arith.subi %mul3A_195, %sub3A_274 : i32
          %add3A_276 = arith.constant 1 : i32
          %add3A_277 = arith.addi %sub3A_275, %add3A_276 : i32
          %ge3A_278 = arith.cmpi sge, %while3A_184, %add3A_277 : i32
          %not3A_279 = arith.constant true
          %not3A_280 = arith.xori %ge3A_278, %not3A_279 : i1
          %and3A_281 = arith.andi %or3A_273, %not3A_280 : i1
          %ne3A_282 = arith.cmpi ne, %add3A_201, %add3A_219 : i32
          %or3A_283 = arith.constant false
          %or3A_284 = arith.ori %or3A_283, %ne3A_282 : i1
          %or3A_285 = arith.constant false
          %or3A_286 = arith.ori %or3A_284, %or3A_285 : i1
          %sub3A_287 = arith.constant 2 : i32
          %sub3A_288 = arith.subi %mul3A_195, %sub3A_287 : i32
          %add3A_289 = arith.constant 1 : i32
          %add3A_290 = arith.addi %sub3A_288, %add3A_289 : i32
          %ge3A_291 = arith.cmpi sge, %while3A_184, %add3A_290 : i32
          %not3A_292 = arith.constant true
          %not3A_293 = arith.xori %ge3A_291, %not3A_292 : i1
          %and3A_294 = arith.andi %or3A_286, %not3A_293 : i1
          %add3A_295 = arith.constant 0 : i32
          %add3A_296 = arith.addi %add3A_295, %add3A_201 : i32
          %add3A_297 = arith.constant 0 : i32
          %add3A_298 = arith.addi %add3A_297, %add3A_211 : i32
          %ne3A_299 = arith.cmpi ne, %add3A_296, %add3A_298 : i32
          %or3A_300 = arith.constant false
          %or3A_301 = arith.ori %or3A_300, %ne3A_299 : i1
          %or3A_302 = arith.ori %or3A_301, %eq3A_197 : i1
          %convert_element_type3A_303 = arith.extui %or3A_302 : i1 to i32
          %cond3A_304 = arith.constant 0 : i32
          %cond3A_305 = arith.cmpi ne, %convert_element_type3A_303, %cond3A_304 : i32
          scf.if %cond3A_305 {
            "tpu.trace_start"() <{level = 10 : i32, message = "ep_wait_in"}> : () -> ()
            %add3A_490 = arith.constant 0 : i32
            %add3A_491 = arith.addi %add3A_490, %add3A_201 : i32
            %mul3A_492 = arith.constant 128 : i32
            %mul3A_493 = arith.muli %mul3A_492, %add3A_491 : i32
            %rem3A_494 = arith.constant 2 : i32
            %rem3A_495 = arith.remui %while3A_186, %rem3A_494 : i32
            %dma_wait3A = arith.constant 0 : i32
            %dma_wait3A_496 = arith.constant 0 : i32
            %dma_wait3A_497 = tpu.memref_slice %run_scoped3A[%rem3A_495, %dma_wait3A, %dma_wait3A_496] : memref<2x1x128xi32, #tpu.memory_space<vmem>> -> memref<1x1x128xi32, #tpu.memory_space<vmem>>
            %dma_wait3A_498 = tpu.memref_squeeze %dma_wait3A_497 : memref<1x1x128xi32, #tpu.memory_space<vmem>> -> memref<1x128xi32, #tpu.memory_space<vmem>>
            %dma_wait3A_499 = arith.constant 0 : i32
            %dma_wait3A_500 = tpu.memref_slice %arg3[%dma_wait3A_499, %mul3A_493] : memref<1x640000xi32, #tpu.memory_space<hbm>> -> memref<1x128xi32, #tpu.memory_space<hbm>>
            %dma_wait3A_501 = tpu.memref_slice %run_scoped3A_17[%rem3A_495] : memref<2x!tpu.dma_semaphore, #tpu.memory_space<semaphore_mem>> -> memref<1x!tpu.dma_semaphore, #tpu.memory_space<semaphore_mem>>
            %dma_wait3A_502 = tpu.memref_squeeze %dma_wait3A_501 : memref<1x!tpu.dma_semaphore, #tpu.memory_space<semaphore_mem>> -> memref<!tpu.dma_semaphore, #tpu.memory_space<semaphore_mem>>
            %dma_wait3A_503 = arith.constant 0 : i32
            %dma_wait3A_504 = arith.constant 0 : i32
            %dma_wait3A_505 = tpu.memref_slice %run_scoped3A[%rem3A_495, %dma_wait3A_503, %dma_wait3A_504] : memref<2x1x128xi32, #tpu.memory_space<vmem>> -> memref<1x1x128xi32, #tpu.memory_space<vmem>>
            %dma_wait3A_506 = tpu.memref_squeeze %dma_wait3A_505 : memref<1x1x128xi32, #tpu.memory_space<vmem>> -> memref<1x128xi32, #tpu.memory_space<vmem>>
            %dma_wait3A_507 = arith.constant 0 : i32
            %dma_wait3A_508 = tpu.memref_slice %arg3[%dma_wait3A_507, %mul3A_493] : memref<1x640000xi32, #tpu.memory_space<hbm>> -> memref<1x128xi32, #tpu.memory_space<hbm>>
            tpu.wait_dma2 semaphore(%dma_wait3A_502 : memref<!tpu.dma_semaphore, #tpu.memory_space<semaphore_mem>>) src(%dma_wait3A_508 : memref<1x128xi32, #tpu.memory_space<hbm>>) dst(%dma_wait3A_506 : memref<1x128xi32, #tpu.memory_space<vmem>>)
            "tpu.trace_stop"() : () -> ()
          } else {
          }
          %add3A_306 = arith.constant 2500 : i32
          %add3A_307 = arith.addi %add3A_306, %add3A_201 : i32
          %add3A_308 = arith.constant 2500 : i32
          %add3A_309 = arith.addi %add3A_308, %add3A_211 : i32
          %ne3A_310 = arith.cmpi ne, %add3A_307, %add3A_309 : i32
          %or3A_311 = arith.constant false
          %or3A_312 = arith.ori %or3A_311, %ne3A_310 : i1
          %or3A_313 = arith.ori %or3A_312, %eq3A_197 : i1
          %convert_element_type3A_314 = arith.extui %or3A_313 : i1 to i32
          %cond3A_315 = arith.constant 0 : i32
          %cond3A_316 = arith.cmpi ne, %convert_element_type3A_314, %cond3A_315 : i32
          scf.if %cond3A_316 {
            "tpu.trace_start"() <{level = 10 : i32, message = "ep_wait_in"}> : () -> ()
            %add3A_490 = arith.constant 2500 : i32
            %add3A_491 = arith.addi %add3A_490, %add3A_201 : i32
            %mul3A_492 = arith.constant 128 : i32
            %mul3A_493 = arith.muli %mul3A_492, %add3A_491 : i32
            %rem3A_494 = arith.constant 2 : i32
            %rem3A_495 = arith.remui %while3A_188, %rem3A_494 : i32
            %dma_wait3A = arith.constant 0 : i32
            %dma_wait3A_496 = arith.constant 0 : i32
            %dma_wait3A_497 = tpu.memref_slice %run_scoped3A_18[%rem3A_495, %dma_wait3A, %dma_wait3A_496] : memref<2x1x128xi32, #tpu.memory_space<vmem>> -> memref<1x1x128xi32, #tpu.memory_space<vmem>>
            %dma_wait3A_498 = tpu.memref_squeeze %dma_wait3A_497 : memref<1x1x128xi32, #tpu.memory_space<vmem>> -> memref<1x128xi32, #tpu.memory_space<vmem>>
            %dma_wait3A_499 = arith.constant 0 : i32
            %dma_wait3A_500 = tpu.memref_slice %arg3[%dma_wait3A_499, %mul3A_493] : memref<1x640000xi32, #tpu.memory_space<hbm>> -> memref<1x128xi32, #tpu.memory_space<hbm>>
            %dma_wait3A_501 = tpu.memref_slice %run_scoped3A_19[%rem3A_495] : memref<2x!tpu.dma_semaphore, #tpu.memory_space<semaphore_mem>> -> memref<1x!tpu.dma_semaphore, #tpu.memory_space<semaphore_mem>>
            %dma_wait3A_502 = tpu.memref_squeeze %dma_wait3A_501 : memref<1x!tpu.dma_semaphore, #tpu.memory_space<semaphore_mem>> -> memref<!tpu.dma_semaphore, #tpu.memory_space<semaphore_mem>>
            %dma_wait3A_503 = arith.constant 0 : i32
            %dma_wait3A_504 = arith.constant 0 : i32
            %dma_wait3A_505 = tpu.memref_slice %run_scoped3A_18[%rem3A_495, %dma_wait3A_503, %dma_wait3A_504] : memref<2x1x128xi32, #tpu.memory_space<vmem>> -> memref<1x1x128xi32, #tpu.memory_space<vmem>>
            %dma_wait3A_506 = tpu.memref_squeeze %dma_wait3A_505 : memref<1x1x128xi32, #tpu.memory_space<vmem>> -> memref<1x128xi32, #tpu.memory_space<vmem>>
            %dma_wait3A_507 = arith.constant 0 : i32
            %dma_wait3A_508 = tpu.memref_slice %arg3[%dma_wait3A_507, %mul3A_493] : memref<1x640000xi32, #tpu.memory_space<hbm>> -> memref<1x128xi32, #tpu.memory_space<hbm>>
            tpu.wait_dma2 semaphore(%dma_wait3A_502 : memref<!tpu.dma_semaphore, #tpu.memory_space<semaphore_mem>>) src(%dma_wait3A_508 : memref<1x128xi32, #tpu.memory_space<hbm>>) dst(%dma_wait3A_506 : memref<1x128xi32, #tpu.memory_space<vmem>>)
            "tpu.trace_stop"() : () -> ()
          } else {
          }
          %ne3A_317 = arith.cmpi ne, %add3A_201, %add3A_211 : i32
          %or3A_318 = arith.constant false
          %or3A_319 = arith.ori %or3A_318, %ne3A_317 : i1
          %or3A_320 = arith.constant false
          %or3A_321 = arith.ori %or3A_319, %or3A_320 : i1
          %or3A_322 = arith.ori %or3A_321, %eq3A_197 : i1
          %convert_element_type3A_323 = arith.extui %or3A_322 : i1 to i32
          %cond3A_324 = arith.constant 0 : i32
          %cond3A_325 = arith.cmpi ne, %convert_element_type3A_323, %cond3A_324 : i32
          scf.if %cond3A_325 {
          } else {
          }
          %ne3A_326 = arith.cmpi ne, %add3A_201, %add3A_211 : i32
          %or3A_327 = arith.constant false
          %or3A_328 = arith.ori %or3A_327, %ne3A_326 : i1
          %or3A_329 = arith.constant false
          %or3A_330 = arith.ori %or3A_328, %or3A_329 : i1
          %or3A_331 = arith.ori %or3A_330, %eq3A_197 : i1
          %convert_element_type3A_332 = arith.extui %or3A_331 : i1 to i32
          %cond3A_333 = arith.constant 0 : i32
          %cond3A_334 = arith.cmpi ne, %convert_element_type3A_332, %cond3A_333 : i32
          scf.if %cond3A_334 {
          } else {
          }
          %rem3A_335 = arith.constant 2 : i32
          %rem3A_336 = arith.remui %while3A_186, %rem3A_335 : i32
          %rem3A_337 = arith.constant 2 : i32
          %rem3A_338 = arith.remui %while3A_188, %rem3A_337 : i32
          %rem3A_339 = arith.constant 2 : i32
          %rem3A_340 = arith.remui %while3A_189, %rem3A_339 : i32
          %rem3A_341 = arith.constant 2 : i32
          %rem3A_342 = arith.remui %while3A_191, %rem3A_341 : i32
          %run_scoped3A_343 = arith.constant 0 : i32
          "tpu.trace_start"() <{level = 10 : i32, message = "ep_run_kernel"}> : () -> ()
          "tpu.region"() ({
            %run_scoped3A_490 = tpu.sem_alloc : memref<!tpu.dma_semaphore, #tpu.memory_space<semaphore_mem>>
            %dma_start3A_491 = arith.constant 0 : i32
            %dma_start3A_492 = arith.constant 0 : i32
            %dma_start3A_493 = tpu.memref_slice %run_scoped3A_20[%rem3A_340, %dma_start3A_491, %dma_start3A_492] : memref<2x128x128xf32, #tpu.memory_space<vmem>> -> memref<1x128x128xf32, #tpu.memory_space<vmem>>
            %dma_start3A_494 = tpu.memref_squeeze %dma_start3A_493 : memref<1x128x128xf32, #tpu.memory_space<vmem>> -> memref<128x128xf32, #tpu.memory_space<vmem>>
            %dma_start3A_495 = arith.constant 0 : i32
            %dma_start3A_496 = arith.constant 0 : i32
            %dma_start3A_497 = tpu.memref_slice %run_scoped3A[%rem3A_336, %dma_start3A_495, %dma_start3A_496] : memref<2x1x128xi32, #tpu.memory_space<vmem>> -> memref<1x1x128xi32, #tpu.memory_space<vmem>>
            %dma_start3A_498 = tpu.memref_squeeze %dma_start3A_497 : memref<1x1x128xi32, #tpu.memory_space<vmem>> -> memref<1x128xi32, #tpu.memory_space<vmem>>
            %dma_start3A_499 = arith.constant 0 : i32
            %dma_start3A_500 = tpu.memref_slice %dma_start3A_498[%run_scoped3A_343, %dma_start3A_499] : memref<1x128xi32, #tpu.memory_space<vmem>> -> memref<1x128xi32, #tpu.memory_space<vmem>>
            %dma_start3A_501 = tpu.memref_squeeze %dma_start3A_500 : memref<1x128xi32, #tpu.memory_space<vmem>> -> memref<128xi32, #tpu.memory_space<vmem>>
            %dma_start3A_502 = arith.constant 0 : i32
            %dma_start3A_503 = arith.constant 0 : i32
            %dma_start3A_504 = tpu.memref_slice %arg2[%dma_start3A_502, %dma_start3A_503] : memref<10000x128xf32, #tpu.memory_space<hbm>> -> memref<10000x128xf32, #tpu.memory_space<hbm>>
            tpu.enqueue_indirect_dma source(%dma_start3A_504 : memref<10000x128xf32, #tpu.memory_space<hbm>>) target(%dma_start3A_494 : memref<128x128xf32, #tpu.memory_space<vmem>>) offsets(%dma_start3A_501 : memref<128xi32, #tpu.memory_space<vmem>>) semaphore(%run_scoped3A_490 : memref<!tpu.dma_semaphore, #tpu.memory_space<semaphore_mem>>)
            %dma_wait3A = arith.constant 0 : i32
            %dma_wait3A_505 = arith.constant 0 : i32
            %dma_wait3A_506 = tpu.memref_slice %run_scoped3A_20[%rem3A_340, %dma_wait3A, %dma_wait3A_505] : memref<2x128x128xf32, #tpu.memory_space<vmem>> -> memref<1x128x128xf32, #tpu.memory_space<vmem>>
            %dma_wait3A_507 = tpu.memref_squeeze %dma_wait3A_506 : memref<1x128x128xf32, #tpu.memory_space<vmem>> -> memref<128x128xf32, #tpu.memory_space<vmem>>
            %dma_wait3A_508 = arith.constant 0 : i32
            %dma_wait3A_509 = arith.constant 0 : i32
            %dma_wait3A_510 = tpu.memref_slice %run_scoped3A[%rem3A_336, %dma_wait3A_508, %dma_wait3A_509] : memref<2x1x128xi32, #tpu.memory_space<vmem>> -> memref<1x1x128xi32, #tpu.memory_space<vmem>>
            %dma_wait3A_511 = tpu.memref_squeeze %dma_wait3A_510 : memref<1x1x128xi32, #tpu.memory_space<vmem>> -> memref<1x128xi32, #tpu.memory_space<vmem>>
            %dma_wait3A_512 = arith.constant 0 : i32
            %dma_wait3A_513 = tpu.memref_slice %dma_wait3A_511[%run_scoped3A_343, %dma_wait3A_512] : memref<1x128xi32, #tpu.memory_space<vmem>> -> memref<1x128xi32, #tpu.memory_space<vmem>>
            %dma_wait3A_514 = tpu.memref_squeeze %dma_wait3A_513 : memref<1x128xi32, #tpu.memory_space<vmem>> -> memref<128xi32, #tpu.memory_space<vmem>>
            %dma_wait3A_515 = arith.constant 0 : i32
            %dma_wait3A_516 = arith.constant 0 : i32
            %dma_wait3A_517 = tpu.memref_slice %arg2[%dma_wait3A_515, %dma_wait3A_516] : memref<10000x128xf32, #tpu.memory_space<hbm>> -> memref<10000x128xf32, #tpu.memory_space<hbm>>
            tpu.wait_indirect_dma semaphore(%run_scoped3A_490 : memref<!tpu.dma_semaphore, #tpu.memory_space<semaphore_mem>>) src(%dma_wait3A_517 : memref<10000x128xf32, #tpu.memory_space<hbm>>) dst(%dma_wait3A_507 : memref<128x128xf32, #tpu.memory_space<vmem>>)
            tpu.yield
          }) : () -> ()
          %run_scoped3A_344 = arith.constant 0 : i32
          "tpu.region"() ({
            %run_scoped3A_490 = tpu.sem_alloc : memref<!tpu.dma_semaphore, #tpu.memory_space<semaphore_mem>>
            %dma_start3A_491 = arith.constant 0 : i32
            %dma_start3A_492 = arith.constant 0 : i32
            %dma_start3A_493 = tpu.memref_slice %run_scoped3A_22[%rem3A_342, %dma_start3A_491, %dma_start3A_492] : memref<2x128x128xf32, #tpu.memory_space<vmem>> -> memref<1x128x128xf32, #tpu.memory_space<vmem>>
            %dma_start3A_494 = tpu.memref_squeeze %dma_start3A_493 : memref<1x128x128xf32, #tpu.memory_space<vmem>> -> memref<128x128xf32, #tpu.memory_space<vmem>>
            %dma_start3A_495 = arith.constant 0 : i32
            %dma_start3A_496 = arith.constant 0 : i32
            %dma_start3A_497 = tpu.memref_slice %run_scoped3A_18[%rem3A_338, %dma_start3A_495, %dma_start3A_496] : memref<2x1x128xi32, #tpu.memory_space<vmem>> -> memref<1x1x128xi32, #tpu.memory_space<vmem>>
            %dma_start3A_498 = tpu.memref_squeeze %dma_start3A_497 : memref<1x1x128xi32, #tpu.memory_space<vmem>> -> memref<1x128xi32, #tpu.memory_space<vmem>>
            %dma_start3A_499 = arith.constant 0 : i32
            %dma_start3A_500 = tpu.memref_slice %dma_start3A_498[%run_scoped3A_344, %dma_start3A_499] : memref<1x128xi32, #tpu.memory_space<vmem>> -> memref<1x128xi32, #tpu.memory_space<vmem>>
            %dma_start3A_501 = tpu.memref_squeeze %dma_start3A_500 : memref<1x128xi32, #tpu.memory_space<vmem>> -> memref<128xi32, #tpu.memory_space<vmem>>
            %dma_start3A_502 = arith.constant 0 : i32
            %dma_start3A_503 = arith.constant 0 : i32
            %dma_start3A_504 = tpu.memref_slice %arg2[%dma_start3A_502, %dma_start3A_503] : memref<10000x128xf32, #tpu.memory_space<hbm>> -> memref<10000x128xf32, #tpu.memory_space<hbm>>
            tpu.enqueue_indirect_dma source(%dma_start3A_504 : memref<10000x128xf32, #tpu.memory_space<hbm>>) target(%dma_start3A_494 : memref<128x128xf32, #tpu.memory_space<vmem>>) offsets(%dma_start3A_501 : memref<128xi32, #tpu.memory_space<vmem>>) semaphore(%run_scoped3A_490 : memref<!tpu.dma_semaphore, #tpu.memory_space<semaphore_mem>>)
            %dma_wait3A = arith.constant 0 : i32
            %dma_wait3A_505 = arith.constant 0 : i32
            %dma_wait3A_506 = tpu.memref_slice %run_scoped3A_22[%rem3A_342, %dma_wait3A, %dma_wait3A_505] : memref<2x128x128xf32, #tpu.memory_space<vmem>> -> memref<1x128x128xf32, #tpu.memory_space<vmem>>
            %dma_wait3A_507 = tpu.memref_squeeze %dma_wait3A_506 : memref<1x128x128xf32, #tpu.memory_space<vmem>> -> memref<128x128xf32, #tpu.memory_space<vmem>>
            %dma_wait3A_508 = arith.constant 0 : i32
            %dma_wait3A_509 = arith.constant 0 : i32
            %dma_wait3A_510 = tpu.memref_slice %run_scoped3A_18[%rem3A_338, %dma_wait3A_508, %dma_wait3A_509] : memref<2x1x128xi32, #tpu.memory_space<vmem>> -> memref<1x1x128xi32, #tpu.memory_space<vmem>>
            %dma_wait3A_511 = tpu.memref_squeeze %dma_wait3A_510 : memref<1x1x128xi32, #tpu.memory_space<vmem>> -> memref<1x128xi32, #tpu.memory_space<vmem>>
            %dma_wait3A_512 = arith.constant 0 : i32
            %dma_wait3A_513 = tpu.memref_slice %dma_wait3A_511[%run_scoped3A_344, %dma_wait3A_512] : memref<1x128xi32, #tpu.memory_space<vmem>> -> memref<1x128xi32, #tpu.memory_space<vmem>>
            %dma_wait3A_514 = tpu.memref_squeeze %dma_wait3A_513 : memref<1x128xi32, #tpu.memory_space<vmem>> -> memref<128xi32, #tpu.memory_space<vmem>>
            %dma_wait3A_515 = arith.constant 0 : i32
            %dma_wait3A_516 = arith.constant 0 : i32
            %dma_wait3A_517 = tpu.memref_slice %arg2[%dma_wait3A_515, %dma_wait3A_516] : memref<10000x128xf32, #tpu.memory_space<hbm>> -> memref<10000x128xf32, #tpu.memory_space<hbm>>
            tpu.wait_indirect_dma semaphore(%run_scoped3A_490 : memref<!tpu.dma_semaphore, #tpu.memory_space<semaphore_mem>>) src(%dma_wait3A_517 : memref<10000x128xf32, #tpu.memory_space<hbm>>) dst(%dma_wait3A_507 : memref<128x128xf32, #tpu.memory_space<vmem>>)
            tpu.yield
          }) : () -> ()
          "tpu.trace_stop"() : () -> ()
          %add3A_345 = arith.constant 0 : i32
          %add3A_346 = arith.addi %add3A_345, %add3A_201 : i32
          %add3A_347 = arith.constant 0 : i32
          %add3A_348 = arith.addi %add3A_347, %add3A_219 : i32
          %ne3A_349 = arith.cmpi ne, %add3A_346, %add3A_348 : i32
          %or3A_350 = arith.constant false
          %or3A_351 = arith.ori %or3A_350, %ne3A_349 : i1
          %or3A_352 = arith.ori %or3A_351, %eq3A_200 : i1
          %convert_element_type3A_353 = arith.extui %or3A_352 : i1 to i32
          %cond3A_354 = arith.constant 0 : i32
          %cond3A_355 = arith.cmpi ne, %convert_element_type3A_353, %cond3A_354 : i32
          scf.if %cond3A_355 {
          } else {
          }
          %and3A_356 = arith.constant false
          %and3A_357 = arith.andi %or3A_352, %and3A_356 : i1
          %add3A_358 = arith.constant 2500 : i32
          %add3A_359 = arith.addi %add3A_358, %add3A_201 : i32
          %add3A_360 = arith.constant 2500 : i32
          %add3A_361 = arith.addi %add3A_360, %add3A_219 : i32
          %ne3A_362 = arith.cmpi ne, %add3A_359, %add3A_361 : i32
          %or3A_363 = arith.constant false
          %or3A_364 = arith.ori %or3A_363, %ne3A_362 : i1
          %or3A_365 = arith.ori %or3A_364, %eq3A_200 : i1
          %convert_element_type3A_366 = arith.extui %or3A_365 : i1 to i32
          %cond3A_367 = arith.constant 0 : i32
          %cond3A_368 = arith.cmpi ne, %convert_element_type3A_366, %cond3A_367 : i32
          scf.if %cond3A_368 {
          } else {
          }
          %and3A_369 = arith.constant false
          %and3A_370 = arith.andi %or3A_365, %and3A_369 : i1
          %ne3A_371 = arith.cmpi ne, %add3A_201, %add3A_219 : i32
          %or3A_372 = arith.constant false
          %or3A_373 = arith.ori %or3A_372, %ne3A_371 : i1
          %or3A_374 = arith.constant false
          %or3A_375 = arith.ori %or3A_373, %or3A_374 : i1
          %or3A_376 = arith.ori %or3A_375, %eq3A_200 : i1
          %convert_element_type3A_377 = arith.extui %or3A_376 : i1 to i32
          %cond3A_378 = arith.constant 0 : i32
          %cond3A_379 = arith.cmpi ne, %convert_element_type3A_377, %cond3A_378 : i32
          scf.if %cond3A_379 {
            "tpu.trace_start"() <{level = 10 : i32, message = "ep_copy_out"}> : () -> ()
            %rem3A_490 = arith.constant 2 : i32
            %rem3A_491 = arith.remui %while3A_189, %rem3A_490 : i32
            %mul3A_492 = arith.constant 128 : i32
            %mul3A_493 = arith.muli %mul3A_492, %add3A_201 : i32
            %dma_start3A_494 = arith.constant 0 : i32
            %dma_start3A_495 = arith.constant 0 : i32
            %dma_start3A_496 = tpu.memref_slice %run_scoped3A_20[%rem3A_491, %dma_start3A_494, %dma_start3A_495] : memref<2x128x128xf32, #tpu.memory_space<vmem>> -> memref<1x128x128xf32, #tpu.memory_space<vmem>>
            %dma_start3A_497 = tpu.memref_squeeze %dma_start3A_496 : memref<1x128x128xf32, #tpu.memory_space<vmem>> -> memref<128x128xf32, #tpu.memory_space<vmem>>
            %dma_start3A_498 = arith.constant 0 : i32
            %dma_start3A_499 = tpu.memref_slice %arg4[%mul3A_493, %dma_start3A_498] : memref<320000x256xf32, #tpu.memory_space<hbm>> -> memref<128x128xf32, #tpu.memory_space<hbm>>
            %dma_start3A_500 = tpu.memref_slice %run_scoped3A_21[%rem3A_491] : memref<2x!tpu.dma_semaphore, #tpu.memory_space<semaphore_mem>> -> memref<1x!tpu.dma_semaphore, #tpu.memory_space<semaphore_mem>>
            %dma_start3A_501 = tpu.memref_squeeze %dma_start3A_500 : memref<1x!tpu.dma_semaphore, #tpu.memory_space<semaphore_mem>> -> memref<!tpu.dma_semaphore, #tpu.memory_space<semaphore_mem>>
            %dma_start3A_502 = arith.constant 0 : i32
            %dma_start3A_503 = tpu.memref_slice %arg4[%mul3A_493, %dma_start3A_502] : memref<320000x256xf32, #tpu.memory_space<hbm>> -> memref<128x128xf32, #tpu.memory_space<hbm>>
            %dma_start3A_504 = arith.constant 0 : i32
            %dma_start3A_505 = arith.constant 0 : i32
            %dma_start3A_506 = tpu.memref_slice %run_scoped3A_20[%rem3A_491, %dma_start3A_504, %dma_start3A_505] : memref<2x128x128xf32, #tpu.memory_space<vmem>> -> memref<1x128x128xf32, #tpu.memory_space<vmem>>
            %dma_start3A_507 = tpu.memref_squeeze %dma_start3A_506 : memref<1x128x128xf32, #tpu.memory_space<vmem>> -> memref<128x128xf32, #tpu.memory_space<vmem>>
            tpu.enqueue_dma source(%dma_start3A_507 : memref<128x128xf32, #tpu.memory_space<vmem>>) target(%dma_start3A_503 : memref<128x128xf32, #tpu.memory_space<hbm>>) target_semaphore(%dma_start3A_501 : memref<!tpu.dma_semaphore, #tpu.memory_space<semaphore_mem>>)
            "tpu.trace_stop"() : () -> ()
          } else {
          }
          %and3A_380 = arith.constant true
          %and3A_381 = arith.andi %or3A_376, %and3A_380 : i1
          %add3A_382 = arith.constant 1 : i32
          %add3A_383 = arith.addi %while3A_189, %add3A_382 : i32
          %select_n3A_384 = arith.select %and3A_381, %add3A_383, %while3A_189 : i32
          %ne3A_385 = arith.cmpi ne, %add3A_201, %add3A_219 : i32
          %or3A_386 = arith.constant false
          %or3A_387 = arith.ori %or3A_386, %ne3A_385 : i1
          %or3A_388 = arith.constant false
          %or3A_389 = arith.ori %or3A_387, %or3A_388 : i1
          %or3A_390 = arith.ori %or3A_389, %eq3A_200 : i1
          %convert_element_type3A_391 = arith.extui %or3A_390 : i1 to i32
          %cond3A_392 = arith.constant 0 : i32
          %cond3A_393 = arith.cmpi ne, %convert_element_type3A_391, %cond3A_392 : i32
          scf.if %cond3A_393 {
            "tpu.trace_start"() <{level = 10 : i32, message = "ep_copy_out"}> : () -> ()
            %rem3A_490 = arith.constant 2 : i32
            %rem3A_491 = arith.remui %while3A_191, %rem3A_490 : i32
            %mul3A_492 = arith.constant 128 : i32
            %mul3A_493 = arith.muli %mul3A_492, %add3A_201 : i32
            %dma_start3A_494 = arith.constant 0 : i32
            %dma_start3A_495 = arith.constant 0 : i32
            %dma_start3A_496 = tpu.memref_slice %run_scoped3A_22[%rem3A_491, %dma_start3A_494, %dma_start3A_495] : memref<2x128x128xf32, #tpu.memory_space<vmem>> -> memref<1x128x128xf32, #tpu.memory_space<vmem>>
            %dma_start3A_497 = tpu.memref_squeeze %dma_start3A_496 : memref<1x128x128xf32, #tpu.memory_space<vmem>> -> memref<128x128xf32, #tpu.memory_space<vmem>>
            %dma_start3A_498 = arith.constant 128 : i32
            %dma_start3A_499 = tpu.memref_slice %arg4[%mul3A_493, %dma_start3A_498] : memref<320000x256xf32, #tpu.memory_space<hbm>> -> memref<128x128xf32, #tpu.memory_space<hbm>>
            %dma_start3A_500 = tpu.memref_slice %run_scoped3A_23[%rem3A_491] : memref<2x!tpu.dma_semaphore, #tpu.memory_space<semaphore_mem>> -> memref<1x!tpu.dma_semaphore, #tpu.memory_space<semaphore_mem>>
            %dma_start3A_501 = tpu.memref_squeeze %dma_start3A_500 : memref<1x!tpu.dma_semaphore, #tpu.memory_space<semaphore_mem>> -> memref<!tpu.dma_semaphore, #tpu.memory_space<semaphore_mem>>
            %dma_start3A_502 = arith.constant 128 : i32
            %dma_start3A_503 = tpu.memref_slice %arg4[%mul3A_493, %dma_start3A_502] : memref<320000x256xf32, #tpu.memory_space<hbm>> -> memref<128x128xf32, #tpu.memory_space<hbm>>
            %dma_start3A_504 = arith.constant 0 : i32
            %dma_start3A_505 = arith.constant 0 : i32
            %dma_start3A_506 = tpu.memref_slice %run_scoped3A_22[%rem3A_491, %dma_start3A_504, %dma_start3A_505] : memref<2x128x128xf32, #tpu.memory_space<vmem>> -> memref<1x128x128xf32, #tpu.memory_space<vmem>>
            %dma_start3A_507 = tpu.memref_squeeze %dma_start3A_506 : memref<1x128x128xf32, #tpu.memory_space<vmem>> -> memref<128x128xf32, #tpu.memory_space<vmem>>
            tpu.enqueue_dma source(%dma_start3A_507 : memref<128x128xf32, #tpu.memory_space<vmem>>) target(%dma_start3A_503 : memref<128x128xf32, #tpu.memory_space<hbm>>) target_semaphore(%dma_start3A_501 : memref<!tpu.dma_semaphore, #tpu.memory_space<semaphore_mem>>)
            "tpu.trace_stop"() : () -> ()
          } else {
          }
          %and3A_394 = arith.constant true
          %and3A_395 = arith.andi %or3A_390, %and3A_394 : i1
          %add3A_396 = arith.constant 1 : i32
          %add3A_397 = arith.addi %while3A_191, %add3A_396 : i32
          %select_n3A_398 = arith.select %and3A_395, %add3A_397, %while3A_191 : i32
          %add3A_399 = arith.constant 0 : i32
          %add3A_400 = arith.addi %add3A_399, %add3A_201 : i32
          %add3A_401 = arith.constant 0 : i32
          %add3A_402 = arith.addi %add3A_401, %add3A_211 : i32
          %ne3A_403 = arith.cmpi ne, %add3A_400, %add3A_402 : i32
          %or3A_404 = arith.constant false
          %or3A_405 = arith.ori %or3A_404, %ne3A_403 : i1
          %not3A_406 = arith.constant true
          %not3A_407 = arith.xori %eq3A_197, %not3A_406 : i1
          %and3A_408 = arith.andi %or3A_405, %not3A_407 : i1
          %convert_element_type3A_409 = arith.extui %and3A_408 : i1 to i32
          %cond3A_410 = arith.constant 0 : i32
          %cond3A_411 = arith.cmpi ne, %convert_element_type3A_409, %cond3A_410 : i32
          scf.if %cond3A_411 {
          } else {
          }
          %and3A_412 = arith.constant false
          %and3A_413 = arith.andi %and3A_408, %and3A_412 : i1
          %add3A_414 = arith.constant 2500 : i32
          %add3A_415 = arith.addi %add3A_414, %add3A_201 : i32
          %add3A_416 = arith.constant 2500 : i32
          %add3A_417 = arith.addi %add3A_416, %add3A_211 : i32
          %ne3A_418 = arith.cmpi ne, %add3A_415, %add3A_417 : i32
          %or3A_419 = arith.constant false
          %or3A_420 = arith.ori %or3A_419, %ne3A_418 : i1
          %not3A_421 = arith.constant true
          %not3A_422 = arith.xori %eq3A_197, %not3A_421 : i1
          %and3A_423 = arith.andi %or3A_420, %not3A_422 : i1
          %convert_element_type3A_424 = arith.extui %and3A_423 : i1 to i32
          %cond3A_425 = arith.constant 0 : i32
          %cond3A_426 = arith.cmpi ne, %convert_element_type3A_424, %cond3A_425 : i32
          scf.if %cond3A_426 {
          } else {
          }
          %and3A_427 = arith.constant false
          %and3A_428 = arith.andi %and3A_423, %and3A_427 : i1
          %ne3A_429 = arith.cmpi ne, %add3A_201, %add3A_211 : i32
          %or3A_430 = arith.constant false
          %or3A_431 = arith.ori %or3A_430, %ne3A_429 : i1
          %or3A_432 = arith.constant false
          %or3A_433 = arith.ori %or3A_431, %or3A_432 : i1
          %not3A_434 = arith.constant true
          %not3A_435 = arith.xori %eq3A_197, %not3A_434 : i1
          %and3A_436 = arith.andi %or3A_433, %not3A_435 : i1
          %convert_element_type3A_437 = arith.extui %and3A_436 : i1 to i32
          %cond3A_438 = arith.constant 0 : i32
          %cond3A_439 = arith.cmpi ne, %convert_element_type3A_437, %cond3A_438 : i32
          scf.if %cond3A_439 {
            "tpu.trace_start"() <{level = 10 : i32, message = "ep_wait_out"}> : () -> ()
            %rem3A_490 = arith.constant 2 : i32
            %rem3A_491 = arith.remui %while3A_190, %rem3A_490 : i32
            %mul3A_492 = arith.constant 128 : i32
            %mul3A_493 = arith.muli %mul3A_492, %add3A_211 : i32
            %dma_wait3A = arith.constant 0 : i32
            %dma_wait3A_494 = arith.constant 0 : i32
            %dma_wait3A_495 = tpu.memref_slice %run_scoped3A_20[%rem3A_491, %dma_wait3A, %dma_wait3A_494] : memref<2x128x128xf32, #tpu.memory_space<vmem>> -> memref<1x128x128xf32, #tpu.memory_space<vmem>>
            %dma_wait3A_496 = tpu.memref_squeeze %dma_wait3A_495 : memref<1x128x128xf32, #tpu.memory_space<vmem>> -> memref<128x128xf32, #tpu.memory_space<vmem>>
            %dma_wait3A_497 = arith.constant 0 : i32
            %dma_wait3A_498 = tpu.memref_slice %arg4[%mul3A_493, %dma_wait3A_497] : memref<320000x256xf32, #tpu.memory_space<hbm>> -> memref<128x128xf32, #tpu.memory_space<hbm>>
            %dma_wait3A_499 = tpu.memref_slice %run_scoped3A_21[%rem3A_491] : memref<2x!tpu.dma_semaphore, #tpu.memory_space<semaphore_mem>> -> memref<1x!tpu.dma_semaphore, #tpu.memory_space<semaphore_mem>>
            %dma_wait3A_500 = tpu.memref_squeeze %dma_wait3A_499 : memref<1x!tpu.dma_semaphore, #tpu.memory_space<semaphore_mem>> -> memref<!tpu.dma_semaphore, #tpu.memory_space<semaphore_mem>>
            %dma_wait3A_501 = arith.constant 0 : i32
            %dma_wait3A_502 = tpu.memref_slice %arg4[%mul3A_493, %dma_wait3A_501] : memref<320000x256xf32, #tpu.memory_space<hbm>> -> memref<128x128xf32, #tpu.memory_space<hbm>>
            %dma_wait3A_503 = arith.constant 0 : i32
            %dma_wait3A_504 = arith.constant 0 : i32
            %dma_wait3A_505 = tpu.memref_slice %run_scoped3A_20[%rem3A_491, %dma_wait3A_503, %dma_wait3A_504] : memref<2x128x128xf32, #tpu.memory_space<vmem>> -> memref<1x128x128xf32, #tpu.memory_space<vmem>>
            %dma_wait3A_506 = tpu.memref_squeeze %dma_wait3A_505 : memref<1x128x128xf32, #tpu.memory_space<vmem>> -> memref<128x128xf32, #tpu.memory_space<vmem>>
            tpu.wait_dma2 semaphore(%dma_wait3A_500 : memref<!tpu.dma_semaphore, #tpu.memory_space<semaphore_mem>>) src(%dma_wait3A_506 : memref<128x128xf32, #tpu.memory_space<vmem>>) dst(%dma_wait3A_502 : memref<128x128xf32, #tpu.memory_space<hbm>>)
            "tpu.trace_stop"() : () -> ()
          } else {
          }
          %and3A_440 = arith.constant true
          %and3A_441 = arith.andi %and3A_436, %and3A_440 : i1
          %add3A_442 = arith.constant 1 : i32
          %add3A_443 = arith.addi %while3A_190, %add3A_442 : i32
          %select_n3A_444 = arith.select %and3A_441, %add3A_443, %while3A_190 : i32
          %ne3A_445 = arith.cmpi ne, %add3A_201, %add3A_211 : i32
          %or3A_446 = arith.constant false
          %or3A_447 = arith.ori %or3A_446, %ne3A_445 : i1
          %or3A_448 = arith.constant false
          %or3A_449 = arith.ori %or3A_447, %or3A_448 : i1
          %not3A_450 = arith.constant true
          %not3A_451 = arith.xori %eq3A_197, %not3A_450 : i1
          %and3A_452 = arith.andi %or3A_449, %not3A_451 : i1
          %convert_element_type3A_453 = arith.extui %and3A_452 : i1 to i32
          %cond3A_454 = arith.constant 0 : i32
          %cond3A_455 = arith.cmpi ne, %convert_element_type3A_453, %cond3A_454 : i32
          scf.if %cond3A_455 {
            "tpu.trace_start"() <{level = 10 : i32, message = "ep_wait_out"}> : () -> ()
            %rem3A_490 = arith.constant 2 : i32
            %rem3A_491 = arith.remui %while3A_192, %rem3A_490 : i32
            %mul3A_492 = arith.constant 128 : i32
            %mul3A_493 = arith.muli %mul3A_492, %add3A_211 : i32
            %dma_wait3A = arith.constant 0 : i32
            %dma_wait3A_494 = arith.constant 0 : i32
            %dma_wait3A_495 = tpu.memref_slice %run_scoped3A_22[%rem3A_491, %dma_wait3A, %dma_wait3A_494] : memref<2x128x128xf32, #tpu.memory_space<vmem>> -> memref<1x128x128xf32, #tpu.memory_space<vmem>>
            %dma_wait3A_496 = tpu.memref_squeeze %dma_wait3A_495 : memref<1x128x128xf32, #tpu.memory_space<vmem>> -> memref<128x128xf32, #tpu.memory_space<vmem>>
            %dma_wait3A_497 = arith.constant 128 : i32
            %dma_wait3A_498 = tpu.memref_slice %arg4[%mul3A_493, %dma_wait3A_497] : memref<320000x256xf32, #tpu.memory_space<hbm>> -> memref<128x128xf32, #tpu.memory_space<hbm>>
            %dma_wait3A_499 = tpu.memref_slice %run_scoped3A_23[%rem3A_491] : memref<2x!tpu.dma_semaphore, #tpu.memory_space<semaphore_mem>> -> memref<1x!tpu.dma_semaphore, #tpu.memory_space<semaphore_mem>>
            %dma_wait3A_500 = tpu.memref_squeeze %dma_wait3A_499 : memref<1x!tpu.dma_semaphore, #tpu.memory_space<semaphore_mem>> -> memref<!tpu.dma_semaphore, #tpu.memory_space<semaphore_mem>>
            %dma_wait3A_501 = arith.constant 128 : i32
            %dma_wait3A_502 = tpu.memref_slice %arg4[%mul3A_493, %dma_wait3A_501] : memref<320000x256xf32, #tpu.memory_space<hbm>> -> memref<128x128xf32, #tpu.memory_space<hbm>>
            %dma_wait3A_503 = arith.constant 0 : i32
            %dma_wait3A_504 = arith.constant 0 : i32
            %dma_wait3A_505 = tpu.memref_slice %run_scoped3A_22[%rem3A_491, %dma_wait3A_503, %dma_wait3A_504] : memref<2x128x128xf32, #tpu.memory_space<vmem>> -> memref<1x128x128xf32, #tpu.memory_space<vmem>>
            %dma_wait3A_506 = tpu.memref_squeeze %dma_wait3A_505 : memref<1x128x128xf32, #tpu.memory_space<vmem>> -> memref<128x128xf32, #tpu.memory_space<vmem>>
            tpu.wait_dma2 semaphore(%dma_wait3A_500 : memref<!tpu.dma_semaphore, #tpu.memory_space<semaphore_mem>>) src(%dma_wait3A_506 : memref<128x128xf32, #tpu.memory_space<vmem>>) dst(%dma_wait3A_502 : memref<128x128xf32, #tpu.memory_space<hbm>>)
            "tpu.trace_stop"() : () -> ()
          } else {
          }
          %and3A_456 = arith.constant true
          %and3A_457 = arith.andi %and3A_452, %and3A_456 : i1
          %add3A_458 = arith.constant 1 : i32
          %add3A_459 = arith.addi %while3A_192, %add3A_458 : i32
          %select_n3A_460 = arith.select %and3A_457, %add3A_459, %while3A_192 : i32
          %add3A_461 = arith.constant 0 : i32
          %add3A_462 = arith.addi %add3A_461, %add3A_201 : i32
          %add3A_463 = arith.constant 0 : i32
          %add3A_464 = arith.addi %add3A_463, %add3A_219 : i32
          %ne3A_465 = arith.cmpi ne, %add3A_462, %add3A_464 : i32
          %or3A_466 = arith.constant false
          %or3A_467 = arith.ori %or3A_466, %ne3A_465 : i1
          %or3A_468 = arith.ori %or3A_467, %eq3A_200 : i1
          %add3A_469 = arith.constant 1 : i32
          %add3A_470 = arith.addi %while3A_186, %add3A_469 : i32
          %select_n3A_471 = arith.select %or3A_468, %add3A_470, %while3A_186 : i32
          %add3A_472 = arith.constant 2500 : i32
          %add3A_473 = arith.addi %add3A_472, %add3A_201 : i32
          %add3A_474 = arith.constant 2500 : i32
          %add3A_475 = arith.addi %add3A_474, %add3A_219 : i32
          %ne3A_476 = arith.cmpi ne, %add3A_473, %add3A_475 : i32
          %or3A_477 = arith.constant false
          %or3A_478 = arith.ori %or3A_477, %ne3A_476 : i1
          %or3A_479 = arith.ori %or3A_478, %eq3A_200 : i1
          %add3A_480 = arith.constant 1 : i32
          %add3A_481 = arith.addi %while3A_188, %add3A_480 : i32
          %select_n3A_482 = arith.select %or3A_479, %add3A_481, %while3A_188 : i32
          %add3A_483 = arith.constant 1 : i32
          %add3A_484 = arith.addi %while3A_193, %add3A_483 : i32
          %select_n3A_485 = arith.constant true
          %select_n3A_486 = arith.select %select_n3A_485, %add3A_484, %while3A_193 : i32
          %eq3A_487 = arith.cmpi eq, %select_n3A_486, %select_n3A : i32
          %select_n3A_488 = arith.constant 0 : i32
          %select_n3A_489 = arith.select %eq3A_487, %select_n3A_488, %select_n3A_486 : i32
          scf.yield %select_n3A_245, %select_n3A_471, %select_n3A_268, %select_n3A_482, %select_n3A_384, %select_n3A_444, %select_n3A_398, %select_n3A_460, %select_n3A_489 : i32, i32, i32, i32, i32, i32, i32, i32, i32
        }
        %while3A_125 = arith.constant 1 : i32
        %while3A_126:9 = scf.for %while3A_184 = %while3A_122 to %while3A_118 step %while3A_125 iter_args(%while3A_185 = %while3A_124#0, %while3A_186 = %while3A_124#1, %while3A_187 = %while3A_124#2, %while3A_188 = %while3A_124#3, %while3A_189 = %while3A_124#4, %while3A_190 = %while3A_124#5, %while3A_191 = %while3A_124#6, %while3A_192 = %while3A_124#7, %while3A_193 = %while3A_124#8) -> (i32, i32, i32, i32, i32, i32, i32, i32, i32)  : i32 {
          %mul3A_194 = arith.constant 1 : i32
          %mul3A_195 = arith.muli %mul3A_194, %select_n3A : i32
          %eq3A_196 = arith.constant 0 : i32
          %eq3A_197 = arith.cmpi eq, %while3A_184, %eq3A_196 : i32
          %sub3A_198 = arith.constant 1 : i32
          %sub3A_199 = arith.subi %mul3A_195, %sub3A_198 : i32
          %eq3A_200 = arith.cmpi eq, %while3A_184, %sub3A_199 : i32
          %add3A_201 = arith.addi %while3A_193, %select_n3A_14 : i32
          %sub3A_202 = arith.constant 1 : i32
          %sub3A_203 = arith.subi %while3A_193, %sub3A_202 : i32
          %select_n3A_204 = arith.constant true
          %select_n3A_205 = arith.select %select_n3A_204, %sub3A_203, %while3A_193 : i32
          %eq3A_206 = arith.constant -1 : i32
          %eq3A_207 = arith.cmpi eq, %select_n3A_205, %eq3A_206 : i32
          %sub3A_208 = arith.constant 1 : i32
          %sub3A_209 = arith.subi %select_n3A, %sub3A_208 : i32
          %select_n3A_210 = arith.select %eq3A_207, %sub3A_209, %select_n3A_205 : i32
          %add3A_211 = arith.addi %select_n3A_210, %select_n3A_14 : i32
          %add3A_212 = arith.constant 1 : i32
          %add3A_213 = arith.addi %while3A_193, %add3A_212 : i32
          %select_n3A_214 = arith.constant true
          %select_n3A_215 = arith.select %select_n3A_214, %add3A_213, %while3A_193 : i32
          %eq3A_216 = arith.cmpi eq, %select_n3A_215, %select_n3A : i32
          %select_n3A_217 = arith.constant 0 : i32
          %select_n3A_218 = arith.select %eq3A_216, %select_n3A_217, %select_n3A_215 : i32
          %add3A_219 = arith.addi %select_n3A_218, %select_n3A_14 : i32
          %add3A_220 = arith.constant 1 : i32
          %add3A_221 = arith.addi %select_n3A_218, %add3A_220 : i32
          %select_n3A_222 = arith.constant true
          %select_n3A_223 = arith.select %select_n3A_222, %add3A_221, %select_n3A_218 : i32
          %eq3A_224 = arith.cmpi eq, %select_n3A_223, %select_n3A : i32
          %select_n3A_225 = arith.constant 0 : i32
          %select_n3A_226 = arith.select %eq3A_224, %select_n3A_225, %select_n3A_223 : i32
          %add3A_227 = arith.addi %select_n3A_226, %select_n3A_14 : i32
          %add3A_228 = arith.constant 0 : i32
          %add3A_229 = arith.addi %add3A_228, %add3A_201 : i32
          %add3A_230 = arith.constant 0 : i32
          %add3A_231 = arith.addi %add3A_230, %add3A_219 : i32
          %ne3A = arith.cmpi ne, %add3A_229, %add3A_231 : i32
          %or3A = arith.constant false
          %or3A_232 = arith.ori %or3A, %ne3A : i1
          %sub3A_233 = arith.constant 2 : i32
          %sub3A_234 = arith.subi %mul3A_195, %sub3A_233 : i32
          %add3A_235 = arith.constant 1 : i32
          %add3A_236 = arith.addi %sub3A_234, %add3A_235 : i32
          %ge3A = arith.cmpi sge, %while3A_184, %add3A_236 : i32
          %not3A = arith.constant true
          %not3A_237 = arith.xori %ge3A, %not3A : i1
          %and3A = arith.andi %or3A_232, %not3A_237 : i1
          %convert_element_type3A_238 = arith.extui %and3A : i1 to i32
          %cond3A_239 = arith.constant 0 : i32
          %cond3A_240 = arith.cmpi ne, %convert_element_type3A_238, %cond3A_239 : i32
          scf.if %cond3A_240 {
            "tpu.trace_start"() <{level = 10 : i32, message = "ep_copy_in"}> : () -> ()
            %rem3A_490 = arith.constant 2 : i32
            %rem3A_491 = arith.remui %while3A_185, %rem3A_490 : i32
            %add3A_492 = arith.constant 0 : i32
            %add3A_493 = arith.addi %add3A_492, %add3A_219 : i32
            %mul3A_494 = arith.constant 128 : i32
            %mul3A_495 = arith.muli %mul3A_494, %add3A_493 : i32
            %dma_start3A_496 = arith.constant 0 : i32
            %dma_start3A_497 = arith.constant 0 : i32
            %dma_start3A_498 = tpu.memref_slice %run_scoped3A[%rem3A_491, %dma_start3A_496, %dma_start3A_497] : memref<2x1x128xi32, #tpu.memory_space<vmem>> -> memref<1x1x128xi32, #tpu.memory_space<vmem>>
            %dma_start3A_499 = tpu.memref_squeeze %dma_start3A_498 : memref<1x1x128xi32, #tpu.memory_space<vmem>> -> memref<1x128xi32, #tpu.memory_space<vmem>>
            %dma_start3A_500 = arith.constant 0 : i32
            %dma_start3A_501 = tpu.memref_slice %arg3[%dma_start3A_500, %mul3A_495] : memref<1x640000xi32, #tpu.memory_space<hbm>> -> memref<1x128xi32, #tpu.memory_space<hbm>>
            %dma_start3A_502 = tpu.memref_slice %run_scoped3A_17[%rem3A_491] : memref<2x!tpu.dma_semaphore, #tpu.memory_space<semaphore_mem>> -> memref<1x!tpu.dma_semaphore, #tpu.memory_space<semaphore_mem>>
            %dma_start3A_503 = tpu.memref_squeeze %dma_start3A_502 : memref<1x!tpu.dma_semaphore, #tpu.memory_space<semaphore_mem>> -> memref<!tpu.dma_semaphore, #tpu.memory_space<semaphore_mem>>
            %dma_start3A_504 = arith.constant 0 : i32
            %dma_start3A_505 = arith.constant 0 : i32
            %dma_start3A_506 = tpu.memref_slice %run_scoped3A[%rem3A_491, %dma_start3A_504, %dma_start3A_505] : memref<2x1x128xi32, #tpu.memory_space<vmem>> -> memref<1x1x128xi32, #tpu.memory_space<vmem>>
            %dma_start3A_507 = tpu.memref_squeeze %dma_start3A_506 : memref<1x1x128xi32, #tpu.memory_space<vmem>> -> memref<1x128xi32, #tpu.memory_space<vmem>>
            %dma_start3A_508 = arith.constant 0 : i32
            %dma_start3A_509 = tpu.memref_slice %arg3[%dma_start3A_508, %mul3A_495] : memref<1x640000xi32, #tpu.memory_space<hbm>> -> memref<1x128xi32, #tpu.memory_space<hbm>>
            tpu.enqueue_dma source(%dma_start3A_509 : memref<1x128xi32, #tpu.memory_space<hbm>>) target(%dma_start3A_507 : memref<1x128xi32, #tpu.memory_space<vmem>>) target_semaphore(%dma_start3A_503 : memref<!tpu.dma_semaphore, #tpu.memory_space<semaphore_mem>>)
            "tpu.trace_stop"() : () -> ()
          } else {
          }
          %and3A_241 = arith.constant true
          %and3A_242 = arith.andi %and3A, %and3A_241 : i1
          %add3A_243 = arith.constant 1 : i32
          %add3A_244 = arith.addi %while3A_185, %add3A_243 : i32
          %select_n3A_245 = arith.select %and3A_242, %add3A_244, %while3A_185 : i32
          %add3A_246 = arith.constant 2500 : i32
          %add3A_247 = arith.addi %add3A_246, %add3A_201 : i32
          %add3A_248 = arith.constant 2500 : i32
          %add3A_249 = arith.addi %add3A_248, %add3A_219 : i32
          %ne3A_250 = arith.cmpi ne, %add3A_247, %add3A_249 : i32
          %or3A_251 = arith.constant false
          %or3A_252 = arith.ori %or3A_251, %ne3A_250 : i1
          %sub3A_253 = arith.constant 2 : i32
          %sub3A_254 = arith.subi %mul3A_195, %sub3A_253 : i32
          %add3A_255 = arith.constant 1 : i32
          %add3A_256 = arith.addi %sub3A_254, %add3A_255 : i32
          %ge3A_257 = arith.cmpi sge, %while3A_184, %add3A_256 : i32
          %not3A_258 = arith.constant true
          %not3A_259 = arith.xori %ge3A_257, %not3A_258 : i1
          %and3A_260 = arith.andi %or3A_252, %not3A_259 : i1
          %convert_element_type3A_261 = arith.extui %and3A_260 : i1 to i32
          %cond3A_262 = arith.constant 0 : i32
          %cond3A_263 = arith.cmpi ne, %convert_element_type3A_261, %cond3A_262 : i32
          scf.if %cond3A_263 {
            "tpu.trace_start"() <{level = 10 : i32, message = "ep_copy_in"}> : () -> ()
            %rem3A_490 = arith.constant 2 : i32
            %rem3A_491 = arith.remui %while3A_187, %rem3A_490 : i32
            %add3A_492 = arith.constant 2500 : i32
            %add3A_493 = arith.addi %add3A_492, %add3A_219 : i32
            %mul3A_494 = arith.constant 128 : i32
            %mul3A_495 = arith.muli %mul3A_494, %add3A_493 : i32
            %dma_start3A_496 = arith.constant 0 : i32
            %dma_start3A_497 = arith.constant 0 : i32
            %dma_start3A_498 = tpu.memref_slice %run_scoped3A_18[%rem3A_491, %dma_start3A_496, %dma_start3A_497] : memref<2x1x128xi32, #tpu.memory_space<vmem>> -> memref<1x1x128xi32, #tpu.memory_space<vmem>>
            %dma_start3A_499 = tpu.memref_squeeze %dma_start3A_498 : memref<1x1x128xi32, #tpu.memory_space<vmem>> -> memref<1x128xi32, #tpu.memory_space<vmem>>
            %dma_start3A_500 = arith.constant 0 : i32
            %dma_start3A_501 = tpu.memref_slice %arg3[%dma_start3A_500, %mul3A_495] : memref<1x640000xi32, #tpu.memory_space<hbm>> -> memref<1x128xi32, #tpu.memory_space<hbm>>
            %dma_start3A_502 = tpu.memref_slice %run_scoped3A_19[%rem3A_491] : memref<2x!tpu.dma_semaphore, #tpu.memory_space<semaphore_mem>> -> memref<1x!tpu.dma_semaphore, #tpu.memory_space<semaphore_mem>>
            %dma_start3A_503 = tpu.memref_squeeze %dma_start3A_502 : memref<1x!tpu.dma_semaphore, #tpu.memory_space<semaphore_mem>> -> memref<!tpu.dma_semaphore, #tpu.memory_space<semaphore_mem>>
            %dma_start3A_504 = arith.constant 0 : i32
            %dma_start3A_505 = arith.constant 0 : i32
            %dma_start3A_506 = tpu.memref_slice %run_scoped3A_18[%rem3A_491, %dma_start3A_504, %dma_start3A_505] : memref<2x1x128xi32, #tpu.memory_space<vmem>> -> memref<1x1x128xi32, #tpu.memory_space<vmem>>
            %dma_start3A_507 = tpu.memref_squeeze %dma_start3A_506 : memref<1x1x128xi32, #tpu.memory_space<vmem>> -> memref<1x128xi32, #tpu.memory_space<vmem>>
            %dma_start3A_508 = arith.constant 0 : i32
            %dma_start3A_509 = tpu.memref_slice %arg3[%dma_start3A_508, %mul3A_495] : memref<1x640000xi32, #tpu.memory_space<hbm>> -> memref<1x128xi32, #tpu.memory_space<hbm>>
            tpu.enqueue_dma source(%dma_start3A_509 : memref<1x128xi32, #tpu.memory_space<hbm>>) target(%dma_start3A_507 : memref<1x128xi32, #tpu.memory_space<vmem>>) target_semaphore(%dma_start3A_503 : memref<!tpu.dma_semaphore, #tpu.memory_space<semaphore_mem>>)
            "tpu.trace_stop"() : () -> ()
          } else {
          }
          %and3A_264 = arith.constant true
          %and3A_265 = arith.andi %and3A_260, %and3A_264 : i1
          %add3A_266 = arith.constant 1 : i32
          %add3A_267 = arith.addi %while3A_187, %add3A_266 : i32
          %select_n3A_268 = arith.select %and3A_265, %add3A_267, %while3A_187 : i32
          %ne3A_269 = arith.cmpi ne, %add3A_201, %add3A_219 : i32
          %or3A_270 = arith.constant false
          %or3A_271 = arith.ori %or3A_270, %ne3A_269 : i1
          %or3A_272 = arith.constant false
          %or3A_273 = arith.ori %or3A_271, %or3A_272 : i1
          %sub3A_274 = arith.constant 2 : i32
          %sub3A_275 = arith.subi %mul3A_195, %sub3A_274 : i32
          %add3A_276 = arith.constant 1 : i32
          %add3A_277 = arith.addi %sub3A_275, %add3A_276 : i32
          %ge3A_278 = arith.cmpi sge, %while3A_184, %add3A_277 : i32
          %not3A_279 = arith.constant true
          %not3A_280 = arith.xori %ge3A_278, %not3A_279 : i1
          %and3A_281 = arith.andi %or3A_273, %not3A_280 : i1
          %ne3A_282 = arith.cmpi ne, %add3A_201, %add3A_219 : i32
          %or3A_283 = arith.constant false
          %or3A_284 = arith.ori %or3A_283, %ne3A_282 : i1
          %or3A_285 = arith.constant false
          %or3A_286 = arith.ori %or3A_284, %or3A_285 : i1
          %sub3A_287 = arith.constant 2 : i32
          %sub3A_288 = arith.subi %mul3A_195, %sub3A_287 : i32
          %add3A_289 = arith.constant 1 : i32
          %add3A_290 = arith.addi %sub3A_288, %add3A_289 : i32
          %ge3A_291 = arith.cmpi sge, %while3A_184, %add3A_290 : i32
          %not3A_292 = arith.constant true
          %not3A_293 = arith.xori %ge3A_291, %not3A_292 : i1
          %and3A_294 = arith.andi %or3A_286, %not3A_293 : i1
          %add3A_295 = arith.constant 0 : i32
          %add3A_296 = arith.addi %add3A_295, %add3A_201 : i32
          %add3A_297 = arith.constant 0 : i32
          %add3A_298 = arith.addi %add3A_297, %add3A_211 : i32
          %ne3A_299 = arith.cmpi ne, %add3A_296, %add3A_298 : i32
          %or3A_300 = arith.constant false
          %or3A_301 = arith.ori %or3A_300, %ne3A_299 : i1
          %or3A_302 = arith.ori %or3A_301, %eq3A_197 : i1
          %convert_element_type3A_303 = arith.extui %or3A_302 : i1 to i32
          %cond3A_304 = arith.constant 0 : i32
          %cond3A_305 = arith.cmpi ne, %convert_element_type3A_303, %cond3A_304 : i32
          scf.if %cond3A_305 {
            "tpu.trace_start"() <{level = 10 : i32, message = "ep_wait_in"}> : () -> ()
            %add3A_490 = arith.constant 0 : i32
            %add3A_491 = arith.addi %add3A_490, %add3A_201 : i32
            %mul3A_492 = arith.constant 128 : i32
            %mul3A_493 = arith.muli %mul3A_492, %add3A_491 : i32
            %rem3A_494 = arith.constant 2 : i32
            %rem3A_495 = arith.remui %while3A_186, %rem3A_494 : i32
            %dma_wait3A = arith.constant 0 : i32
            %dma_wait3A_496 = arith.constant 0 : i32
            %dma_wait3A_497 = tpu.memref_slice %run_scoped3A[%rem3A_495, %dma_wait3A, %dma_wait3A_496] : memref<2x1x128xi32, #tpu.memory_space<vmem>> -> memref<1x1x128xi32, #tpu.memory_space<vmem>>
            %dma_wait3A_498 = tpu.memref_squeeze %dma_wait3A_497 : memref<1x1x128xi32, #tpu.memory_space<vmem>> -> memref<1x128xi32, #tpu.memory_space<vmem>>
            %dma_wait3A_499 = arith.constant 0 : i32
            %dma_wait3A_500 = tpu.memref_slice %arg3[%dma_wait3A_499, %mul3A_493] : memref<1x640000xi32, #tpu.memory_space<hbm>> -> memref<1x128xi32, #tpu.memory_space<hbm>>
            %dma_wait3A_501 = tpu.memref_slice %run_scoped3A_17[%rem3A_495] : memref<2x!tpu.dma_semaphore, #tpu.memory_space<semaphore_mem>> -> memref<1x!tpu.dma_semaphore, #tpu.memory_space<semaphore_mem>>
            %dma_wait3A_502 = tpu.memref_squeeze %dma_wait3A_501 : memref<1x!tpu.dma_semaphore, #tpu.memory_space<semaphore_mem>> -> memref<!tpu.dma_semaphore, #tpu.memory_space<semaphore_mem>>
            %dma_wait3A_503 = arith.constant 0 : i32
            %dma_wait3A_504 = arith.constant 0 : i32
            %dma_wait3A_505 = tpu.memref_slice %run_scoped3A[%rem3A_495, %dma_wait3A_503, %dma_wait3A_504] : memref<2x1x128xi32, #tpu.memory_space<vmem>> -> memref<1x1x128xi32, #tpu.memory_space<vmem>>
            %dma_wait3A_506 = tpu.memref_squeeze %dma_wait3A_505 : memref<1x1x128xi32, #tpu.memory_space<vmem>> -> memref<1x128xi32, #tpu.memory_space<vmem>>
            %dma_wait3A_507 = arith.constant 0 : i32
            %dma_wait3A_508 = tpu.memref_slice %arg3[%dma_wait3A_507, %mul3A_493] : memref<1x640000xi32, #tpu.memory_space<hbm>> -> memref<1x128xi32, #tpu.memory_space<hbm>>
            tpu.wait_dma2 semaphore(%dma_wait3A_502 : memref<!tpu.dma_semaphore, #tpu.memory_space<semaphore_mem>>) src(%dma_wait3A_508 : memref<1x128xi32, #tpu.memory_space<hbm>>) dst(%dma_wait3A_506 : memref<1x128xi32, #tpu.memory_space<vmem>>)
            "tpu.trace_stop"() : () -> ()
          } else {
          }
          %add3A_306 = arith.constant 2500 : i32
          %add3A_307 = arith.addi %add3A_306, %add3A_201 : i32
          %add3A_308 = arith.constant 2500 : i32
          %add3A_309 = arith.addi %add3A_308, %add3A_211 : i32
          %ne3A_310 = arith.cmpi ne, %add3A_307, %add3A_309 : i32
          %or3A_311 = arith.constant false
          %or3A_312 = arith.ori %or3A_311, %ne3A_310 : i1
          %or3A_313 = arith.ori %or3A_312, %eq3A_197 : i1
          %convert_element_type3A_314 = arith.extui %or3A_313 : i1 to i32
          %cond3A_315 = arith.constant 0 : i32
          %cond3A_316 = arith.cmpi ne, %convert_element_type3A_314, %cond3A_315 : i32
          scf.if %cond3A_316 {
            "tpu.trace_start"() <{level = 10 : i32, message = "ep_wait_in"}> : () -> ()
            %add3A_490 = arith.constant 2500 : i32
            %add3A_491 = arith.addi %add3A_490, %add3A_201 : i32
            %mul3A_492 = arith.constant 128 : i32
            %mul3A_493 = arith.muli %mul3A_492, %add3A_491 : i32
            %rem3A_494 = arith.constant 2 : i32
            %rem3A_495 = arith.remui %while3A_188, %rem3A_494 : i32
            %dma_wait3A = arith.constant 0 : i32
            %dma_wait3A_496 = arith.constant 0 : i32
            %dma_wait3A_497 = tpu.memref_slice %run_scoped3A_18[%rem3A_495, %dma_wait3A, %dma_wait3A_496] : memref<2x1x128xi32, #tpu.memory_space<vmem>> -> memref<1x1x128xi32, #tpu.memory_space<vmem>>
            %dma_wait3A_498 = tpu.memref_squeeze %dma_wait3A_497 : memref<1x1x128xi32, #tpu.memory_space<vmem>> -> memref<1x128xi32, #tpu.memory_space<vmem>>
            %dma_wait3A_499 = arith.constant 0 : i32
            %dma_wait3A_500 = tpu.memref_slice %arg3[%dma_wait3A_499, %mul3A_493] : memref<1x640000xi32, #tpu.memory_space<hbm>> -> memref<1x128xi32, #tpu.memory_space<hbm>>
            %dma_wait3A_501 = tpu.memref_slice %run_scoped3A_19[%rem3A_495] : memref<2x!tpu.dma_semaphore, #tpu.memory_space<semaphore_mem>> -> memref<1x!tpu.dma_semaphore, #tpu.memory_space<semaphore_mem>>
            %dma_wait3A_502 = tpu.memref_squeeze %dma_wait3A_501 : memref<1x!tpu.dma_semaphore, #tpu.memory_space<semaphore_mem>> -> memref<!tpu.dma_semaphore, #tpu.memory_space<semaphore_mem>>
            %dma_wait3A_503 = arith.constant 0 : i32
            %dma_wait3A_504 = arith.constant 0 : i32
            %dma_wait3A_505 = tpu.memref_slice %run_scoped3A_18[%rem3A_495, %dma_wait3A_503, %dma_wait3A_504] : memref<2x1x128xi32, #tpu.memory_space<vmem>> -> memref<1x1x128xi32, #tpu.memory_space<vmem>>
            %dma_wait3A_506 = tpu.memref_squeeze %dma_wait3A_505 : memref<1x1x128xi32, #tpu.memory_space<vmem>> -> memref<1x128xi32, #tpu.memory_space<vmem>>
            %dma_wait3A_507 = arith.constant 0 : i32
            %dma_wait3A_508 = tpu.memref_slice %arg3[%dma_wait3A_507, %mul3A_493] : memref<1x640000xi32, #tpu.memory_space<hbm>> -> memref<1x128xi32, #tpu.memory_space<hbm>>
            tpu.wait_dma2 semaphore(%dma_wait3A_502 : memref<!tpu.dma_semaphore, #tpu.memory_space<semaphore_mem>>) src(%dma_wait3A_508 : memref<1x128xi32, #tpu.memory_space<hbm>>) dst(%dma_wait3A_506 : memref<1x128xi32, #tpu.memory_space<vmem>>)
            "tpu.trace_stop"() : () -> ()
          } else {
          }
          %ne3A_317 = arith.cmpi ne, %add3A_201, %add3A_211 : i32
          %or3A_318 = arith.constant false
          %or3A_319 = arith.ori %or3A_318, %ne3A_317 : i1
          %or3A_320 = arith.constant false
          %or3A_321 = arith.ori %or3A_319, %or3A_320 : i1
          %or3A_322 = arith.ori %or3A_321, %eq3A_197 : i1
          %convert_element_type3A_323 = arith.extui %or3A_322 : i1 to i32
          %cond3A_324 = arith.constant 0 : i32
          %cond3A_325 = arith.cmpi ne, %convert_element_type3A_323, %cond3A_324 : i32
          scf.if %cond3A_325 {
          } else {
          }
          %ne3A_326 = arith.cmpi ne, %add3A_201, %add3A_211 : i32
          %or3A_327 = arith.constant false
          %or3A_328 = arith.ori %or3A_327, %ne3A_326 : i1
          %or3A_329 = arith.constant false
          %or3A_330 = arith.ori %or3A_328, %or3A_329 : i1
          %or3A_331 = arith.ori %or3A_330, %eq3A_197 : i1
          %convert_element_type3A_332 = arith.extui %or3A_331 : i1 to i32
          %cond3A_333 = arith.constant 0 : i32
          %cond3A_334 = arith.cmpi ne, %convert_element_type3A_332, %cond3A_333 : i32
          scf.if %cond3A_334 {
          } else {
          }
          %rem3A_335 = arith.constant 2 : i32
          %rem3A_336 = arith.remui %while3A_186, %rem3A_335 : i32
          %rem3A_337 = arith.constant 2 : i32
          %rem3A_338 = arith.remui %while3A_188, %rem3A_337 : i32
          %rem3A_339 = arith.constant 2 : i32
          %rem3A_340 = arith.remui %while3A_189, %rem3A_339 : i32
          %rem3A_341 = arith.constant 2 : i32
          %rem3A_342 = arith.remui %while3A_191, %rem3A_341 : i32
          %run_scoped3A_343 = arith.constant 0 : i32
          "tpu.trace_start"() <{level = 10 : i32, message = "ep_run_kernel"}> : () -> ()
          "tpu.region"() ({
            %run_scoped3A_490 = tpu.sem_alloc : memref<!tpu.dma_semaphore, #tpu.memory_space<semaphore_mem>>
            %dma_start3A_491 = arith.constant 0 : i32
            %dma_start3A_492 = arith.constant 0 : i32
            %dma_start3A_493 = tpu.memref_slice %run_scoped3A_20[%rem3A_340, %dma_start3A_491, %dma_start3A_492] : memref<2x128x128xf32, #tpu.memory_space<vmem>> -> memref<1x128x128xf32, #tpu.memory_space<vmem>>
            %dma_start3A_494 = tpu.memref_squeeze %dma_start3A_493 : memref<1x128x128xf32, #tpu.memory_space<vmem>> -> memref<128x128xf32, #tpu.memory_space<vmem>>
            %dma_start3A_495 = arith.constant 0 : i32
            %dma_start3A_496 = arith.constant 0 : i32
            %dma_start3A_497 = tpu.memref_slice %run_scoped3A[%rem3A_336, %dma_start3A_495, %dma_start3A_496] : memref<2x1x128xi32, #tpu.memory_space<vmem>> -> memref<1x1x128xi32, #tpu.memory_space<vmem>>
            %dma_start3A_498 = tpu.memref_squeeze %dma_start3A_497 : memref<1x1x128xi32, #tpu.memory_space<vmem>> -> memref<1x128xi32, #tpu.memory_space<vmem>>
            %dma_start3A_499 = arith.constant 0 : i32
            %dma_start3A_500 = tpu.memref_slice %dma_start3A_498[%run_scoped3A_343, %dma_start3A_499] : memref<1x128xi32, #tpu.memory_space<vmem>> -> memref<1x128xi32, #tpu.memory_space<vmem>>
            %dma_start3A_501 = tpu.memref_squeeze %dma_start3A_500 : memref<1x128xi32, #tpu.memory_space<vmem>> -> memref<128xi32, #tpu.memory_space<vmem>>
            %dma_start3A_502 = arith.constant 0 : i32
            %dma_start3A_503 = arith.constant 0 : i32
            %dma_start3A_504 = tpu.memref_slice %arg2[%dma_start3A_502, %dma_start3A_503] : memref<10000x128xf32, #tpu.memory_space<hbm>> -> memref<10000x128xf32, #tpu.memory_space<hbm>>
            tpu.enqueue_indirect_dma source(%dma_start3A_504 : memref<10000x128xf32, #tpu.memory_space<hbm>>) target(%dma_start3A_494 : memref<128x128xf32, #tpu.memory_space<vmem>>) offsets(%dma_start3A_501 : memref<128xi32, #tpu.memory_space<vmem>>) semaphore(%run_scoped3A_490 : memref<!tpu.dma_semaphore, #tpu.memory_space<semaphore_mem>>)
            %dma_wait3A = arith.constant 0 : i32
            %dma_wait3A_505 = arith.constant 0 : i32
            %dma_wait3A_506 = tpu.memref_slice %run_scoped3A_20[%rem3A_340, %dma_wait3A, %dma_wait3A_505] : memref<2x128x128xf32, #tpu.memory_space<vmem>> -> memref<1x128x128xf32, #tpu.memory_space<vmem>>
            %dma_wait3A_507 = tpu.memref_squeeze %dma_wait3A_506 : memref<1x128x128xf32, #tpu.memory_space<vmem>> -> memref<128x128xf32, #tpu.memory_space<vmem>>
            %dma_wait3A_508 = arith.constant 0 : i32
            %dma_wait3A_509 = arith.constant 0 : i32
            %dma_wait3A_510 = tpu.memref_slice %run_scoped3A[%rem3A_336, %dma_wait3A_508, %dma_wait3A_509] : memref<2x1x128xi32, #tpu.memory_space<vmem>> -> memref<1x1x128xi32, #tpu.memory_space<vmem>>
            %dma_wait3A_511 = tpu.memref_squeeze %dma_wait3A_510 : memref<1x1x128xi32, #tpu.memory_space<vmem>> -> memref<1x128xi32, #tpu.memory_space<vmem>>
            %dma_wait3A_512 = arith.constant 0 : i32
            %dma_wait3A_513 = tpu.memref_slice %dma_wait3A_511[%run_scoped3A_343, %dma_wait3A_512] : memref<1x128xi32, #tpu.memory_space<vmem>> -> memref<1x128xi32, #tpu.memory_space<vmem>>
            %dma_wait3A_514 = tpu.memref_squeeze %dma_wait3A_513 : memref<1x128xi32, #tpu.memory_space<vmem>> -> memref<128xi32, #tpu.memory_space<vmem>>
            %dma_wait3A_515 = arith.constant 0 : i32
            %dma_wait3A_516 = arith.constant 0 : i32
            %dma_wait3A_517 = tpu.memref_slice %arg2[%dma_wait3A_515, %dma_wait3A_516] : memref<10000x128xf32, #tpu.memory_space<hbm>> -> memref<10000x128xf32, #tpu.memory_space<hbm>>
            tpu.wait_indirect_dma semaphore(%run_scoped3A_490 : memref<!tpu.dma_semaphore, #tpu.memory_space<semaphore_mem>>) src(%dma_wait3A_517 : memref<10000x128xf32, #tpu.memory_space<hbm>>) dst(%dma_wait3A_507 : memref<128x128xf32, #tpu.memory_space<vmem>>)
            tpu.yield
          }) : () -> ()
          %run_scoped3A_344 = arith.constant 0 : i32
          "tpu.region"() ({
            %run_scoped3A_490 = tpu.sem_alloc : memref<!tpu.dma_semaphore, #tpu.memory_space<semaphore_mem>>
            %dma_start3A_491 = arith.constant 0 : i32
            %dma_start3A_492 = arith.constant 0 : i32
            %dma_start3A_493 = tpu.memref_slice %run_scoped3A_22[%rem3A_342, %dma_start3A_491, %dma_start3A_492] : memref<2x128x128xf32, #tpu.memory_space<vmem>> -> memref<1x128x128xf32, #tpu.memory_space<vmem>>
            %dma_start3A_494 = tpu.memref_squeeze %dma_start3A_493 : memref<1x128x128xf32, #tpu.memory_space<vmem>> -> memref<128x128xf32, #tpu.memory_space<vmem>>
            %dma_start3A_495 = arith.constant 0 : i32
            %dma_start3A_496 = arith.constant 0 : i32
            %dma_start3A_497 = tpu.memref_slice %run_scoped3A_18[%rem3A_338, %dma_start3A_495, %dma_start3A_496] : memref<2x1x128xi32, #tpu.memory_space<vmem>> -> memref<1x1x128xi32, #tpu.memory_space<vmem>>
            %dma_start3A_498 = tpu.memref_squeeze %dma_start3A_497 : memref<1x1x128xi32, #tpu.memory_space<vmem>> -> memref<1x128xi32, #tpu.memory_space<vmem>>
            %dma_start3A_499 = arith.constant 0 : i32
            %dma_start3A_500 = tpu.memref_slice %dma_start3A_498[%run_scoped3A_344, %dma_start3A_499] : memref<1x128xi32, #tpu.memory_space<vmem>> -> memref<1x128xi32, #tpu.memory_space<vmem>>
            %dma_start3A_501 = tpu.memref_squeeze %dma_start3A_500 : memref<1x128xi32, #tpu.memory_space<vmem>> -> memref<128xi32, #tpu.memory_space<vmem>>
            %dma_start3A_502 = arith.constant 0 : i32
            %dma_start3A_503 = arith.constant 0 : i32
            %dma_start3A_504 = tpu.memref_slice %arg2[%dma_start3A_502, %dma_start3A_503] : memref<10000x128xf32, #tpu.memory_space<hbm>> -> memref<10000x128xf32, #tpu.memory_space<hbm>>
            tpu.enqueue_indirect_dma source(%dma_start3A_504 : memref<10000x128xf32, #tpu.memory_space<hbm>>) target(%dma_start3A_494 : memref<128x128xf32, #tpu.memory_space<vmem>>) offsets(%dma_start3A_501 : memref<128xi32, #tpu.memory_space<vmem>>) semaphore(%run_scoped3A_490 : memref<!tpu.dma_semaphore, #tpu.memory_space<semaphore_mem>>)
            %dma_wait3A = arith.constant 0 : i32
            %dma_wait3A_505 = arith.constant 0 : i32
            %dma_wait3A_506 = tpu.memref_slice %run_scoped3A_22[%rem3A_342, %dma_wait3A, %dma_wait3A_505] : memref<2x128x128xf32, #tpu.memory_space<vmem>> -> memref<1x128x128xf32, #tpu.memory_space<vmem>>
            %dma_wait3A_507 = tpu.memref_squeeze %dma_wait3A_506 : memref<1x128x128xf32, #tpu.memory_space<vmem>> -> memref<128x128xf32, #tpu.memory_space<vmem>>
            %dma_wait3A_508 = arith.constant 0 : i32
            %dma_wait3A_509 = arith.constant 0 : i32
            %dma_wait3A_510 = tpu.memref_slice %run_scoped3A_18[%rem3A_338, %dma_wait3A_508, %dma_wait3A_509] : memref<2x1x128xi32, #tpu.memory_space<vmem>> -> memref<1x1x128xi32, #tpu.memory_space<vmem>>
            %dma_wait3A_511 = tpu.memref_squeeze %dma_wait3A_510 : memref<1x1x128xi32, #tpu.memory_space<vmem>> -> memref<1x128xi32, #tpu.memory_space<vmem>>
            %dma_wait3A_512 = arith.constant 0 : i32
            %dma_wait3A_513 = tpu.memref_slice %dma_wait3A_511[%run_scoped3A_344, %dma_wait3A_512] : memref<1x128xi32, #tpu.memory_space<vmem>> -> memref<1x128xi32, #tpu.memory_space<vmem>>
            %dma_wait3A_514 = tpu.memref_squeeze %dma_wait3A_513 : memref<1x128xi32, #tpu.memory_space<vmem>> -> memref<128xi32, #tpu.memory_space<vmem>>
            %dma_wait3A_515 = arith.constant 0 : i32
            %dma_wait3A_516 = arith.constant 0 : i32
            %dma_wait3A_517 = tpu.memref_slice %arg2[%dma_wait3A_515, %dma_wait3A_516] : memref<10000x128xf32, #tpu.memory_space<hbm>> -> memref<10000x128xf32, #tpu.memory_space<hbm>>
            tpu.wait_indirect_dma semaphore(%run_scoped3A_490 : memref<!tpu.dma_semaphore, #tpu.memory_space<semaphore_mem>>) src(%dma_wait3A_517 : memref<10000x128xf32, #tpu.memory_space<hbm>>) dst(%dma_wait3A_507 : memref<128x128xf32, #tpu.memory_space<vmem>>)
            tpu.yield
          }) : () -> ()
          "tpu.trace_stop"() : () -> ()
          %add3A_345 = arith.constant 0 : i32
          %add3A_346 = arith.addi %add3A_345, %add3A_201 : i32
          %add3A_347 = arith.constant 0 : i32
          %add3A_348 = arith.addi %add3A_347, %add3A_219 : i32
          %ne3A_349 = arith.cmpi ne, %add3A_346, %add3A_348 : i32
          %or3A_350 = arith.constant false
          %or3A_351 = arith.ori %or3A_350, %ne3A_349 : i1
          %or3A_352 = arith.ori %or3A_351, %eq3A_200 : i1
          %convert_element_type3A_353 = arith.extui %or3A_352 : i1 to i32
          %cond3A_354 = arith.constant 0 : i32
          %cond3A_355 = arith.cmpi ne, %convert_element_type3A_353, %cond3A_354 : i32
          scf.if %cond3A_355 {
          } else {
          }
          %and3A_356 = arith.constant false
          %and3A_357 = arith.andi %or3A_352, %and3A_356 : i1
          %add3A_358 = arith.constant 2500 : i32
          %add3A_359 = arith.addi %add3A_358, %add3A_201 : i32
          %add3A_360 = arith.constant 2500 : i32
          %add3A_361 = arith.addi %add3A_360, %add3A_219 : i32
          %ne3A_362 = arith.cmpi ne, %add3A_359, %add3A_361 : i32
          %or3A_363 = arith.constant false
          %or3A_364 = arith.ori %or3A_363, %ne3A_362 : i1
          %or3A_365 = arith.ori %or3A_364, %eq3A_200 : i1
          %convert_element_type3A_366 = arith.extui %or3A_365 : i1 to i32
          %cond3A_367 = arith.constant 0 : i32
          %cond3A_368 = arith.cmpi ne, %convert_element_type3A_366, %cond3A_367 : i32
          scf.if %cond3A_368 {
          } else {
          }
          %and3A_369 = arith.constant false
          %and3A_370 = arith.andi %or3A_365, %and3A_369 : i1
          %ne3A_371 = arith.cmpi ne, %add3A_201, %add3A_219 : i32
          %or3A_372 = arith.constant false
          %or3A_373 = arith.ori %or3A_372, %ne3A_371 : i1
          %or3A_374 = arith.constant false
          %or3A_375 = arith.ori %or3A_373, %or3A_374 : i1
          %or3A_376 = arith.ori %or3A_375, %eq3A_200 : i1
          %convert_element_type3A_377 = arith.extui %or3A_376 : i1 to i32
          %cond3A_378 = arith.constant 0 : i32
          %cond3A_379 = arith.cmpi ne, %convert_element_type3A_377, %cond3A_378 : i32
          scf.if %cond3A_379 {
            "tpu.trace_start"() <{level = 10 : i32, message = "ep_copy_out"}> : () -> ()
            %rem3A_490 = arith.constant 2 : i32
            %rem3A_491 = arith.remui %while3A_189, %rem3A_490 : i32
            %mul3A_492 = arith.constant 128 : i32
            %mul3A_493 = arith.muli %mul3A_492, %add3A_201 : i32
            %dma_start3A_494 = arith.constant 0 : i32
            %dma_start3A_495 = arith.constant 0 : i32
            %dma_start3A_496 = tpu.memref_slice %run_scoped3A_20[%rem3A_491, %dma_start3A_494, %dma_start3A_495] : memref<2x128x128xf32, #tpu.memory_space<vmem>> -> memref<1x128x128xf32, #tpu.memory_space<vmem>>
            %dma_start3A_497 = tpu.memref_squeeze %dma_start3A_496 : memref<1x128x128xf32, #tpu.memory_space<vmem>> -> memref<128x128xf32, #tpu.memory_space<vmem>>
            %dma_start3A_498 = arith.constant 0 : i32
            %dma_start3A_499 = tpu.memref_slice %arg4[%mul3A_493, %dma_start3A_498] : memref<320000x256xf32, #tpu.memory_space<hbm>> -> memref<128x128xf32, #tpu.memory_space<hbm>>
            %dma_start3A_500 = tpu.memref_slice %run_scoped3A_21[%rem3A_491] : memref<2x!tpu.dma_semaphore, #tpu.memory_space<semaphore_mem>> -> memref<1x!tpu.dma_semaphore, #tpu.memory_space<semaphore_mem>>
            %dma_start3A_501 = tpu.memref_squeeze %dma_start3A_500 : memref<1x!tpu.dma_semaphore, #tpu.memory_space<semaphore_mem>> -> memref<!tpu.dma_semaphore, #tpu.memory_space<semaphore_mem>>
            %dma_start3A_502 = arith.constant 0 : i32
            %dma_start3A_503 = tpu.memref_slice %arg4[%mul3A_493, %dma_start3A_502] : memref<320000x256xf32, #tpu.memory_space<hbm>> -> memref<128x128xf32, #tpu.memory_space<hbm>>
            %dma_start3A_504 = arith.constant 0 : i32
            %dma_start3A_505 = arith.constant 0 : i32
            %dma_start3A_506 = tpu.memref_slice %run_scoped3A_20[%rem3A_491, %dma_start3A_504, %dma_start3A_505] : memref<2x128x128xf32, #tpu.memory_space<vmem>> -> memref<1x128x128xf32, #tpu.memory_space<vmem>>
            %dma_start3A_507 = tpu.memref_squeeze %dma_start3A_506 : memref<1x128x128xf32, #tpu.memory_space<vmem>> -> memref<128x128xf32, #tpu.memory_space<vmem>>
            tpu.enqueue_dma source(%dma_start3A_507 : memref<128x128xf32, #tpu.memory_space<vmem>>) target(%dma_start3A_503 : memref<128x128xf32, #tpu.memory_space<hbm>>) target_semaphore(%dma_start3A_501 : memref<!tpu.dma_semaphore, #tpu.memory_space<semaphore_mem>>)
            "tpu.trace_stop"() : () -> ()
          } else {
          }
          %and3A_380 = arith.constant true
          %and3A_381 = arith.andi %or3A_376, %and3A_380 : i1
          %add3A_382 = arith.constant 1 : i32
          %add3A_383 = arith.addi %while3A_189, %add3A_382 : i32
          %select_n3A_384 = arith.select %and3A_381, %add3A_383, %while3A_189 : i32
          %ne3A_385 = arith.cmpi ne, %add3A_201, %add3A_219 : i32
          %or3A_386 = arith.constant false
          %or3A_387 = arith.ori %or3A_386, %ne3A_385 : i1
          %or3A_388 = arith.constant false
          %or3A_389 = arith.ori %or3A_387, %or3A_388 : i1
          %or3A_390 = arith.ori %or3A_389, %eq3A_200 : i1
          %convert_element_type3A_391 = arith.extui %or3A_390 : i1 to i32
          %cond3A_392 = arith.constant 0 : i32
          %cond3A_393 = arith.cmpi ne, %convert_element_type3A_391, %cond3A_392 : i32
          scf.if %cond3A_393 {
            "tpu.trace_start"() <{level = 10 : i32, message = "ep_copy_out"}> : () -> ()
            %rem3A_490 = arith.constant 2 : i32
            %rem3A_491 = arith.remui %while3A_191, %rem3A_490 : i32
            %mul3A_492 = arith.constant 128 : i32
            %mul3A_493 = arith.muli %mul3A_492, %add3A_201 : i32
            %dma_start3A_494 = arith.constant 0 : i32
            %dma_start3A_495 = arith.constant 0 : i32
            %dma_start3A_496 = tpu.memref_slice %run_scoped3A_22[%rem3A_491, %dma_start3A_494, %dma_start3A_495] : memref<2x128x128xf32, #tpu.memory_space<vmem>> -> memref<1x128x128xf32, #tpu.memory_space<vmem>>
            %dma_start3A_497 = tpu.memref_squeeze %dma_start3A_496 : memref<1x128x128xf32, #tpu.memory_space<vmem>> -> memref<128x128xf32, #tpu.memory_space<vmem>>
            %dma_start3A_498 = arith.constant 128 : i32
            %dma_start3A_499 = tpu.memref_slice %arg4[%mul3A_493, %dma_start3A_498] : memref<320000x256xf32, #tpu.memory_space<hbm>> -> memref<128x128xf32, #tpu.memory_space<hbm>>
            %dma_start3A_500 = tpu.memref_slice %run_scoped3A_23[%rem3A_491] : memref<2x!tpu.dma_semaphore, #tpu.memory_space<semaphore_mem>> -> memref<1x!tpu.dma_semaphore, #tpu.memory_space<semaphore_mem>>
            %dma_start3A_501 = tpu.memref_squeeze %dma_start3A_500 : memref<1x!tpu.dma_semaphore, #tpu.memory_space<semaphore_mem>> -> memref<!tpu.dma_semaphore, #tpu.memory_space<semaphore_mem>>
            %dma_start3A_502 = arith.constant 128 : i32
            %dma_start3A_503 = tpu.memref_slice %arg4[%mul3A_493, %dma_start3A_502] : memref<320000x256xf32, #tpu.memory_space<hbm>> -> memref<128x128xf32, #tpu.memory_space<hbm>>
            %dma_start3A_504 = arith.constant 0 : i32
            %dma_start3A_505 = arith.constant 0 : i32
            %dma_start3A_506 = tpu.memref_slice %run_scoped3A_22[%rem3A_491, %dma_start3A_504, %dma_start3A_505] : memref<2x128x128xf32, #tpu.memory_space<vmem>> -> memref<1x128x128xf32, #tpu.memory_space<vmem>>
            %dma_start3A_507 = tpu.memref_squeeze %dma_start3A_506 : memref<1x128x128xf32, #tpu.memory_space<vmem>> -> memref<128x128xf32, #tpu.memory_space<vmem>>
            tpu.enqueue_dma source(%dma_start3A_507 : memref<128x128xf32, #tpu.memory_space<vmem>>) target(%dma_start3A_503 : memref<128x128xf32, #tpu.memory_space<hbm>>) target_semaphore(%dma_start3A_501 : memref<!tpu.dma_semaphore, #tpu.memory_space<semaphore_mem>>)
            "tpu.trace_stop"() : () -> ()
          } else {
          }
          %and3A_394 = arith.constant true
          %and3A_395 = arith.andi %or3A_390, %and3A_394 : i1
          %add3A_396 = arith.constant 1 : i32
          %add3A_397 = arith.addi %while3A_191, %add3A_396 : i32
          %select_n3A_398 = arith.select %and3A_395, %add3A_397, %while3A_191 : i32
          %add3A_399 = arith.constant 0 : i32
          %add3A_400 = arith.addi %add3A_399, %add3A_201 : i32
          %add3A_401 = arith.constant 0 : i32
          %add3A_402 = arith.addi %add3A_401, %add3A_211 : i32
          %ne3A_403 = arith.cmpi ne, %add3A_400, %add3A_402 : i32
          %or3A_404 = arith.constant false
          %or3A_405 = arith.ori %or3A_404, %ne3A_403 : i1
          %not3A_406 = arith.constant true
          %not3A_407 = arith.xori %eq3A_197, %not3A_406 : i1
          %and3A_408 = arith.andi %or3A_405, %not3A_407 : i1
          %convert_element_type3A_409 = arith.extui %and3A_408 : i1 to i32
          %cond3A_410 = arith.constant 0 : i32
          %cond3A_411 = arith.cmpi ne, %convert_element_type3A_409, %cond3A_410 : i32
          scf.if %cond3A_411 {
          } else {
          }
          %and3A_412 = arith.constant false
          %and3A_413 = arith.andi %and3A_408, %and3A_412 : i1
          %add3A_414 = arith.constant 2500 : i32
          %add3A_415 = arith.addi %add3A_414, %add3A_201 : i32
          %add3A_416 = arith.constant 2500 : i32
          %add3A_417 = arith.addi %add3A_416, %add3A_211 : i32
          %ne3A_418 = arith.cmpi ne, %add3A_415, %add3A_417 : i32
          %or3A_419 = arith.constant false
          %or3A_420 = arith.ori %or3A_419, %ne3A_418 : i1
          %not3A_421 = arith.constant true
          %not3A_422 = arith.xori %eq3A_197, %not3A_421 : i1
          %and3A_423 = arith.andi %or3A_420, %not3A_422 : i1
          %convert_element_type3A_424 = arith.extui %and3A_423 : i1 to i32
          %cond3A_425 = arith.constant 0 : i32
          %cond3A_426 = arith.cmpi ne, %convert_element_type3A_424, %cond3A_425 : i32
          scf.if %cond3A_426 {
          } else {
          }
          %and3A_427 = arith.constant false
          %and3A_428 = arith.andi %and3A_423, %and3A_427 : i1
          %ne3A_429 = arith.cmpi ne, %add3A_201, %add3A_211 : i32
          %or3A_430 = arith.constant false
          %or3A_431 = arith.ori %or3A_430, %ne3A_429 : i1
          %or3A_432 = arith.constant false
          %or3A_433 = arith.ori %or3A_431, %or3A_432 : i1
          %not3A_434 = arith.constant true
          %not3A_435 = arith.xori %eq3A_197, %not3A_434 : i1
          %and3A_436 = arith.andi %or3A_433, %not3A_435 : i1
          %convert_element_type3A_437 = arith.extui %and3A_436 : i1 to i32
          %cond3A_438 = arith.constant 0 : i32
          %cond3A_439 = arith.cmpi ne, %convert_element_type3A_437, %cond3A_438 : i32
          scf.if %cond3A_439 {
            "tpu.trace_start"() <{level = 10 : i32, message = "ep_wait_out"}> : () -> ()
            %rem3A_490 = arith.constant 2 : i32
            %rem3A_491 = arith.remui %while3A_190, %rem3A_490 : i32
            %mul3A_492 = arith.constant 128 : i32
            %mul3A_493 = arith.muli %mul3A_492, %add3A_211 : i32
            %dma_wait3A = arith.constant 0 : i32
            %dma_wait3A_494 = arith.constant 0 : i32
            %dma_wait3A_495 = tpu.memref_slice %run_scoped3A_20[%rem3A_491, %dma_wait3A, %dma_wait3A_494] : memref<2x128x128xf32, #tpu.memory_space<vmem>> -> memref<1x128x128xf32, #tpu.memory_space<vmem>>
            %dma_wait3A_496 = tpu.memref_squeeze %dma_wait3A_495 : memref<1x128x128xf32, #tpu.memory_space<vmem>> -> memref<128x128xf32, #tpu.memory_space<vmem>>
            %dma_wait3A_497 = arith.constant 0 : i32
            %dma_wait3A_498 = tpu.memref_slice %arg4[%mul3A_493, %dma_wait3A_497] : memref<320000x256xf32, #tpu.memory_space<hbm>> -> memref<128x128xf32, #tpu.memory_space<hbm>>
            %dma_wait3A_499 = tpu.memref_slice %run_scoped3A_21[%rem3A_491] : memref<2x!tpu.dma_semaphore, #tpu.memory_space<semaphore_mem>> -> memref<1x!tpu.dma_semaphore, #tpu.memory_space<semaphore_mem>>
            %dma_wait3A_500 = tpu.memref_squeeze %dma_wait3A_499 : memref<1x!tpu.dma_semaphore, #tpu.memory_space<semaphore_mem>> -> memref<!tpu.dma_semaphore, #tpu.memory_space<semaphore_mem>>
            %dma_wait3A_501 = arith.constant 0 : i32
            %dma_wait3A_502 = tpu.memref_slice %arg4[%mul3A_493, %dma_wait3A_501] : memref<320000x256xf32, #tpu.memory_space<hbm>> -> memref<128x128xf32, #tpu.memory_space<hbm>>
            %dma_wait3A_503 = arith.constant 0 : i32
            %dma_wait3A_504 = arith.constant 0 : i32
            %dma_wait3A_505 = tpu.memref_slice %run_scoped3A_20[%rem3A_491, %dma_wait3A_503, %dma_wait3A_504] : memref<2x128x128xf32, #tpu.memory_space<vmem>> -> memref<1x128x128xf32, #tpu.memory_space<vmem>>
            %dma_wait3A_506 = tpu.memref_squeeze %dma_wait3A_505 : memref<1x128x128xf32, #tpu.memory_space<vmem>> -> memref<128x128xf32, #tpu.memory_space<vmem>>
            tpu.wait_dma2 semaphore(%dma_wait3A_500 : memref<!tpu.dma_semaphore, #tpu.memory_space<semaphore_mem>>) src(%dma_wait3A_506 : memref<128x128xf32, #tpu.memory_space<vmem>>) dst(%dma_wait3A_502 : memref<128x128xf32, #tpu.memory_space<hbm>>)
            "tpu.trace_stop"() : () -> ()
          } else {
          }
          %and3A_440 = arith.constant true
          %and3A_441 = arith.andi %and3A_436, %and3A_440 : i1
          %add3A_442 = arith.constant 1 : i32
          %add3A_443 = arith.addi %while3A_190, %add3A_442 : i32
          %select_n3A_444 = arith.select %and3A_441, %add3A_443, %while3A_190 : i32
          %ne3A_445 = arith.cmpi ne, %add3A_201, %add3A_211 : i32
          %or3A_446 = arith.constant false
          %or3A_447 = arith.ori %or3A_446, %ne3A_445 : i1
          %or3A_448 = arith.constant false
          %or3A_449 = arith.ori %or3A_447, %or3A_448 : i1
          %not3A_450 = arith.constant true
          %not3A_451 = arith.xori %eq3A_197, %not3A_450 : i1
          %and3A_452 = arith.andi %or3A_449, %not3A_451 : i1
          %convert_element_type3A_453 = arith.extui %and3A_452 : i1 to i32
          %cond3A_454 = arith.constant 0 : i32
          %cond3A_455 = arith.cmpi ne, %convert_element_type3A_453, %cond3A_454 : i32
          scf.if %cond3A_455 {
            "tpu.trace_start"() <{level = 10 : i32, message = "ep_wait_out"}> : () -> ()
            %rem3A_490 = arith.constant 2 : i32
            %rem3A_491 = arith.remui %while3A_192, %rem3A_490 : i32
            %mul3A_492 = arith.constant 128 : i32
            %mul3A_493 = arith.muli %mul3A_492, %add3A_211 : i32
            %dma_wait3A = arith.constant 0 : i32
            %dma_wait3A_494 = arith.constant 0 : i32
            %dma_wait3A_495 = tpu.memref_slice %run_scoped3A_22[%rem3A_491, %dma_wait3A, %dma_wait3A_494] : memref<2x128x128xf32, #tpu.memory_space<vmem>> -> memref<1x128x128xf32, #tpu.memory_space<vmem>>
            %dma_wait3A_496 = tpu.memref_squeeze %dma_wait3A_495 : memref<1x128x128xf32, #tpu.memory_space<vmem>> -> memref<128x128xf32, #tpu.memory_space<vmem>>
            %dma_wait3A_497 = arith.constant 128 : i32
            %dma_wait3A_498 = tpu.memref_slice %arg4[%mul3A_493, %dma_wait3A_497] : memref<320000x256xf32, #tpu.memory_space<hbm>> -> memref<128x128xf32, #tpu.memory_space<hbm>>
            %dma_wait3A_499 = tpu.memref_slice %run_scoped3A_23[%rem3A_491] : memref<2x!tpu.dma_semaphore, #tpu.memory_space<semaphore_mem>> -> memref<1x!tpu.dma_semaphore, #tpu.memory_space<semaphore_mem>>
            %dma_wait3A_500 = tpu.memref_squeeze %dma_wait3A_499 : memref<1x!tpu.dma_semaphore, #tpu.memory_space<semaphore_mem>> -> memref<!tpu.dma_semaphore, #tpu.memory_space<semaphore_mem>>
            %dma_wait3A_501 = arith.constant 128 : i32
            %dma_wait3A_502 = tpu.memref_slice %arg4[%mul3A_493, %dma_wait3A_501] : memref<320000x256xf32, #tpu.memory_space<hbm>> -> memref<128x128xf32, #tpu.memory_space<hbm>>
            %dma_wait3A_503 = arith.constant 0 : i32
            %dma_wait3A_504 = arith.constant 0 : i32
            %dma_wait3A_505 = tpu.memref_slice %run_scoped3A_22[%rem3A_491, %dma_wait3A_503, %dma_wait3A_504] : memref<2x128x128xf32, #tpu.memory_space<vmem>> -> memref<1x128x128xf32, #tpu.memory_space<vmem>>
            %dma_wait3A_506 = tpu.memref_squeeze %dma_wait3A_505 : memref<1x128x128xf32, #tpu.memory_space<vmem>> -> memref<128x128xf32, #tpu.memory_space<vmem>>
            tpu.wait_dma2 semaphore(%dma_wait3A_500 : memref<!tpu.dma_semaphore, #tpu.memory_space<semaphore_mem>>) src(%dma_wait3A_506 : memref<128x128xf32, #tpu.memory_space<vmem>>) dst(%dma_wait3A_502 : memref<128x128xf32, #tpu.memory_space<hbm>>)
            "tpu.trace_stop"() : () -> ()
          } else {
          }
          %and3A_456 = arith.constant true
          %and3A_457 = arith.andi %and3A_452, %and3A_456 : i1
          %add3A_458 = arith.constant 1 : i32
          %add3A_459 = arith.addi %while3A_192, %add3A_458 : i32
          %select_n3A_460 = arith.select %and3A_457, %add3A_459, %while3A_192 : i32
          %add3A_461 = arith.constant 0 : i32
          %add3A_462 = arith.addi %add3A_461, %add3A_201 : i32
          %add3A_463 = arith.constant 0 : i32
          %add3A_464 = arith.addi %add3A_463, %add3A_219 : i32
          %ne3A_465 = arith.cmpi ne, %add3A_462, %add3A_464 : i32
          %or3A_466 = arith.constant false
          %or3A_467 = arith.ori %or3A_466, %ne3A_465 : i1
          %or3A_468 = arith.ori %or3A_467, %eq3A_200 : i1
          %add3A_469 = arith.constant 1 : i32
          %add3A_470 = arith.addi %while3A_186, %add3A_469 : i32
          %select_n3A_471 = arith.select %or3A_468, %add3A_470, %while3A_186 : i32
          %add3A_472 = arith.constant 2500 : i32
          %add3A_473 = arith.addi %add3A_472, %add3A_201 : i32
          %add3A_474 = arith.constant 2500 : i32
          %add3A_475 = arith.addi %add3A_474, %add3A_219 : i32
          %ne3A_476 = arith.cmpi ne, %add3A_473, %add3A_475 : i32
          %or3A_477 = arith.constant false
          %or3A_478 = arith.ori %or3A_477, %ne3A_476 : i1
          %or3A_479 = arith.ori %or3A_478, %eq3A_200 : i1
          %add3A_480 = arith.constant 1 : i32
          %add3A_481 = arith.addi %while3A_188, %add3A_480 : i32
          %select_n3A_482 = arith.select %or3A_479, %add3A_481, %while3A_188 : i32
          %add3A_483 = arith.constant 1 : i32
          %add3A_484 = arith.addi %while3A_193, %add3A_483 : i32
          %select_n3A_485 = arith.constant true
          %select_n3A_486 = arith.select %select_n3A_485, %add3A_484, %while3A_193 : i32
          %eq3A_487 = arith.cmpi eq, %select_n3A_486, %select_n3A : i32
          %select_n3A_488 = arith.constant 0 : i32
          %select_n3A_489 = arith.select %eq3A_487, %select_n3A_488, %select_n3A_486 : i32
          scf.yield %select_n3A_245, %select_n3A_471, %select_n3A_268, %select_n3A_482, %select_n3A_384, %select_n3A_444, %select_n3A_398, %select_n3A_460, %select_n3A_489 : i32, i32, i32, i32, i32, i32, i32, i32, i32
        }
        %sub3A_127 = arith.constant 1 : i32
        %sub3A_128 = arith.subi %while3A_126#8, %sub3A_127 : i32
        %select_n3A_129 = arith.constant true
        %select_n3A_130 = arith.select %select_n3A_129, %sub3A_128, %while3A_126#8 : i32
        %eq3A_131 = arith.constant -1 : i32
        %eq3A_132 = arith.cmpi eq, %select_n3A_130, %eq3A_131 : i32
        %sub3A_133 = arith.constant 1 : i32
        %sub3A_134 = arith.subi %select_n3A, %sub3A_133 : i32
        %select_n3A_135 = arith.select %eq3A_132, %sub3A_134, %select_n3A_130 : i32
        %sub3A_136 = arith.constant 1 : i32
        %sub3A_137 = arith.subi %mul3A_16, %sub3A_136 : i32
        %mul3A_138 = arith.constant 1 : i32
        %mul3A_139 = arith.muli %mul3A_138, %select_n3A : i32
        %eq3A_140 = arith.constant 0 : i32
        %eq3A_141 = arith.cmpi eq, %sub3A_137, %eq3A_140 : i32
        %sub3A_142 = arith.constant 1 : i32
        %sub3A_143 = arith.subi %mul3A_139, %sub3A_142 : i32
        %eq3A_144 = arith.cmpi eq, %sub3A_137, %sub3A_143 : i32
        %add3A_145 = arith.addi %select_n3A_135, %select_n3A_14 : i32
        %sub3A_146 = arith.constant 1 : i32
        %sub3A_147 = arith.subi %select_n3A_135, %sub3A_146 : i32
        %select_n3A_148 = arith.constant true
        %select_n3A_149 = arith.select %select_n3A_148, %sub3A_147, %select_n3A_135 : i32
        %eq3A_150 = arith.constant -1 : i32
        %eq3A_151 = arith.cmpi eq, %select_n3A_149, %eq3A_150 : i32
        %sub3A_152 = arith.constant 1 : i32
        %sub3A_153 = arith.subi %select_n3A, %sub3A_152 : i32
        %select_n3A_154 = arith.select %eq3A_151, %sub3A_153, %select_n3A_149 : i32
        %add3A_155 = arith.addi %select_n3A_154, %select_n3A_14 : i32
        %add3A_156 = arith.constant 1 : i32
        %add3A_157 = arith.addi %select_n3A_135, %add3A_156 : i32
        %select_n3A_158 = arith.constant true
        %select_n3A_159 = arith.select %select_n3A_158, %add3A_157, %select_n3A_135 : i32
        %eq3A_160 = arith.cmpi eq, %select_n3A_159, %select_n3A : i32
        %select_n3A_161 = arith.constant 0 : i32
        %select_n3A_162 = arith.select %eq3A_160, %select_n3A_161, %select_n3A_159 : i32
        %add3A_163 = arith.addi %select_n3A_162, %select_n3A_14 : i32
        %add3A_164 = arith.constant 1 : i32
        %add3A_165 = arith.addi %select_n3A_162, %add3A_164 : i32
        %select_n3A_166 = arith.constant true
        %select_n3A_167 = arith.select %select_n3A_166, %add3A_165, %select_n3A_162 : i32
        %eq3A_168 = arith.cmpi eq, %select_n3A_167, %select_n3A : i32
        %select_n3A_169 = arith.constant 0 : i32
        %select_n3A_170 = arith.select %eq3A_168, %select_n3A_169, %select_n3A_167 : i32
        %add3A_171 = arith.addi %select_n3A_170, %select_n3A_14 : i32
        %convert_element_type3A_172 = arith.extui %eq3A_144 : i1 to i32
        %cond3A_173 = arith.constant 0 : i32
        %cond3A_174 = arith.cmpi ne, %convert_element_type3A_172, %cond3A_173 : i32
        scf.if %cond3A_174 {
        } else {
        }
        %convert_element_type3A_175 = arith.extui %eq3A_144 : i1 to i32
        %cond3A_176 = arith.constant 0 : i32
        %cond3A_177 = arith.cmpi ne, %convert_element_type3A_175, %cond3A_176 : i32
        scf.if %cond3A_177 {
        } else {
        }
        %convert_element_type3A_178 = arith.extui %eq3A_144 : i1 to i32
        %cond3A_179 = arith.constant 0 : i32
        %cond3A_180 = arith.cmpi ne, %convert_element_type3A_178, %cond3A_179 : i32
        scf.if %cond3A_180 {
          "tpu.trace_start"() <{level = 10 : i32, message = "ep_finalize"}> : () -> ()
          %rem3A_184 = arith.constant 2 : i32
          %rem3A_185 = arith.remui %while3A_126#5, %rem3A_184 : i32
          %mul3A_186 = arith.constant 128 : i32
          %mul3A_187 = arith.muli %mul3A_186, %add3A_145 : i32
          %dma_wait3A = arith.constant 0 : i32
          %dma_wait3A_188 = arith.constant 0 : i32
          %dma_wait3A_189 = tpu.memref_slice %run_scoped3A_20[%rem3A_185, %dma_wait3A, %dma_wait3A_188] : memref<2x128x128xf32, #tpu.memory_space<vmem>> -> memref<1x128x128xf32, #tpu.memory_space<vmem>>
          %dma_wait3A_190 = tpu.memref_squeeze %dma_wait3A_189 : memref<1x128x128xf32, #tpu.memory_space<vmem>> -> memref<128x128xf32, #tpu.memory_space<vmem>>
          %dma_wait3A_191 = arith.constant 0 : i32
          %dma_wait3A_192 = tpu.memref_slice %arg4[%mul3A_187, %dma_wait3A_191] : memref<320000x256xf32, #tpu.memory_space<hbm>> -> memref<128x128xf32, #tpu.memory_space<hbm>>
          %dma_wait3A_193 = tpu.memref_slice %run_scoped3A_21[%rem3A_185] : memref<2x!tpu.dma_semaphore, #tpu.memory_space<semaphore_mem>> -> memref<1x!tpu.dma_semaphore, #tpu.memory_space<semaphore_mem>>
          %dma_wait3A_194 = tpu.memref_squeeze %dma_wait3A_193 : memref<1x!tpu.dma_semaphore, #tpu.memory_space<semaphore_mem>> -> memref<!tpu.dma_semaphore, #tpu.memory_space<semaphore_mem>>
          %dma_wait3A_195 = arith.constant 0 : i32
          %dma_wait3A_196 = tpu.memref_slice %arg4[%mul3A_187, %dma_wait3A_195] : memref<320000x256xf32, #tpu.memory_space<hbm>> -> memref<128x128xf32, #tpu.memory_space<hbm>>
          %dma_wait3A_197 = arith.constant 0 : i32
          %dma_wait3A_198 = arith.constant 0 : i32
          %dma_wait3A_199 = tpu.memref_slice %run_scoped3A_20[%rem3A_185, %dma_wait3A_197, %dma_wait3A_198] : memref<2x128x128xf32, #tpu.memory_space<vmem>> -> memref<1x128x128xf32, #tpu.memory_space<vmem>>
          %dma_wait3A_200 = tpu.memref_squeeze %dma_wait3A_199 : memref<1x128x128xf32, #tpu.memory_space<vmem>> -> memref<128x128xf32, #tpu.memory_space<vmem>>
          tpu.wait_dma2 semaphore(%dma_wait3A_194 : memref<!tpu.dma_semaphore, #tpu.memory_space<semaphore_mem>>) src(%dma_wait3A_200 : memref<128x128xf32, #tpu.memory_space<vmem>>) dst(%dma_wait3A_196 : memref<128x128xf32, #tpu.memory_space<hbm>>)
          "tpu.trace_stop"() : () -> ()
        } else {
        }
        %convert_element_type3A_181 = arith.extui %eq3A_144 : i1 to i32
        %cond3A_182 = arith.constant 0 : i32
        %cond3A_183 = arith.cmpi ne, %convert_element_type3A_181, %cond3A_182 : i32
        scf.if %cond3A_183 {
          "tpu.trace_start"() <{level = 10 : i32, message = "ep_finalize"}> : () -> ()
          %rem3A_184 = arith.constant 2 : i32
          %rem3A_185 = arith.remui %while3A_126#7, %rem3A_184 : i32
          %mul3A_186 = arith.constant 128 : i32
          %mul3A_187 = arith.muli %mul3A_186, %add3A_145 : i32
          %dma_wait3A = arith.constant 0 : i32
          %dma_wait3A_188 = arith.constant 0 : i32
          %dma_wait3A_189 = tpu.memref_slice %run_scoped3A_22[%rem3A_185, %dma_wait3A, %dma_wait3A_188] : memref<2x128x128xf32, #tpu.memory_space<vmem>> -> memref<1x128x128xf32, #tpu.memory_space<vmem>>
          %dma_wait3A_190 = tpu.memref_squeeze %dma_wait3A_189 : memref<1x128x128xf32, #tpu.memory_space<vmem>> -> memref<128x128xf32, #tpu.memory_space<vmem>>
          %dma_wait3A_191 = arith.constant 128 : i32
          %dma_wait3A_192 = tpu.memref_slice %arg4[%mul3A_187, %dma_wait3A_191] : memref<320000x256xf32, #tpu.memory_space<hbm>> -> memref<128x128xf32, #tpu.memory_space<hbm>>
          %dma_wait3A_193 = tpu.memref_slice %run_scoped3A_23[%rem3A_185] : memref<2x!tpu.dma_semaphore, #tpu.memory_space<semaphore_mem>> -> memref<1x!tpu.dma_semaphore, #tpu.memory_space<semaphore_mem>>
          %dma_wait3A_194 = tpu.memref_squeeze %dma_wait3A_193 : memref<1x!tpu.dma_semaphore, #tpu.memory_space<semaphore_mem>> -> memref<!tpu.dma_semaphore, #tpu.memory_space<semaphore_mem>>
          %dma_wait3A_195 = arith.constant 128 : i32
          %dma_wait3A_196 = tpu.memref_slice %arg4[%mul3A_187, %dma_wait3A_195] : memref<320000x256xf32, #tpu.memory_space<hbm>> -> memref<128x128xf32, #tpu.memory_space<hbm>>
          %dma_wait3A_197 = arith.constant 0 : i32
          %dma_wait3A_198 = arith.constant 0 : i32
          %dma_wait3A_199 = tpu.memref_slice %run_scoped3A_22[%rem3A_185, %dma_wait3A_197, %dma_wait3A_198] : memref<2x128x128xf32, #tpu.memory_space<vmem>> -> memref<1x128x128xf32, #tpu.memory_space<vmem>>
          %dma_wait3A_200 = tpu.memref_squeeze %dma_wait3A_199 : memref<1x128x128xf32, #tpu.memory_space<vmem>> -> memref<128x128xf32, #tpu.memory_space<vmem>>
          tpu.wait_dma2 semaphore(%dma_wait3A_194 : memref<!tpu.dma_semaphore, #tpu.memory_space<semaphore_mem>>) src(%dma_wait3A_200 : memref<128x128xf32, #tpu.memory_space<vmem>>) dst(%dma_wait3A_196 : memref<128x128xf32, #tpu.memory_space<hbm>>)
          "tpu.trace_stop"() : () -> ()
        } else {
        }
      } else {
      }
      tpu.yield
    }) : () -> ()
    return
  }
}

#map = affine_map<(d0, d1) -> (0, 0, 0)>
#map1 = affine_map<(d0, d1) -> (0, 0)>
module attributes {stable_mosaic.version = 14 : i64} {
  func.func @k(%arg0: i32, %arg1: i32, %arg2: memref<100x25x128xf32, #tpu.memory_space<hbm>>, %arg3: memref<1x640000xi32, #tpu.memory_space<hbm>>, %arg4: memref<3x10000xf32, #tpu.memory_space<hbm>>, %arg5: memref<625x128xf32, #tpu.memory_space<hbm>>, %arg6: memref<2x10000x128xf32, #tpu.memory_space<hbm>>, %arg7: memref<10000x128xf32, #tpu.memory_space<vmem_shared>>, %arg8: memref<3x10000xf32, #tpu.memory_space<vmem>>, %arg9: memref<64x128xf32, #tpu.memory_space<vmem>>, %arg10: memref<1x64xi32, #tpu.memory_space<vmem>>) attributes {dimension_semantics = [#tpu.dimension_semantics<core_parallel>, #tpu.dimension_semantics<subcore_parallel>], iteration_bounds = array<i64: 2, 16>, scalar_prefetch = 0 : i64, scratch_operands = 4 : i64, tpu.core_type = #tpu.core_type<sc_vector_subcore>, window_params = [{transform_indices = #map}, {transform_indices = #map1}, {transform_indices = #map1}, {transform_indices = #map1}, {transform_indices = #map}]} {
    "tpu.region"() ({
      %run_scoped3A = tpu.sem_alloc : memref<!tpu.dma_semaphore, #tpu.memory_space<semaphore_mem>>
      tpu.enqueue_dma source(%arg4 : memref<3x10000xf32, #tpu.memory_space<hbm>>) target(%arg8 : memref<3x10000xf32, #tpu.memory_space<vmem>>) target_semaphore(%run_scoped3A : memref<!tpu.dma_semaphore, #tpu.memory_space<semaphore_mem>>)
      tpu.wait_dma2 semaphore(%run_scoped3A : memref<!tpu.dma_semaphore, #tpu.memory_space<semaphore_mem>>) src(%arg4 : memref<3x10000xf32, #tpu.memory_space<hbm>>) dst(%arg8 : memref<3x10000xf32, #tpu.memory_space<vmem>>)
      tpu.yield
    }) : () -> ()
    %mul3A = arith.constant 625 : i32
    %mul3A_0 = arith.muli %arg1, %mul3A : i32
    "tpu.region"() ({
      %run_scoped3A = tpu.sem_alloc : memref<!tpu.dma_semaphore, #tpu.memory_space<semaphore_mem>>
      %dma_start3A = arith.constant 0 : i32
      %dma_start3A_19 = tpu.memref_slice %arg7[%mul3A_0, %dma_start3A] : memref<10000x128xf32, #tpu.memory_space<vmem_shared>> -> memref<625x128xf32, #tpu.memory_space<vmem_shared>>
      tpu.enqueue_dma source(%arg5 : memref<625x128xf32, #tpu.memory_space<hbm>>) target(%dma_start3A_19 : memref<625x128xf32, #tpu.memory_space<vmem_shared>>) target_semaphore(%run_scoped3A : memref<!tpu.dma_semaphore, #tpu.memory_space<semaphore_mem>>)
      %dma_wait3A = arith.constant 0 : i32
      %dma_wait3A_20 = tpu.memref_slice %arg7[%mul3A_0, %dma_wait3A] : memref<10000x128xf32, #tpu.memory_space<vmem_shared>> -> memref<625x128xf32, #tpu.memory_space<vmem_shared>>
      tpu.wait_dma2 semaphore(%run_scoped3A : memref<!tpu.dma_semaphore, #tpu.memory_space<semaphore_mem>>) src(%arg5 : memref<625x128xf32, #tpu.memory_space<hbm>>) dst(%dma_wait3A_20 : memref<625x128xf32, #tpu.memory_space<vmem_shared>>)
      tpu.yield
    }) : () -> ()
    "tpu.region"() ({
      %run_scoped3A = tpu.sem_alloc : memref<!tpu.dma_semaphore, #tpu.memory_space<semaphore_mem>>
      %dma_start3A = arith.constant 0 : i32
      %dma_start3A_19 = arith.constant 0 : i32
      %dma_start3A_20 = tpu.memref_slice %arg5[%dma_start3A, %dma_start3A_19] : memref<625x128xf32, #tpu.memory_space<hbm>> -> memref<64x128xf32, #tpu.memory_space<hbm>>
      %dma_start3A_21 = arith.constant 0 : i32
      %dma_start3A_22 = arith.constant 0 : i32
      %dma_start3A_23 = tpu.memref_slice %arg5[%dma_start3A_21, %dma_start3A_22] : memref<625x128xf32, #tpu.memory_space<hbm>> -> memref<64x128xf32, #tpu.memory_space<hbm>>
      tpu.enqueue_dma source(%dma_start3A_23 : memref<64x128xf32, #tpu.memory_space<hbm>>) target(%arg9 : memref<64x128xf32, #tpu.memory_space<vmem>>) target_semaphore(%run_scoped3A : memref<!tpu.dma_semaphore, #tpu.memory_space<semaphore_mem>>)
      %dma_wait3A = arith.constant 0 : i32
      %dma_wait3A_24 = arith.constant 0 : i32
      %dma_wait3A_25 = tpu.memref_slice %arg5[%dma_wait3A, %dma_wait3A_24] : memref<625x128xf32, #tpu.memory_space<hbm>> -> memref<64x128xf32, #tpu.memory_space<hbm>>
      %dma_wait3A_26 = arith.constant 0 : i32
      %dma_wait3A_27 = arith.constant 0 : i32
      %dma_wait3A_28 = tpu.memref_slice %arg5[%dma_wait3A_26, %dma_wait3A_27] : memref<625x128xf32, #tpu.memory_space<hbm>> -> memref<64x128xf32, #tpu.memory_space<hbm>>
      tpu.wait_dma2 semaphore(%run_scoped3A : memref<!tpu.dma_semaphore, #tpu.memory_space<semaphore_mem>>) src(%dma_wait3A_28 : memref<64x128xf32, #tpu.memory_space<hbm>>) dst(%arg9 : memref<64x128xf32, #tpu.memory_space<vmem>>)
      tpu.yield
    }) : () -> ()
    %barrier3A = arith.constant 0 : index
    tpu.barrier barrier_id(%barrier3A)
    %iota3A = tpu.iota {dimensions = array<i32: 0>} : vector<16xi32>
    %lt3A = arith.constant 4 : i32
    %lt3A_1 = arith.cmpi slt, %arg1, %lt3A : i32
    %jit3A = arith.constant 157 : i32
    %jit3A_2 = arith.constant 156 : i32
    %select_n3A = arith.select %lt3A_1, %jit3A, %jit3A_2 : i32
    %lt3A_3 = arith.constant 4 : i32
    %lt3A_4 = arith.cmpi slt, %arg1, %lt3A_3 : i32
    %mul3A_5 = arith.muli %arg1, %select_n3A : i32
    %mul3A_6 = arith.constant 156 : i32
    %mul3A_7 = arith.muli %arg1, %mul3A_6 : i32
    %add3A = arith.constant 4 : i32
    %add3A_8 = arith.addi %mul3A_7, %add3A : i32
    %select_n3A_9 = arith.select %lt3A_4, %mul3A_5, %add3A_8 : i32
    %mul3A_10 = arith.constant 1 : i32
    %mul3A_11 = arith.muli %mul3A_10, %select_n3A : i32
    "tpu.region"() ({
      %run_scoped3A = memref.alloca() : memref<2x1x128xi32, #tpu.memory_space<vmem>>
      %run_scoped3A_19 = tpu.sem_alloc : memref<2x!tpu.dma_semaphore, #tpu.memory_space<semaphore_mem>>
      %run_scoped3A_20 = memref.alloca() : memref<2x1x128xi32, #tpu.memory_space<vmem>>
      %run_scoped3A_21 = tpu.sem_alloc : memref<2x!tpu.dma_semaphore, #tpu.memory_space<semaphore_mem>>
      %run_scoped3A_22 = memref.alloca() : memref<2x1x1x128xf32, #tpu.memory_space<vmem>>
      %run_scoped3A_23 = tpu.sem_alloc : memref<2x!tpu.dma_semaphore, #tpu.memory_space<semaphore_mem>>
      %gt3A = arith.constant 0 : i32
      %gt3A_24 = arith.cmpi sgt, %mul3A_11, %gt3A : i32
      %convert_element_type3A_25 = arith.extui %gt3A_24 : i1 to i32
      %cond3A_26 = arith.constant 0 : i32
      %cond3A_27 = arith.cmpi ne, %convert_element_type3A_25, %cond3A_26 : i32
      scf.if %cond3A_27 {
        %mul3A_28 = arith.constant 1 : i32
        %mul3A_29 = arith.muli %mul3A_28, %select_n3A : i32
        %sub3A = arith.constant 1 : i32
        %sub3A_30 = arith.subi %mul3A_29, %sub3A : i32
        %eq3A_31 = arith.constant 0 : i32
        %eq3A_32 = arith.cmpi eq, %sub3A_30, %eq3A_31 : i32
        %add3A_33 = arith.constant 0 : i32
        %add3A_34 = arith.addi %add3A_33, %select_n3A_9 : i32
        %select_n3A_35 = arith.constant true
        %select_n3A_36 = arith.constant 0 : i32
        %select_n3A_37 = arith.constant -1 : i32
        %select_n3A_38 = arith.select %select_n3A_35, %select_n3A_37, %select_n3A_36 : i32
        %eq3A_39 = arith.constant -1 : i32
        %eq3A_40 = arith.cmpi eq, %select_n3A_38, %eq3A_39 : i32
        %sub3A_41 = arith.constant 1 : i32
        %sub3A_42 = arith.subi %select_n3A, %sub3A_41 : i32
        %select_n3A_43 = arith.select %eq3A_40, %sub3A_42, %select_n3A_38 : i32
        %add3A_44 = arith.addi %select_n3A_43, %select_n3A_9 : i32
        %select_n3A_45 = arith.constant true
        %select_n3A_46 = arith.constant 0 : i32
        %select_n3A_47 = arith.constant 1 : i32
        %select_n3A_48 = arith.select %select_n3A_45, %select_n3A_47, %select_n3A_46 : i32
        %eq3A_49 = arith.cmpi eq, %select_n3A_48, %select_n3A : i32
        %select_n3A_50 = arith.constant 0 : i32
        %select_n3A_51 = arith.select %eq3A_49, %select_n3A_50, %select_n3A_48 : i32
        %add3A_52 = arith.addi %select_n3A_51, %select_n3A_9 : i32
        %add3A_53 = arith.constant 1 : i32
        %add3A_54 = arith.addi %select_n3A_51, %add3A_53 : i32
        %select_n3A_55 = arith.constant true
        %select_n3A_56 = arith.select %select_n3A_55, %add3A_54, %select_n3A_51 : i32
        %eq3A_57 = arith.cmpi eq, %select_n3A_56, %select_n3A : i32
        %select_n3A_58 = arith.constant 0 : i32
        %select_n3A_59 = arith.select %eq3A_57, %select_n3A_58, %select_n3A_56 : i32
        %add3A_60 = arith.addi %select_n3A_59, %select_n3A_9 : i32
        "tpu.trace_start"() <{level = 10 : i32, message = "ep_initialize_0"}> : () -> ()
        %rem3A = arith.constant 0 : i32
        %rem3A_61 = arith.constant 2 : i32
        %rem3A_62 = arith.remui %rem3A, %rem3A_61 : i32
        %add3A_63 = arith.constant 0 : i32
        %add3A_64 = arith.addi %add3A_63, %add3A_34 : i32
        %mul3A_65 = arith.constant 128 : i32
        %mul3A_66 = arith.muli %mul3A_65, %add3A_64 : i32
        %dma_start3A = arith.constant 0 : i32
        %dma_start3A_67 = arith.constant 0 : i32
        %dma_start3A_68 = tpu.memref_slice %run_scoped3A[%rem3A_62, %dma_start3A, %dma_start3A_67] : memref<2x1x128xi32, #tpu.memory_space<vmem>> -> memref<1x1x128xi32, #tpu.memory_space<vmem>>
        %dma_start3A_69 = tpu.memref_squeeze %dma_start3A_68 : memref<1x1x128xi32, #tpu.memory_space<vmem>> -> memref<1x128xi32, #tpu.memory_space<vmem>>
        %dma_start3A_70 = arith.constant 0 : i32
        %dma_start3A_71 = tpu.memref_slice %arg3[%dma_start3A_70, %mul3A_66] : memref<1x640000xi32, #tpu.memory_space<hbm>> -> memref<1x128xi32, #tpu.memory_space<hbm>>
        %dma_start3A_72 = tpu.memref_slice %run_scoped3A_19[%rem3A_62] : memref<2x!tpu.dma_semaphore, #tpu.memory_space<semaphore_mem>> -> memref<1x!tpu.dma_semaphore, #tpu.memory_space<semaphore_mem>>
        %dma_start3A_73 = tpu.memref_squeeze %dma_start3A_72 : memref<1x!tpu.dma_semaphore, #tpu.memory_space<semaphore_mem>> -> memref<!tpu.dma_semaphore, #tpu.memory_space<semaphore_mem>>
        %dma_start3A_74 = arith.constant 0 : i32
        %dma_start3A_75 = arith.constant 0 : i32
        %dma_start3A_76 = tpu.memref_slice %run_scoped3A[%rem3A_62, %dma_start3A_74, %dma_start3A_75] : memref<2x1x128xi32, #tpu.memory_space<vmem>> -> memref<1x1x128xi32, #tpu.memory_space<vmem>>
        %dma_start3A_77 = tpu.memref_squeeze %dma_start3A_76 : memref<1x1x128xi32, #tpu.memory_space<vmem>> -> memref<1x128xi32, #tpu.memory_space<vmem>>
        %dma_start3A_78 = arith.constant 0 : i32
        %dma_start3A_79 = tpu.memref_slice %arg3[%dma_start3A_78, %mul3A_66] : memref<1x640000xi32, #tpu.memory_space<hbm>> -> memref<1x128xi32, #tpu.memory_space<hbm>>
        tpu.enqueue_dma source(%dma_start3A_79 : memref<1x128xi32, #tpu.memory_space<hbm>>) target(%dma_start3A_77 : memref<1x128xi32, #tpu.memory_space<vmem>>) target_semaphore(%dma_start3A_73 : memref<!tpu.dma_semaphore, #tpu.memory_space<semaphore_mem>>)
        %add3A_80 = arith.constant 0 : i32
        %add3A_81 = arith.constant 1 : i32
        %add3A_82 = arith.addi %add3A_80, %add3A_81 : i32
        %select_n3A_83 = arith.constant true
        %select_n3A_84 = arith.constant 0 : i32
        %select_n3A_85 = arith.select %select_n3A_83, %add3A_82, %select_n3A_84 : i32
        %rem3A_86 = arith.constant 0 : i32
        %rem3A_87 = arith.constant 2 : i32
        %rem3A_88 = arith.remui %rem3A_86, %rem3A_87 : i32
        %add3A_89 = arith.constant 2500 : i32
        %add3A_90 = arith.addi %add3A_89, %add3A_34 : i32
        %mul3A_91 = arith.constant 128 : i32
        %mul3A_92 = arith.muli %mul3A_91, %add3A_90 : i32
        %dma_start3A_93 = arith.constant 0 : i32
        %dma_start3A_94 = arith.constant 0 : i32
        %dma_start3A_95 = tpu.memref_slice %run_scoped3A_20[%rem3A_88, %dma_start3A_93, %dma_start3A_94] : memref<2x1x128xi32, #tpu.memory_space<vmem>> -> memref<1x1x128xi32, #tpu.memory_space<vmem>>
        %dma_start3A_96 = tpu.memref_squeeze %dma_start3A_95 : memref<1x1x128xi32, #tpu.memory_space<vmem>> -> memref<1x128xi32, #tpu.memory_space<vmem>>
        %dma_start3A_97 = arith.constant 0 : i32
        %dma_start3A_98 = tpu.memref_slice %arg3[%dma_start3A_97, %mul3A_92] : memref<1x640000xi32, #tpu.memory_space<hbm>> -> memref<1x128xi32, #tpu.memory_space<hbm>>
        %dma_start3A_99 = tpu.memref_slice %run_scoped3A_21[%rem3A_88] : memref<2x!tpu.dma_semaphore, #tpu.memory_space<semaphore_mem>> -> memref<1x!tpu.dma_semaphore, #tpu.memory_space<semaphore_mem>>
        %dma_start3A_100 = tpu.memref_squeeze %dma_start3A_99 : memref<1x!tpu.dma_semaphore, #tpu.memory_space<semaphore_mem>> -> memref<!tpu.dma_semaphore, #tpu.memory_space<semaphore_mem>>
        %dma_start3A_101 = arith.constant 0 : i32
        %dma_start3A_102 = arith.constant 0 : i32
        %dma_start3A_103 = tpu.memref_slice %run_scoped3A_20[%rem3A_88, %dma_start3A_101, %dma_start3A_102] : memref<2x1x128xi32, #tpu.memory_space<vmem>> -> memref<1x1x128xi32, #tpu.memory_space<vmem>>
        %dma_start3A_104 = tpu.memref_squeeze %dma_start3A_103 : memref<1x1x128xi32, #tpu.memory_space<vmem>> -> memref<1x128xi32, #tpu.memory_space<vmem>>
        %dma_start3A_105 = arith.constant 0 : i32
        %dma_start3A_106 = tpu.memref_slice %arg3[%dma_start3A_105, %mul3A_92] : memref<1x640000xi32, #tpu.memory_space<hbm>> -> memref<1x128xi32, #tpu.memory_space<hbm>>
        tpu.enqueue_dma source(%dma_start3A_106 : memref<1x128xi32, #tpu.memory_space<hbm>>) target(%dma_start3A_104 : memref<1x128xi32, #tpu.memory_space<vmem>>) target_semaphore(%dma_start3A_100 : memref<!tpu.dma_semaphore, #tpu.memory_space<semaphore_mem>>)
        %add3A_107 = arith.constant 0 : i32
        %add3A_108 = arith.constant 1 : i32
        %add3A_109 = arith.addi %add3A_107, %add3A_108 : i32
        %select_n3A_110 = arith.constant true
        %select_n3A_111 = arith.constant 0 : i32
        %select_n3A_112 = arith.select %select_n3A_110, %add3A_109, %select_n3A_111 : i32
        %rem3A_113 = arith.constant 0 : i32
        %rem3A_114 = arith.constant 2 : i32
        %rem3A_115 = arith.remui %rem3A_113, %rem3A_114 : i32
        %jit3A_116 = arith.constant 25 : i32
        %div3A = arith.divsi %add3A_34, %jit3A_116 : i32
        %sign3A = arith.constant 0 : i32
        %sign3A_117 = arith.cmpi sgt, %add3A_34, %sign3A : i32
        %sign3A_118 = arith.extui %sign3A_117 : i1 to i32
        %sign3A_119 = arith.constant 0 : i32
        %sign3A_120 = arith.cmpi slt, %add3A_34, %sign3A_119 : i32
        %sign3A_121 = arith.extui %sign3A_120 : i1 to i32
        %sign3A_122 = arith.subi %sign3A_118, %sign3A_121 : i32
        %sign3A_123 = arith.constant 0 : i32
        %sign3A_124 = arith.cmpi sgt, %jit3A_116, %sign3A_123 : i32
        %sign3A_125 = arith.extui %sign3A_124 : i1 to i32
        %sign3A_126 = arith.constant 0 : i32
        %sign3A_127 = arith.cmpi slt, %jit3A_116, %sign3A_126 : i32
        %sign3A_128 = arith.extui %sign3A_127 : i1 to i32
        %sign3A_129 = arith.subi %sign3A_125, %sign3A_128 : i32
        %ne3A = arith.cmpi ne, %sign3A_122, %sign3A_129 : i32
        %rem3A_130 = arith.remsi %add3A_34, %jit3A_116 : i32
        %ne3A_131 = arith.constant 0 : i32
        %ne3A_132 = arith.cmpi ne, %rem3A_130, %ne3A_131 : i32
        %and3A = arith.andi %ne3A, %ne3A_132 : i1
        %sub3A_133 = arith.constant 1 : i32
        %sub3A_134 = arith.subi %div3A, %sub3A_133 : i32
        %select_n3A_135 = arith.select %and3A, %sub3A_134, %div3A : i32
        %jit3A_136 = arith.constant 25 : i32
        %eq3A_137 = arith.constant 0 : i32
        %eq3A_138 = arith.cmpi eq, %jit3A_136, %eq3A_137 : i32
        %jit3A_139 = arith.constant 1 : i32
        %select_n3A_140 = arith.select %eq3A_138, %jit3A_139, %jit3A_136 : i32
        %rem3A_141 = arith.remsi %add3A_34, %select_n3A_140 : i32
        %ne3A_142 = arith.constant 0 : i32
        %ne3A_143 = arith.cmpi ne, %rem3A_141, %ne3A_142 : i32
        %lt3A_144 = arith.constant 0 : i32
        %lt3A_145 = arith.cmpi slt, %rem3A_141, %lt3A_144 : i32
        %lt3A_146 = arith.constant 0 : i32
        %lt3A_147 = arith.cmpi slt, %select_n3A_140, %lt3A_146 : i32
        %ne3A_148 = arith.xori %lt3A_145, %lt3A_147 : i1
        %and3A_149 = arith.andi %ne3A_148, %ne3A_143 : i1
        %add3A_150 = arith.addi %rem3A_141, %select_n3A_140 : i32
        %select_n3A_151 = arith.select %and3A_149, %add3A_150, %rem3A_141 : i32
        %mul3A_152 = arith.constant 1 : i32
        %mul3A_153 = arith.muli %mul3A_152, %select_n3A_135 : i32
        %mul3A_154 = arith.constant 1 : i32
        %mul3A_155 = arith.muli %mul3A_154, %select_n3A_151 : i32
        %dma_start3A_156 = arith.constant 0 : i32
        %dma_start3A_157 = arith.constant 0 : i32
        %dma_start3A_158 = arith.constant 0 : i32
        %dma_start3A_159 = tpu.memref_slice %run_scoped3A_22[%rem3A_115, %dma_start3A_156, %dma_start3A_157, %dma_start3A_158] : memref<2x1x1x128xf32, #tpu.memory_space<vmem>> -> memref<1x1x1x128xf32, #tpu.memory_space<vmem>>
        %dma_start3A_160 = tpu.memref_squeeze %dma_start3A_159 : memref<1x1x1x128xf32, #tpu.memory_space<vmem>> -> memref<1x1x128xf32, #tpu.memory_space<vmem>>
        %dma_start3A_161 = arith.constant 0 : i32
        %dma_start3A_162 = tpu.memref_slice %arg2[%mul3A_153, %mul3A_155, %dma_start3A_161] : memref<100x25x128xf32, #tpu.memory_space<hbm>> -> memref<1x1x128xf32, #tpu.memory_space<hbm>>
        %dma_start3A_163 = tpu.memref_slice %run_scoped3A_23[%rem3A_115] : memref<2x!tpu.dma_semaphore, #tpu.memory_space<semaphore_mem>> -> memref<1x!tpu.dma_semaphore, #tpu.memory_space<semaphore_mem>>
        %dma_start3A_164 = tpu.memref_squeeze %dma_start3A_163 : memref<1x!tpu.dma_semaphore, #tpu.memory_space<semaphore_mem>> -> memref<!tpu.dma_semaphore, #tpu.memory_space<semaphore_mem>>
        %dma_start3A_165 = arith.constant 0 : i32
        %dma_start3A_166 = arith.constant 0 : i32
        %dma_start3A_167 = arith.constant 0 : i32
        %dma_start3A_168 = tpu.memref_slice %run_scoped3A_22[%rem3A_115, %dma_start3A_165, %dma_start3A_166, %dma_start3A_167] : memref<2x1x1x128xf32, #tpu.memory_space<vmem>> -> memref<1x1x1x128xf32, #tpu.memory_space<vmem>>
        %dma_start3A_169 = tpu.memref_squeeze %dma_start3A_168 : memref<1x1x1x128xf32, #tpu.memory_space<vmem>> -> memref<1x1x128xf32, #tpu.memory_space<vmem>>
        %dma_start3A_170 = arith.constant 0 : i32
        %dma_start3A_171 = tpu.memref_slice %arg2[%mul3A_153, %mul3A_155, %dma_start3A_170] : memref<100x25x128xf32, #tpu.memory_space<hbm>> -> memref<1x1x128xf32, #tpu.memory_space<hbm>>
        tpu.enqueue_dma source(%dma_start3A_171 : memref<1x1x128xf32, #tpu.memory_space<hbm>>) target(%dma_start3A_169 : memref<1x1x128xf32, #tpu.memory_space<vmem>>) target_semaphore(%dma_start3A_164 : memref<!tpu.dma_semaphore, #tpu.memory_space<semaphore_mem>>)
        %add3A_172 = arith.constant 0 : i32
        %add3A_173 = arith.constant 1 : i32
        %add3A_174 = arith.addi %add3A_172, %add3A_173 : i32
        %select_n3A_175 = arith.constant true
        %select_n3A_176 = arith.constant 0 : i32
        %select_n3A_177 = arith.select %select_n3A_175, %add3A_174, %select_n3A_176 : i32
        %while3A = arith.constant 0 : i32
        %while3A_178 = arith.constant 0 : i32
        %while3A_179 = arith.constant 0 : i32
        %while3A_180 = arith.constant 0 : i32
        %while3A_181 = arith.constant 0 : i32
        "tpu.trace_stop"() : () -> ()
        %while3A_182 = arith.subi %mul3A_11, %while3A : i32
        %while3A_183 = arith.addi %while3A, %while3A_182 : i32
        %while3A_184 = arith.constant 1 : i32
        %while3A_185 = arith.divsi %while3A_182, %while3A_184 : i32
        %while3A_186 = arith.muli %while3A_185, %while3A_184 : i32
        %while3A_187 = arith.addi %while3A, %while3A_186 : i32
        %while3A_188 = arith.constant 1 : i32
        %while3A_189:7 = scf.for %while3A_246 = %while3A to %while3A_187 step %while3A_188 iter_args(%while3A_247 = %select_n3A_85, %while3A_248 = %while3A_178, %while3A_249 = %select_n3A_112, %while3A_250 = %while3A_179, %while3A_251 = %select_n3A_177, %while3A_252 = %while3A_180, %while3A_253 = %while3A_181) -> (i32, i32, i32, i32, i32, i32, i32)  : i32 {
          %mul3A_254 = arith.constant 1 : i32
          %mul3A_255 = arith.muli %mul3A_254, %select_n3A : i32
          %eq3A_256 = arith.constant 0 : i32
          %eq3A_257 = arith.cmpi eq, %while3A_246, %eq3A_256 : i32
          %sub3A_258 = arith.constant 1 : i32
          %sub3A_259 = arith.subi %mul3A_255, %sub3A_258 : i32
          %eq3A_260 = arith.cmpi eq, %while3A_246, %sub3A_259 : i32
          %add3A_261 = arith.addi %while3A_253, %select_n3A_9 : i32
          %sub3A_262 = arith.constant 1 : i32
          %sub3A_263 = arith.subi %while3A_253, %sub3A_262 : i32
          %select_n3A_264 = arith.constant true
          %select_n3A_265 = arith.select %select_n3A_264, %sub3A_263, %while3A_253 : i32
          %eq3A_266 = arith.constant -1 : i32
          %eq3A_267 = arith.cmpi eq, %select_n3A_265, %eq3A_266 : i32
          %sub3A_268 = arith.constant 1 : i32
          %sub3A_269 = arith.subi %select_n3A, %sub3A_268 : i32
          %select_n3A_270 = arith.select %eq3A_267, %sub3A_269, %select_n3A_265 : i32
          %add3A_271 = arith.addi %select_n3A_270, %select_n3A_9 : i32
          %add3A_272 = arith.constant 1 : i32
          %add3A_273 = arith.addi %while3A_253, %add3A_272 : i32
          %select_n3A_274 = arith.constant true
          %select_n3A_275 = arith.select %select_n3A_274, %add3A_273, %while3A_253 : i32
          %eq3A_276 = arith.cmpi eq, %select_n3A_275, %select_n3A : i32
          %select_n3A_277 = arith.constant 0 : i32
          %select_n3A_278 = arith.select %eq3A_276, %select_n3A_277, %select_n3A_275 : i32
          %add3A_279 = arith.addi %select_n3A_278, %select_n3A_9 : i32
          %add3A_280 = arith.constant 1 : i32
          %add3A_281 = arith.addi %select_n3A_278, %add3A_280 : i32
          %select_n3A_282 = arith.constant true
          %select_n3A_283 = arith.select %select_n3A_282, %add3A_281, %select_n3A_278 : i32
          %eq3A_284 = arith.cmpi eq, %select_n3A_283, %select_n3A : i32
          %select_n3A_285 = arith.constant 0 : i32
          %select_n3A_286 = arith.select %eq3A_284, %select_n3A_285, %select_n3A_283 : i32
          %add3A_287 = arith.addi %select_n3A_286, %select_n3A_9 : i32
          %add3A_288 = arith.constant 0 : i32
          %add3A_289 = arith.addi %add3A_288, %add3A_261 : i32
          %add3A_290 = arith.constant 0 : i32
          %add3A_291 = arith.addi %add3A_290, %add3A_279 : i32
          %ne3A_292 = arith.cmpi ne, %add3A_289, %add3A_291 : i32
          %or3A = arith.constant false
          %or3A_293 = arith.ori %or3A, %ne3A_292 : i1
          %sub3A_294 = arith.constant 2 : i32
          %sub3A_295 = arith.subi %mul3A_255, %sub3A_294 : i32
          %add3A_296 = arith.constant 1 : i32
          %add3A_297 = arith.addi %sub3A_295, %add3A_296 : i32
          %ge3A = arith.cmpi sge, %while3A_246, %add3A_297 : i32
          %not3A = arith.constant true
          %not3A_298 = arith.xori %ge3A, %not3A : i1
          %and3A_299 = arith.andi %or3A_293, %not3A_298 : i1
          %convert_element_type3A_300 = arith.extui %and3A_299 : i1 to i32
          %cond3A_301 = arith.constant 0 : i32
          %cond3A_302 = arith.cmpi ne, %convert_element_type3A_300, %cond3A_301 : i32
          scf.if %cond3A_302 {
            "tpu.trace_start"() <{level = 10 : i32, message = "ep_copy_in"}> : () -> ()
            %rem3A_1138 = arith.constant 2 : i32
            %rem3A_1139 = arith.remui %while3A_247, %rem3A_1138 : i32
            %add3A_1140 = arith.constant 0 : i32
            %add3A_1141 = arith.addi %add3A_1140, %add3A_279 : i32
            %mul3A_1142 = arith.constant 128 : i32
            %mul3A_1143 = arith.muli %mul3A_1142, %add3A_1141 : i32
            %dma_start3A_1144 = arith.constant 0 : i32
            %dma_start3A_1145 = arith.constant 0 : i32
            %dma_start3A_1146 = tpu.memref_slice %run_scoped3A[%rem3A_1139, %dma_start3A_1144, %dma_start3A_1145] : memref<2x1x128xi32, #tpu.memory_space<vmem>> -> memref<1x1x128xi32, #tpu.memory_space<vmem>>
            %dma_start3A_1147 = tpu.memref_squeeze %dma_start3A_1146 : memref<1x1x128xi32, #tpu.memory_space<vmem>> -> memref<1x128xi32, #tpu.memory_space<vmem>>
            %dma_start3A_1148 = arith.constant 0 : i32
            %dma_start3A_1149 = tpu.memref_slice %arg3[%dma_start3A_1148, %mul3A_1143] : memref<1x640000xi32, #tpu.memory_space<hbm>> -> memref<1x128xi32, #tpu.memory_space<hbm>>
            %dma_start3A_1150 = tpu.memref_slice %run_scoped3A_19[%rem3A_1139] : memref<2x!tpu.dma_semaphore, #tpu.memory_space<semaphore_mem>> -> memref<1x!tpu.dma_semaphore, #tpu.memory_space<semaphore_mem>>
            %dma_start3A_1151 = tpu.memref_squeeze %dma_start3A_1150 : memref<1x!tpu.dma_semaphore, #tpu.memory_space<semaphore_mem>> -> memref<!tpu.dma_semaphore, #tpu.memory_space<semaphore_mem>>
            %dma_start3A_1152 = arith.constant 0 : i32
            %dma_start3A_1153 = arith.constant 0 : i32
            %dma_start3A_1154 = tpu.memref_slice %run_scoped3A[%rem3A_1139, %dma_start3A_1152, %dma_start3A_1153] : memref<2x1x128xi32, #tpu.memory_space<vmem>> -> memref<1x1x128xi32, #tpu.memory_space<vmem>>
            %dma_start3A_1155 = tpu.memref_squeeze %dma_start3A_1154 : memref<1x1x128xi32, #tpu.memory_space<vmem>> -> memref<1x128xi32, #tpu.memory_space<vmem>>
            %dma_start3A_1156 = arith.constant 0 : i32
            %dma_start3A_1157 = tpu.memref_slice %arg3[%dma_start3A_1156, %mul3A_1143] : memref<1x640000xi32, #tpu.memory_space<hbm>> -> memref<1x128xi32, #tpu.memory_space<hbm>>
            tpu.enqueue_dma source(%dma_start3A_1157 : memref<1x128xi32, #tpu.memory_space<hbm>>) target(%dma_start3A_1155 : memref<1x128xi32, #tpu.memory_space<vmem>>) target_semaphore(%dma_start3A_1151 : memref<!tpu.dma_semaphore, #tpu.memory_space<semaphore_mem>>)
            "tpu.trace_stop"() : () -> ()
          } else {
          }
          %and3A_303 = arith.constant true
          %and3A_304 = arith.andi %and3A_299, %and3A_303 : i1
          %add3A_305 = arith.constant 1 : i32
          %add3A_306 = arith.addi %while3A_247, %add3A_305 : i32
          %select_n3A_307 = arith.select %and3A_304, %add3A_306, %while3A_247 : i32
          %add3A_308 = arith.constant 2500 : i32
          %add3A_309 = arith.addi %add3A_308, %add3A_261 : i32
          %add3A_310 = arith.constant 2500 : i32
          %add3A_311 = arith.addi %add3A_310, %add3A_279 : i32
          %ne3A_312 = arith.cmpi ne, %add3A_309, %add3A_311 : i32
          %or3A_313 = arith.constant false
          %or3A_314 = arith.ori %or3A_313, %ne3A_312 : i1
          %sub3A_315 = arith.constant 2 : i32
          %sub3A_316 = arith.subi %mul3A_255, %sub3A_315 : i32
          %add3A_317 = arith.constant 1 : i32
          %add3A_318 = arith.addi %sub3A_316, %add3A_317 : i32
          %ge3A_319 = arith.cmpi sge, %while3A_246, %add3A_318 : i32
          %not3A_320 = arith.constant true
          %not3A_321 = arith.xori %ge3A_319, %not3A_320 : i1
          %and3A_322 = arith.andi %or3A_314, %not3A_321 : i1
          %convert_element_type3A_323 = arith.extui %and3A_322 : i1 to i32
          %cond3A_324 = arith.constant 0 : i32
          %cond3A_325 = arith.cmpi ne, %convert_element_type3A_323, %cond3A_324 : i32
          scf.if %cond3A_325 {
            "tpu.trace_start"() <{level = 10 : i32, message = "ep_copy_in"}> : () -> ()
            %rem3A_1138 = arith.constant 2 : i32
            %rem3A_1139 = arith.remui %while3A_249, %rem3A_1138 : i32
            %add3A_1140 = arith.constant 2500 : i32
            %add3A_1141 = arith.addi %add3A_1140, %add3A_279 : i32
            %mul3A_1142 = arith.constant 128 : i32
            %mul3A_1143 = arith.muli %mul3A_1142, %add3A_1141 : i32
            %dma_start3A_1144 = arith.constant 0 : i32
            %dma_start3A_1145 = arith.constant 0 : i32
            %dma_start3A_1146 = tpu.memref_slice %run_scoped3A_20[%rem3A_1139, %dma_start3A_1144, %dma_start3A_1145] : memref<2x1x128xi32, #tpu.memory_space<vmem>> -> memref<1x1x128xi32, #tpu.memory_space<vmem>>
            %dma_start3A_1147 = tpu.memref_squeeze %dma_start3A_1146 : memref<1x1x128xi32, #tpu.memory_space<vmem>> -> memref<1x128xi32, #tpu.memory_space<vmem>>
            %dma_start3A_1148 = arith.constant 0 : i32
            %dma_start3A_1149 = tpu.memref_slice %arg3[%dma_start3A_1148, %mul3A_1143] : memref<1x640000xi32, #tpu.memory_space<hbm>> -> memref<1x128xi32, #tpu.memory_space<hbm>>
            %dma_start3A_1150 = tpu.memref_slice %run_scoped3A_21[%rem3A_1139] : memref<2x!tpu.dma_semaphore, #tpu.memory_space<semaphore_mem>> -> memref<1x!tpu.dma_semaphore, #tpu.memory_space<semaphore_mem>>
            %dma_start3A_1151 = tpu.memref_squeeze %dma_start3A_1150 : memref<1x!tpu.dma_semaphore, #tpu.memory_space<semaphore_mem>> -> memref<!tpu.dma_semaphore, #tpu.memory_space<semaphore_mem>>
            %dma_start3A_1152 = arith.constant 0 : i32
            %dma_start3A_1153 = arith.constant 0 : i32
            %dma_start3A_1154 = tpu.memref_slice %run_scoped3A_20[%rem3A_1139, %dma_start3A_1152, %dma_start3A_1153] : memref<2x1x128xi32, #tpu.memory_space<vmem>> -> memref<1x1x128xi32, #tpu.memory_space<vmem>>
            %dma_start3A_1155 = tpu.memref_squeeze %dma_start3A_1154 : memref<1x1x128xi32, #tpu.memory_space<vmem>> -> memref<1x128xi32, #tpu.memory_space<vmem>>
            %dma_start3A_1156 = arith.constant 0 : i32
            %dma_start3A_1157 = tpu.memref_slice %arg3[%dma_start3A_1156, %mul3A_1143] : memref<1x640000xi32, #tpu.memory_space<hbm>> -> memref<1x128xi32, #tpu.memory_space<hbm>>
            tpu.enqueue_dma source(%dma_start3A_1157 : memref<1x128xi32, #tpu.memory_space<hbm>>) target(%dma_start3A_1155 : memref<1x128xi32, #tpu.memory_space<vmem>>) target_semaphore(%dma_start3A_1151 : memref<!tpu.dma_semaphore, #tpu.memory_space<semaphore_mem>>)
            "tpu.trace_stop"() : () -> ()
          } else {
          }
          %and3A_326 = arith.constant true
          %and3A_327 = arith.andi %and3A_322, %and3A_326 : i1
          %add3A_328 = arith.constant 1 : i32
          %add3A_329 = arith.addi %while3A_249, %add3A_328 : i32
          %select_n3A_330 = arith.select %and3A_327, %add3A_329, %while3A_249 : i32
          %jit3A_331 = arith.constant 25 : i32
          %div3A_332 = arith.divsi %add3A_261, %jit3A_331 : i32
          %sign3A_333 = arith.constant 0 : i32
          %sign3A_334 = arith.cmpi sgt, %add3A_261, %sign3A_333 : i32
          %sign3A_335 = arith.extui %sign3A_334 : i1 to i32
          %sign3A_336 = arith.constant 0 : i32
          %sign3A_337 = arith.cmpi slt, %add3A_261, %sign3A_336 : i32
          %sign3A_338 = arith.extui %sign3A_337 : i1 to i32
          %sign3A_339 = arith.subi %sign3A_335, %sign3A_338 : i32
          %sign3A_340 = arith.constant 0 : i32
          %sign3A_341 = arith.cmpi sgt, %jit3A_331, %sign3A_340 : i32
          %sign3A_342 = arith.extui %sign3A_341 : i1 to i32
          %sign3A_343 = arith.constant 0 : i32
          %sign3A_344 = arith.cmpi slt, %jit3A_331, %sign3A_343 : i32
          %sign3A_345 = arith.extui %sign3A_344 : i1 to i32
          %sign3A_346 = arith.subi %sign3A_342, %sign3A_345 : i32
          %ne3A_347 = arith.cmpi ne, %sign3A_339, %sign3A_346 : i32
          %rem3A_348 = arith.remsi %add3A_261, %jit3A_331 : i32
          %ne3A_349 = arith.constant 0 : i32
          %ne3A_350 = arith.cmpi ne, %rem3A_348, %ne3A_349 : i32
          %and3A_351 = arith.andi %ne3A_347, %ne3A_350 : i1
          %sub3A_352 = arith.constant 1 : i32
          %sub3A_353 = arith.subi %div3A_332, %sub3A_352 : i32
          %select_n3A_354 = arith.select %and3A_351, %sub3A_353, %div3A_332 : i32
          %jit3A_355 = arith.constant 25 : i32
          %eq3A_356 = arith.constant 0 : i32
          %eq3A_357 = arith.cmpi eq, %jit3A_355, %eq3A_356 : i32
          %jit3A_358 = arith.constant 1 : i32
          %select_n3A_359 = arith.select %eq3A_357, %jit3A_358, %jit3A_355 : i32
          %rem3A_360 = arith.remsi %add3A_261, %select_n3A_359 : i32
          %ne3A_361 = arith.constant 0 : i32
          %ne3A_362 = arith.cmpi ne, %rem3A_360, %ne3A_361 : i32
          %lt3A_363 = arith.constant 0 : i32
          %lt3A_364 = arith.cmpi slt, %rem3A_360, %lt3A_363 : i32
          %lt3A_365 = arith.constant 0 : i32
          %lt3A_366 = arith.cmpi slt, %select_n3A_359, %lt3A_365 : i32
          %ne3A_367 = arith.xori %lt3A_364, %lt3A_366 : i1
          %and3A_368 = arith.andi %ne3A_367, %ne3A_362 : i1
          %add3A_369 = arith.addi %rem3A_360, %select_n3A_359 : i32
          %select_n3A_370 = arith.select %and3A_368, %add3A_369, %rem3A_360 : i32
          %jit3A_371 = arith.constant 25 : i32
          %div3A_372 = arith.divsi %add3A_279, %jit3A_371 : i32
          %sign3A_373 = arith.constant 0 : i32
          %sign3A_374 = arith.cmpi sgt, %add3A_279, %sign3A_373 : i32
          %sign3A_375 = arith.extui %sign3A_374 : i1 to i32
          %sign3A_376 = arith.constant 0 : i32
          %sign3A_377 = arith.cmpi slt, %add3A_279, %sign3A_376 : i32
          %sign3A_378 = arith.extui %sign3A_377 : i1 to i32
          %sign3A_379 = arith.subi %sign3A_375, %sign3A_378 : i32
          %sign3A_380 = arith.constant 0 : i32
          %sign3A_381 = arith.cmpi sgt, %jit3A_371, %sign3A_380 : i32
          %sign3A_382 = arith.extui %sign3A_381 : i1 to i32
          %sign3A_383 = arith.constant 0 : i32
          %sign3A_384 = arith.cmpi slt, %jit3A_371, %sign3A_383 : i32
          %sign3A_385 = arith.extui %sign3A_384 : i1 to i32
          %sign3A_386 = arith.subi %sign3A_382, %sign3A_385 : i32
          %ne3A_387 = arith.cmpi ne, %sign3A_379, %sign3A_386 : i32
          %rem3A_388 = arith.remsi %add3A_279, %jit3A_371 : i32
          %ne3A_389 = arith.constant 0 : i32
          %ne3A_390 = arith.cmpi ne, %rem3A_388, %ne3A_389 : i32
          %and3A_391 = arith.andi %ne3A_387, %ne3A_390 : i1
          %sub3A_392 = arith.constant 1 : i32
          %sub3A_393 = arith.subi %div3A_372, %sub3A_392 : i32
          %select_n3A_394 = arith.select %and3A_391, %sub3A_393, %div3A_372 : i32
          %jit3A_395 = arith.constant 25 : i32
          %eq3A_396 = arith.constant 0 : i32
          %eq3A_397 = arith.cmpi eq, %jit3A_395, %eq3A_396 : i32
          %jit3A_398 = arith.constant 1 : i32
          %select_n3A_399 = arith.select %eq3A_397, %jit3A_398, %jit3A_395 : i32
          %rem3A_400 = arith.remsi %add3A_279, %select_n3A_399 : i32
          %ne3A_401 = arith.constant 0 : i32
          %ne3A_402 = arith.cmpi ne, %rem3A_400, %ne3A_401 : i32
          %lt3A_403 = arith.constant 0 : i32
          %lt3A_404 = arith.cmpi slt, %rem3A_400, %lt3A_403 : i32
          %lt3A_405 = arith.constant 0 : i32
          %lt3A_406 = arith.cmpi slt, %select_n3A_399, %lt3A_405 : i32
          %ne3A_407 = arith.xori %lt3A_404, %lt3A_406 : i1
          %and3A_408 = arith.andi %ne3A_407, %ne3A_402 : i1
          %add3A_409 = arith.addi %rem3A_400, %select_n3A_399 : i32
          %select_n3A_410 = arith.select %and3A_408, %add3A_409, %rem3A_400 : i32
          %ne3A_411 = arith.cmpi ne, %select_n3A_354, %select_n3A_394 : i32
          %ne3A_412 = arith.cmpi ne, %select_n3A_370, %select_n3A_410 : i32
          %or3A_413 = arith.constant false
          %or3A_414 = arith.ori %or3A_413, %ne3A_411 : i1
          %or3A_415 = arith.ori %or3A_414, %ne3A_412 : i1
          %or3A_416 = arith.constant false
          %or3A_417 = arith.ori %or3A_415, %or3A_416 : i1
          %sub3A_418 = arith.constant 2 : i32
          %sub3A_419 = arith.subi %mul3A_255, %sub3A_418 : i32
          %add3A_420 = arith.constant 1 : i32
          %add3A_421 = arith.addi %sub3A_419, %add3A_420 : i32
          %ge3A_422 = arith.cmpi sge, %while3A_246, %add3A_421 : i32
          %not3A_423 = arith.constant true
          %not3A_424 = arith.xori %ge3A_422, %not3A_423 : i1
          %and3A_425 = arith.andi %or3A_417, %not3A_424 : i1
          %convert_element_type3A_426 = arith.extui %and3A_425 : i1 to i32
          %cond3A_427 = arith.constant 0 : i32
          %cond3A_428 = arith.cmpi ne, %convert_element_type3A_426, %cond3A_427 : i32
          scf.if %cond3A_428 {
            "tpu.trace_start"() <{level = 10 : i32, message = "ep_copy_in"}> : () -> ()
            %rem3A_1138 = arith.constant 2 : i32
            %rem3A_1139 = arith.remui %while3A_251, %rem3A_1138 : i32
            %jit3A_1140 = arith.constant 25 : i32
            %div3A_1141 = arith.divsi %add3A_279, %jit3A_1140 : i32
            %sign3A_1142 = arith.constant 0 : i32
            %sign3A_1143 = arith.cmpi sgt, %add3A_279, %sign3A_1142 : i32
            %sign3A_1144 = arith.extui %sign3A_1143 : i1 to i32
            %sign3A_1145 = arith.constant 0 : i32
            %sign3A_1146 = arith.cmpi slt, %add3A_279, %sign3A_1145 : i32
            %sign3A_1147 = arith.extui %sign3A_1146 : i1 to i32
            %sign3A_1148 = arith.subi %sign3A_1144, %sign3A_1147 : i32
            %sign3A_1149 = arith.constant 0 : i32
            %sign3A_1150 = arith.cmpi sgt, %jit3A_1140, %sign3A_1149 : i32
            %sign3A_1151 = arith.extui %sign3A_1150 : i1 to i32
            %sign3A_1152 = arith.constant 0 : i32
            %sign3A_1153 = arith.cmpi slt, %jit3A_1140, %sign3A_1152 : i32
            %sign3A_1154 = arith.extui %sign3A_1153 : i1 to i32
            %sign3A_1155 = arith.subi %sign3A_1151, %sign3A_1154 : i32
            %ne3A_1156 = arith.cmpi ne, %sign3A_1148, %sign3A_1155 : i32
            %rem3A_1157 = arith.remsi %add3A_279, %jit3A_1140 : i32
            %ne3A_1158 = arith.constant 0 : i32
            %ne3A_1159 = arith.cmpi ne, %rem3A_1157, %ne3A_1158 : i32
            %and3A_1160 = arith.andi %ne3A_1156, %ne3A_1159 : i1
            %sub3A_1161 = arith.constant 1 : i32
            %sub3A_1162 = arith.subi %div3A_1141, %sub3A_1161 : i32
            %select_n3A_1163 = arith.select %and3A_1160, %sub3A_1162, %div3A_1141 : i32
            %jit3A_1164 = arith.constant 25 : i32
            %eq3A_1165 = arith.constant 0 : i32
            %eq3A_1166 = arith.cmpi eq, %jit3A_1164, %eq3A_1165 : i32
            %jit3A_1167 = arith.constant 1 : i32
            %select_n3A_1168 = arith.select %eq3A_1166, %jit3A_1167, %jit3A_1164 : i32
            %rem3A_1169 = arith.remsi %add3A_279, %select_n3A_1168 : i32
            %ne3A_1170 = arith.constant 0 : i32
            %ne3A_1171 = arith.cmpi ne, %rem3A_1169, %ne3A_1170 : i32
            %lt3A_1172 = arith.constant 0 : i32
            %lt3A_1173 = arith.cmpi slt, %rem3A_1169, %lt3A_1172 : i32
            %lt3A_1174 = arith.constant 0 : i32
            %lt3A_1175 = arith.cmpi slt, %select_n3A_1168, %lt3A_1174 : i32
            %ne3A_1176 = arith.xori %lt3A_1173, %lt3A_1175 : i1
            %and3A_1177 = arith.andi %ne3A_1176, %ne3A_1171 : i1
            %add3A_1178 = arith.addi %rem3A_1169, %select_n3A_1168 : i32
            %select_n3A_1179 = arith.select %and3A_1177, %add3A_1178, %rem3A_1169 : i32
            %mul3A_1180 = arith.constant 1 : i32
            %mul3A_1181 = arith.muli %mul3A_1180, %select_n3A_1163 : i32
            %mul3A_1182 = arith.constant 1 : i32
            %mul3A_1183 = arith.muli %mul3A_1182, %select_n3A_1179 : i32
            %dma_start3A_1184 = arith.constant 0 : i32
            %dma_start3A_1185 = arith.constant 0 : i32
            %dma_start3A_1186 = arith.constant 0 : i32
            %dma_start3A_1187 = tpu.memref_slice %run_scoped3A_22[%rem3A_1139, %dma_start3A_1184, %dma_start3A_1185, %dma_start3A_1186] : memref<2x1x1x128xf32, #tpu.memory_space<vmem>> -> memref<1x1x1x128xf32, #tpu.memory_space<vmem>>
            %dma_start3A_1188 = tpu.memref_squeeze %dma_start3A_1187 : memref<1x1x1x128xf32, #tpu.memory_space<vmem>> -> memref<1x1x128xf32, #tpu.memory_space<vmem>>
            %dma_start3A_1189 = arith.constant 0 : i32
            %dma_start3A_1190 = tpu.memref_slice %arg2[%mul3A_1181, %mul3A_1183, %dma_start3A_1189] : memref<100x25x128xf32, #tpu.memory_space<hbm>> -> memref<1x1x128xf32, #tpu.memory_space<hbm>>
            %dma_start3A_1191 = tpu.memref_slice %run_scoped3A_23[%rem3A_1139] : memref<2x!tpu.dma_semaphore, #tpu.memory_space<semaphore_mem>> -> memref<1x!tpu.dma_semaphore, #tpu.memory_space<semaphore_mem>>
            %dma_start3A_1192 = tpu.memref_squeeze %dma_start3A_1191 : memref<1x!tpu.dma_semaphore, #tpu.memory_space<semaphore_mem>> -> memref<!tpu.dma_semaphore, #tpu.memory_space<semaphore_mem>>
            %dma_start3A_1193 = arith.constant 0 : i32
            %dma_start3A_1194 = arith.constant 0 : i32
            %dma_start3A_1195 = arith.constant 0 : i32
            %dma_start3A_1196 = tpu.memref_slice %run_scoped3A_22[%rem3A_1139, %dma_start3A_1193, %dma_start3A_1194, %dma_start3A_1195] : memref<2x1x1x128xf32, #tpu.memory_space<vmem>> -> memref<1x1x1x128xf32, #tpu.memory_space<vmem>>
            %dma_start3A_1197 = tpu.memref_squeeze %dma_start3A_1196 : memref<1x1x1x128xf32, #tpu.memory_space<vmem>> -> memref<1x1x128xf32, #tpu.memory_space<vmem>>
            %dma_start3A_1198 = arith.constant 0 : i32
            %dma_start3A_1199 = tpu.memref_slice %arg2[%mul3A_1181, %mul3A_1183, %dma_start3A_1198] : memref<100x25x128xf32, #tpu.memory_space<hbm>> -> memref<1x1x128xf32, #tpu.memory_space<hbm>>
            tpu.enqueue_dma source(%dma_start3A_1199 : memref<1x1x128xf32, #tpu.memory_space<hbm>>) target(%dma_start3A_1197 : memref<1x1x128xf32, #tpu.memory_space<vmem>>) target_semaphore(%dma_start3A_1192 : memref<!tpu.dma_semaphore, #tpu.memory_space<semaphore_mem>>)
            "tpu.trace_stop"() : () -> ()
          } else {
          }
          %and3A_429 = arith.constant true
          %and3A_430 = arith.andi %and3A_425, %and3A_429 : i1
          %add3A_431 = arith.constant 1 : i32
          %add3A_432 = arith.addi %while3A_251, %add3A_431 : i32
          %select_n3A_433 = arith.select %and3A_430, %add3A_432, %while3A_251 : i32
          %add3A_434 = arith.constant 0 : i32
          %add3A_435 = arith.addi %add3A_434, %add3A_261 : i32
          %add3A_436 = arith.constant 0 : i32
          %add3A_437 = arith.addi %add3A_436, %add3A_271 : i32
          %ne3A_438 = arith.cmpi ne, %add3A_435, %add3A_437 : i32
          %or3A_439 = arith.constant false
          %or3A_440 = arith.ori %or3A_439, %ne3A_438 : i1
          %or3A_441 = arith.ori %or3A_440, %eq3A_257 : i1
          %convert_element_type3A_442 = arith.extui %or3A_441 : i1 to i32
          %cond3A_443 = arith.constant 0 : i32
          %cond3A_444 = arith.cmpi ne, %convert_element_type3A_442, %cond3A_443 : i32
          scf.if %cond3A_444 {
            "tpu.trace_start"() <{level = 10 : i32, message = "ep_wait_in"}> : () -> ()
            %add3A_1138 = arith.constant 0 : i32
            %add3A_1139 = arith.addi %add3A_1138, %add3A_261 : i32
            %mul3A_1140 = arith.constant 128 : i32
            %mul3A_1141 = arith.muli %mul3A_1140, %add3A_1139 : i32
            %rem3A_1142 = arith.constant 2 : i32
            %rem3A_1143 = arith.remui %while3A_248, %rem3A_1142 : i32
            %dma_wait3A = arith.constant 0 : i32
            %dma_wait3A_1144 = arith.constant 0 : i32
            %dma_wait3A_1145 = tpu.memref_slice %run_scoped3A[%rem3A_1143, %dma_wait3A, %dma_wait3A_1144] : memref<2x1x128xi32, #tpu.memory_space<vmem>> -> memref<1x1x128xi32, #tpu.memory_space<vmem>>
            %dma_wait3A_1146 = tpu.memref_squeeze %dma_wait3A_1145 : memref<1x1x128xi32, #tpu.memory_space<vmem>> -> memref<1x128xi32, #tpu.memory_space<vmem>>
            %dma_wait3A_1147 = arith.constant 0 : i32
            %dma_wait3A_1148 = tpu.memref_slice %arg3[%dma_wait3A_1147, %mul3A_1141] : memref<1x640000xi32, #tpu.memory_space<hbm>> -> memref<1x128xi32, #tpu.memory_space<hbm>>
            %dma_wait3A_1149 = tpu.memref_slice %run_scoped3A_19[%rem3A_1143] : memref<2x!tpu.dma_semaphore, #tpu.memory_space<semaphore_mem>> -> memref<1x!tpu.dma_semaphore, #tpu.memory_space<semaphore_mem>>
            %dma_wait3A_1150 = tpu.memref_squeeze %dma_wait3A_1149 : memref<1x!tpu.dma_semaphore, #tpu.memory_space<semaphore_mem>> -> memref<!tpu.dma_semaphore, #tpu.memory_space<semaphore_mem>>
            %dma_wait3A_1151 = arith.constant 0 : i32
            %dma_wait3A_1152 = arith.constant 0 : i32
            %dma_wait3A_1153 = tpu.memref_slice %run_scoped3A[%rem3A_1143, %dma_wait3A_1151, %dma_wait3A_1152] : memref<2x1x128xi32, #tpu.memory_space<vmem>> -> memref<1x1x128xi32, #tpu.memory_space<vmem>>
            %dma_wait3A_1154 = tpu.memref_squeeze %dma_wait3A_1153 : memref<1x1x128xi32, #tpu.memory_space<vmem>> -> memref<1x128xi32, #tpu.memory_space<vmem>>
            %dma_wait3A_1155 = arith.constant 0 : i32
            %dma_wait3A_1156 = tpu.memref_slice %arg3[%dma_wait3A_1155, %mul3A_1141] : memref<1x640000xi32, #tpu.memory_space<hbm>> -> memref<1x128xi32, #tpu.memory_space<hbm>>
            tpu.wait_dma2 semaphore(%dma_wait3A_1150 : memref<!tpu.dma_semaphore, #tpu.memory_space<semaphore_mem>>) src(%dma_wait3A_1156 : memref<1x128xi32, #tpu.memory_space<hbm>>) dst(%dma_wait3A_1154 : memref<1x128xi32, #tpu.memory_space<vmem>>)
            "tpu.trace_stop"() : () -> ()
          } else {
          }
          %add3A_445 = arith.constant 2500 : i32
          %add3A_446 = arith.addi %add3A_445, %add3A_261 : i32
          %add3A_447 = arith.constant 2500 : i32
          %add3A_448 = arith.addi %add3A_447, %add3A_271 : i32
          %ne3A_449 = arith.cmpi ne, %add3A_446, %add3A_448 : i32
          %or3A_450 = arith.constant false
          %or3A_451 = arith.ori %or3A_450, %ne3A_449 : i1
          %or3A_452 = arith.ori %or3A_451, %eq3A_257 : i1
          %convert_element_type3A_453 = arith.extui %or3A_452 : i1 to i32
          %cond3A_454 = arith.constant 0 : i32
          %cond3A_455 = arith.cmpi ne, %convert_element_type3A_453, %cond3A_454 : i32
          scf.if %cond3A_455 {
            "tpu.trace_start"() <{level = 10 : i32, message = "ep_wait_in"}> : () -> ()
            %add3A_1138 = arith.constant 2500 : i32
            %add3A_1139 = arith.addi %add3A_1138, %add3A_261 : i32
            %mul3A_1140 = arith.constant 128 : i32
            %mul3A_1141 = arith.muli %mul3A_1140, %add3A_1139 : i32
            %rem3A_1142 = arith.constant 2 : i32
            %rem3A_1143 = arith.remui %while3A_250, %rem3A_1142 : i32
            %dma_wait3A = arith.constant 0 : i32
            %dma_wait3A_1144 = arith.constant 0 : i32
            %dma_wait3A_1145 = tpu.memref_slice %run_scoped3A_20[%rem3A_1143, %dma_wait3A, %dma_wait3A_1144] : memref<2x1x128xi32, #tpu.memory_space<vmem>> -> memref<1x1x128xi32, #tpu.memory_space<vmem>>
            %dma_wait3A_1146 = tpu.memref_squeeze %dma_wait3A_1145 : memref<1x1x128xi32, #tpu.memory_space<vmem>> -> memref<1x128xi32, #tpu.memory_space<vmem>>
            %dma_wait3A_1147 = arith.constant 0 : i32
            %dma_wait3A_1148 = tpu.memref_slice %arg3[%dma_wait3A_1147, %mul3A_1141] : memref<1x640000xi32, #tpu.memory_space<hbm>> -> memref<1x128xi32, #tpu.memory_space<hbm>>
            %dma_wait3A_1149 = tpu.memref_slice %run_scoped3A_21[%rem3A_1143] : memref<2x!tpu.dma_semaphore, #tpu.memory_space<semaphore_mem>> -> memref<1x!tpu.dma_semaphore, #tpu.memory_space<semaphore_mem>>
            %dma_wait3A_1150 = tpu.memref_squeeze %dma_wait3A_1149 : memref<1x!tpu.dma_semaphore, #tpu.memory_space<semaphore_mem>> -> memref<!tpu.dma_semaphore, #tpu.memory_space<semaphore_mem>>
            %dma_wait3A_1151 = arith.constant 0 : i32
            %dma_wait3A_1152 = arith.constant 0 : i32
            %dma_wait3A_1153 = tpu.memref_slice %run_scoped3A_20[%rem3A_1143, %dma_wait3A_1151, %dma_wait3A_1152] : memref<2x1x128xi32, #tpu.memory_space<vmem>> -> memref<1x1x128xi32, #tpu.memory_space<vmem>>
            %dma_wait3A_1154 = tpu.memref_squeeze %dma_wait3A_1153 : memref<1x1x128xi32, #tpu.memory_space<vmem>> -> memref<1x128xi32, #tpu.memory_space<vmem>>
            %dma_wait3A_1155 = arith.constant 0 : i32
            %dma_wait3A_1156 = tpu.memref_slice %arg3[%dma_wait3A_1155, %mul3A_1141] : memref<1x640000xi32, #tpu.memory_space<hbm>> -> memref<1x128xi32, #tpu.memory_space<hbm>>
            tpu.wait_dma2 semaphore(%dma_wait3A_1150 : memref<!tpu.dma_semaphore, #tpu.memory_space<semaphore_mem>>) src(%dma_wait3A_1156 : memref<1x128xi32, #tpu.memory_space<hbm>>) dst(%dma_wait3A_1154 : memref<1x128xi32, #tpu.memory_space<vmem>>)
            "tpu.trace_stop"() : () -> ()
          } else {
          }
          %jit3A_456 = arith.constant 25 : i32
          %div3A_457 = arith.divsi %add3A_261, %jit3A_456 : i32
          %sign3A_458 = arith.constant 0 : i32
          %sign3A_459 = arith.cmpi sgt, %add3A_261, %sign3A_458 : i32
          %sign3A_460 = arith.extui %sign3A_459 : i1 to i32
          %sign3A_461 = arith.constant 0 : i32
          %sign3A_462 = arith.cmpi slt, %add3A_261, %sign3A_461 : i32
          %sign3A_463 = arith.extui %sign3A_462 : i1 to i32
          %sign3A_464 = arith.subi %sign3A_460, %sign3A_463 : i32
          %sign3A_465 = arith.constant 0 : i32
          %sign3A_466 = arith.cmpi sgt, %jit3A_456, %sign3A_465 : i32
          %sign3A_467 = arith.extui %sign3A_466 : i1 to i32
          %sign3A_468 = arith.constant 0 : i32
          %sign3A_469 = arith.cmpi slt, %jit3A_456, %sign3A_468 : i32
          %sign3A_470 = arith.extui %sign3A_469 : i1 to i32
          %sign3A_471 = arith.subi %sign3A_467, %sign3A_470 : i32
          %ne3A_472 = arith.cmpi ne, %sign3A_464, %sign3A_471 : i32
          %rem3A_473 = arith.remsi %add3A_261, %jit3A_456 : i32
          %ne3A_474 = arith.constant 0 : i32
          %ne3A_475 = arith.cmpi ne, %rem3A_473, %ne3A_474 : i32
          %and3A_476 = arith.andi %ne3A_472, %ne3A_475 : i1
          %sub3A_477 = arith.constant 1 : i32
          %sub3A_478 = arith.subi %div3A_457, %sub3A_477 : i32
          %select_n3A_479 = arith.select %and3A_476, %sub3A_478, %div3A_457 : i32
          %jit3A_480 = arith.constant 25 : i32
          %eq3A_481 = arith.constant 0 : i32
          %eq3A_482 = arith.cmpi eq, %jit3A_480, %eq3A_481 : i32
          %jit3A_483 = arith.constant 1 : i32
          %select_n3A_484 = arith.select %eq3A_482, %jit3A_483, %jit3A_480 : i32
          %rem3A_485 = arith.remsi %add3A_261, %select_n3A_484 : i32
          %ne3A_486 = arith.constant 0 : i32
          %ne3A_487 = arith.cmpi ne, %rem3A_485, %ne3A_486 : i32
          %lt3A_488 = arith.constant 0 : i32
          %lt3A_489 = arith.cmpi slt, %rem3A_485, %lt3A_488 : i32
          %lt3A_490 = arith.constant 0 : i32
          %lt3A_491 = arith.cmpi slt, %select_n3A_484, %lt3A_490 : i32
          %ne3A_492 = arith.xori %lt3A_489, %lt3A_491 : i1
          %and3A_493 = arith.andi %ne3A_492, %ne3A_487 : i1
          %add3A_494 = arith.addi %rem3A_485, %select_n3A_484 : i32
          %select_n3A_495 = arith.select %and3A_493, %add3A_494, %rem3A_485 : i32
          %jit3A_496 = arith.constant 25 : i32
          %div3A_497 = arith.divsi %add3A_271, %jit3A_496 : i32
          %sign3A_498 = arith.constant 0 : i32
          %sign3A_499 = arith.cmpi sgt, %add3A_271, %sign3A_498 : i32
          %sign3A_500 = arith.extui %sign3A_499 : i1 to i32
          %sign3A_501 = arith.constant 0 : i32
          %sign3A_502 = arith.cmpi slt, %add3A_271, %sign3A_501 : i32
          %sign3A_503 = arith.extui %sign3A_502 : i1 to i32
          %sign3A_504 = arith.subi %sign3A_500, %sign3A_503 : i32
          %sign3A_505 = arith.constant 0 : i32
          %sign3A_506 = arith.cmpi sgt, %jit3A_496, %sign3A_505 : i32
          %sign3A_507 = arith.extui %sign3A_506 : i1 to i32
          %sign3A_508 = arith.constant 0 : i32
          %sign3A_509 = arith.cmpi slt, %jit3A_496, %sign3A_508 : i32
          %sign3A_510 = arith.extui %sign3A_509 : i1 to i32
          %sign3A_511 = arith.subi %sign3A_507, %sign3A_510 : i32
          %ne3A_512 = arith.cmpi ne, %sign3A_504, %sign3A_511 : i32
          %rem3A_513 = arith.remsi %add3A_271, %jit3A_496 : i32
          %ne3A_514 = arith.constant 0 : i32
          %ne3A_515 = arith.cmpi ne, %rem3A_513, %ne3A_514 : i32
          %and3A_516 = arith.andi %ne3A_512, %ne3A_515 : i1
          %sub3A_517 = arith.constant 1 : i32
          %sub3A_518 = arith.subi %div3A_497, %sub3A_517 : i32
          %select_n3A_519 = arith.select %and3A_516, %sub3A_518, %div3A_497 : i32
          %jit3A_520 = arith.constant 25 : i32
          %eq3A_521 = arith.constant 0 : i32
          %eq3A_522 = arith.cmpi eq, %jit3A_520, %eq3A_521 : i32
          %jit3A_523 = arith.constant 1 : i32
          %select_n3A_524 = arith.select %eq3A_522, %jit3A_523, %jit3A_520 : i32
          %rem3A_525 = arith.remsi %add3A_271, %select_n3A_524 : i32
          %ne3A_526 = arith.constant 0 : i32
          %ne3A_527 = arith.cmpi ne, %rem3A_525, %ne3A_526 : i32
          %lt3A_528 = arith.constant 0 : i32
          %lt3A_529 = arith.cmpi slt, %rem3A_525, %lt3A_528 : i32
          %lt3A_530 = arith.constant 0 : i32
          %lt3A_531 = arith.cmpi slt, %select_n3A_524, %lt3A_530 : i32
          %ne3A_532 = arith.xori %lt3A_529, %lt3A_531 : i1
          %and3A_533 = arith.andi %ne3A_532, %ne3A_527 : i1
          %add3A_534 = arith.addi %rem3A_525, %select_n3A_524 : i32
          %select_n3A_535 = arith.select %and3A_533, %add3A_534, %rem3A_525 : i32
          %ne3A_536 = arith.cmpi ne, %select_n3A_479, %select_n3A_519 : i32
          %ne3A_537 = arith.cmpi ne, %select_n3A_495, %select_n3A_535 : i32
          %or3A_538 = arith.constant false
          %or3A_539 = arith.ori %or3A_538, %ne3A_536 : i1
          %or3A_540 = arith.ori %or3A_539, %ne3A_537 : i1
          %or3A_541 = arith.constant false
          %or3A_542 = arith.ori %or3A_540, %or3A_541 : i1
          %or3A_543 = arith.ori %or3A_542, %eq3A_257 : i1
          %convert_element_type3A_544 = arith.extui %or3A_543 : i1 to i32
          %cond3A_545 = arith.constant 0 : i32
          %cond3A_546 = arith.cmpi ne, %convert_element_type3A_544, %cond3A_545 : i32
          scf.if %cond3A_546 {
            %jit3A_1138 = arith.constant 25 : i32
            "tpu.trace_start"() <{level = 10 : i32, message = "ep_wait_in"}> : () -> ()
            %div3A_1139 = arith.divsi %add3A_261, %jit3A_1138 : i32
            %sign3A_1140 = arith.constant 0 : i32
            %sign3A_1141 = arith.cmpi sgt, %add3A_261, %sign3A_1140 : i32
            %sign3A_1142 = arith.extui %sign3A_1141 : i1 to i32
            %sign3A_1143 = arith.constant 0 : i32
            %sign3A_1144 = arith.cmpi slt, %add3A_261, %sign3A_1143 : i32
            %sign3A_1145 = arith.extui %sign3A_1144 : i1 to i32
            %sign3A_1146 = arith.subi %sign3A_1142, %sign3A_1145 : i32
            %sign3A_1147 = arith.constant 0 : i32
            %sign3A_1148 = arith.cmpi sgt, %jit3A_1138, %sign3A_1147 : i32
            %sign3A_1149 = arith.extui %sign3A_1148 : i1 to i32
            %sign3A_1150 = arith.constant 0 : i32
            %sign3A_1151 = arith.cmpi slt, %jit3A_1138, %sign3A_1150 : i32
            %sign3A_1152 = arith.extui %sign3A_1151 : i1 to i32
            %sign3A_1153 = arith.subi %sign3A_1149, %sign3A_1152 : i32
            %ne3A_1154 = arith.cmpi ne, %sign3A_1146, %sign3A_1153 : i32
            %rem3A_1155 = arith.remsi %add3A_261, %jit3A_1138 : i32
            %ne3A_1156 = arith.constant 0 : i32
            %ne3A_1157 = arith.cmpi ne, %rem3A_1155, %ne3A_1156 : i32
            %and3A_1158 = arith.andi %ne3A_1154, %ne3A_1157 : i1
            %sub3A_1159 = arith.constant 1 : i32
            %sub3A_1160 = arith.subi %div3A_1139, %sub3A_1159 : i32
            %select_n3A_1161 = arith.select %and3A_1158, %sub3A_1160, %div3A_1139 : i32
            %jit3A_1162 = arith.constant 25 : i32
            %eq3A_1163 = arith.constant 0 : i32
            %eq3A_1164 = arith.cmpi eq, %jit3A_1162, %eq3A_1163 : i32
            %jit3A_1165 = arith.constant 1 : i32
            %select_n3A_1166 = arith.select %eq3A_1164, %jit3A_1165, %jit3A_1162 : i32
            %rem3A_1167 = arith.remsi %add3A_261, %select_n3A_1166 : i32
            %ne3A_1168 = arith.constant 0 : i32
            %ne3A_1169 = arith.cmpi ne, %rem3A_1167, %ne3A_1168 : i32
            %lt3A_1170 = arith.constant 0 : i32
            %lt3A_1171 = arith.cmpi slt, %rem3A_1167, %lt3A_1170 : i32
            %lt3A_1172 = arith.constant 0 : i32
            %lt3A_1173 = arith.cmpi slt, %select_n3A_1166, %lt3A_1172 : i32
            %ne3A_1174 = arith.xori %lt3A_1171, %lt3A_1173 : i1
            %and3A_1175 = arith.andi %ne3A_1174, %ne3A_1169 : i1
            %add3A_1176 = arith.addi %rem3A_1167, %select_n3A_1166 : i32
            %select_n3A_1177 = arith.select %and3A_1175, %add3A_1176, %rem3A_1167 : i32
            %mul3A_1178 = arith.constant 1 : i32
            %mul3A_1179 = arith.muli %mul3A_1178, %select_n3A_1161 : i32
            %mul3A_1180 = arith.constant 1 : i32
            %mul3A_1181 = arith.muli %mul3A_1180, %select_n3A_1177 : i32
            %rem3A_1182 = arith.constant 2 : i32
            %rem3A_1183 = arith.remui %while3A_252, %rem3A_1182 : i32
            %dma_wait3A = arith.constant 0 : i32
            %dma_wait3A_1184 = arith.constant 0 : i32
            %dma_wait3A_1185 = arith.constant 0 : i32
            %dma_wait3A_1186 = tpu.memref_slice %run_scoped3A_22[%rem3A_1183, %dma_wait3A, %dma_wait3A_1184, %dma_wait3A_1185] : memref<2x1x1x128xf32, #tpu.memory_space<vmem>> -> memref<1x1x1x128xf32, #tpu.memory_space<vmem>>
            %dma_wait3A_1187 = tpu.memref_squeeze %dma_wait3A_1186 : memref<1x1x1x128xf32, #tpu.memory_space<vmem>> -> memref<1x1x128xf32, #tpu.memory_space<vmem>>
            %dma_wait3A_1188 = arith.constant 0 : i32
            %dma_wait3A_1189 = tpu.memref_slice %arg2[%mul3A_1179, %mul3A_1181, %dma_wait3A_1188] : memref<100x25x128xf32, #tpu.memory_space<hbm>> -> memref<1x1x128xf32, #tpu.memory_space<hbm>>
            %dma_wait3A_1190 = tpu.memref_slice %run_scoped3A_23[%rem3A_1183] : memref<2x!tpu.dma_semaphore, #tpu.memory_space<semaphore_mem>> -> memref<1x!tpu.dma_semaphore, #tpu.memory_space<semaphore_mem>>
            %dma_wait3A_1191 = tpu.memref_squeeze %dma_wait3A_1190 : memref<1x!tpu.dma_semaphore, #tpu.memory_space<semaphore_mem>> -> memref<!tpu.dma_semaphore, #tpu.memory_space<semaphore_mem>>
            %dma_wait3A_1192 = arith.constant 0 : i32
            %dma_wait3A_1193 = arith.constant 0 : i32
            %dma_wait3A_1194 = arith.constant 0 : i32
            %dma_wait3A_1195 = tpu.memref_slice %run_scoped3A_22[%rem3A_1183, %dma_wait3A_1192, %dma_wait3A_1193, %dma_wait3A_1194] : memref<2x1x1x128xf32, #tpu.memory_space<vmem>> -> memref<1x1x1x128xf32, #tpu.memory_space<vmem>>
            %dma_wait3A_1196 = tpu.memref_squeeze %dma_wait3A_1195 : memref<1x1x1x128xf32, #tpu.memory_space<vmem>> -> memref<1x1x128xf32, #tpu.memory_space<vmem>>
            %dma_wait3A_1197 = arith.constant 0 : i32
            %dma_wait3A_1198 = tpu.memref_slice %arg2[%mul3A_1179, %mul3A_1181, %dma_wait3A_1197] : memref<100x25x128xf32, #tpu.memory_space<hbm>> -> memref<1x1x128xf32, #tpu.memory_space<hbm>>
            tpu.wait_dma2 semaphore(%dma_wait3A_1191 : memref<!tpu.dma_semaphore, #tpu.memory_space<semaphore_mem>>) src(%dma_wait3A_1198 : memref<1x1x128xf32, #tpu.memory_space<hbm>>) dst(%dma_wait3A_1196 : memref<1x1x128xf32, #tpu.memory_space<vmem>>)
            "tpu.trace_stop"() : () -> ()
          } else {
          }
          %rem3A_547 = arith.constant 2 : i32
          %rem3A_548 = arith.remui %while3A_248, %rem3A_547 : i32
          %rem3A_549 = arith.constant 2 : i32
          %rem3A_550 = arith.remui %while3A_250, %rem3A_549 : i32
          %rem3A_551 = arith.constant 2 : i32
          %rem3A_552 = arith.remui %while3A_252, %rem3A_551 : i32
          "tpu.trace_start"() <{level = 10 : i32, message = "ep_run_kernel"}> : () -> ()
          %mul3A_553 = arith.constant 64 : i32
          %mul3A_554 = arith.muli %arg0, %mul3A_553 : i32
          %add3A_555 = arith.constant 0 : i32
          %add3A_556 = arith.addi %mul3A_554, %add3A_555 : i32
          %get3A = arith.constant 0 : i32
          %get3A_557 = arith.constant 0 : i32
          %get3A_558 = arith.constant 0 : i32
          %get3A_559 = tpu.memref_slice %run_scoped3A[%rem3A_548, %get3A_557, %get3A_558] : memref<2x1x128xi32, #tpu.memory_space<vmem>> -> memref<1x1x128xi32, #tpu.memory_space<vmem>>
          %get3A_560 = tpu.memref_squeeze %get3A_559 : memref<1x1x128xi32, #tpu.memory_space<vmem>> -> memref<1x128xi32, #tpu.memory_space<vmem>>
          %get3A_561 = arith.index_cast %get3A : i32 to index
          %get3A_562 = arith.index_cast %add3A_556 : i32 to index
          %get3A_563 = tpu.vector_load %get3A_560[%get3A_561, %get3A_562] {strides = array<i32>} : memref<1x128xi32, #tpu.memory_space<vmem>>, vector<16xi32>,
          %get3A_564 = arith.constant 0 : i32
          %get3A_565 = arith.constant 0 : i32
          %get3A_566 = arith.constant 0 : i32
          %get3A_567 = tpu.memref_slice %run_scoped3A_20[%rem3A_550, %get3A_565, %get3A_566] : memref<2x1x128xi32, #tpu.memory_space<vmem>> -> memref<1x1x128xi32, #tpu.memory_space<vmem>>
          %get3A_568 = tpu.memref_squeeze %get3A_567 : memref<1x1x128xi32, #tpu.memory_space<vmem>> -> memref<1x128xi32, #tpu.memory_space<vmem>>
          %get3A_569 = arith.index_cast %get3A_564 : i32 to index
          %get3A_570 = arith.index_cast %add3A_556 : i32 to index
          %get3A_571 = tpu.vector_load %get3A_568[%get3A_569, %get3A_570] {strides = array<i32>} : memref<1x128xi32, #tpu.memory_space<vmem>>, vector<16xi32>,
          %get3A_572 = arith.constant 0 : i32
          %get3A_573 = arith.constant 0 : i32
          %get3A_574 = arith.constant 0 : i32
          %get3A_575 = arith.constant 0 : i32
          %get3A_576 = arith.constant 0 : i32
          %get3A_577 = tpu.memref_slice %run_scoped3A_22[%rem3A_552, %get3A_574, %get3A_575, %get3A_576] : memref<2x1x1x128xf32, #tpu.memory_space<vmem>> -> memref<1x1x1x128xf32, #tpu.memory_space<vmem>>
          %get3A_578 = tpu.memref_squeeze %get3A_577 : memref<1x1x1x128xf32, #tpu.memory_space<vmem>> -> memref<1x1x128xf32, #tpu.memory_space<vmem>>
          %get3A_579 = arith.index_cast %get3A_572 : i32 to index
          %get3A_580 = arith.index_cast %get3A_573 : i32 to index
          %get3A_581 = arith.index_cast %add3A_556 : i32 to index
          %get3A_582 = tpu.vector_load %get3A_578[%get3A_579, %get3A_580, %get3A_581] {strides = array<i32>} : memref<1x1x128xf32, #tpu.memory_space<vmem>>, vector<16xf32>,
          %swap3A = arith.constant 0 : i32
          %swap3A_583 = arith.index_cast %swap3A : i32 to index
          %swap3A_584 = arith.constant 0 : index
          %swap3A_585 = tpu.vector_load %arg10[%swap3A_583, %swap3A_584] {strides = array<i32>} : memref<1x64xi32, #tpu.memory_space<vmem>>, vector<16xi32>,
          tpu.vector_store %arg10[%swap3A_583, %swap3A_584], %get3A_563 {strides = array<i32>} : memref<1x64xi32, #tpu.memory_space<vmem>>, vector<16xi32>,
          %broadcast_in_dim3A = arith.constant 0 : i32
          %broadcast_in_dim3A_586 = vector.broadcast %broadcast_in_dim3A : i32 to vector<16xi32>
          %add3A_587 = arith.addi %broadcast_in_dim3A_586, %iota3A : vector<16xi32>
          %broadcast_in_dim3A_588 = arith.constant 0 : i32
          %broadcast_in_dim3A_589 = vector.broadcast %broadcast_in_dim3A_588 : i32 to vector<16xi32>
          %gather3A = tpu.vector_load_idx %arg8[%broadcast_in_dim3A_589, %get3A_563] : memref<3x10000xf32, #tpu.memory_space<vmem>>[vector<16xi32>, vector<16xi32>], vector<16xf32>,
          %gather3A_590 = tpu.vector_load_idx %arg8[%broadcast_in_dim3A_589, %get3A_571] : memref<3x10000xf32, #tpu.memory_space<vmem>>[vector<16xi32>, vector<16xi32>], vector<16xf32>,
          %sub3A_591 = arith.subf %gather3A, %gather3A_590 : vector<16xf32>
          %mul3A_592 = arith.mulf %sub3A_591, %get3A_582 : vector<16xf32>
          tpu.vector_store_idx %arg9[%add3A_587, %broadcast_in_dim3A_589], %mul3A_592 : memref<64x128xf32, #tpu.memory_space<vmem>>[vector<16xi32>, vector<16xi32>], vector<16xf32>,
          %broadcast_in_dim3A_593 = arith.constant 1 : i32
          %broadcast_in_dim3A_594 = vector.broadcast %broadcast_in_dim3A_593 : i32 to vector<16xi32>
          %gather3A_595 = tpu.vector_load_idx %arg8[%broadcast_in_dim3A_594, %get3A_563] : memref<3x10000xf32, #tpu.memory_space<vmem>>[vector<16xi32>, vector<16xi32>], vector<16xf32>,
          %gather3A_596 = tpu.vector_load_idx %arg8[%broadcast_in_dim3A_594, %get3A_571] : memref<3x10000xf32, #tpu.memory_space<vmem>>[vector<16xi32>, vector<16xi32>], vector<16xf32>,
          %sub3A_597 = arith.subf %gather3A_595, %gather3A_596 : vector<16xf32>
          %mul3A_598 = arith.mulf %sub3A_597, %get3A_582 : vector<16xf32>
          tpu.vector_store_idx %arg9[%add3A_587, %broadcast_in_dim3A_594], %mul3A_598 : memref<64x128xf32, #tpu.memory_space<vmem>>[vector<16xi32>, vector<16xi32>], vector<16xf32>,
          %broadcast_in_dim3A_599 = arith.constant 2 : i32
          %broadcast_in_dim3A_600 = vector.broadcast %broadcast_in_dim3A_599 : i32 to vector<16xi32>
          %gather3A_601 = tpu.vector_load_idx %arg8[%broadcast_in_dim3A_600, %get3A_563] : memref<3x10000xf32, #tpu.memory_space<vmem>>[vector<16xi32>, vector<16xi32>], vector<16xf32>,
          %gather3A_602 = tpu.vector_load_idx %arg8[%broadcast_in_dim3A_600, %get3A_571] : memref<3x10000xf32, #tpu.memory_space<vmem>>[vector<16xi32>, vector<16xi32>], vector<16xf32>,
          %sub3A_603 = arith.subf %gather3A_601, %gather3A_602 : vector<16xf32>
          %mul3A_604 = arith.mulf %sub3A_603, %get3A_582 : vector<16xf32>
          tpu.vector_store_idx %arg9[%add3A_587, %broadcast_in_dim3A_600], %mul3A_604 : memref<64x128xf32, #tpu.memory_space<vmem>>[vector<16xi32>, vector<16xi32>], vector<16xf32>,
          %mul3A_605 = arith.constant 64 : i32
          %mul3A_606 = arith.muli %arg0, %mul3A_605 : i32
          %add3A_607 = arith.constant 16 : i32
          %add3A_608 = arith.addi %mul3A_606, %add3A_607 : i32
          %get3A_609 = arith.constant 0 : i32
          %get3A_610 = arith.constant 0 : i32
          %get3A_611 = arith.constant 0 : i32
          %get3A_612 = tpu.memref_slice %run_scoped3A[%rem3A_548, %get3A_610, %get3A_611] : memref<2x1x128xi32, #tpu.memory_space<vmem>> -> memref<1x1x128xi32, #tpu.memory_space<vmem>>
          %get3A_613 = tpu.memref_squeeze %get3A_612 : memref<1x1x128xi32, #tpu.memory_space<vmem>> -> memref<1x128xi32, #tpu.memory_space<vmem>>
          %get3A_614 = arith.index_cast %get3A_609 : i32 to index
          %get3A_615 = arith.index_cast %add3A_608 : i32 to index
          %get3A_616 = tpu.vector_load %get3A_613[%get3A_614, %get3A_615] {strides = array<i32>} : memref<1x128xi32, #tpu.memory_space<vmem>>, vector<16xi32>,
          %get3A_617 = arith.constant 0 : i32
          %get3A_618 = arith.constant 0 : i32
          %get3A_619 = arith.constant 0 : i32
          %get3A_620 = tpu.memref_slice %run_scoped3A_20[%rem3A_550, %get3A_618, %get3A_619] : memref<2x1x128xi32, #tpu.memory_space<vmem>> -> memref<1x1x128xi32, #tpu.memory_space<vmem>>
          %get3A_621 = tpu.memref_squeeze %get3A_620 : memref<1x1x128xi32, #tpu.memory_space<vmem>> -> memref<1x128xi32, #tpu.memory_space<vmem>>
          %get3A_622 = arith.index_cast %get3A_617 : i32 to index
          %get3A_623 = arith.index_cast %add3A_608 : i32 to index
          %get3A_624 = tpu.vector_load %get3A_621[%get3A_622, %get3A_623] {strides = array<i32>} : memref<1x128xi32, #tpu.memory_space<vmem>>, vector<16xi32>,
          %get3A_625 = arith.constant 0 : i32
          %get3A_626 = arith.constant 0 : i32
          %get3A_627 = arith.constant 0 : i32
          %get3A_628 = arith.constant 0 : i32
          %get3A_629 = arith.constant 0 : i32
          %get3A_630 = tpu.memref_slice %run_scoped3A_22[%rem3A_552, %get3A_627, %get3A_628, %get3A_629] : memref<2x1x1x128xf32, #tpu.memory_space<vmem>> -> memref<1x1x1x128xf32, #tpu.memory_space<vmem>>
          %get3A_631 = tpu.memref_squeeze %get3A_630 : memref<1x1x1x128xf32, #tpu.memory_space<vmem>> -> memref<1x1x128xf32, #tpu.memory_space<vmem>>
          %get3A_632 = arith.index_cast %get3A_625 : i32 to index
          %get3A_633 = arith.index_cast %get3A_626 : i32 to index
          %get3A_634 = arith.index_cast %add3A_608 : i32 to index
          %get3A_635 = tpu.vector_load %get3A_631[%get3A_632, %get3A_633, %get3A_634] {strides = array<i32>} : memref<1x1x128xf32, #tpu.memory_space<vmem>>, vector<16xf32>,
          %swap3A_636 = arith.constant 0 : i32
          %swap3A_637 = arith.index_cast %swap3A_636 : i32 to index
          %swap3A_638 = arith.constant 16 : index
          %swap3A_639 = tpu.vector_load %arg10[%swap3A_637, %swap3A_638] {strides = array<i32>} : memref<1x64xi32, #tpu.memory_space<vmem>>, vector<16xi32>,
          tpu.vector_store %arg10[%swap3A_637, %swap3A_638], %get3A_616 {strides = array<i32>} : memref<1x64xi32, #tpu.memory_space<vmem>>, vector<16xi32>,
          %broadcast_in_dim3A_640 = arith.constant 16 : i32
          %broadcast_in_dim3A_641 = vector.broadcast %broadcast_in_dim3A_640 : i32 to vector<16xi32>
          %add3A_642 = arith.addi %broadcast_in_dim3A_641, %iota3A : vector<16xi32>
          %broadcast_in_dim3A_643 = arith.constant 0 : i32
          %broadcast_in_dim3A_644 = vector.broadcast %broadcast_in_dim3A_643 : i32 to vector<16xi32>
          %gather3A_645 = tpu.vector_load_idx %arg8[%broadcast_in_dim3A_644, %get3A_616] : memref<3x10000xf32, #tpu.memory_space<vmem>>[vector<16xi32>, vector<16xi32>], vector<16xf32>,
          %gather3A_646 = tpu.vector_load_idx %arg8[%broadcast_in_dim3A_644, %get3A_624] : memref<3x10000xf32, #tpu.memory_space<vmem>>[vector<16xi32>, vector<16xi32>], vector<16xf32>,
          %sub3A_647 = arith.subf %gather3A_645, %gather3A_646 : vector<16xf32>
          %mul3A_648 = arith.mulf %sub3A_647, %get3A_635 : vector<16xf32>
          tpu.vector_store_idx %arg9[%add3A_642, %broadcast_in_dim3A_644], %mul3A_648 : memref<64x128xf32, #tpu.memory_space<vmem>>[vector<16xi32>, vector<16xi32>], vector<16xf32>,
          %broadcast_in_dim3A_649 = arith.constant 1 : i32
          %broadcast_in_dim3A_650 = vector.broadcast %broadcast_in_dim3A_649 : i32 to vector<16xi32>
          %gather3A_651 = tpu.vector_load_idx %arg8[%broadcast_in_dim3A_650, %get3A_616] : memref<3x10000xf32, #tpu.memory_space<vmem>>[vector<16xi32>, vector<16xi32>], vector<16xf32>,
          %gather3A_652 = tpu.vector_load_idx %arg8[%broadcast_in_dim3A_650, %get3A_624] : memref<3x10000xf32, #tpu.memory_space<vmem>>[vector<16xi32>, vector<16xi32>], vector<16xf32>,
          %sub3A_653 = arith.subf %gather3A_651, %gather3A_652 : vector<16xf32>
          %mul3A_654 = arith.mulf %sub3A_653, %get3A_635 : vector<16xf32>
          tpu.vector_store_idx %arg9[%add3A_642, %broadcast_in_dim3A_650], %mul3A_654 : memref<64x128xf32, #tpu.memory_space<vmem>>[vector<16xi32>, vector<16xi32>], vector<16xf32>,
          %broadcast_in_dim3A_655 = arith.constant 2 : i32
          %broadcast_in_dim3A_656 = vector.broadcast %broadcast_in_dim3A_655 : i32 to vector<16xi32>
          %gather3A_657 = tpu.vector_load_idx %arg8[%broadcast_in_dim3A_656, %get3A_616] : memref<3x10000xf32, #tpu.memory_space<vmem>>[vector<16xi32>, vector<16xi32>], vector<16xf32>,
          %gather3A_658 = tpu.vector_load_idx %arg8[%broadcast_in_dim3A_656, %get3A_624] : memref<3x10000xf32, #tpu.memory_space<vmem>>[vector<16xi32>, vector<16xi32>], vector<16xf32>,
          %sub3A_659 = arith.subf %gather3A_657, %gather3A_658 : vector<16xf32>
          %mul3A_660 = arith.mulf %sub3A_659, %get3A_635 : vector<16xf32>
          tpu.vector_store_idx %arg9[%add3A_642, %broadcast_in_dim3A_656], %mul3A_660 : memref<64x128xf32, #tpu.memory_space<vmem>>[vector<16xi32>, vector<16xi32>], vector<16xf32>,
          %mul3A_661 = arith.constant 64 : i32
          %mul3A_662 = arith.muli %arg0, %mul3A_661 : i32
          %add3A_663 = arith.constant 32 : i32
          %add3A_664 = arith.addi %mul3A_662, %add3A_663 : i32
          %get3A_665 = arith.constant 0 : i32
          %get3A_666 = arith.constant 0 : i32
          %get3A_667 = arith.constant 0 : i32
          %get3A_668 = tpu.memref_slice %run_scoped3A[%rem3A_548, %get3A_666, %get3A_667] : memref<2x1x128xi32, #tpu.memory_space<vmem>> -> memref<1x1x128xi32, #tpu.memory_space<vmem>>
          %get3A_669 = tpu.memref_squeeze %get3A_668 : memref<1x1x128xi32, #tpu.memory_space<vmem>> -> memref<1x128xi32, #tpu.memory_space<vmem>>
          %get3A_670 = arith.index_cast %get3A_665 : i32 to index
          %get3A_671 = arith.index_cast %add3A_664 : i32 to index
          %get3A_672 = tpu.vector_load %get3A_669[%get3A_670, %get3A_671] {strides = array<i32>} : memref<1x128xi32, #tpu.memory_space<vmem>>, vector<16xi32>,
          %get3A_673 = arith.constant 0 : i32
          %get3A_674 = arith.constant 0 : i32
          %get3A_675 = arith.constant 0 : i32
          %get3A_676 = tpu.memref_slice %run_scoped3A_20[%rem3A_550, %get3A_674, %get3A_675] : memref<2x1x128xi32, #tpu.memory_space<vmem>> -> memref<1x1x128xi32, #tpu.memory_space<vmem>>
          %get3A_677 = tpu.memref_squeeze %get3A_676 : memref<1x1x128xi32, #tpu.memory_space<vmem>> -> memref<1x128xi32, #tpu.memory_space<vmem>>
          %get3A_678 = arith.index_cast %get3A_673 : i32 to index
          %get3A_679 = arith.index_cast %add3A_664 : i32 to index
          %get3A_680 = tpu.vector_load %get3A_677[%get3A_678, %get3A_679] {strides = array<i32>} : memref<1x128xi32, #tpu.memory_space<vmem>>, vector<16xi32>,
          %get3A_681 = arith.constant 0 : i32
          %get3A_682 = arith.constant 0 : i32
          %get3A_683 = arith.constant 0 : i32
          %get3A_684 = arith.constant 0 : i32
          %get3A_685 = arith.constant 0 : i32
          %get3A_686 = tpu.memref_slice %run_scoped3A_22[%rem3A_552, %get3A_683, %get3A_684, %get3A_685] : memref<2x1x1x128xf32, #tpu.memory_space<vmem>> -> memref<1x1x1x128xf32, #tpu.memory_space<vmem>>
          %get3A_687 = tpu.memref_squeeze %get3A_686 : memref<1x1x1x128xf32, #tpu.memory_space<vmem>> -> memref<1x1x128xf32, #tpu.memory_space<vmem>>
          %get3A_688 = arith.index_cast %get3A_681 : i32 to index
          %get3A_689 = arith.index_cast %get3A_682 : i32 to index
          %get3A_690 = arith.index_cast %add3A_664 : i32 to index
          %get3A_691 = tpu.vector_load %get3A_687[%get3A_688, %get3A_689, %get3A_690] {strides = array<i32>} : memref<1x1x128xf32, #tpu.memory_space<vmem>>, vector<16xf32>,
          %swap3A_692 = arith.constant 0 : i32
          %swap3A_693 = arith.index_cast %swap3A_692 : i32 to index
          %swap3A_694 = arith.constant 32 : index
          %swap3A_695 = tpu.vector_load %arg10[%swap3A_693, %swap3A_694] {strides = array<i32>} : memref<1x64xi32, #tpu.memory_space<vmem>>, vector<16xi32>,
          tpu.vector_store %arg10[%swap3A_693, %swap3A_694], %get3A_672 {strides = array<i32>} : memref<1x64xi32, #tpu.memory_space<vmem>>, vector<16xi32>,
          %broadcast_in_dim3A_696 = arith.constant 32 : i32
          %broadcast_in_dim3A_697 = vector.broadcast %broadcast_in_dim3A_696 : i32 to vector<16xi32>
          %add3A_698 = arith.addi %broadcast_in_dim3A_697, %iota3A : vector<16xi32>
          %broadcast_in_dim3A_699 = arith.constant 0 : i32
          %broadcast_in_dim3A_700 = vector.broadcast %broadcast_in_dim3A_699 : i32 to vector<16xi32>
          %gather3A_701 = tpu.vector_load_idx %arg8[%broadcast_in_dim3A_700, %get3A_672] : memref<3x10000xf32, #tpu.memory_space<vmem>>[vector<16xi32>, vector<16xi32>], vector<16xf32>,
          %gather3A_702 = tpu.vector_load_idx %arg8[%broadcast_in_dim3A_700, %get3A_680] : memref<3x10000xf32, #tpu.memory_space<vmem>>[vector<16xi32>, vector<16xi32>], vector<16xf32>,
          %sub3A_703 = arith.subf %gather3A_701, %gather3A_702 : vector<16xf32>
          %mul3A_704 = arith.mulf %sub3A_703, %get3A_691 : vector<16xf32>
          tpu.vector_store_idx %arg9[%add3A_698, %broadcast_in_dim3A_700], %mul3A_704 : memref<64x128xf32, #tpu.memory_space<vmem>>[vector<16xi32>, vector<16xi32>], vector<16xf32>,
          %broadcast_in_dim3A_705 = arith.constant 1 : i32
          %broadcast_in_dim3A_706 = vector.broadcast %broadcast_in_dim3A_705 : i32 to vector<16xi32>
          %gather3A_707 = tpu.vector_load_idx %arg8[%broadcast_in_dim3A_706, %get3A_672] : memref<3x10000xf32, #tpu.memory_space<vmem>>[vector<16xi32>, vector<16xi32>], vector<16xf32>,
          %gather3A_708 = tpu.vector_load_idx %arg8[%broadcast_in_dim3A_706, %get3A_680] : memref<3x10000xf32, #tpu.memory_space<vmem>>[vector<16xi32>, vector<16xi32>], vector<16xf32>,
          %sub3A_709 = arith.subf %gather3A_707, %gather3A_708 : vector<16xf32>
          %mul3A_710 = arith.mulf %sub3A_709, %get3A_691 : vector<16xf32>
          tpu.vector_store_idx %arg9[%add3A_698, %broadcast_in_dim3A_706], %mul3A_710 : memref<64x128xf32, #tpu.memory_space<vmem>>[vector<16xi32>, vector<16xi32>], vector<16xf32>,
          %broadcast_in_dim3A_711 = arith.constant 2 : i32
          %broadcast_in_dim3A_712 = vector.broadcast %broadcast_in_dim3A_711 : i32 to vector<16xi32>
          %gather3A_713 = tpu.vector_load_idx %arg8[%broadcast_in_dim3A_712, %get3A_672] : memref<3x10000xf32, #tpu.memory_space<vmem>>[vector<16xi32>, vector<16xi32>], vector<16xf32>,
          %gather3A_714 = tpu.vector_load_idx %arg8[%broadcast_in_dim3A_712, %get3A_680] : memref<3x10000xf32, #tpu.memory_space<vmem>>[vector<16xi32>, vector<16xi32>], vector<16xf32>,
          %sub3A_715 = arith.subf %gather3A_713, %gather3A_714 : vector<16xf32>
          %mul3A_716 = arith.mulf %sub3A_715, %get3A_691 : vector<16xf32>
          tpu.vector_store_idx %arg9[%add3A_698, %broadcast_in_dim3A_712], %mul3A_716 : memref<64x128xf32, #tpu.memory_space<vmem>>[vector<16xi32>, vector<16xi32>], vector<16xf32>,
          %mul3A_717 = arith.constant 64 : i32
          %mul3A_718 = arith.muli %arg0, %mul3A_717 : i32
          %add3A_719 = arith.constant 48 : i32
          %add3A_720 = arith.addi %mul3A_718, %add3A_719 : i32
          %get3A_721 = arith.constant 0 : i32
          %get3A_722 = arith.constant 0 : i32
          %get3A_723 = arith.constant 0 : i32
          %get3A_724 = tpu.memref_slice %run_scoped3A[%rem3A_548, %get3A_722, %get3A_723] : memref<2x1x128xi32, #tpu.memory_space<vmem>> -> memref<1x1x128xi32, #tpu.memory_space<vmem>>
          %get3A_725 = tpu.memref_squeeze %get3A_724 : memref<1x1x128xi32, #tpu.memory_space<vmem>> -> memref<1x128xi32, #tpu.memory_space<vmem>>
          %get3A_726 = arith.index_cast %get3A_721 : i32 to index
          %get3A_727 = arith.index_cast %add3A_720 : i32 to index
          %get3A_728 = tpu.vector_load %get3A_725[%get3A_726, %get3A_727] {strides = array<i32>} : memref<1x128xi32, #tpu.memory_space<vmem>>, vector<16xi32>,
          %get3A_729 = arith.constant 0 : i32
          %get3A_730 = arith.constant 0 : i32
          %get3A_731 = arith.constant 0 : i32
          %get3A_732 = tpu.memref_slice %run_scoped3A_20[%rem3A_550, %get3A_730, %get3A_731] : memref<2x1x128xi32, #tpu.memory_space<vmem>> -> memref<1x1x128xi32, #tpu.memory_space<vmem>>
          %get3A_733 = tpu.memref_squeeze %get3A_732 : memref<1x1x128xi32, #tpu.memory_space<vmem>> -> memref<1x128xi32, #tpu.memory_space<vmem>>
          %get3A_734 = arith.index_cast %get3A_729 : i32 to index
          %get3A_735 = arith.index_cast %add3A_720 : i32 to index
          %get3A_736 = tpu.vector_load %get3A_733[%get3A_734, %get3A_735] {strides = array<i32>} : memref<1x128xi32, #tpu.memory_space<vmem>>, vector<16xi32>,
          %get3A_737 = arith.constant 0 : i32
          %get3A_738 = arith.constant 0 : i32
          %get3A_739 = arith.constant 0 : i32
          %get3A_740 = arith.constant 0 : i32
          %get3A_741 = arith.constant 0 : i32
          %get3A_742 = tpu.memref_slice %run_scoped3A_22[%rem3A_552, %get3A_739, %get3A_740, %get3A_741] : memref<2x1x1x128xf32, #tpu.memory_space<vmem>> -> memref<1x1x1x128xf32, #tpu.memory_space<vmem>>
          %get3A_743 = tpu.memref_squeeze %get3A_742 : memref<1x1x1x128xf32, #tpu.memory_space<vmem>> -> memref<1x1x128xf32, #tpu.memory_space<vmem>>
          %get3A_744 = arith.index_cast %get3A_737 : i32 to index
          %get3A_745 = arith.index_cast %get3A_738 : i32 to index
          %get3A_746 = arith.index_cast %add3A_720 : i32 to index
          %get3A_747 = tpu.vector_load %get3A_743[%get3A_744, %get3A_745, %get3A_746] {strides = array<i32>} : memref<1x1x128xf32, #tpu.memory_space<vmem>>, vector<16xf32>,
          %swap3A_748 = arith.constant 0 : i32
          %swap3A_749 = arith.index_cast %swap3A_748 : i32 to index
          %swap3A_750 = arith.constant 48 : index
          %swap3A_751 = tpu.vector_load %arg10[%swap3A_749, %swap3A_750] {strides = array<i32>} : memref<1x64xi32, #tpu.memory_space<vmem>>, vector<16xi32>,
          tpu.vector_store %arg10[%swap3A_749, %swap3A_750], %get3A_728 {strides = array<i32>} : memref<1x64xi32, #tpu.memory_space<vmem>>, vector<16xi32>,
          %broadcast_in_dim3A_752 = arith.constant 48 : i32
          %broadcast_in_dim3A_753 = vector.broadcast %broadcast_in_dim3A_752 : i32 to vector<16xi32>
          %add3A_754 = arith.addi %broadcast_in_dim3A_753, %iota3A : vector<16xi32>
          %broadcast_in_dim3A_755 = arith.constant 0 : i32
          %broadcast_in_dim3A_756 = vector.broadcast %broadcast_in_dim3A_755 : i32 to vector<16xi32>
          %gather3A_757 = tpu.vector_load_idx %arg8[%broadcast_in_dim3A_756, %get3A_728] : memref<3x10000xf32, #tpu.memory_space<vmem>>[vector<16xi32>, vector<16xi32>], vector<16xf32>,
          %gather3A_758 = tpu.vector_load_idx %arg8[%broadcast_in_dim3A_756, %get3A_736] : memref<3x10000xf32, #tpu.memory_space<vmem>>[vector<16xi32>, vector<16xi32>], vector<16xf32>,
          %sub3A_759 = arith.subf %gather3A_757, %gather3A_758 : vector<16xf32>
          %mul3A_760 = arith.mulf %sub3A_759, %get3A_747 : vector<16xf32>
          tpu.vector_store_idx %arg9[%add3A_754, %broadcast_in_dim3A_756], %mul3A_760 : memref<64x128xf32, #tpu.memory_space<vmem>>[vector<16xi32>, vector<16xi32>], vector<16xf32>,
          %broadcast_in_dim3A_761 = arith.constant 1 : i32
          %broadcast_in_dim3A_762 = vector.broadcast %broadcast_in_dim3A_761 : i32 to vector<16xi32>
          %gather3A_763 = tpu.vector_load_idx %arg8[%broadcast_in_dim3A_762, %get3A_728] : memref<3x10000xf32, #tpu.memory_space<vmem>>[vector<16xi32>, vector<16xi32>], vector<16xf32>,
          %gather3A_764 = tpu.vector_load_idx %arg8[%broadcast_in_dim3A_762, %get3A_736] : memref<3x10000xf32, #tpu.memory_space<vmem>>[vector<16xi32>, vector<16xi32>], vector<16xf32>,
          %sub3A_765 = arith.subf %gather3A_763, %gather3A_764 : vector<16xf32>
          %mul3A_766 = arith.mulf %sub3A_765, %get3A_747 : vector<16xf32>
          tpu.vector_store_idx %arg9[%add3A_754, %broadcast_in_dim3A_762], %mul3A_766 : memref<64x128xf32, #tpu.memory_space<vmem>>[vector<16xi32>, vector<16xi32>], vector<16xf32>,
          %broadcast_in_dim3A_767 = arith.constant 2 : i32
          %broadcast_in_dim3A_768 = vector.broadcast %broadcast_in_dim3A_767 : i32 to vector<16xi32>
          %gather3A_769 = tpu.vector_load_idx %arg8[%broadcast_in_dim3A_768, %get3A_728] : memref<3x10000xf32, #tpu.memory_space<vmem>>[vector<16xi32>, vector<16xi32>], vector<16xf32>,
          %gather3A_770 = tpu.vector_load_idx %arg8[%broadcast_in_dim3A_768, %get3A_736] : memref<3x10000xf32, #tpu.memory_space<vmem>>[vector<16xi32>, vector<16xi32>], vector<16xf32>,
          %sub3A_771 = arith.subf %gather3A_769, %gather3A_770 : vector<16xf32>
          %mul3A_772 = arith.mulf %sub3A_771, %get3A_747 : vector<16xf32>
          tpu.vector_store_idx %arg9[%add3A_754, %broadcast_in_dim3A_768], %mul3A_772 : memref<64x128xf32, #tpu.memory_space<vmem>>[vector<16xi32>, vector<16xi32>], vector<16xf32>,
          %run_scoped3A_773 = arith.constant 0 : i32
          "tpu.region"() ({
            %run_scoped3A_1138 = tpu.sem_alloc : memref<!tpu.dma_semaphore, #tpu.memory_space<semaphore_mem>>
            %dma_start3A_1139 = arith.constant 0 : i32
            %dma_start3A_1140 = tpu.memref_slice %arg10[%run_scoped3A_773, %dma_start3A_1139] : memref<1x64xi32, #tpu.memory_space<vmem>> -> memref<1x64xi32, #tpu.memory_space<vmem>>
            %dma_start3A_1141 = tpu.memref_squeeze %dma_start3A_1140 : memref<1x64xi32, #tpu.memory_space<vmem>> -> memref<64xi32, #tpu.memory_space<vmem>>
            %dma_start3A_1142 = arith.constant 0 : i32
            %dma_start3A_1143 = arith.constant 0 : i32
            %dma_start3A_1144 = tpu.memref_slice %arg7[%dma_start3A_1142, %dma_start3A_1143] : memref<10000x128xf32, #tpu.memory_space<vmem_shared>> -> memref<10000x128xf32, #tpu.memory_space<vmem_shared>>
            tpu.enqueue_indirect_dma source(%arg9 : memref<64x128xf32, #tpu.memory_space<vmem>>) target(%dma_start3A_1144 : memref<10000x128xf32, #tpu.memory_space<vmem_shared>>) offsets(%dma_start3A_1141 : memref<64xi32, #tpu.memory_space<vmem>>) semaphore(%run_scoped3A_1138 : memref<!tpu.dma_semaphore, #tpu.memory_space<semaphore_mem>>) {add = true}
            %dma_wait3A = arith.constant 0 : i32
            %dma_wait3A_1145 = tpu.memref_slice %arg10[%run_scoped3A_773, %dma_wait3A] : memref<1x64xi32, #tpu.memory_space<vmem>> -> memref<1x64xi32, #tpu.memory_space<vmem>>
            %dma_wait3A_1146 = tpu.memref_squeeze %dma_wait3A_1145 : memref<1x64xi32, #tpu.memory_space<vmem>> -> memref<64xi32, #tpu.memory_space<vmem>>
            %dma_wait3A_1147 = arith.constant 0 : i32
            %dma_wait3A_1148 = arith.constant 0 : i32
            %dma_wait3A_1149 = tpu.memref_slice %arg7[%dma_wait3A_1147, %dma_wait3A_1148] : memref<10000x128xf32, #tpu.memory_space<vmem_shared>> -> memref<10000x128xf32, #tpu.memory_space<vmem_shared>>
            tpu.wait_indirect_dma semaphore(%run_scoped3A_1138 : memref<!tpu.dma_semaphore, #tpu.memory_space<semaphore_mem>>) src(%arg9 : memref<64x128xf32, #tpu.memory_space<vmem>>) dst(%dma_wait3A_1149 : memref<10000x128xf32, #tpu.memory_space<vmem_shared>>)
            tpu.yield
          }) : () -> ()
          "tpu.trace_stop"() : () -> ()
          %add3A_774 = arith.constant 0 : i32
          %add3A_775 = arith.addi %add3A_774, %add3A_261 : i32
          %add3A_776 = arith.constant 0 : i32
          %add3A_777 = arith.addi %add3A_776, %add3A_279 : i32
          %ne3A_778 = arith.cmpi ne, %add3A_775, %add3A_777 : i32
          %or3A_779 = arith.constant false
          %or3A_780 = arith.ori %or3A_779, %ne3A_778 : i1
          %or3A_781 = arith.ori %or3A_780, %eq3A_260 : i1
          %convert_element_type3A_782 = arith.extui %or3A_781 : i1 to i32
          %cond3A_783 = arith.constant 0 : i32
          %cond3A_784 = arith.cmpi ne, %convert_element_type3A_782, %cond3A_783 : i32
          scf.if %cond3A_784 {
          } else {
          }
          %and3A_785 = arith.constant false
          %and3A_786 = arith.andi %or3A_781, %and3A_785 : i1
          %add3A_787 = arith.constant 2500 : i32
          %add3A_788 = arith.addi %add3A_787, %add3A_261 : i32
          %add3A_789 = arith.constant 2500 : i32
          %add3A_790 = arith.addi %add3A_789, %add3A_279 : i32
          %ne3A_791 = arith.cmpi ne, %add3A_788, %add3A_790 : i32
          %or3A_792 = arith.constant false
          %or3A_793 = arith.ori %or3A_792, %ne3A_791 : i1
          %or3A_794 = arith.ori %or3A_793, %eq3A_260 : i1
          %convert_element_type3A_795 = arith.extui %or3A_794 : i1 to i32
          %cond3A_796 = arith.constant 0 : i32
          %cond3A_797 = arith.cmpi ne, %convert_element_type3A_795, %cond3A_796 : i32
          scf.if %cond3A_797 {
          } else {
          }
          %and3A_798 = arith.constant false
          %and3A_799 = arith.andi %or3A_794, %and3A_798 : i1
          %jit3A_800 = arith.constant 25 : i32
          %div3A_801 = arith.divsi %add3A_261, %jit3A_800 : i32
          %sign3A_802 = arith.constant 0 : i32
          %sign3A_803 = arith.cmpi sgt, %add3A_261, %sign3A_802 : i32
          %sign3A_804 = arith.extui %sign3A_803 : i1 to i32
          %sign3A_805 = arith.constant 0 : i32
          %sign3A_806 = arith.cmpi slt, %add3A_261, %sign3A_805 : i32
          %sign3A_807 = arith.extui %sign3A_806 : i1 to i32
          %sign3A_808 = arith.subi %sign3A_804, %sign3A_807 : i32
          %sign3A_809 = arith.constant 0 : i32
          %sign3A_810 = arith.cmpi sgt, %jit3A_800, %sign3A_809 : i32
          %sign3A_811 = arith.extui %sign3A_810 : i1 to i32
          %sign3A_812 = arith.constant 0 : i32
          %sign3A_813 = arith.cmpi slt, %jit3A_800, %sign3A_812 : i32
          %sign3A_814 = arith.extui %sign3A_813 : i1 to i32
          %sign3A_815 = arith.subi %sign3A_811, %sign3A_814 : i32
          %ne3A_816 = arith.cmpi ne, %sign3A_808, %sign3A_815 : i32
          %rem3A_817 = arith.remsi %add3A_261, %jit3A_800 : i32
          %ne3A_818 = arith.constant 0 : i32
          %ne3A_819 = arith.cmpi ne, %rem3A_817, %ne3A_818 : i32
          %and3A_820 = arith.andi %ne3A_816, %ne3A_819 : i1
          %sub3A_821 = arith.constant 1 : i32
          %sub3A_822 = arith.subi %div3A_801, %sub3A_821 : i32
          %select_n3A_823 = arith.select %and3A_820, %sub3A_822, %div3A_801 : i32
          %jit3A_824 = arith.constant 25 : i32
          %eq3A_825 = arith.constant 0 : i32
          %eq3A_826 = arith.cmpi eq, %jit3A_824, %eq3A_825 : i32
          %jit3A_827 = arith.constant 1 : i32
          %select_n3A_828 = arith.select %eq3A_826, %jit3A_827, %jit3A_824 : i32
          %rem3A_829 = arith.remsi %add3A_261, %select_n3A_828 : i32
          %ne3A_830 = arith.constant 0 : i32
          %ne3A_831 = arith.cmpi ne, %rem3A_829, %ne3A_830 : i32
          %lt3A_832 = arith.constant 0 : i32
          %lt3A_833 = arith.cmpi slt, %rem3A_829, %lt3A_832 : i32
          %lt3A_834 = arith.constant 0 : i32
          %lt3A_835 = arith.cmpi slt, %select_n3A_828, %lt3A_834 : i32
          %ne3A_836 = arith.xori %lt3A_833, %lt3A_835 : i1
          %and3A_837 = arith.andi %ne3A_836, %ne3A_831 : i1
          %add3A_838 = arith.addi %rem3A_829, %select_n3A_828 : i32
          %select_n3A_839 = arith.select %and3A_837, %add3A_838, %rem3A_829 : i32
          %jit3A_840 = arith.constant 25 : i32
          %div3A_841 = arith.divsi %add3A_279, %jit3A_840 : i32
          %sign3A_842 = arith.constant 0 : i32
          %sign3A_843 = arith.cmpi sgt, %add3A_279, %sign3A_842 : i32
          %sign3A_844 = arith.extui %sign3A_843 : i1 to i32
          %sign3A_845 = arith.constant 0 : i32
          %sign3A_846 = arith.cmpi slt, %add3A_279, %sign3A_845 : i32
          %sign3A_847 = arith.extui %sign3A_846 : i1 to i32
          %sign3A_848 = arith.subi %sign3A_844, %sign3A_847 : i32
          %sign3A_849 = arith.constant 0 : i32
          %sign3A_850 = arith.cmpi sgt, %jit3A_840, %sign3A_849 : i32
          %sign3A_851 = arith.extui %sign3A_850 : i1 to i32
          %sign3A_852 = arith.constant 0 : i32
          %sign3A_853 = arith.cmpi slt, %jit3A_840, %sign3A_852 : i32
          %sign3A_854 = arith.extui %sign3A_853 : i1 to i32
          %sign3A_855 = arith.subi %sign3A_851, %sign3A_854 : i32
          %ne3A_856 = arith.cmpi ne, %sign3A_848, %sign3A_855 : i32
          %rem3A_857 = arith.remsi %add3A_279, %jit3A_840 : i32
          %ne3A_858 = arith.constant 0 : i32
          %ne3A_859 = arith.cmpi ne, %rem3A_857, %ne3A_858 : i32
          %and3A_860 = arith.andi %ne3A_856, %ne3A_859 : i1
          %sub3A_861 = arith.constant 1 : i32
          %sub3A_862 = arith.subi %div3A_841, %sub3A_861 : i32
          %select_n3A_863 = arith.select %and3A_860, %sub3A_862, %div3A_841 : i32
          %jit3A_864 = arith.constant 25 : i32
          %eq3A_865 = arith.constant 0 : i32
          %eq3A_866 = arith.cmpi eq, %jit3A_864, %eq3A_865 : i32
          %jit3A_867 = arith.constant 1 : i32
          %select_n3A_868 = arith.select %eq3A_866, %jit3A_867, %jit3A_864 : i32
          %rem3A_869 = arith.remsi %add3A_279, %select_n3A_868 : i32
          %ne3A_870 = arith.constant 0 : i32
          %ne3A_871 = arith.cmpi ne, %rem3A_869, %ne3A_870 : i32
          %lt3A_872 = arith.constant 0 : i32
          %lt3A_873 = arith.cmpi slt, %rem3A_869, %lt3A_872 : i32
          %lt3A_874 = arith.constant 0 : i32
          %lt3A_875 = arith.cmpi slt, %select_n3A_868, %lt3A_874 : i32
          %ne3A_876 = arith.xori %lt3A_873, %lt3A_875 : i1
          %and3A_877 = arith.andi %ne3A_876, %ne3A_871 : i1
          %add3A_878 = arith.addi %rem3A_869, %select_n3A_868 : i32
          %select_n3A_879 = arith.select %and3A_877, %add3A_878, %rem3A_869 : i32
          %ne3A_880 = arith.cmpi ne, %select_n3A_823, %select_n3A_863 : i32
          %ne3A_881 = arith.cmpi ne, %select_n3A_839, %select_n3A_879 : i32
          %or3A_882 = arith.constant false
          %or3A_883 = arith.ori %or3A_882, %ne3A_880 : i1
          %or3A_884 = arith.ori %or3A_883, %ne3A_881 : i1
          %or3A_885 = arith.constant false
          %or3A_886 = arith.ori %or3A_884, %or3A_885 : i1
          %or3A_887 = arith.ori %or3A_886, %eq3A_260 : i1
          %convert_element_type3A_888 = arith.extui %or3A_887 : i1 to i32
          %cond3A_889 = arith.constant 0 : i32
          %cond3A_890 = arith.cmpi ne, %convert_element_type3A_888, %cond3A_889 : i32
          scf.if %cond3A_890 {
          } else {
          }
          %and3A_891 = arith.constant false
          %and3A_892 = arith.andi %or3A_887, %and3A_891 : i1
          %add3A_893 = arith.constant 0 : i32
          %add3A_894 = arith.addi %add3A_893, %add3A_261 : i32
          %add3A_895 = arith.constant 0 : i32
          %add3A_896 = arith.addi %add3A_895, %add3A_271 : i32
          %ne3A_897 = arith.cmpi ne, %add3A_894, %add3A_896 : i32
          %or3A_898 = arith.constant false
          %or3A_899 = arith.ori %or3A_898, %ne3A_897 : i1
          %not3A_900 = arith.constant true
          %not3A_901 = arith.xori %eq3A_257, %not3A_900 : i1
          %and3A_902 = arith.andi %or3A_899, %not3A_901 : i1
          %convert_element_type3A_903 = arith.extui %and3A_902 : i1 to i32
          %cond3A_904 = arith.constant 0 : i32
          %cond3A_905 = arith.cmpi ne, %convert_element_type3A_903, %cond3A_904 : i32
          scf.if %cond3A_905 {
          } else {
          }
          %and3A_906 = arith.constant false
          %and3A_907 = arith.andi %and3A_902, %and3A_906 : i1
          %add3A_908 = arith.constant 2500 : i32
          %add3A_909 = arith.addi %add3A_908, %add3A_261 : i32
          %add3A_910 = arith.constant 2500 : i32
          %add3A_911 = arith.addi %add3A_910, %add3A_271 : i32
          %ne3A_912 = arith.cmpi ne, %add3A_909, %add3A_911 : i32
          %or3A_913 = arith.constant false
          %or3A_914 = arith.ori %or3A_913, %ne3A_912 : i1
          %not3A_915 = arith.constant true
          %not3A_916 = arith.xori %eq3A_257, %not3A_915 : i1
          %and3A_917 = arith.andi %or3A_914, %not3A_916 : i1
          %convert_element_type3A_918 = arith.extui %and3A_917 : i1 to i32
          %cond3A_919 = arith.constant 0 : i32
          %cond3A_920 = arith.cmpi ne, %convert_element_type3A_918, %cond3A_919 : i32
          scf.if %cond3A_920 {
          } else {
          }
          %and3A_921 = arith.constant false
          %and3A_922 = arith.andi %and3A_917, %and3A_921 : i1
          %jit3A_923 = arith.constant 25 : i32
          %div3A_924 = arith.divsi %add3A_261, %jit3A_923 : i32
          %sign3A_925 = arith.constant 0 : i32
          %sign3A_926 = arith.cmpi sgt, %add3A_261, %sign3A_925 : i32
          %sign3A_927 = arith.extui %sign3A_926 : i1 to i32
          %sign3A_928 = arith.constant 0 : i32
          %sign3A_929 = arith.cmpi slt, %add3A_261, %sign3A_928 : i32
          %sign3A_930 = arith.extui %sign3A_929 : i1 to i32
          %sign3A_931 = arith.subi %sign3A_927, %sign3A_930 : i32
          %sign3A_932 = arith.constant 0 : i32
          %sign3A_933 = arith.cmpi sgt, %jit3A_923, %sign3A_932 : i32
          %sign3A_934 = arith.extui %sign3A_933 : i1 to i32
          %sign3A_935 = arith.constant 0 : i32
          %sign3A_936 = arith.cmpi slt, %jit3A_923, %sign3A_935 : i32
          %sign3A_937 = arith.extui %sign3A_936 : i1 to i32
          %sign3A_938 = arith.subi %sign3A_934, %sign3A_937 : i32
          %ne3A_939 = arith.cmpi ne, %sign3A_931, %sign3A_938 : i32
          %rem3A_940 = arith.remsi %add3A_261, %jit3A_923 : i32
          %ne3A_941 = arith.constant 0 : i32
          %ne3A_942 = arith.cmpi ne, %rem3A_940, %ne3A_941 : i32
          %and3A_943 = arith.andi %ne3A_939, %ne3A_942 : i1
          %sub3A_944 = arith.constant 1 : i32
          %sub3A_945 = arith.subi %div3A_924, %sub3A_944 : i32
          %select_n3A_946 = arith.select %and3A_943, %sub3A_945, %div3A_924 : i32
          %jit3A_947 = arith.constant 25 : i32
          %eq3A_948 = arith.constant 0 : i32
          %eq3A_949 = arith.cmpi eq, %jit3A_947, %eq3A_948 : i32
          %jit3A_950 = arith.constant 1 : i32
          %select_n3A_951 = arith.select %eq3A_949, %jit3A_950, %jit3A_947 : i32
          %rem3A_952 = arith.remsi %add3A_261, %select_n3A_951 : i32
          %ne3A_953 = arith.constant 0 : i32
          %ne3A_954 = arith.cmpi ne, %rem3A_952, %ne3A_953 : i32
          %lt3A_955 = arith.constant 0 : i32
          %lt3A_956 = arith.cmpi slt, %rem3A_952, %lt3A_955 : i32
          %lt3A_957 = arith.constant 0 : i32
          %lt3A_958 = arith.cmpi slt, %select_n3A_951, %lt3A_957 : i32
          %ne3A_959 = arith.xori %lt3A_956, %lt3A_958 : i1
          %and3A_960 = arith.andi %ne3A_959, %ne3A_954 : i1
          %add3A_961 = arith.addi %rem3A_952, %select_n3A_951 : i32
          %select_n3A_962 = arith.select %and3A_960, %add3A_961, %rem3A_952 : i32
          %jit3A_963 = arith.constant 25 : i32
          %div3A_964 = arith.divsi %add3A_271, %jit3A_963 : i32
          %sign3A_965 = arith.constant 0 : i32
          %sign3A_966 = arith.cmpi sgt, %add3A_271, %sign3A_965 : i32
          %sign3A_967 = arith.extui %sign3A_966 : i1 to i32
          %sign3A_968 = arith.constant 0 : i32
          %sign3A_969 = arith.cmpi slt, %add3A_271, %sign3A_968 : i32
          %sign3A_970 = arith.extui %sign3A_969 : i1 to i32
          %sign3A_971 = arith.subi %sign3A_967, %sign3A_970 : i32
          %sign3A_972 = arith.constant 0 : i32
          %sign3A_973 = arith.cmpi sgt, %jit3A_963, %sign3A_972 : i32
          %sign3A_974 = arith.extui %sign3A_973 : i1 to i32
          %sign3A_975 = arith.constant 0 : i32
          %sign3A_976 = arith.cmpi slt, %jit3A_963, %sign3A_975 : i32
          %sign3A_977 = arith.extui %sign3A_976 : i1 to i32
          %sign3A_978 = arith.subi %sign3A_974, %sign3A_977 : i32
          %ne3A_979 = arith.cmpi ne, %sign3A_971, %sign3A_978 : i32
          %rem3A_980 = arith.remsi %add3A_271, %jit3A_963 : i32
          %ne3A_981 = arith.constant 0 : i32
          %ne3A_982 = arith.cmpi ne, %rem3A_980, %ne3A_981 : i32
          %and3A_983 = arith.andi %ne3A_979, %ne3A_982 : i1
          %sub3A_984 = arith.constant 1 : i32
          %sub3A_985 = arith.subi %div3A_964, %sub3A_984 : i32
          %select_n3A_986 = arith.select %and3A_983, %sub3A_985, %div3A_964 : i32
          %jit3A_987 = arith.constant 25 : i32
          %eq3A_988 = arith.constant 0 : i32
          %eq3A_989 = arith.cmpi eq, %jit3A_987, %eq3A_988 : i32
          %jit3A_990 = arith.constant 1 : i32
          %select_n3A_991 = arith.select %eq3A_989, %jit3A_990, %jit3A_987 : i32
          %rem3A_992 = arith.remsi %add3A_271, %select_n3A_991 : i32
          %ne3A_993 = arith.constant 0 : i32
          %ne3A_994 = arith.cmpi ne, %rem3A_992, %ne3A_993 : i32
          %lt3A_995 = arith.constant 0 : i32
          %lt3A_996 = arith.cmpi slt, %rem3A_992, %lt3A_995 : i32
          %lt3A_997 = arith.constant 0 : i32
          %lt3A_998 = arith.cmpi slt, %select_n3A_991, %lt3A_997 : i32
          %ne3A_999 = arith.xori %lt3A_996, %lt3A_998 : i1
          %and3A_1000 = arith.andi %ne3A_999, %ne3A_994 : i1
          %add3A_1001 = arith.addi %rem3A_992, %select_n3A_991 : i32
          %select_n3A_1002 = arith.select %and3A_1000, %add3A_1001, %rem3A_992 : i32
          %ne3A_1003 = arith.cmpi ne, %select_n3A_946, %select_n3A_986 : i32
          %ne3A_1004 = arith.cmpi ne, %select_n3A_962, %select_n3A_1002 : i32
          %or3A_1005 = arith.constant false
          %or3A_1006 = arith.ori %or3A_1005, %ne3A_1003 : i1
          %or3A_1007 = arith.ori %or3A_1006, %ne3A_1004 : i1
          %or3A_1008 = arith.constant false
          %or3A_1009 = arith.ori %or3A_1007, %or3A_1008 : i1
          %not3A_1010 = arith.constant true
          %not3A_1011 = arith.xori %eq3A_257, %not3A_1010 : i1
          %and3A_1012 = arith.andi %or3A_1009, %not3A_1011 : i1
          %convert_element_type3A_1013 = arith.extui %and3A_1012 : i1 to i32
          %cond3A_1014 = arith.constant 0 : i32
          %cond3A_1015 = arith.cmpi ne, %convert_element_type3A_1013, %cond3A_1014 : i32
          scf.if %cond3A_1015 {
          } else {
          }
          %and3A_1016 = arith.constant false
          %and3A_1017 = arith.andi %and3A_1012, %and3A_1016 : i1
          %add3A_1018 = arith.constant 0 : i32
          %add3A_1019 = arith.addi %add3A_1018, %add3A_261 : i32
          %add3A_1020 = arith.constant 0 : i32
          %add3A_1021 = arith.addi %add3A_1020, %add3A_279 : i32
          %ne3A_1022 = arith.cmpi ne, %add3A_1019, %add3A_1021 : i32
          %or3A_1023 = arith.constant false
          %or3A_1024 = arith.ori %or3A_1023, %ne3A_1022 : i1
          %or3A_1025 = arith.ori %or3A_1024, %eq3A_260 : i1
          %add3A_1026 = arith.constant 1 : i32
          %add3A_1027 = arith.addi %while3A_248, %add3A_1026 : i32
          %select_n3A_1028 = arith.select %or3A_1025, %add3A_1027, %while3A_248 : i32
          %add3A_1029 = arith.constant 2500 : i32
          %add3A_1030 = arith.addi %add3A_1029, %add3A_261 : i32
          %add3A_1031 = arith.constant 2500 : i32
          %add3A_1032 = arith.addi %add3A_1031, %add3A_279 : i32
          %ne3A_1033 = arith.cmpi ne, %add3A_1030, %add3A_1032 : i32
          %or3A_1034 = arith.constant false
          %or3A_1035 = arith.ori %or3A_1034, %ne3A_1033 : i1
          %or3A_1036 = arith.ori %or3A_1035, %eq3A_260 : i1
          %add3A_1037 = arith.constant 1 : i32
          %add3A_1038 = arith.addi %while3A_250, %add3A_1037 : i32
          %select_n3A_1039 = arith.select %or3A_1036, %add3A_1038, %while3A_250 : i32
          %jit3A_1040 = arith.constant 25 : i32
          %div3A_1041 = arith.divsi %add3A_261, %jit3A_1040 : i32
          %sign3A_1042 = arith.constant 0 : i32
          %sign3A_1043 = arith.cmpi sgt, %add3A_261, %sign3A_1042 : i32
          %sign3A_1044 = arith.extui %sign3A_1043 : i1 to i32
          %sign3A_1045 = arith.constant 0 : i32
          %sign3A_1046 = arith.cmpi slt, %add3A_261, %sign3A_1045 : i32
          %sign3A_1047 = arith.extui %sign3A_1046 : i1 to i32
          %sign3A_1048 = arith.subi %sign3A_1044, %sign3A_1047 : i32
          %sign3A_1049 = arith.constant 0 : i32
          %sign3A_1050 = arith.cmpi sgt, %jit3A_1040, %sign3A_1049 : i32
          %sign3A_1051 = arith.extui %sign3A_1050 : i1 to i32
          %sign3A_1052 = arith.constant 0 : i32
          %sign3A_1053 = arith.cmpi slt, %jit3A_1040, %sign3A_1052 : i32
          %sign3A_1054 = arith.extui %sign3A_1053 : i1 to i32
          %sign3A_1055 = arith.subi %sign3A_1051, %sign3A_1054 : i32
          %ne3A_1056 = arith.cmpi ne, %sign3A_1048, %sign3A_1055 : i32
          %rem3A_1057 = arith.remsi %add3A_261, %jit3A_1040 : i32
          %ne3A_1058 = arith.constant 0 : i32
          %ne3A_1059 = arith.cmpi ne, %rem3A_1057, %ne3A_1058 : i32
          %and3A_1060 = arith.andi %ne3A_1056, %ne3A_1059 : i1
          %sub3A_1061 = arith.constant 1 : i32
          %sub3A_1062 = arith.subi %div3A_1041, %sub3A_1061 : i32
          %select_n3A_1063 = arith.select %and3A_1060, %sub3A_1062, %div3A_1041 : i32
          %jit3A_1064 = arith.constant 25 : i32
          %eq3A_1065 = arith.constant 0 : i32
          %eq3A_1066 = arith.cmpi eq, %jit3A_1064, %eq3A_1065 : i32
          %jit3A_1067 = arith.constant 1 : i32
          %select_n3A_1068 = arith.select %eq3A_1066, %jit3A_1067, %jit3A_1064 : i32
          %rem3A_1069 = arith.remsi %add3A_261, %select_n3A_1068 : i32
          %ne3A_1070 = arith.constant 0 : i32
          %ne3A_1071 = arith.cmpi ne, %rem3A_1069, %ne3A_1070 : i32
          %lt3A_1072 = arith.constant 0 : i32
          %lt3A_1073 = arith.cmpi slt, %rem3A_1069, %lt3A_1072 : i32
          %lt3A_1074 = arith.constant 0 : i32
          %lt3A_1075 = arith.cmpi slt, %select_n3A_1068, %lt3A_1074 : i32
          %ne3A_1076 = arith.xori %lt3A_1073, %lt3A_1075 : i1
          %and3A_1077 = arith.andi %ne3A_1076, %ne3A_1071 : i1
          %add3A_1078 = arith.addi %rem3A_1069, %select_n3A_1068 : i32
          %select_n3A_1079 = arith.select %and3A_1077, %add3A_1078, %rem3A_1069 : i32
          %jit3A_1080 = arith.constant 25 : i32
          %div3A_1081 = arith.divsi %add3A_279, %jit3A_1080 : i32
          %sign3A_1082 = arith.constant 0 : i32
          %sign3A_1083 = arith.cmpi sgt, %add3A_279, %sign3A_1082 : i32
          %sign3A_1084 = arith.extui %sign3A_1083 : i1 to i32
          %sign3A_1085 = arith.constant 0 : i32
          %sign3A_1086 = arith.cmpi slt, %add3A_279, %sign3A_1085 : i32
          %sign3A_1087 = arith.extui %sign3A_1086 : i1 to i32
          %sign3A_1088 = arith.subi %sign3A_1084, %sign3A_1087 : i32
          %sign3A_1089 = arith.constant 0 : i32
          %sign3A_1090 = arith.cmpi sgt, %jit3A_1080, %sign3A_1089 : i32
          %sign3A_1091 = arith.extui %sign3A_1090 : i1 to i32
          %sign3A_1092 = arith.constant 0 : i32
          %sign3A_1093 = arith.cmpi slt, %jit3A_1080, %sign3A_1092 : i32
          %sign3A_1094 = arith.extui %sign3A_1093 : i1 to i32
          %sign3A_1095 = arith.subi %sign3A_1091, %sign3A_1094 : i32
          %ne3A_1096 = arith.cmpi ne, %sign3A_1088, %sign3A_1095 : i32
          %rem3A_1097 = arith.remsi %add3A_279, %jit3A_1080 : i32
          %ne3A_1098 = arith.constant 0 : i32
          %ne3A_1099 = arith.cmpi ne, %rem3A_1097, %ne3A_1098 : i32
          %and3A_1100 = arith.andi %ne3A_1096, %ne3A_1099 : i1
          %sub3A_1101 = arith.constant 1 : i32
          %sub3A_1102 = arith.subi %div3A_1081, %sub3A_1101 : i32
          %select_n3A_1103 = arith.select %and3A_1100, %sub3A_1102, %div3A_1081 : i32
          %jit3A_1104 = arith.constant 25 : i32
          %eq3A_1105 = arith.constant 0 : i32
          %eq3A_1106 = arith.cmpi eq, %jit3A_1104, %eq3A_1105 : i32
          %jit3A_1107 = arith.constant 1 : i32
          %select_n3A_1108 = arith.select %eq3A_1106, %jit3A_1107, %jit3A_1104 : i32
          %rem3A_1109 = arith.remsi %add3A_279, %select_n3A_1108 : i32
          %ne3A_1110 = arith.constant 0 : i32
          %ne3A_1111 = arith.cmpi ne, %rem3A_1109, %ne3A_1110 : i32
          %lt3A_1112 = arith.constant 0 : i32
          %lt3A_1113 = arith.cmpi slt, %rem3A_1109, %lt3A_1112 : i32
          %lt3A_1114 = arith.constant 0 : i32
          %lt3A_1115 = arith.cmpi slt, %select_n3A_1108, %lt3A_1114 : i32
          %ne3A_1116 = arith.xori %lt3A_1113, %lt3A_1115 : i1
          %and3A_1117 = arith.andi %ne3A_1116, %ne3A_1111 : i1
          %add3A_1118 = arith.addi %rem3A_1109, %select_n3A_1108 : i32
          %select_n3A_1119 = arith.select %and3A_1117, %add3A_1118, %rem3A_1109 : i32
          %ne3A_1120 = arith.cmpi ne, %select_n3A_1063, %select_n3A_1103 : i32
          %ne3A_1121 = arith.cmpi ne, %select_n3A_1079, %select_n3A_1119 : i32
          %or3A_1122 = arith.constant false
          %or3A_1123 = arith.ori %or3A_1122, %ne3A_1120 : i1
          %or3A_1124 = arith.ori %or3A_1123, %ne3A_1121 : i1
          %or3A_1125 = arith.constant false
          %or3A_1126 = arith.ori %or3A_1124, %or3A_1125 : i1
          %or3A_1127 = arith.ori %or3A_1126, %eq3A_260 : i1
          %add3A_1128 = arith.constant 1 : i32
          %add3A_1129 = arith.addi %while3A_252, %add3A_1128 : i32
          %select_n3A_1130 = arith.select %or3A_1127, %add3A_1129, %while3A_252 : i32
          %add3A_1131 = arith.constant 1 : i32
          %add3A_1132 = arith.addi %while3A_253, %add3A_1131 : i32
          %select_n3A_1133 = arith.constant true
          %select_n3A_1134 = arith.select %select_n3A_1133, %add3A_1132, %while3A_253 : i32
          %eq3A_1135 = arith.cmpi eq, %select_n3A_1134, %select_n3A : i32
          %select_n3A_1136 = arith.constant 0 : i32
          %select_n3A_1137 = arith.select %eq3A_1135, %select_n3A_1136, %select_n3A_1134 : i32
          scf.yield %select_n3A_307, %select_n3A_1028, %select_n3A_330, %select_n3A_1039, %select_n3A_433, %select_n3A_1130, %select_n3A_1137 : i32, i32, i32, i32, i32, i32, i32
        }
        %while3A_190 = arith.constant 1 : i32
        %while3A_191:7 = scf.for %while3A_246 = %while3A_187 to %while3A_183 step %while3A_190 iter_args(%while3A_247 = %while3A_189#0, %while3A_248 = %while3A_189#1, %while3A_249 = %while3A_189#2, %while3A_250 = %while3A_189#3, %while3A_251 = %while3A_189#4, %while3A_252 = %while3A_189#5, %while3A_253 = %while3A_189#6) -> (i32, i32, i32, i32, i32, i32, i32)  : i32 {
          %mul3A_254 = arith.constant 1 : i32
          %mul3A_255 = arith.muli %mul3A_254, %select_n3A : i32
          %eq3A_256 = arith.constant 0 : i32
          %eq3A_257 = arith.cmpi eq, %while3A_246, %eq3A_256 : i32
          %sub3A_258 = arith.constant 1 : i32
          %sub3A_259 = arith.subi %mul3A_255, %sub3A_258 : i32
          %eq3A_260 = arith.cmpi eq, %while3A_246, %sub3A_259 : i32
          %add3A_261 = arith.addi %while3A_253, %select_n3A_9 : i32
          %sub3A_262 = arith.constant 1 : i32
          %sub3A_263 = arith.subi %while3A_253, %sub3A_262 : i32
          %select_n3A_264 = arith.constant true
          %select_n3A_265 = arith.select %select_n3A_264, %sub3A_263, %while3A_253 : i32
          %eq3A_266 = arith.constant -1 : i32
          %eq3A_267 = arith.cmpi eq, %select_n3A_265, %eq3A_266 : i32
          %sub3A_268 = arith.constant 1 : i32
          %sub3A_269 = arith.subi %select_n3A, %sub3A_268 : i32
          %select_n3A_270 = arith.select %eq3A_267, %sub3A_269, %select_n3A_265 : i32
          %add3A_271 = arith.addi %select_n3A_270, %select_n3A_9 : i32
          %add3A_272 = arith.constant 1 : i32
          %add3A_273 = arith.addi %while3A_253, %add3A_272 : i32
          %select_n3A_274 = arith.constant true
          %select_n3A_275 = arith.select %select_n3A_274, %add3A_273, %while3A_253 : i32
          %eq3A_276 = arith.cmpi eq, %select_n3A_275, %select_n3A : i32
          %select_n3A_277 = arith.constant 0 : i32
          %select_n3A_278 = arith.select %eq3A_276, %select_n3A_277, %select_n3A_275 : i32
          %add3A_279 = arith.addi %select_n3A_278, %select_n3A_9 : i32
          %add3A_280 = arith.constant 1 : i32
          %add3A_281 = arith.addi %select_n3A_278, %add3A_280 : i32
          %select_n3A_282 = arith.constant true
          %select_n3A_283 = arith.select %select_n3A_282, %add3A_281, %select_n3A_278 : i32
          %eq3A_284 = arith.cmpi eq, %select_n3A_283, %select_n3A : i32
          %select_n3A_285 = arith.constant 0 : i32
          %select_n3A_286 = arith.select %eq3A_284, %select_n3A_285, %select_n3A_283 : i32
          %add3A_287 = arith.addi %select_n3A_286, %select_n3A_9 : i32
          %add3A_288 = arith.constant 0 : i32
          %add3A_289 = arith.addi %add3A_288, %add3A_261 : i32
          %add3A_290 = arith.constant 0 : i32
          %add3A_291 = arith.addi %add3A_290, %add3A_279 : i32
          %ne3A_292 = arith.cmpi ne, %add3A_289, %add3A_291 : i32
          %or3A = arith.constant false
          %or3A_293 = arith.ori %or3A, %ne3A_292 : i1
          %sub3A_294 = arith.constant 2 : i32
          %sub3A_295 = arith.subi %mul3A_255, %sub3A_294 : i32
          %add3A_296 = arith.constant 1 : i32
          %add3A_297 = arith.addi %sub3A_295, %add3A_296 : i32
          %ge3A = arith.cmpi sge, %while3A_246, %add3A_297 : i32
          %not3A = arith.constant true
          %not3A_298 = arith.xori %ge3A, %not3A : i1
          %and3A_299 = arith.andi %or3A_293, %not3A_298 : i1
          %convert_element_type3A_300 = arith.extui %and3A_299 : i1 to i32
          %cond3A_301 = arith.constant 0 : i32
          %cond3A_302 = arith.cmpi ne, %convert_element_type3A_300, %cond3A_301 : i32
          scf.if %cond3A_302 {
            "tpu.trace_start"() <{level = 10 : i32, message = "ep_copy_in"}> : () -> ()
            %rem3A_1138 = arith.constant 2 : i32
            %rem3A_1139 = arith.remui %while3A_247, %rem3A_1138 : i32
            %add3A_1140 = arith.constant 0 : i32
            %add3A_1141 = arith.addi %add3A_1140, %add3A_279 : i32
            %mul3A_1142 = arith.constant 128 : i32
            %mul3A_1143 = arith.muli %mul3A_1142, %add3A_1141 : i32
            %dma_start3A_1144 = arith.constant 0 : i32
            %dma_start3A_1145 = arith.constant 0 : i32
            %dma_start3A_1146 = tpu.memref_slice %run_scoped3A[%rem3A_1139, %dma_start3A_1144, %dma_start3A_1145] : memref<2x1x128xi32, #tpu.memory_space<vmem>> -> memref<1x1x128xi32, #tpu.memory_space<vmem>>
            %dma_start3A_1147 = tpu.memref_squeeze %dma_start3A_1146 : memref<1x1x128xi32, #tpu.memory_space<vmem>> -> memref<1x128xi32, #tpu.memory_space<vmem>>
            %dma_start3A_1148 = arith.constant 0 : i32
            %dma_start3A_1149 = tpu.memref_slice %arg3[%dma_start3A_1148, %mul3A_1143] : memref<1x640000xi32, #tpu.memory_space<hbm>> -> memref<1x128xi32, #tpu.memory_space<hbm>>
            %dma_start3A_1150 = tpu.memref_slice %run_scoped3A_19[%rem3A_1139] : memref<2x!tpu.dma_semaphore, #tpu.memory_space<semaphore_mem>> -> memref<1x!tpu.dma_semaphore, #tpu.memory_space<semaphore_mem>>
            %dma_start3A_1151 = tpu.memref_squeeze %dma_start3A_1150 : memref<1x!tpu.dma_semaphore, #tpu.memory_space<semaphore_mem>> -> memref<!tpu.dma_semaphore, #tpu.memory_space<semaphore_mem>>
            %dma_start3A_1152 = arith.constant 0 : i32
            %dma_start3A_1153 = arith.constant 0 : i32
            %dma_start3A_1154 = tpu.memref_slice %run_scoped3A[%rem3A_1139, %dma_start3A_1152, %dma_start3A_1153] : memref<2x1x128xi32, #tpu.memory_space<vmem>> -> memref<1x1x128xi32, #tpu.memory_space<vmem>>
            %dma_start3A_1155 = tpu.memref_squeeze %dma_start3A_1154 : memref<1x1x128xi32, #tpu.memory_space<vmem>> -> memref<1x128xi32, #tpu.memory_space<vmem>>
            %dma_start3A_1156 = arith.constant 0 : i32
            %dma_start3A_1157 = tpu.memref_slice %arg3[%dma_start3A_1156, %mul3A_1143] : memref<1x640000xi32, #tpu.memory_space<hbm>> -> memref<1x128xi32, #tpu.memory_space<hbm>>
            tpu.enqueue_dma source(%dma_start3A_1157 : memref<1x128xi32, #tpu.memory_space<hbm>>) target(%dma_start3A_1155 : memref<1x128xi32, #tpu.memory_space<vmem>>) target_semaphore(%dma_start3A_1151 : memref<!tpu.dma_semaphore, #tpu.memory_space<semaphore_mem>>)
            "tpu.trace_stop"() : () -> ()
          } else {
          }
          %and3A_303 = arith.constant true
          %and3A_304 = arith.andi %and3A_299, %and3A_303 : i1
          %add3A_305 = arith.constant 1 : i32
          %add3A_306 = arith.addi %while3A_247, %add3A_305 : i32
          %select_n3A_307 = arith.select %and3A_304, %add3A_306, %while3A_247 : i32
          %add3A_308 = arith.constant 2500 : i32
          %add3A_309 = arith.addi %add3A_308, %add3A_261 : i32
          %add3A_310 = arith.constant 2500 : i32
          %add3A_311 = arith.addi %add3A_310, %add3A_279 : i32
          %ne3A_312 = arith.cmpi ne, %add3A_309, %add3A_311 : i32
          %or3A_313 = arith.constant false
          %or3A_314 = arith.ori %or3A_313, %ne3A_312 : i1
          %sub3A_315 = arith.constant 2 : i32
          %sub3A_316 = arith.subi %mul3A_255, %sub3A_315 : i32
          %add3A_317 = arith.constant 1 : i32
          %add3A_318 = arith.addi %sub3A_316, %add3A_317 : i32
          %ge3A_319 = arith.cmpi sge, %while3A_246, %add3A_318 : i32
          %not3A_320 = arith.constant true
          %not3A_321 = arith.xori %ge3A_319, %not3A_320 : i1
          %and3A_322 = arith.andi %or3A_314, %not3A_321 : i1
          %convert_element_type3A_323 = arith.extui %and3A_322 : i1 to i32
          %cond3A_324 = arith.constant 0 : i32
          %cond3A_325 = arith.cmpi ne, %convert_element_type3A_323, %cond3A_324 : i32
          scf.if %cond3A_325 {
            "tpu.trace_start"() <{level = 10 : i32, message = "ep_copy_in"}> : () -> ()
            %rem3A_1138 = arith.constant 2 : i32
            %rem3A_1139 = arith.remui %while3A_249, %rem3A_1138 : i32
            %add3A_1140 = arith.constant 2500 : i32
            %add3A_1141 = arith.addi %add3A_1140, %add3A_279 : i32
            %mul3A_1142 = arith.constant 128 : i32
            %mul3A_1143 = arith.muli %mul3A_1142, %add3A_1141 : i32
            %dma_start3A_1144 = arith.constant 0 : i32
            %dma_start3A_1145 = arith.constant 0 : i32
            %dma_start3A_1146 = tpu.memref_slice %run_scoped3A_20[%rem3A_1139, %dma_start3A_1144, %dma_start3A_1145] : memref<2x1x128xi32, #tpu.memory_space<vmem>> -> memref<1x1x128xi32, #tpu.memory_space<vmem>>
            %dma_start3A_1147 = tpu.memref_squeeze %dma_start3A_1146 : memref<1x1x128xi32, #tpu.memory_space<vmem>> -> memref<1x128xi32, #tpu.memory_space<vmem>>
            %dma_start3A_1148 = arith.constant 0 : i32
            %dma_start3A_1149 = tpu.memref_slice %arg3[%dma_start3A_1148, %mul3A_1143] : memref<1x640000xi32, #tpu.memory_space<hbm>> -> memref<1x128xi32, #tpu.memory_space<hbm>>
            %dma_start3A_1150 = tpu.memref_slice %run_scoped3A_21[%rem3A_1139] : memref<2x!tpu.dma_semaphore, #tpu.memory_space<semaphore_mem>> -> memref<1x!tpu.dma_semaphore, #tpu.memory_space<semaphore_mem>>
            %dma_start3A_1151 = tpu.memref_squeeze %dma_start3A_1150 : memref<1x!tpu.dma_semaphore, #tpu.memory_space<semaphore_mem>> -> memref<!tpu.dma_semaphore, #tpu.memory_space<semaphore_mem>>
            %dma_start3A_1152 = arith.constant 0 : i32
            %dma_start3A_1153 = arith.constant 0 : i32
            %dma_start3A_1154 = tpu.memref_slice %run_scoped3A_20[%rem3A_1139, %dma_start3A_1152, %dma_start3A_1153] : memref<2x1x128xi32, #tpu.memory_space<vmem>> -> memref<1x1x128xi32, #tpu.memory_space<vmem>>
            %dma_start3A_1155 = tpu.memref_squeeze %dma_start3A_1154 : memref<1x1x128xi32, #tpu.memory_space<vmem>> -> memref<1x128xi32, #tpu.memory_space<vmem>>
            %dma_start3A_1156 = arith.constant 0 : i32
            %dma_start3A_1157 = tpu.memref_slice %arg3[%dma_start3A_1156, %mul3A_1143] : memref<1x640000xi32, #tpu.memory_space<hbm>> -> memref<1x128xi32, #tpu.memory_space<hbm>>
            tpu.enqueue_dma source(%dma_start3A_1157 : memref<1x128xi32, #tpu.memory_space<hbm>>) target(%dma_start3A_1155 : memref<1x128xi32, #tpu.memory_space<vmem>>) target_semaphore(%dma_start3A_1151 : memref<!tpu.dma_semaphore, #tpu.memory_space<semaphore_mem>>)
            "tpu.trace_stop"() : () -> ()
          } else {
          }
          %and3A_326 = arith.constant true
          %and3A_327 = arith.andi %and3A_322, %and3A_326 : i1
          %add3A_328 = arith.constant 1 : i32
          %add3A_329 = arith.addi %while3A_249, %add3A_328 : i32
          %select_n3A_330 = arith.select %and3A_327, %add3A_329, %while3A_249 : i32
          %jit3A_331 = arith.constant 25 : i32
          %div3A_332 = arith.divsi %add3A_261, %jit3A_331 : i32
          %sign3A_333 = arith.constant 0 : i32
          %sign3A_334 = arith.cmpi sgt, %add3A_261, %sign3A_333 : i32
          %sign3A_335 = arith.extui %sign3A_334 : i1 to i32
          %sign3A_336 = arith.constant 0 : i32
          %sign3A_337 = arith.cmpi slt, %add3A_261, %sign3A_336 : i32
          %sign3A_338 = arith.extui %sign3A_337 : i1 to i32
          %sign3A_339 = arith.subi %sign3A_335, %sign3A_338 : i32
          %sign3A_340 = arith.constant 0 : i32
          %sign3A_341 = arith.cmpi sgt, %jit3A_331, %sign3A_340 : i32
          %sign3A_342 = arith.extui %sign3A_341 : i1 to i32
          %sign3A_343 = arith.constant 0 : i32
          %sign3A_344 = arith.cmpi slt, %jit3A_331, %sign3A_343 : i32
          %sign3A_345 = arith.extui %sign3A_344 : i1 to i32
          %sign3A_346 = arith.subi %sign3A_342, %sign3A_345 : i32
          %ne3A_347 = arith.cmpi ne, %sign3A_339, %sign3A_346 : i32
          %rem3A_348 = arith.remsi %add3A_261, %jit3A_331 : i32
          %ne3A_349 = arith.constant 0 : i32
          %ne3A_350 = arith.cmpi ne, %rem3A_348, %ne3A_349 : i32
          %and3A_351 = arith.andi %ne3A_347, %ne3A_350 : i1
          %sub3A_352 = arith.constant 1 : i32
          %sub3A_353 = arith.subi %div3A_332, %sub3A_352 : i32
          %select_n3A_354 = arith.select %and3A_351, %sub3A_353, %div3A_332 : i32
          %jit3A_355 = arith.constant 25 : i32
          %eq3A_356 = arith.constant 0 : i32
          %eq3A_357 = arith.cmpi eq, %jit3A_355, %eq3A_356 : i32
          %jit3A_358 = arith.constant 1 : i32
          %select_n3A_359 = arith.select %eq3A_357, %jit3A_358, %jit3A_355 : i32
          %rem3A_360 = arith.remsi %add3A_261, %select_n3A_359 : i32
          %ne3A_361 = arith.constant 0 : i32
          %ne3A_362 = arith.cmpi ne, %rem3A_360, %ne3A_361 : i32
          %lt3A_363 = arith.constant 0 : i32
          %lt3A_364 = arith.cmpi slt, %rem3A_360, %lt3A_363 : i32
          %lt3A_365 = arith.constant 0 : i32
          %lt3A_366 = arith.cmpi slt, %select_n3A_359, %lt3A_365 : i32
          %ne3A_367 = arith.xori %lt3A_364, %lt3A_366 : i1
          %and3A_368 = arith.andi %ne3A_367, %ne3A_362 : i1
          %add3A_369 = arith.addi %rem3A_360, %select_n3A_359 : i32
          %select_n3A_370 = arith.select %and3A_368, %add3A_369, %rem3A_360 : i32
          %jit3A_371 = arith.constant 25 : i32
          %div3A_372 = arith.divsi %add3A_279, %jit3A_371 : i32
          %sign3A_373 = arith.constant 0 : i32
          %sign3A_374 = arith.cmpi sgt, %add3A_279, %sign3A_373 : i32
          %sign3A_375 = arith.extui %sign3A_374 : i1 to i32
          %sign3A_376 = arith.constant 0 : i32
          %sign3A_377 = arith.cmpi slt, %add3A_279, %sign3A_376 : i32
          %sign3A_378 = arith.extui %sign3A_377 : i1 to i32
          %sign3A_379 = arith.subi %sign3A_375, %sign3A_378 : i32
          %sign3A_380 = arith.constant 0 : i32
          %sign3A_381 = arith.cmpi sgt, %jit3A_371, %sign3A_380 : i32
          %sign3A_382 = arith.extui %sign3A_381 : i1 to i32
          %sign3A_383 = arith.constant 0 : i32
          %sign3A_384 = arith.cmpi slt, %jit3A_371, %sign3A_383 : i32
          %sign3A_385 = arith.extui %sign3A_384 : i1 to i32
          %sign3A_386 = arith.subi %sign3A_382, %sign3A_385 : i32
          %ne3A_387 = arith.cmpi ne, %sign3A_379, %sign3A_386 : i32
          %rem3A_388 = arith.remsi %add3A_279, %jit3A_371 : i32
          %ne3A_389 = arith.constant 0 : i32
          %ne3A_390 = arith.cmpi ne, %rem3A_388, %ne3A_389 : i32
          %and3A_391 = arith.andi %ne3A_387, %ne3A_390 : i1
          %sub3A_392 = arith.constant 1 : i32
          %sub3A_393 = arith.subi %div3A_372, %sub3A_392 : i32
          %select_n3A_394 = arith.select %and3A_391, %sub3A_393, %div3A_372 : i32
          %jit3A_395 = arith.constant 25 : i32
          %eq3A_396 = arith.constant 0 : i32
          %eq3A_397 = arith.cmpi eq, %jit3A_395, %eq3A_396 : i32
          %jit3A_398 = arith.constant 1 : i32
          %select_n3A_399 = arith.select %eq3A_397, %jit3A_398, %jit3A_395 : i32
          %rem3A_400 = arith.remsi %add3A_279, %select_n3A_399 : i32
          %ne3A_401 = arith.constant 0 : i32
          %ne3A_402 = arith.cmpi ne, %rem3A_400, %ne3A_401 : i32
          %lt3A_403 = arith.constant 0 : i32
          %lt3A_404 = arith.cmpi slt, %rem3A_400, %lt3A_403 : i32
          %lt3A_405 = arith.constant 0 : i32
          %lt3A_406 = arith.cmpi slt, %select_n3A_399, %lt3A_405 : i32
          %ne3A_407 = arith.xori %lt3A_404, %lt3A_406 : i1
          %and3A_408 = arith.andi %ne3A_407, %ne3A_402 : i1
          %add3A_409 = arith.addi %rem3A_400, %select_n3A_399 : i32
          %select_n3A_410 = arith.select %and3A_408, %add3A_409, %rem3A_400 : i32
          %ne3A_411 = arith.cmpi ne, %select_n3A_354, %select_n3A_394 : i32
          %ne3A_412 = arith.cmpi ne, %select_n3A_370, %select_n3A_410 : i32
          %or3A_413 = arith.constant false
          %or3A_414 = arith.ori %or3A_413, %ne3A_411 : i1
          %or3A_415 = arith.ori %or3A_414, %ne3A_412 : i1
          %or3A_416 = arith.constant false
          %or3A_417 = arith.ori %or3A_415, %or3A_416 : i1
          %sub3A_418 = arith.constant 2 : i32
          %sub3A_419 = arith.subi %mul3A_255, %sub3A_418 : i32
          %add3A_420 = arith.constant 1 : i32
          %add3A_421 = arith.addi %sub3A_419, %add3A_420 : i32
          %ge3A_422 = arith.cmpi sge, %while3A_246, %add3A_421 : i32
          %not3A_423 = arith.constant true
          %not3A_424 = arith.xori %ge3A_422, %not3A_423 : i1
          %and3A_425 = arith.andi %or3A_417, %not3A_424 : i1
          %convert_element_type3A_426 = arith.extui %and3A_425 : i1 to i32
          %cond3A_427 = arith.constant 0 : i32
          %cond3A_428 = arith.cmpi ne, %convert_element_type3A_426, %cond3A_427 : i32
          scf.if %cond3A_428 {
            "tpu.trace_start"() <{level = 10 : i32, message = "ep_copy_in"}> : () -> ()
            %rem3A_1138 = arith.constant 2 : i32
            %rem3A_1139 = arith.remui %while3A_251, %rem3A_1138 : i32
            %jit3A_1140 = arith.constant 25 : i32
            %div3A_1141 = arith.divsi %add3A_279, %jit3A_1140 : i32
            %sign3A_1142 = arith.constant 0 : i32
            %sign3A_1143 = arith.cmpi sgt, %add3A_279, %sign3A_1142 : i32
            %sign3A_1144 = arith.extui %sign3A_1143 : i1 to i32
            %sign3A_1145 = arith.constant 0 : i32
            %sign3A_1146 = arith.cmpi slt, %add3A_279, %sign3A_1145 : i32
            %sign3A_1147 = arith.extui %sign3A_1146 : i1 to i32
            %sign3A_1148 = arith.subi %sign3A_1144, %sign3A_1147 : i32
            %sign3A_1149 = arith.constant 0 : i32
            %sign3A_1150 = arith.cmpi sgt, %jit3A_1140, %sign3A_1149 : i32
            %sign3A_1151 = arith.extui %sign3A_1150 : i1 to i32
            %sign3A_1152 = arith.constant 0 : i32
            %sign3A_1153 = arith.cmpi slt, %jit3A_1140, %sign3A_1152 : i32
            %sign3A_1154 = arith.extui %sign3A_1153 : i1 to i32
            %sign3A_1155 = arith.subi %sign3A_1151, %sign3A_1154 : i32
            %ne3A_1156 = arith.cmpi ne, %sign3A_1148, %sign3A_1155 : i32
            %rem3A_1157 = arith.remsi %add3A_279, %jit3A_1140 : i32
            %ne3A_1158 = arith.constant 0 : i32
            %ne3A_1159 = arith.cmpi ne, %rem3A_1157, %ne3A_1158 : i32
            %and3A_1160 = arith.andi %ne3A_1156, %ne3A_1159 : i1
            %sub3A_1161 = arith.constant 1 : i32
            %sub3A_1162 = arith.subi %div3A_1141, %sub3A_1161 : i32
            %select_n3A_1163 = arith.select %and3A_1160, %sub3A_1162, %div3A_1141 : i32
            %jit3A_1164 = arith.constant 25 : i32
            %eq3A_1165 = arith.constant 0 : i32
            %eq3A_1166 = arith.cmpi eq, %jit3A_1164, %eq3A_1165 : i32
            %jit3A_1167 = arith.constant 1 : i32
            %select_n3A_1168 = arith.select %eq3A_1166, %jit3A_1167, %jit3A_1164 : i32
            %rem3A_1169 = arith.remsi %add3A_279, %select_n3A_1168 : i32
            %ne3A_1170 = arith.constant 0 : i32
            %ne3A_1171 = arith.cmpi ne, %rem3A_1169, %ne3A_1170 : i32
            %lt3A_1172 = arith.constant 0 : i32
            %lt3A_1173 = arith.cmpi slt, %rem3A_1169, %lt3A_1172 : i32
            %lt3A_1174 = arith.constant 0 : i32
            %lt3A_1175 = arith.cmpi slt, %select_n3A_1168, %lt3A_1174 : i32
            %ne3A_1176 = arith.xori %lt3A_1173, %lt3A_1175 : i1
            %and3A_1177 = arith.andi %ne3A_1176, %ne3A_1171 : i1
            %add3A_1178 = arith.addi %rem3A_1169, %select_n3A_1168 : i32
            %select_n3A_1179 = arith.select %and3A_1177, %add3A_1178, %rem3A_1169 : i32
            %mul3A_1180 = arith.constant 1 : i32
            %mul3A_1181 = arith.muli %mul3A_1180, %select_n3A_1163 : i32
            %mul3A_1182 = arith.constant 1 : i32
            %mul3A_1183 = arith.muli %mul3A_1182, %select_n3A_1179 : i32
            %dma_start3A_1184 = arith.constant 0 : i32
            %dma_start3A_1185 = arith.constant 0 : i32
            %dma_start3A_1186 = arith.constant 0 : i32
            %dma_start3A_1187 = tpu.memref_slice %run_scoped3A_22[%rem3A_1139, %dma_start3A_1184, %dma_start3A_1185, %dma_start3A_1186] : memref<2x1x1x128xf32, #tpu.memory_space<vmem>> -> memref<1x1x1x128xf32, #tpu.memory_space<vmem>>
            %dma_start3A_1188 = tpu.memref_squeeze %dma_start3A_1187 : memref<1x1x1x128xf32, #tpu.memory_space<vmem>> -> memref<1x1x128xf32, #tpu.memory_space<vmem>>
            %dma_start3A_1189 = arith.constant 0 : i32
            %dma_start3A_1190 = tpu.memref_slice %arg2[%mul3A_1181, %mul3A_1183, %dma_start3A_1189] : memref<100x25x128xf32, #tpu.memory_space<hbm>> -> memref<1x1x128xf32, #tpu.memory_space<hbm>>
            %dma_start3A_1191 = tpu.memref_slice %run_scoped3A_23[%rem3A_1139] : memref<2x!tpu.dma_semaphore, #tpu.memory_space<semaphore_mem>> -> memref<1x!tpu.dma_semaphore, #tpu.memory_space<semaphore_mem>>
            %dma_start3A_1192 = tpu.memref_squeeze %dma_start3A_1191 : memref<1x!tpu.dma_semaphore, #tpu.memory_space<semaphore_mem>> -> memref<!tpu.dma_semaphore, #tpu.memory_space<semaphore_mem>>
            %dma_start3A_1193 = arith.constant 0 : i32
            %dma_start3A_1194 = arith.constant 0 : i32
            %dma_start3A_1195 = arith.constant 0 : i32
            %dma_start3A_1196 = tpu.memref_slice %run_scoped3A_22[%rem3A_1139, %dma_start3A_1193, %dma_start3A_1194, %dma_start3A_1195] : memref<2x1x1x128xf32, #tpu.memory_space<vmem>> -> memref<1x1x1x128xf32, #tpu.memory_space<vmem>>
            %dma_start3A_1197 = tpu.memref_squeeze %dma_start3A_1196 : memref<1x1x1x128xf32, #tpu.memory_space<vmem>> -> memref<1x1x128xf32, #tpu.memory_space<vmem>>
            %dma_start3A_1198 = arith.constant 0 : i32
            %dma_start3A_1199 = tpu.memref_slice %arg2[%mul3A_1181, %mul3A_1183, %dma_start3A_1198] : memref<100x25x128xf32, #tpu.memory_space<hbm>> -> memref<1x1x128xf32, #tpu.memory_space<hbm>>
            tpu.enqueue_dma source(%dma_start3A_1199 : memref<1x1x128xf32, #tpu.memory_space<hbm>>) target(%dma_start3A_1197 : memref<1x1x128xf32, #tpu.memory_space<vmem>>) target_semaphore(%dma_start3A_1192 : memref<!tpu.dma_semaphore, #tpu.memory_space<semaphore_mem>>)
            "tpu.trace_stop"() : () -> ()
          } else {
          }
          %and3A_429 = arith.constant true
          %and3A_430 = arith.andi %and3A_425, %and3A_429 : i1
          %add3A_431 = arith.constant 1 : i32
          %add3A_432 = arith.addi %while3A_251, %add3A_431 : i32
          %select_n3A_433 = arith.select %and3A_430, %add3A_432, %while3A_251 : i32
          %add3A_434 = arith.constant 0 : i32
          %add3A_435 = arith.addi %add3A_434, %add3A_261 : i32
          %add3A_436 = arith.constant 0 : i32
          %add3A_437 = arith.addi %add3A_436, %add3A_271 : i32
          %ne3A_438 = arith.cmpi ne, %add3A_435, %add3A_437 : i32
          %or3A_439 = arith.constant false
          %or3A_440 = arith.ori %or3A_439, %ne3A_438 : i1
          %or3A_441 = arith.ori %or3A_440, %eq3A_257 : i1
          %convert_element_type3A_442 = arith.extui %or3A_441 : i1 to i32
          %cond3A_443 = arith.constant 0 : i32
          %cond3A_444 = arith.cmpi ne, %convert_element_type3A_442, %cond3A_443 : i32
          scf.if %cond3A_444 {
            "tpu.trace_start"() <{level = 10 : i32, message = "ep_wait_in"}> : () -> ()
            %add3A_1138 = arith.constant 0 : i32
            %add3A_1139 = arith.addi %add3A_1138, %add3A_261 : i32
            %mul3A_1140 = arith.constant 128 : i32
            %mul3A_1141 = arith.muli %mul3A_1140, %add3A_1139 : i32
            %rem3A_1142 = arith.constant 2 : i32
            %rem3A_1143 = arith.remui %while3A_248, %rem3A_1142 : i32
            %dma_wait3A = arith.constant 0 : i32
            %dma_wait3A_1144 = arith.constant 0 : i32
            %dma_wait3A_1145 = tpu.memref_slice %run_scoped3A[%rem3A_1143, %dma_wait3A, %dma_wait3A_1144] : memref<2x1x128xi32, #tpu.memory_space<vmem>> -> memref<1x1x128xi32, #tpu.memory_space<vmem>>
            %dma_wait3A_1146 = tpu.memref_squeeze %dma_wait3A_1145 : memref<1x1x128xi32, #tpu.memory_space<vmem>> -> memref<1x128xi32, #tpu.memory_space<vmem>>
            %dma_wait3A_1147 = arith.constant 0 : i32
            %dma_wait3A_1148 = tpu.memref_slice %arg3[%dma_wait3A_1147, %mul3A_1141] : memref<1x640000xi32, #tpu.memory_space<hbm>> -> memref<1x128xi32, #tpu.memory_space<hbm>>
            %dma_wait3A_1149 = tpu.memref_slice %run_scoped3A_19[%rem3A_1143] : memref<2x!tpu.dma_semaphore, #tpu.memory_space<semaphore_mem>> -> memref<1x!tpu.dma_semaphore, #tpu.memory_space<semaphore_mem>>
            %dma_wait3A_1150 = tpu.memref_squeeze %dma_wait3A_1149 : memref<1x!tpu.dma_semaphore, #tpu.memory_space<semaphore_mem>> -> memref<!tpu.dma_semaphore, #tpu.memory_space<semaphore_mem>>
            %dma_wait3A_1151 = arith.constant 0 : i32
            %dma_wait3A_1152 = arith.constant 0 : i32
            %dma_wait3A_1153 = tpu.memref_slice %run_scoped3A[%rem3A_1143, %dma_wait3A_1151, %dma_wait3A_1152] : memref<2x1x128xi32, #tpu.memory_space<vmem>> -> memref<1x1x128xi32, #tpu.memory_space<vmem>>
            %dma_wait3A_1154 = tpu.memref_squeeze %dma_wait3A_1153 : memref<1x1x128xi32, #tpu.memory_space<vmem>> -> memref<1x128xi32, #tpu.memory_space<vmem>>
            %dma_wait3A_1155 = arith.constant 0 : i32
            %dma_wait3A_1156 = tpu.memref_slice %arg3[%dma_wait3A_1155, %mul3A_1141] : memref<1x640000xi32, #tpu.memory_space<hbm>> -> memref<1x128xi32, #tpu.memory_space<hbm>>
            tpu.wait_dma2 semaphore(%dma_wait3A_1150 : memref<!tpu.dma_semaphore, #tpu.memory_space<semaphore_mem>>) src(%dma_wait3A_1156 : memref<1x128xi32, #tpu.memory_space<hbm>>) dst(%dma_wait3A_1154 : memref<1x128xi32, #tpu.memory_space<vmem>>)
            "tpu.trace_stop"() : () -> ()
          } else {
          }
          %add3A_445 = arith.constant 2500 : i32
          %add3A_446 = arith.addi %add3A_445, %add3A_261 : i32
          %add3A_447 = arith.constant 2500 : i32
          %add3A_448 = arith.addi %add3A_447, %add3A_271 : i32
          %ne3A_449 = arith.cmpi ne, %add3A_446, %add3A_448 : i32
          %or3A_450 = arith.constant false
          %or3A_451 = arith.ori %or3A_450, %ne3A_449 : i1
          %or3A_452 = arith.ori %or3A_451, %eq3A_257 : i1
          %convert_element_type3A_453 = arith.extui %or3A_452 : i1 to i32
          %cond3A_454 = arith.constant 0 : i32
          %cond3A_455 = arith.cmpi ne, %convert_element_type3A_453, %cond3A_454 : i32
          scf.if %cond3A_455 {
            "tpu.trace_start"() <{level = 10 : i32, message = "ep_wait_in"}> : () -> ()
            %add3A_1138 = arith.constant 2500 : i32
            %add3A_1139 = arith.addi %add3A_1138, %add3A_261 : i32
            %mul3A_1140 = arith.constant 128 : i32
            %mul3A_1141 = arith.muli %mul3A_1140, %add3A_1139 : i32
            %rem3A_1142 = arith.constant 2 : i32
            %rem3A_1143 = arith.remui %while3A_250, %rem3A_1142 : i32
            %dma_wait3A = arith.constant 0 : i32
            %dma_wait3A_1144 = arith.constant 0 : i32
            %dma_wait3A_1145 = tpu.memref_slice %run_scoped3A_20[%rem3A_1143, %dma_wait3A, %dma_wait3A_1144] : memref<2x1x128xi32, #tpu.memory_space<vmem>> -> memref<1x1x128xi32, #tpu.memory_space<vmem>>
            %dma_wait3A_1146 = tpu.memref_squeeze %dma_wait3A_1145 : memref<1x1x128xi32, #tpu.memory_space<vmem>> -> memref<1x128xi32, #tpu.memory_space<vmem>>
            %dma_wait3A_1147 = arith.constant 0 : i32
            %dma_wait3A_1148 = tpu.memref_slice %arg3[%dma_wait3A_1147, %mul3A_1141] : memref<1x640000xi32, #tpu.memory_space<hbm>> -> memref<1x128xi32, #tpu.memory_space<hbm>>
            %dma_wait3A_1149 = tpu.memref_slice %run_scoped3A_21[%rem3A_1143] : memref<2x!tpu.dma_semaphore, #tpu.memory_space<semaphore_mem>> -> memref<1x!tpu.dma_semaphore, #tpu.memory_space<semaphore_mem>>
            %dma_wait3A_1150 = tpu.memref_squeeze %dma_wait3A_1149 : memref<1x!tpu.dma_semaphore, #tpu.memory_space<semaphore_mem>> -> memref<!tpu.dma_semaphore, #tpu.memory_space<semaphore_mem>>
            %dma_wait3A_1151 = arith.constant 0 : i32
            %dma_wait3A_1152 = arith.constant 0 : i32
            %dma_wait3A_1153 = tpu.memref_slice %run_scoped3A_20[%rem3A_1143, %dma_wait3A_1151, %dma_wait3A_1152] : memref<2x1x128xi32, #tpu.memory_space<vmem>> -> memref<1x1x128xi32, #tpu.memory_space<vmem>>
            %dma_wait3A_1154 = tpu.memref_squeeze %dma_wait3A_1153 : memref<1x1x128xi32, #tpu.memory_space<vmem>> -> memref<1x128xi32, #tpu.memory_space<vmem>>
            %dma_wait3A_1155 = arith.constant 0 : i32
            %dma_wait3A_1156 = tpu.memref_slice %arg3[%dma_wait3A_1155, %mul3A_1141] : memref<1x640000xi32, #tpu.memory_space<hbm>> -> memref<1x128xi32, #tpu.memory_space<hbm>>
            tpu.wait_dma2 semaphore(%dma_wait3A_1150 : memref<!tpu.dma_semaphore, #tpu.memory_space<semaphore_mem>>) src(%dma_wait3A_1156 : memref<1x128xi32, #tpu.memory_space<hbm>>) dst(%dma_wait3A_1154 : memref<1x128xi32, #tpu.memory_space<vmem>>)
            "tpu.trace_stop"() : () -> ()
          } else {
          }
          %jit3A_456 = arith.constant 25 : i32
          %div3A_457 = arith.divsi %add3A_261, %jit3A_456 : i32
          %sign3A_458 = arith.constant 0 : i32
          %sign3A_459 = arith.cmpi sgt, %add3A_261, %sign3A_458 : i32
          %sign3A_460 = arith.extui %sign3A_459 : i1 to i32
          %sign3A_461 = arith.constant 0 : i32
          %sign3A_462 = arith.cmpi slt, %add3A_261, %sign3A_461 : i32
          %sign3A_463 = arith.extui %sign3A_462 : i1 to i32
          %sign3A_464 = arith.subi %sign3A_460, %sign3A_463 : i32
          %sign3A_465 = arith.constant 0 : i32
          %sign3A_466 = arith.cmpi sgt, %jit3A_456, %sign3A_465 : i32
          %sign3A_467 = arith.extui %sign3A_466 : i1 to i32
          %sign3A_468 = arith.constant 0 : i32
          %sign3A_469 = arith.cmpi slt, %jit3A_456, %sign3A_468 : i32
          %sign3A_470 = arith.extui %sign3A_469 : i1 to i32
          %sign3A_471 = arith.subi %sign3A_467, %sign3A_470 : i32
          %ne3A_472 = arith.cmpi ne, %sign3A_464, %sign3A_471 : i32
          %rem3A_473 = arith.remsi %add3A_261, %jit3A_456 : i32
          %ne3A_474 = arith.constant 0 : i32
          %ne3A_475 = arith.cmpi ne, %rem3A_473, %ne3A_474 : i32
          %and3A_476 = arith.andi %ne3A_472, %ne3A_475 : i1
          %sub3A_477 = arith.constant 1 : i32
          %sub3A_478 = arith.subi %div3A_457, %sub3A_477 : i32
          %select_n3A_479 = arith.select %and3A_476, %sub3A_478, %div3A_457 : i32
          %jit3A_480 = arith.constant 25 : i32
          %eq3A_481 = arith.constant 0 : i32
          %eq3A_482 = arith.cmpi eq, %jit3A_480, %eq3A_481 : i32
          %jit3A_483 = arith.constant 1 : i32
          %select_n3A_484 = arith.select %eq3A_482, %jit3A_483, %jit3A_480 : i32
          %rem3A_485 = arith.remsi %add3A_261, %select_n3A_484 : i32
          %ne3A_486 = arith.constant 0 : i32
          %ne3A_487 = arith.cmpi ne, %rem3A_485, %ne3A_486 : i32
          %lt3A_488 = arith.constant 0 : i32
          %lt3A_489 = arith.cmpi slt, %rem3A_485, %lt3A_488 : i32
          %lt3A_490 = arith.constant 0 : i32
          %lt3A_491 = arith.cmpi slt, %select_n3A_484, %lt3A_490 : i32
          %ne3A_492 = arith.xori %lt3A_489, %lt3A_491 : i1
          %and3A_493 = arith.andi %ne3A_492, %ne3A_487 : i1
          %add3A_494 = arith.addi %rem3A_485, %select_n3A_484 : i32
          %select_n3A_495 = arith.select %and3A_493, %add3A_494, %rem3A_485 : i32
          %jit3A_496 = arith.constant 25 : i32
          %div3A_497 = arith.divsi %add3A_271, %jit3A_496 : i32
          %sign3A_498 = arith.constant 0 : i32
          %sign3A_499 = arith.cmpi sgt, %add3A_271, %sign3A_498 : i32
          %sign3A_500 = arith.extui %sign3A_499 : i1 to i32
          %sign3A_501 = arith.constant 0 : i32
          %sign3A_502 = arith.cmpi slt, %add3A_271, %sign3A_501 : i32
          %sign3A_503 = arith.extui %sign3A_502 : i1 to i32
          %sign3A_504 = arith.subi %sign3A_500, %sign3A_503 : i32
          %sign3A_505 = arith.constant 0 : i32
          %sign3A_506 = arith.cmpi sgt, %jit3A_496, %sign3A_505 : i32
          %sign3A_507 = arith.extui %sign3A_506 : i1 to i32
          %sign3A_508 = arith.constant 0 : i32
          %sign3A_509 = arith.cmpi slt, %jit3A_496, %sign3A_508 : i32
          %sign3A_510 = arith.extui %sign3A_509 : i1 to i32
          %sign3A_511 = arith.subi %sign3A_507, %sign3A_510 : i32
          %ne3A_512 = arith.cmpi ne, %sign3A_504, %sign3A_511 : i32
          %rem3A_513 = arith.remsi %add3A_271, %jit3A_496 : i32
          %ne3A_514 = arith.constant 0 : i32
          %ne3A_515 = arith.cmpi ne, %rem3A_513, %ne3A_514 : i32
          %and3A_516 = arith.andi %ne3A_512, %ne3A_515 : i1
          %sub3A_517 = arith.constant 1 : i32
          %sub3A_518 = arith.subi %div3A_497, %sub3A_517 : i32
          %select_n3A_519 = arith.select %and3A_516, %sub3A_518, %div3A_497 : i32
          %jit3A_520 = arith.constant 25 : i32
          %eq3A_521 = arith.constant 0 : i32
          %eq3A_522 = arith.cmpi eq, %jit3A_520, %eq3A_521 : i32
          %jit3A_523 = arith.constant 1 : i32
          %select_n3A_524 = arith.select %eq3A_522, %jit3A_523, %jit3A_520 : i32
          %rem3A_525 = arith.remsi %add3A_271, %select_n3A_524 : i32
          %ne3A_526 = arith.constant 0 : i32
          %ne3A_527 = arith.cmpi ne, %rem3A_525, %ne3A_526 : i32
          %lt3A_528 = arith.constant 0 : i32
          %lt3A_529 = arith.cmpi slt, %rem3A_525, %lt3A_528 : i32
          %lt3A_530 = arith.constant 0 : i32
          %lt3A_531 = arith.cmpi slt, %select_n3A_524, %lt3A_530 : i32
          %ne3A_532 = arith.xori %lt3A_529, %lt3A_531 : i1
          %and3A_533 = arith.andi %ne3A_532, %ne3A_527 : i1
          %add3A_534 = arith.addi %rem3A_525, %select_n3A_524 : i32
          %select_n3A_535 = arith.select %and3A_533, %add3A_534, %rem3A_525 : i32
          %ne3A_536 = arith.cmpi ne, %select_n3A_479, %select_n3A_519 : i32
          %ne3A_537 = arith.cmpi ne, %select_n3A_495, %select_n3A_535 : i32
          %or3A_538 = arith.constant false
          %or3A_539 = arith.ori %or3A_538, %ne3A_536 : i1
          %or3A_540 = arith.ori %or3A_539, %ne3A_537 : i1
          %or3A_541 = arith.constant false
          %or3A_542 = arith.ori %or3A_540, %or3A_541 : i1
          %or3A_543 = arith.ori %or3A_542, %eq3A_257 : i1
          %convert_element_type3A_544 = arith.extui %or3A_543 : i1 to i32
          %cond3A_545 = arith.constant 0 : i32
          %cond3A_546 = arith.cmpi ne, %convert_element_type3A_544, %cond3A_545 : i32
          scf.if %cond3A_546 {
            %jit3A_1138 = arith.constant 25 : i32
            "tpu.trace_start"() <{level = 10 : i32, message = "ep_wait_in"}> : () -> ()
            %div3A_1139 = arith.divsi %add3A_261, %jit3A_1138 : i32
            %sign3A_1140 = arith.constant 0 : i32
            %sign3A_1141 = arith.cmpi sgt, %add3A_261, %sign3A_1140 : i32
            %sign3A_1142 = arith.extui %sign3A_1141 : i1 to i32
            %sign3A_1143 = arith.constant 0 : i32
            %sign3A_1144 = arith.cmpi slt, %add3A_261, %sign3A_1143 : i32
            %sign3A_1145 = arith.extui %sign3A_1144 : i1 to i32
            %sign3A_1146 = arith.subi %sign3A_1142, %sign3A_1145 : i32
            %sign3A_1147 = arith.constant 0 : i32
            %sign3A_1148 = arith.cmpi sgt, %jit3A_1138, %sign3A_1147 : i32
            %sign3A_1149 = arith.extui %sign3A_1148 : i1 to i32
            %sign3A_1150 = arith.constant 0 : i32
            %sign3A_1151 = arith.cmpi slt, %jit3A_1138, %sign3A_1150 : i32
            %sign3A_1152 = arith.extui %sign3A_1151 : i1 to i32
            %sign3A_1153 = arith.subi %sign3A_1149, %sign3A_1152 : i32
            %ne3A_1154 = arith.cmpi ne, %sign3A_1146, %sign3A_1153 : i32
            %rem3A_1155 = arith.remsi %add3A_261, %jit3A_1138 : i32
            %ne3A_1156 = arith.constant 0 : i32
            %ne3A_1157 = arith.cmpi ne, %rem3A_1155, %ne3A_1156 : i32
            %and3A_1158 = arith.andi %ne3A_1154, %ne3A_1157 : i1
            %sub3A_1159 = arith.constant 1 : i32
            %sub3A_1160 = arith.subi %div3A_1139, %sub3A_1159 : i32
            %select_n3A_1161 = arith.select %and3A_1158, %sub3A_1160, %div3A_1139 : i32
            %jit3A_1162 = arith.constant 25 : i32
            %eq3A_1163 = arith.constant 0 : i32
            %eq3A_1164 = arith.cmpi eq, %jit3A_1162, %eq3A_1163 : i32
            %jit3A_1165 = arith.constant 1 : i32
            %select_n3A_1166 = arith.select %eq3A_1164, %jit3A_1165, %jit3A_1162 : i32
            %rem3A_1167 = arith.remsi %add3A_261, %select_n3A_1166 : i32
            %ne3A_1168 = arith.constant 0 : i32
            %ne3A_1169 = arith.cmpi ne, %rem3A_1167, %ne3A_1168 : i32
            %lt3A_1170 = arith.constant 0 : i32
            %lt3A_1171 = arith.cmpi slt, %rem3A_1167, %lt3A_1170 : i32
            %lt3A_1172 = arith.constant 0 : i32
            %lt3A_1173 = arith.cmpi slt, %select_n3A_1166, %lt3A_1172 : i32
            %ne3A_1174 = arith.xori %lt3A_1171, %lt3A_1173 : i1
            %and3A_1175 = arith.andi %ne3A_1174, %ne3A_1169 : i1
            %add3A_1176 = arith.addi %rem3A_1167, %select_n3A_1166 : i32
            %select_n3A_1177 = arith.select %and3A_1175, %add3A_1176, %rem3A_1167 : i32
            %mul3A_1178 = arith.constant 1 : i32
            %mul3A_1179 = arith.muli %mul3A_1178, %select_n3A_1161 : i32
            %mul3A_1180 = arith.constant 1 : i32
            %mul3A_1181 = arith.muli %mul3A_1180, %select_n3A_1177 : i32
            %rem3A_1182 = arith.constant 2 : i32
            %rem3A_1183 = arith.remui %while3A_252, %rem3A_1182 : i32
            %dma_wait3A = arith.constant 0 : i32
            %dma_wait3A_1184 = arith.constant 0 : i32
            %dma_wait3A_1185 = arith.constant 0 : i32
            %dma_wait3A_1186 = tpu.memref_slice %run_scoped3A_22[%rem3A_1183, %dma_wait3A, %dma_wait3A_1184, %dma_wait3A_1185] : memref<2x1x1x128xf32, #tpu.memory_space<vmem>> -> memref<1x1x1x128xf32, #tpu.memory_space<vmem>>
            %dma_wait3A_1187 = tpu.memref_squeeze %dma_wait3A_1186 : memref<1x1x1x128xf32, #tpu.memory_space<vmem>> -> memref<1x1x128xf32, #tpu.memory_space<vmem>>
            %dma_wait3A_1188 = arith.constant 0 : i32
            %dma_wait3A_1189 = tpu.memref_slice %arg2[%mul3A_1179, %mul3A_1181, %dma_wait3A_1188] : memref<100x25x128xf32, #tpu.memory_space<hbm>> -> memref<1x1x128xf32, #tpu.memory_space<hbm>>
            %dma_wait3A_1190 = tpu.memref_slice %run_scoped3A_23[%rem3A_1183] : memref<2x!tpu.dma_semaphore, #tpu.memory_space<semaphore_mem>> -> memref<1x!tpu.dma_semaphore, #tpu.memory_space<semaphore_mem>>
            %dma_wait3A_1191 = tpu.memref_squeeze %dma_wait3A_1190 : memref<1x!tpu.dma_semaphore, #tpu.memory_space<semaphore_mem>> -> memref<!tpu.dma_semaphore, #tpu.memory_space<semaphore_mem>>
            %dma_wait3A_1192 = arith.constant 0 : i32
            %dma_wait3A_1193 = arith.constant 0 : i32
            %dma_wait3A_1194 = arith.constant 0 : i32
            %dma_wait3A_1195 = tpu.memref_slice %run_scoped3A_22[%rem3A_1183, %dma_wait3A_1192, %dma_wait3A_1193, %dma_wait3A_1194] : memref<2x1x1x128xf32, #tpu.memory_space<vmem>> -> memref<1x1x1x128xf32, #tpu.memory_space<vmem>>
            %dma_wait3A_1196 = tpu.memref_squeeze %dma_wait3A_1195 : memref<1x1x1x128xf32, #tpu.memory_space<vmem>> -> memref<1x1x128xf32, #tpu.memory_space<vmem>>
            %dma_wait3A_1197 = arith.constant 0 : i32
            %dma_wait3A_1198 = tpu.memref_slice %arg2[%mul3A_1179, %mul3A_1181, %dma_wait3A_1197] : memref<100x25x128xf32, #tpu.memory_space<hbm>> -> memref<1x1x128xf32, #tpu.memory_space<hbm>>
            tpu.wait_dma2 semaphore(%dma_wait3A_1191 : memref<!tpu.dma_semaphore, #tpu.memory_space<semaphore_mem>>) src(%dma_wait3A_1198 : memref<1x1x128xf32, #tpu.memory_space<hbm>>) dst(%dma_wait3A_1196 : memref<1x1x128xf32, #tpu.memory_space<vmem>>)
            "tpu.trace_stop"() : () -> ()
          } else {
          }
          %rem3A_547 = arith.constant 2 : i32
          %rem3A_548 = arith.remui %while3A_248, %rem3A_547 : i32
          %rem3A_549 = arith.constant 2 : i32
          %rem3A_550 = arith.remui %while3A_250, %rem3A_549 : i32
          %rem3A_551 = arith.constant 2 : i32
          %rem3A_552 = arith.remui %while3A_252, %rem3A_551 : i32
          "tpu.trace_start"() <{level = 10 : i32, message = "ep_run_kernel"}> : () -> ()
          %mul3A_553 = arith.constant 64 : i32
          %mul3A_554 = arith.muli %arg0, %mul3A_553 : i32
          %add3A_555 = arith.constant 0 : i32
          %add3A_556 = arith.addi %mul3A_554, %add3A_555 : i32
          %get3A = arith.constant 0 : i32
          %get3A_557 = arith.constant 0 : i32
          %get3A_558 = arith.constant 0 : i32
          %get3A_559 = tpu.memref_slice %run_scoped3A[%rem3A_548, %get3A_557, %get3A_558] : memref<2x1x128xi32, #tpu.memory_space<vmem>> -> memref<1x1x128xi32, #tpu.memory_space<vmem>>
          %get3A_560 = tpu.memref_squeeze %get3A_559 : memref<1x1x128xi32, #tpu.memory_space<vmem>> -> memref<1x128xi32, #tpu.memory_space<vmem>>
          %get3A_561 = arith.index_cast %get3A : i32 to index
          %get3A_562 = arith.index_cast %add3A_556 : i32 to index
          %get3A_563 = tpu.vector_load %get3A_560[%get3A_561, %get3A_562] {strides = array<i32>} : memref<1x128xi32, #tpu.memory_space<vmem>>, vector<16xi32>,
          %get3A_564 = arith.constant 0 : i32
          %get3A_565 = arith.constant 0 : i32
          %get3A_566 = arith.constant 0 : i32
          %get3A_567 = tpu.memref_slice %run_scoped3A_20[%rem3A_550, %get3A_565, %get3A_566] : memref<2x1x128xi32, #tpu.memory_space<vmem>> -> memref<1x1x128xi32, #tpu.memory_space<vmem>>
          %get3A_568 = tpu.memref_squeeze %get3A_567 : memref<1x1x128xi32, #tpu.memory_space<vmem>> -> memref<1x128xi32, #tpu.memory_space<vmem>>
          %get3A_569 = arith.index_cast %get3A_564 : i32 to index
          %get3A_570 = arith.index_cast %add3A_556 : i32 to index
          %get3A_571 = tpu.vector_load %get3A_568[%get3A_569, %get3A_570] {strides = array<i32>} : memref<1x128xi32, #tpu.memory_space<vmem>>, vector<16xi32>,
          %get3A_572 = arith.constant 0 : i32
          %get3A_573 = arith.constant 0 : i32
          %get3A_574 = arith.constant 0 : i32
          %get3A_575 = arith.constant 0 : i32
          %get3A_576 = arith.constant 0 : i32
          %get3A_577 = tpu.memref_slice %run_scoped3A_22[%rem3A_552, %get3A_574, %get3A_575, %get3A_576] : memref<2x1x1x128xf32, #tpu.memory_space<vmem>> -> memref<1x1x1x128xf32, #tpu.memory_space<vmem>>
          %get3A_578 = tpu.memref_squeeze %get3A_577 : memref<1x1x1x128xf32, #tpu.memory_space<vmem>> -> memref<1x1x128xf32, #tpu.memory_space<vmem>>
          %get3A_579 = arith.index_cast %get3A_572 : i32 to index
          %get3A_580 = arith.index_cast %get3A_573 : i32 to index
          %get3A_581 = arith.index_cast %add3A_556 : i32 to index
          %get3A_582 = tpu.vector_load %get3A_578[%get3A_579, %get3A_580, %get3A_581] {strides = array<i32>} : memref<1x1x128xf32, #tpu.memory_space<vmem>>, vector<16xf32>,
          %swap3A = arith.constant 0 : i32
          %swap3A_583 = arith.index_cast %swap3A : i32 to index
          %swap3A_584 = arith.constant 0 : index
          %swap3A_585 = tpu.vector_load %arg10[%swap3A_583, %swap3A_584] {strides = array<i32>} : memref<1x64xi32, #tpu.memory_space<vmem>>, vector<16xi32>,
          tpu.vector_store %arg10[%swap3A_583, %swap3A_584], %get3A_563 {strides = array<i32>} : memref<1x64xi32, #tpu.memory_space<vmem>>, vector<16xi32>,
          %broadcast_in_dim3A = arith.constant 0 : i32
          %broadcast_in_dim3A_586 = vector.broadcast %broadcast_in_dim3A : i32 to vector<16xi32>
          %add3A_587 = arith.addi %broadcast_in_dim3A_586, %iota3A : vector<16xi32>
          %broadcast_in_dim3A_588 = arith.constant 0 : i32
          %broadcast_in_dim3A_589 = vector.broadcast %broadcast_in_dim3A_588 : i32 to vector<16xi32>
          %gather3A = tpu.vector_load_idx %arg8[%broadcast_in_dim3A_589, %get3A_563] : memref<3x10000xf32, #tpu.memory_space<vmem>>[vector<16xi32>, vector<16xi32>], vector<16xf32>,
          %gather3A_590 = tpu.vector_load_idx %arg8[%broadcast_in_dim3A_589, %get3A_571] : memref<3x10000xf32, #tpu.memory_space<vmem>>[vector<16xi32>, vector<16xi32>], vector<16xf32>,
          %sub3A_591 = arith.subf %gather3A, %gather3A_590 : vector<16xf32>
          %mul3A_592 = arith.mulf %sub3A_591, %get3A_582 : vector<16xf32>
          tpu.vector_store_idx %arg9[%add3A_587, %broadcast_in_dim3A_589], %mul3A_592 : memref<64x128xf32, #tpu.memory_space<vmem>>[vector<16xi32>, vector<16xi32>], vector<16xf32>,
          %broadcast_in_dim3A_593 = arith.constant 1 : i32
          %broadcast_in_dim3A_594 = vector.broadcast %broadcast_in_dim3A_593 : i32 to vector<16xi32>
          %gather3A_595 = tpu.vector_load_idx %arg8[%broadcast_in_dim3A_594, %get3A_563] : memref<3x10000xf32, #tpu.memory_space<vmem>>[vector<16xi32>, vector<16xi32>], vector<16xf32>,
          %gather3A_596 = tpu.vector_load_idx %arg8[%broadcast_in_dim3A_594, %get3A_571] : memref<3x10000xf32, #tpu.memory_space<vmem>>[vector<16xi32>, vector<16xi32>], vector<16xf32>,
          %sub3A_597 = arith.subf %gather3A_595, %gather3A_596 : vector<16xf32>
          %mul3A_598 = arith.mulf %sub3A_597, %get3A_582 : vector<16xf32>
          tpu.vector_store_idx %arg9[%add3A_587, %broadcast_in_dim3A_594], %mul3A_598 : memref<64x128xf32, #tpu.memory_space<vmem>>[vector<16xi32>, vector<16xi32>], vector<16xf32>,
          %broadcast_in_dim3A_599 = arith.constant 2 : i32
          %broadcast_in_dim3A_600 = vector.broadcast %broadcast_in_dim3A_599 : i32 to vector<16xi32>
          %gather3A_601 = tpu.vector_load_idx %arg8[%broadcast_in_dim3A_600, %get3A_563] : memref<3x10000xf32, #tpu.memory_space<vmem>>[vector<16xi32>, vector<16xi32>], vector<16xf32>,
          %gather3A_602 = tpu.vector_load_idx %arg8[%broadcast_in_dim3A_600, %get3A_571] : memref<3x10000xf32, #tpu.memory_space<vmem>>[vector<16xi32>, vector<16xi32>], vector<16xf32>,
          %sub3A_603 = arith.subf %gather3A_601, %gather3A_602 : vector<16xf32>
          %mul3A_604 = arith.mulf %sub3A_603, %get3A_582 : vector<16xf32>
          tpu.vector_store_idx %arg9[%add3A_587, %broadcast_in_dim3A_600], %mul3A_604 : memref<64x128xf32, #tpu.memory_space<vmem>>[vector<16xi32>, vector<16xi32>], vector<16xf32>,
          %mul3A_605 = arith.constant 64 : i32
          %mul3A_606 = arith.muli %arg0, %mul3A_605 : i32
          %add3A_607 = arith.constant 16 : i32
          %add3A_608 = arith.addi %mul3A_606, %add3A_607 : i32
          %get3A_609 = arith.constant 0 : i32
          %get3A_610 = arith.constant 0 : i32
          %get3A_611 = arith.constant 0 : i32
          %get3A_612 = tpu.memref_slice %run_scoped3A[%rem3A_548, %get3A_610, %get3A_611] : memref<2x1x128xi32, #tpu.memory_space<vmem>> -> memref<1x1x128xi32, #tpu.memory_space<vmem>>
          %get3A_613 = tpu.memref_squeeze %get3A_612 : memref<1x1x128xi32, #tpu.memory_space<vmem>> -> memref<1x128xi32, #tpu.memory_space<vmem>>
          %get3A_614 = arith.index_cast %get3A_609 : i32 to index
          %get3A_615 = arith.index_cast %add3A_608 : i32 to index
          %get3A_616 = tpu.vector_load %get3A_613[%get3A_614, %get3A_615] {strides = array<i32>} : memref<1x128xi32, #tpu.memory_space<vmem>>, vector<16xi32>,
          %get3A_617 = arith.constant 0 : i32
          %get3A_618 = arith.constant 0 : i32
          %get3A_619 = arith.constant 0 : i32
          %get3A_620 = tpu.memref_slice %run_scoped3A_20[%rem3A_550, %get3A_618, %get3A_619] : memref<2x1x128xi32, #tpu.memory_space<vmem>> -> memref<1x1x128xi32, #tpu.memory_space<vmem>>
          %get3A_621 = tpu.memref_squeeze %get3A_620 : memref<1x1x128xi32, #tpu.memory_space<vmem>> -> memref<1x128xi32, #tpu.memory_space<vmem>>
          %get3A_622 = arith.index_cast %get3A_617 : i32 to index
          %get3A_623 = arith.index_cast %add3A_608 : i32 to index
          %get3A_624 = tpu.vector_load %get3A_621[%get3A_622, %get3A_623] {strides = array<i32>} : memref<1x128xi32, #tpu.memory_space<vmem>>, vector<16xi32>,
          %get3A_625 = arith.constant 0 : i32
          %get3A_626 = arith.constant 0 : i32
          %get3A_627 = arith.constant 0 : i32
          %get3A_628 = arith.constant 0 : i32
          %get3A_629 = arith.constant 0 : i32
          %get3A_630 = tpu.memref_slice %run_scoped3A_22[%rem3A_552, %get3A_627, %get3A_628, %get3A_629] : memref<2x1x1x128xf32, #tpu.memory_space<vmem>> -> memref<1x1x1x128xf32, #tpu.memory_space<vmem>>
          %get3A_631 = tpu.memref_squeeze %get3A_630 : memref<1x1x1x128xf32, #tpu.memory_space<vmem>> -> memref<1x1x128xf32, #tpu.memory_space<vmem>>
          %get3A_632 = arith.index_cast %get3A_625 : i32 to index
          %get3A_633 = arith.index_cast %get3A_626 : i32 to index
          %get3A_634 = arith.index_cast %add3A_608 : i32 to index
          %get3A_635 = tpu.vector_load %get3A_631[%get3A_632, %get3A_633, %get3A_634] {strides = array<i32>} : memref<1x1x128xf32, #tpu.memory_space<vmem>>, vector<16xf32>,
          %swap3A_636 = arith.constant 0 : i32
          %swap3A_637 = arith.index_cast %swap3A_636 : i32 to index
          %swap3A_638 = arith.constant 16 : index
          %swap3A_639 = tpu.vector_load %arg10[%swap3A_637, %swap3A_638] {strides = array<i32>} : memref<1x64xi32, #tpu.memory_space<vmem>>, vector<16xi32>,
          tpu.vector_store %arg10[%swap3A_637, %swap3A_638], %get3A_616 {strides = array<i32>} : memref<1x64xi32, #tpu.memory_space<vmem>>, vector<16xi32>,
          %broadcast_in_dim3A_640 = arith.constant 16 : i32
          %broadcast_in_dim3A_641 = vector.broadcast %broadcast_in_dim3A_640 : i32 to vector<16xi32>
          %add3A_642 = arith.addi %broadcast_in_dim3A_641, %iota3A : vector<16xi32>
          %broadcast_in_dim3A_643 = arith.constant 0 : i32
          %broadcast_in_dim3A_644 = vector.broadcast %broadcast_in_dim3A_643 : i32 to vector<16xi32>
          %gather3A_645 = tpu.vector_load_idx %arg8[%broadcast_in_dim3A_644, %get3A_616] : memref<3x10000xf32, #tpu.memory_space<vmem>>[vector<16xi32>, vector<16xi32>], vector<16xf32>,
          %gather3A_646 = tpu.vector_load_idx %arg8[%broadcast_in_dim3A_644, %get3A_624] : memref<3x10000xf32, #tpu.memory_space<vmem>>[vector<16xi32>, vector<16xi32>], vector<16xf32>,
          %sub3A_647 = arith.subf %gather3A_645, %gather3A_646 : vector<16xf32>
          %mul3A_648 = arith.mulf %sub3A_647, %get3A_635 : vector<16xf32>
          tpu.vector_store_idx %arg9[%add3A_642, %broadcast_in_dim3A_644], %mul3A_648 : memref<64x128xf32, #tpu.memory_space<vmem>>[vector<16xi32>, vector<16xi32>], vector<16xf32>,
          %broadcast_in_dim3A_649 = arith.constant 1 : i32
          %broadcast_in_dim3A_650 = vector.broadcast %broadcast_in_dim3A_649 : i32 to vector<16xi32>
          %gather3A_651 = tpu.vector_load_idx %arg8[%broadcast_in_dim3A_650, %get3A_616] : memref<3x10000xf32, #tpu.memory_space<vmem>>[vector<16xi32>, vector<16xi32>], vector<16xf32>,
          %gather3A_652 = tpu.vector_load_idx %arg8[%broadcast_in_dim3A_650, %get3A_624] : memref<3x10000xf32, #tpu.memory_space<vmem>>[vector<16xi32>, vector<16xi32>], vector<16xf32>,
          %sub3A_653 = arith.subf %gather3A_651, %gather3A_652 : vector<16xf32>
          %mul3A_654 = arith.mulf %sub3A_653, %get3A_635 : vector<16xf32>
          tpu.vector_store_idx %arg9[%add3A_642, %broadcast_in_dim3A_650], %mul3A_654 : memref<64x128xf32, #tpu.memory_space<vmem>>[vector<16xi32>, vector<16xi32>], vector<16xf32>,
          %broadcast_in_dim3A_655 = arith.constant 2 : i32
          %broadcast_in_dim3A_656 = vector.broadcast %broadcast_in_dim3A_655 : i32 to vector<16xi32>
          %gather3A_657 = tpu.vector_load_idx %arg8[%broadcast_in_dim3A_656, %get3A_616] : memref<3x10000xf32, #tpu.memory_space<vmem>>[vector<16xi32>, vector<16xi32>], vector<16xf32>,
          %gather3A_658 = tpu.vector_load_idx %arg8[%broadcast_in_dim3A_656, %get3A_624] : memref<3x10000xf32, #tpu.memory_space<vmem>>[vector<16xi32>, vector<16xi32>], vector<16xf32>,
          %sub3A_659 = arith.subf %gather3A_657, %gather3A_658 : vector<16xf32>
          %mul3A_660 = arith.mulf %sub3A_659, %get3A_635 : vector<16xf32>
          tpu.vector_store_idx %arg9[%add3A_642, %broadcast_in_dim3A_656], %mul3A_660 : memref<64x128xf32, #tpu.memory_space<vmem>>[vector<16xi32>, vector<16xi32>], vector<16xf32>,
          %mul3A_661 = arith.constant 64 : i32
          %mul3A_662 = arith.muli %arg0, %mul3A_661 : i32
          %add3A_663 = arith.constant 32 : i32
          %add3A_664 = arith.addi %mul3A_662, %add3A_663 : i32
          %get3A_665 = arith.constant 0 : i32
          %get3A_666 = arith.constant 0 : i32
          %get3A_667 = arith.constant 0 : i32
          %get3A_668 = tpu.memref_slice %run_scoped3A[%rem3A_548, %get3A_666, %get3A_667] : memref<2x1x128xi32, #tpu.memory_space<vmem>> -> memref<1x1x128xi32, #tpu.memory_space<vmem>>
          %get3A_669 = tpu.memref_squeeze %get3A_668 : memref<1x1x128xi32, #tpu.memory_space<vmem>> -> memref<1x128xi32, #tpu.memory_space<vmem>>
          %get3A_670 = arith.index_cast %get3A_665 : i32 to index
          %get3A_671 = arith.index_cast %add3A_664 : i32 to index
          %get3A_672 = tpu.vector_load %get3A_669[%get3A_670, %get3A_671] {strides = array<i32>} : memref<1x128xi32, #tpu.memory_space<vmem>>, vector<16xi32>,
          %get3A_673 = arith.constant 0 : i32
          %get3A_674 = arith.constant 0 : i32
          %get3A_675 = arith.constant 0 : i32
          %get3A_676 = tpu.memref_slice %run_scoped3A_20[%rem3A_550, %get3A_674, %get3A_675] : memref<2x1x128xi32, #tpu.memory_space<vmem>> -> memref<1x1x128xi32, #tpu.memory_space<vmem>>
          %get3A_677 = tpu.memref_squeeze %get3A_676 : memref<1x1x128xi32, #tpu.memory_space<vmem>> -> memref<1x128xi32, #tpu.memory_space<vmem>>
          %get3A_678 = arith.index_cast %get3A_673 : i32 to index
          %get3A_679 = arith.index_cast %add3A_664 : i32 to index
          %get3A_680 = tpu.vector_load %get3A_677[%get3A_678, %get3A_679] {strides = array<i32>} : memref<1x128xi32, #tpu.memory_space<vmem>>, vector<16xi32>,
          %get3A_681 = arith.constant 0 : i32
          %get3A_682 = arith.constant 0 : i32
          %get3A_683 = arith.constant 0 : i32
          %get3A_684 = arith.constant 0 : i32
          %get3A_685 = arith.constant 0 : i32
          %get3A_686 = tpu.memref_slice %run_scoped3A_22[%rem3A_552, %get3A_683, %get3A_684, %get3A_685] : memref<2x1x1x128xf32, #tpu.memory_space<vmem>> -> memref<1x1x1x128xf32, #tpu.memory_space<vmem>>
          %get3A_687 = tpu.memref_squeeze %get3A_686 : memref<1x1x1x128xf32, #tpu.memory_space<vmem>> -> memref<1x1x128xf32, #tpu.memory_space<vmem>>
          %get3A_688 = arith.index_cast %get3A_681 : i32 to index
          %get3A_689 = arith.index_cast %get3A_682 : i32 to index
          %get3A_690 = arith.index_cast %add3A_664 : i32 to index
          %get3A_691 = tpu.vector_load %get3A_687[%get3A_688, %get3A_689, %get3A_690] {strides = array<i32>} : memref<1x1x128xf32, #tpu.memory_space<vmem>>, vector<16xf32>,
          %swap3A_692 = arith.constant 0 : i32
          %swap3A_693 = arith.index_cast %swap3A_692 : i32 to index
          %swap3A_694 = arith.constant 32 : index
          %swap3A_695 = tpu.vector_load %arg10[%swap3A_693, %swap3A_694] {strides = array<i32>} : memref<1x64xi32, #tpu.memory_space<vmem>>, vector<16xi32>,
          tpu.vector_store %arg10[%swap3A_693, %swap3A_694], %get3A_672 {strides = array<i32>} : memref<1x64xi32, #tpu.memory_space<vmem>>, vector<16xi32>,
          %broadcast_in_dim3A_696 = arith.constant 32 : i32
          %broadcast_in_dim3A_697 = vector.broadcast %broadcast_in_dim3A_696 : i32 to vector<16xi32>
          %add3A_698 = arith.addi %broadcast_in_dim3A_697, %iota3A : vector<16xi32>
          %broadcast_in_dim3A_699 = arith.constant 0 : i32
          %broadcast_in_dim3A_700 = vector.broadcast %broadcast_in_dim3A_699 : i32 to vector<16xi32>
          %gather3A_701 = tpu.vector_load_idx %arg8[%broadcast_in_dim3A_700, %get3A_672] : memref<3x10000xf32, #tpu.memory_space<vmem>>[vector<16xi32>, vector<16xi32>], vector<16xf32>,
          %gather3A_702 = tpu.vector_load_idx %arg8[%broadcast_in_dim3A_700, %get3A_680] : memref<3x10000xf32, #tpu.memory_space<vmem>>[vector<16xi32>, vector<16xi32>], vector<16xf32>,
          %sub3A_703 = arith.subf %gather3A_701, %gather3A_702 : vector<16xf32>
          %mul3A_704 = arith.mulf %sub3A_703, %get3A_691 : vector<16xf32>
          tpu.vector_store_idx %arg9[%add3A_698, %broadcast_in_dim3A_700], %mul3A_704 : memref<64x128xf32, #tpu.memory_space<vmem>>[vector<16xi32>, vector<16xi32>], vector<16xf32>,
          %broadcast_in_dim3A_705 = arith.constant 1 : i32
          %broadcast_in_dim3A_706 = vector.broadcast %broadcast_in_dim3A_705 : i32 to vector<16xi32>
          %gather3A_707 = tpu.vector_load_idx %arg8[%broadcast_in_dim3A_706, %get3A_672] : memref<3x10000xf32, #tpu.memory_space<vmem>>[vector<16xi32>, vector<16xi32>], vector<16xf32>,
          %gather3A_708 = tpu.vector_load_idx %arg8[%broadcast_in_dim3A_706, %get3A_680] : memref<3x10000xf32, #tpu.memory_space<vmem>>[vector<16xi32>, vector<16xi32>], vector<16xf32>,
          %sub3A_709 = arith.subf %gather3A_707, %gather3A_708 : vector<16xf32>
          %mul3A_710 = arith.mulf %sub3A_709, %get3A_691 : vector<16xf32>
          tpu.vector_store_idx %arg9[%add3A_698, %broadcast_in_dim3A_706], %mul3A_710 : memref<64x128xf32, #tpu.memory_space<vmem>>[vector<16xi32>, vector<16xi32>], vector<16xf32>,
          %broadcast_in_dim3A_711 = arith.constant 2 : i32
          %broadcast_in_dim3A_712 = vector.broadcast %broadcast_in_dim3A_711 : i32 to vector<16xi32>
          %gather3A_713 = tpu.vector_load_idx %arg8[%broadcast_in_dim3A_712, %get3A_672] : memref<3x10000xf32, #tpu.memory_space<vmem>>[vector<16xi32>, vector<16xi32>], vector<16xf32>,
          %gather3A_714 = tpu.vector_load_idx %arg8[%broadcast_in_dim3A_712, %get3A_680] : memref<3x10000xf32, #tpu.memory_space<vmem>>[vector<16xi32>, vector<16xi32>], vector<16xf32>,
          %sub3A_715 = arith.subf %gather3A_713, %gather3A_714 : vector<16xf32>
          %mul3A_716 = arith.mulf %sub3A_715, %get3A_691 : vector<16xf32>
          tpu.vector_store_idx %arg9[%add3A_698, %broadcast_in_dim3A_712], %mul3A_716 : memref<64x128xf32, #tpu.memory_space<vmem>>[vector<16xi32>, vector<16xi32>], vector<16xf32>,
          %mul3A_717 = arith.constant 64 : i32
          %mul3A_718 = arith.muli %arg0, %mul3A_717 : i32
          %add3A_719 = arith.constant 48 : i32
          %add3A_720 = arith.addi %mul3A_718, %add3A_719 : i32
          %get3A_721 = arith.constant 0 : i32
          %get3A_722 = arith.constant 0 : i32
          %get3A_723 = arith.constant 0 : i32
          %get3A_724 = tpu.memref_slice %run_scoped3A[%rem3A_548, %get3A_722, %get3A_723] : memref<2x1x128xi32, #tpu.memory_space<vmem>> -> memref<1x1x128xi32, #tpu.memory_space<vmem>>
          %get3A_725 = tpu.memref_squeeze %get3A_724 : memref<1x1x128xi32, #tpu.memory_space<vmem>> -> memref<1x128xi32, #tpu.memory_space<vmem>>
          %get3A_726 = arith.index_cast %get3A_721 : i32 to index
          %get3A_727 = arith.index_cast %add3A_720 : i32 to index
          %get3A_728 = tpu.vector_load %get3A_725[%get3A_726, %get3A_727] {strides = array<i32>} : memref<1x128xi32, #tpu.memory_space<vmem>>, vector<16xi32>,
          %get3A_729 = arith.constant 0 : i32
          %get3A_730 = arith.constant 0 : i32
          %get3A_731 = arith.constant 0 : i32
          %get3A_732 = tpu.memref_slice %run_scoped3A_20[%rem3A_550, %get3A_730, %get3A_731] : memref<2x1x128xi32, #tpu.memory_space<vmem>> -> memref<1x1x128xi32, #tpu.memory_space<vmem>>
          %get3A_733 = tpu.memref_squeeze %get3A_732 : memref<1x1x128xi32, #tpu.memory_space<vmem>> -> memref<1x128xi32, #tpu.memory_space<vmem>>
          %get3A_734 = arith.index_cast %get3A_729 : i32 to index
          %get3A_735 = arith.index_cast %add3A_720 : i32 to index
          %get3A_736 = tpu.vector_load %get3A_733[%get3A_734, %get3A_735] {strides = array<i32>} : memref<1x128xi32, #tpu.memory_space<vmem>>, vector<16xi32>,
          %get3A_737 = arith.constant 0 : i32
          %get3A_738 = arith.constant 0 : i32
          %get3A_739 = arith.constant 0 : i32
          %get3A_740 = arith.constant 0 : i32
          %get3A_741 = arith.constant 0 : i32
          %get3A_742 = tpu.memref_slice %run_scoped3A_22[%rem3A_552, %get3A_739, %get3A_740, %get3A_741] : memref<2x1x1x128xf32, #tpu.memory_space<vmem>> -> memref<1x1x1x128xf32, #tpu.memory_space<vmem>>
          %get3A_743 = tpu.memref_squeeze %get3A_742 : memref<1x1x1x128xf32, #tpu.memory_space<vmem>> -> memref<1x1x128xf32, #tpu.memory_space<vmem>>
          %get3A_744 = arith.index_cast %get3A_737 : i32 to index
          %get3A_745 = arith.index_cast %get3A_738 : i32 to index
          %get3A_746 = arith.index_cast %add3A_720 : i32 to index
          %get3A_747 = tpu.vector_load %get3A_743[%get3A_744, %get3A_745, %get3A_746] {strides = array<i32>} : memref<1x1x128xf32, #tpu.memory_space<vmem>>, vector<16xf32>,
          %swap3A_748 = arith.constant 0 : i32
          %swap3A_749 = arith.index_cast %swap3A_748 : i32 to index
          %swap3A_750 = arith.constant 48 : index
          %swap3A_751 = tpu.vector_load %arg10[%swap3A_749, %swap3A_750] {strides = array<i32>} : memref<1x64xi32, #tpu.memory_space<vmem>>, vector<16xi32>,
          tpu.vector_store %arg10[%swap3A_749, %swap3A_750], %get3A_728 {strides = array<i32>} : memref<1x64xi32, #tpu.memory_space<vmem>>, vector<16xi32>,
          %broadcast_in_dim3A_752 = arith.constant 48 : i32
          %broadcast_in_dim3A_753 = vector.broadcast %broadcast_in_dim3A_752 : i32 to vector<16xi32>
          %add3A_754 = arith.addi %broadcast_in_dim3A_753, %iota3A : vector<16xi32>
          %broadcast_in_dim3A_755 = arith.constant 0 : i32
          %broadcast_in_dim3A_756 = vector.broadcast %broadcast_in_dim3A_755 : i32 to vector<16xi32>
          %gather3A_757 = tpu.vector_load_idx %arg8[%broadcast_in_dim3A_756, %get3A_728] : memref<3x10000xf32, #tpu.memory_space<vmem>>[vector<16xi32>, vector<16xi32>], vector<16xf32>,
          %gather3A_758 = tpu.vector_load_idx %arg8[%broadcast_in_dim3A_756, %get3A_736] : memref<3x10000xf32, #tpu.memory_space<vmem>>[vector<16xi32>, vector<16xi32>], vector<16xf32>,
          %sub3A_759 = arith.subf %gather3A_757, %gather3A_758 : vector<16xf32>
          %mul3A_760 = arith.mulf %sub3A_759, %get3A_747 : vector<16xf32>
          tpu.vector_store_idx %arg9[%add3A_754, %broadcast_in_dim3A_756], %mul3A_760 : memref<64x128xf32, #tpu.memory_space<vmem>>[vector<16xi32>, vector<16xi32>], vector<16xf32>,
          %broadcast_in_dim3A_761 = arith.constant 1 : i32
          %broadcast_in_dim3A_762 = vector.broadcast %broadcast_in_dim3A_761 : i32 to vector<16xi32>
          %gather3A_763 = tpu.vector_load_idx %arg8[%broadcast_in_dim3A_762, %get3A_728] : memref<3x10000xf32, #tpu.memory_space<vmem>>[vector<16xi32>, vector<16xi32>], vector<16xf32>,
          %gather3A_764 = tpu.vector_load_idx %arg8[%broadcast_in_dim3A_762, %get3A_736] : memref<3x10000xf32, #tpu.memory_space<vmem>>[vector<16xi32>, vector<16xi32>], vector<16xf32>,
          %sub3A_765 = arith.subf %gather3A_763, %gather3A_764 : vector<16xf32>
          %mul3A_766 = arith.mulf %sub3A_765, %get3A_747 : vector<16xf32>
          tpu.vector_store_idx %arg9[%add3A_754, %broadcast_in_dim3A_762], %mul3A_766 : memref<64x128xf32, #tpu.memory_space<vmem>>[vector<16xi32>, vector<16xi32>], vector<16xf32>,
          %broadcast_in_dim3A_767 = arith.constant 2 : i32
          %broadcast_in_dim3A_768 = vector.broadcast %broadcast_in_dim3A_767 : i32 to vector<16xi32>
          %gather3A_769 = tpu.vector_load_idx %arg8[%broadcast_in_dim3A_768, %get3A_728] : memref<3x10000xf32, #tpu.memory_space<vmem>>[vector<16xi32>, vector<16xi32>], vector<16xf32>,
          %gather3A_770 = tpu.vector_load_idx %arg8[%broadcast_in_dim3A_768, %get3A_736] : memref<3x10000xf32, #tpu.memory_space<vmem>>[vector<16xi32>, vector<16xi32>], vector<16xf32>,
          %sub3A_771 = arith.subf %gather3A_769, %gather3A_770 : vector<16xf32>
          %mul3A_772 = arith.mulf %sub3A_771, %get3A_747 : vector<16xf32>
          tpu.vector_store_idx %arg9[%add3A_754, %broadcast_in_dim3A_768], %mul3A_772 : memref<64x128xf32, #tpu.memory_space<vmem>>[vector<16xi32>, vector<16xi32>], vector<16xf32>,
          %run_scoped3A_773 = arith.constant 0 : i32
          "tpu.region"() ({
            %run_scoped3A_1138 = tpu.sem_alloc : memref<!tpu.dma_semaphore, #tpu.memory_space<semaphore_mem>>
            %dma_start3A_1139 = arith.constant 0 : i32
            %dma_start3A_1140 = tpu.memref_slice %arg10[%run_scoped3A_773, %dma_start3A_1139] : memref<1x64xi32, #tpu.memory_space<vmem>> -> memref<1x64xi32, #tpu.memory_space<vmem>>
            %dma_start3A_1141 = tpu.memref_squeeze %dma_start3A_1140 : memref<1x64xi32, #tpu.memory_space<vmem>> -> memref<64xi32, #tpu.memory_space<vmem>>
            %dma_start3A_1142 = arith.constant 0 : i32
            %dma_start3A_1143 = arith.constant 0 : i32
            %dma_start3A_1144 = tpu.memref_slice %arg7[%dma_start3A_1142, %dma_start3A_1143] : memref<10000x128xf32, #tpu.memory_space<vmem_shared>> -> memref<10000x128xf32, #tpu.memory_space<vmem_shared>>
            tpu.enqueue_indirect_dma source(%arg9 : memref<64x128xf32, #tpu.memory_space<vmem>>) target(%dma_start3A_1144 : memref<10000x128xf32, #tpu.memory_space<vmem_shared>>) offsets(%dma_start3A_1141 : memref<64xi32, #tpu.memory_space<vmem>>) semaphore(%run_scoped3A_1138 : memref<!tpu.dma_semaphore, #tpu.memory_space<semaphore_mem>>) {add = true}
            %dma_wait3A = arith.constant 0 : i32
            %dma_wait3A_1145 = tpu.memref_slice %arg10[%run_scoped3A_773, %dma_wait3A] : memref<1x64xi32, #tpu.memory_space<vmem>> -> memref<1x64xi32, #tpu.memory_space<vmem>>
            %dma_wait3A_1146 = tpu.memref_squeeze %dma_wait3A_1145 : memref<1x64xi32, #tpu.memory_space<vmem>> -> memref<64xi32, #tpu.memory_space<vmem>>
            %dma_wait3A_1147 = arith.constant 0 : i32
            %dma_wait3A_1148 = arith.constant 0 : i32
            %dma_wait3A_1149 = tpu.memref_slice %arg7[%dma_wait3A_1147, %dma_wait3A_1148] : memref<10000x128xf32, #tpu.memory_space<vmem_shared>> -> memref<10000x128xf32, #tpu.memory_space<vmem_shared>>
            tpu.wait_indirect_dma semaphore(%run_scoped3A_1138 : memref<!tpu.dma_semaphore, #tpu.memory_space<semaphore_mem>>) src(%arg9 : memref<64x128xf32, #tpu.memory_space<vmem>>) dst(%dma_wait3A_1149 : memref<10000x128xf32, #tpu.memory_space<vmem_shared>>)
            tpu.yield
          }) : () -> ()
          "tpu.trace_stop"() : () -> ()
          %add3A_774 = arith.constant 0 : i32
          %add3A_775 = arith.addi %add3A_774, %add3A_261 : i32
          %add3A_776 = arith.constant 0 : i32
          %add3A_777 = arith.addi %add3A_776, %add3A_279 : i32
          %ne3A_778 = arith.cmpi ne, %add3A_775, %add3A_777 : i32
          %or3A_779 = arith.constant false
          %or3A_780 = arith.ori %or3A_779, %ne3A_778 : i1
          %or3A_781 = arith.ori %or3A_780, %eq3A_260 : i1
          %convert_element_type3A_782 = arith.extui %or3A_781 : i1 to i32
          %cond3A_783 = arith.constant 0 : i32
          %cond3A_784 = arith.cmpi ne, %convert_element_type3A_782, %cond3A_783 : i32
          scf.if %cond3A_784 {
          } else {
          }
          %and3A_785 = arith.constant false
          %and3A_786 = arith.andi %or3A_781, %and3A_785 : i1
          %add3A_787 = arith.constant 2500 : i32
          %add3A_788 = arith.addi %add3A_787, %add3A_261 : i32
          %add3A_789 = arith.constant 2500 : i32
          %add3A_790 = arith.addi %add3A_789, %add3A_279 : i32
          %ne3A_791 = arith.cmpi ne, %add3A_788, %add3A_790 : i32
          %or3A_792 = arith.constant false
          %or3A_793 = arith.ori %or3A_792, %ne3A_791 : i1
          %or3A_794 = arith.ori %or3A_793, %eq3A_260 : i1
          %convert_element_type3A_795 = arith.extui %or3A_794 : i1 to i32
          %cond3A_796 = arith.constant 0 : i32
          %cond3A_797 = arith.cmpi ne, %convert_element_type3A_795, %cond3A_796 : i32
          scf.if %cond3A_797 {
          } else {
          }
          %and3A_798 = arith.constant false
          %and3A_799 = arith.andi %or3A_794, %and3A_798 : i1
          %jit3A_800 = arith.constant 25 : i32
          %div3A_801 = arith.divsi %add3A_261, %jit3A_800 : i32
          %sign3A_802 = arith.constant 0 : i32
          %sign3A_803 = arith.cmpi sgt, %add3A_261, %sign3A_802 : i32
          %sign3A_804 = arith.extui %sign3A_803 : i1 to i32
          %sign3A_805 = arith.constant 0 : i32
          %sign3A_806 = arith.cmpi slt, %add3A_261, %sign3A_805 : i32
          %sign3A_807 = arith.extui %sign3A_806 : i1 to i32
          %sign3A_808 = arith.subi %sign3A_804, %sign3A_807 : i32
          %sign3A_809 = arith.constant 0 : i32
          %sign3A_810 = arith.cmpi sgt, %jit3A_800, %sign3A_809 : i32
          %sign3A_811 = arith.extui %sign3A_810 : i1 to i32
          %sign3A_812 = arith.constant 0 : i32
          %sign3A_813 = arith.cmpi slt, %jit3A_800, %sign3A_812 : i32
          %sign3A_814 = arith.extui %sign3A_813 : i1 to i32
          %sign3A_815 = arith.subi %sign3A_811, %sign3A_814 : i32
          %ne3A_816 = arith.cmpi ne, %sign3A_808, %sign3A_815 : i32
          %rem3A_817 = arith.remsi %add3A_261, %jit3A_800 : i32
          %ne3A_818 = arith.constant 0 : i32
          %ne3A_819 = arith.cmpi ne, %rem3A_817, %ne3A_818 : i32
          %and3A_820 = arith.andi %ne3A_816, %ne3A_819 : i1
          %sub3A_821 = arith.constant 1 : i32
          %sub3A_822 = arith.subi %div3A_801, %sub3A_821 : i32
          %select_n3A_823 = arith.select %and3A_820, %sub3A_822, %div3A_801 : i32
          %jit3A_824 = arith.constant 25 : i32
          %eq3A_825 = arith.constant 0 : i32
          %eq3A_826 = arith.cmpi eq, %jit3A_824, %eq3A_825 : i32
          %jit3A_827 = arith.constant 1 : i32
          %select_n3A_828 = arith.select %eq3A_826, %jit3A_827, %jit3A_824 : i32
          %rem3A_829 = arith.remsi %add3A_261, %select_n3A_828 : i32
          %ne3A_830 = arith.constant 0 : i32
          %ne3A_831 = arith.cmpi ne, %rem3A_829, %ne3A_830 : i32
          %lt3A_832 = arith.constant 0 : i32
          %lt3A_833 = arith.cmpi slt, %rem3A_829, %lt3A_832 : i32
          %lt3A_834 = arith.constant 0 : i32
          %lt3A_835 = arith.cmpi slt, %select_n3A_828, %lt3A_834 : i32
          %ne3A_836 = arith.xori %lt3A_833, %lt3A_835 : i1
          %and3A_837 = arith.andi %ne3A_836, %ne3A_831 : i1
          %add3A_838 = arith.addi %rem3A_829, %select_n3A_828 : i32
          %select_n3A_839 = arith.select %and3A_837, %add3A_838, %rem3A_829 : i32
          %jit3A_840 = arith.constant 25 : i32
          %div3A_841 = arith.divsi %add3A_279, %jit3A_840 : i32
          %sign3A_842 = arith.constant 0 : i32
          %sign3A_843 = arith.cmpi sgt, %add3A_279, %sign3A_842 : i32
          %sign3A_844 = arith.extui %sign3A_843 : i1 to i32
          %sign3A_845 = arith.constant 0 : i32
          %sign3A_846 = arith.cmpi slt, %add3A_279, %sign3A_845 : i32
          %sign3A_847 = arith.extui %sign3A_846 : i1 to i32
          %sign3A_848 = arith.subi %sign3A_844, %sign3A_847 : i32
          %sign3A_849 = arith.constant 0 : i32
          %sign3A_850 = arith.cmpi sgt, %jit3A_840, %sign3A_849 : i32
          %sign3A_851 = arith.extui %sign3A_850 : i1 to i32
          %sign3A_852 = arith.constant 0 : i32
          %sign3A_853 = arith.cmpi slt, %jit3A_840, %sign3A_852 : i32
          %sign3A_854 = arith.extui %sign3A_853 : i1 to i32
          %sign3A_855 = arith.subi %sign3A_851, %sign3A_854 : i32
          %ne3A_856 = arith.cmpi ne, %sign3A_848, %sign3A_855 : i32
          %rem3A_857 = arith.remsi %add3A_279, %jit3A_840 : i32
          %ne3A_858 = arith.constant 0 : i32
          %ne3A_859 = arith.cmpi ne, %rem3A_857, %ne3A_858 : i32
          %and3A_860 = arith.andi %ne3A_856, %ne3A_859 : i1
          %sub3A_861 = arith.constant 1 : i32
          %sub3A_862 = arith.subi %div3A_841, %sub3A_861 : i32
          %select_n3A_863 = arith.select %and3A_860, %sub3A_862, %div3A_841 : i32
          %jit3A_864 = arith.constant 25 : i32
          %eq3A_865 = arith.constant 0 : i32
          %eq3A_866 = arith.cmpi eq, %jit3A_864, %eq3A_865 : i32
          %jit3A_867 = arith.constant 1 : i32
          %select_n3A_868 = arith.select %eq3A_866, %jit3A_867, %jit3A_864 : i32
          %rem3A_869 = arith.remsi %add3A_279, %select_n3A_868 : i32
          %ne3A_870 = arith.constant 0 : i32
          %ne3A_871 = arith.cmpi ne, %rem3A_869, %ne3A_870 : i32
          %lt3A_872 = arith.constant 0 : i32
          %lt3A_873 = arith.cmpi slt, %rem3A_869, %lt3A_872 : i32
          %lt3A_874 = arith.constant 0 : i32
          %lt3A_875 = arith.cmpi slt, %select_n3A_868, %lt3A_874 : i32
          %ne3A_876 = arith.xori %lt3A_873, %lt3A_875 : i1
          %and3A_877 = arith.andi %ne3A_876, %ne3A_871 : i1
          %add3A_878 = arith.addi %rem3A_869, %select_n3A_868 : i32
          %select_n3A_879 = arith.select %and3A_877, %add3A_878, %rem3A_869 : i32
          %ne3A_880 = arith.cmpi ne, %select_n3A_823, %select_n3A_863 : i32
          %ne3A_881 = arith.cmpi ne, %select_n3A_839, %select_n3A_879 : i32
          %or3A_882 = arith.constant false
          %or3A_883 = arith.ori %or3A_882, %ne3A_880 : i1
          %or3A_884 = arith.ori %or3A_883, %ne3A_881 : i1
          %or3A_885 = arith.constant false
          %or3A_886 = arith.ori %or3A_884, %or3A_885 : i1
          %or3A_887 = arith.ori %or3A_886, %eq3A_260 : i1
          %convert_element_type3A_888 = arith.extui %or3A_887 : i1 to i32
          %cond3A_889 = arith.constant 0 : i32
          %cond3A_890 = arith.cmpi ne, %convert_element_type3A_888, %cond3A_889 : i32
          scf.if %cond3A_890 {
          } else {
          }
          %and3A_891 = arith.constant false
          %and3A_892 = arith.andi %or3A_887, %and3A_891 : i1
          %add3A_893 = arith.constant 0 : i32
          %add3A_894 = arith.addi %add3A_893, %add3A_261 : i32
          %add3A_895 = arith.constant 0 : i32
          %add3A_896 = arith.addi %add3A_895, %add3A_271 : i32
          %ne3A_897 = arith.cmpi ne, %add3A_894, %add3A_896 : i32
          %or3A_898 = arith.constant false
          %or3A_899 = arith.ori %or3A_898, %ne3A_897 : i1
          %not3A_900 = arith.constant true
          %not3A_901 = arith.xori %eq3A_257, %not3A_900 : i1
          %and3A_902 = arith.andi %or3A_899, %not3A_901 : i1
          %convert_element_type3A_903 = arith.extui %and3A_902 : i1 to i32
          %cond3A_904 = arith.constant 0 : i32
          %cond3A_905 = arith.cmpi ne, %convert_element_type3A_903, %cond3A_904 : i32
          scf.if %cond3A_905 {
          } else {
          }
          %and3A_906 = arith.constant false
          %and3A_907 = arith.andi %and3A_902, %and3A_906 : i1
          %add3A_908 = arith.constant 2500 : i32
          %add3A_909 = arith.addi %add3A_908, %add3A_261 : i32
          %add3A_910 = arith.constant 2500 : i32
          %add3A_911 = arith.addi %add3A_910, %add3A_271 : i32
          %ne3A_912 = arith.cmpi ne, %add3A_909, %add3A_911 : i32
          %or3A_913 = arith.constant false
          %or3A_914 = arith.ori %or3A_913, %ne3A_912 : i1
          %not3A_915 = arith.constant true
          %not3A_916 = arith.xori %eq3A_257, %not3A_915 : i1
          %and3A_917 = arith.andi %or3A_914, %not3A_916 : i1
          %convert_element_type3A_918 = arith.extui %and3A_917 : i1 to i32
          %cond3A_919 = arith.constant 0 : i32
          %cond3A_920 = arith.cmpi ne, %convert_element_type3A_918, %cond3A_919 : i32
          scf.if %cond3A_920 {
          } else {
          }
          %and3A_921 = arith.constant false
          %and3A_922 = arith.andi %and3A_917, %and3A_921 : i1
          %jit3A_923 = arith.constant 25 : i32
          %div3A_924 = arith.divsi %add3A_261, %jit3A_923 : i32
          %sign3A_925 = arith.constant 0 : i32
          %sign3A_926 = arith.cmpi sgt, %add3A_261, %sign3A_925 : i32
          %sign3A_927 = arith.extui %sign3A_926 : i1 to i32
          %sign3A_928 = arith.constant 0 : i32
          %sign3A_929 = arith.cmpi slt, %add3A_261, %sign3A_928 : i32
          %sign3A_930 = arith.extui %sign3A_929 : i1 to i32
          %sign3A_931 = arith.subi %sign3A_927, %sign3A_930 : i32
          %sign3A_932 = arith.constant 0 : i32
          %sign3A_933 = arith.cmpi sgt, %jit3A_923, %sign3A_932 : i32
          %sign3A_934 = arith.extui %sign3A_933 : i1 to i32
          %sign3A_935 = arith.constant 0 : i32
          %sign3A_936 = arith.cmpi slt, %jit3A_923, %sign3A_935 : i32
          %sign3A_937 = arith.extui %sign3A_936 : i1 to i32
          %sign3A_938 = arith.subi %sign3A_934, %sign3A_937 : i32
          %ne3A_939 = arith.cmpi ne, %sign3A_931, %sign3A_938 : i32
          %rem3A_940 = arith.remsi %add3A_261, %jit3A_923 : i32
          %ne3A_941 = arith.constant 0 : i32
          %ne3A_942 = arith.cmpi ne, %rem3A_940, %ne3A_941 : i32
          %and3A_943 = arith.andi %ne3A_939, %ne3A_942 : i1
          %sub3A_944 = arith.constant 1 : i32
          %sub3A_945 = arith.subi %div3A_924, %sub3A_944 : i32
          %select_n3A_946 = arith.select %and3A_943, %sub3A_945, %div3A_924 : i32
          %jit3A_947 = arith.constant 25 : i32
          %eq3A_948 = arith.constant 0 : i32
          %eq3A_949 = arith.cmpi eq, %jit3A_947, %eq3A_948 : i32
          %jit3A_950 = arith.constant 1 : i32
          %select_n3A_951 = arith.select %eq3A_949, %jit3A_950, %jit3A_947 : i32
          %rem3A_952 = arith.remsi %add3A_261, %select_n3A_951 : i32
          %ne3A_953 = arith.constant 0 : i32
          %ne3A_954 = arith.cmpi ne, %rem3A_952, %ne3A_953 : i32
          %lt3A_955 = arith.constant 0 : i32
          %lt3A_956 = arith.cmpi slt, %rem3A_952, %lt3A_955 : i32
          %lt3A_957 = arith.constant 0 : i32
          %lt3A_958 = arith.cmpi slt, %select_n3A_951, %lt3A_957 : i32
          %ne3A_959 = arith.xori %lt3A_956, %lt3A_958 : i1
          %and3A_960 = arith.andi %ne3A_959, %ne3A_954 : i1
          %add3A_961 = arith.addi %rem3A_952, %select_n3A_951 : i32
          %select_n3A_962 = arith.select %and3A_960, %add3A_961, %rem3A_952 : i32
          %jit3A_963 = arith.constant 25 : i32
          %div3A_964 = arith.divsi %add3A_271, %jit3A_963 : i32
          %sign3A_965 = arith.constant 0 : i32
          %sign3A_966 = arith.cmpi sgt, %add3A_271, %sign3A_965 : i32
          %sign3A_967 = arith.extui %sign3A_966 : i1 to i32
          %sign3A_968 = arith.constant 0 : i32
          %sign3A_969 = arith.cmpi slt, %add3A_271, %sign3A_968 : i32
          %sign3A_970 = arith.extui %sign3A_969 : i1 to i32
          %sign3A_971 = arith.subi %sign3A_967, %sign3A_970 : i32
          %sign3A_972 = arith.constant 0 : i32
          %sign3A_973 = arith.cmpi sgt, %jit3A_963, %sign3A_972 : i32
          %sign3A_974 = arith.extui %sign3A_973 : i1 to i32
          %sign3A_975 = arith.constant 0 : i32
          %sign3A_976 = arith.cmpi slt, %jit3A_963, %sign3A_975 : i32
          %sign3A_977 = arith.extui %sign3A_976 : i1 to i32
          %sign3A_978 = arith.subi %sign3A_974, %sign3A_977 : i32
          %ne3A_979 = arith.cmpi ne, %sign3A_971, %sign3A_978 : i32
          %rem3A_980 = arith.remsi %add3A_271, %jit3A_963 : i32
          %ne3A_981 = arith.constant 0 : i32
          %ne3A_982 = arith.cmpi ne, %rem3A_980, %ne3A_981 : i32
          %and3A_983 = arith.andi %ne3A_979, %ne3A_982 : i1
          %sub3A_984 = arith.constant 1 : i32
          %sub3A_985 = arith.subi %div3A_964, %sub3A_984 : i32
          %select_n3A_986 = arith.select %and3A_983, %sub3A_985, %div3A_964 : i32
          %jit3A_987 = arith.constant 25 : i32
          %eq3A_988 = arith.constant 0 : i32
          %eq3A_989 = arith.cmpi eq, %jit3A_987, %eq3A_988 : i32
          %jit3A_990 = arith.constant 1 : i32
          %select_n3A_991 = arith.select %eq3A_989, %jit3A_990, %jit3A_987 : i32
          %rem3A_992 = arith.remsi %add3A_271, %select_n3A_991 : i32
          %ne3A_993 = arith.constant 0 : i32
          %ne3A_994 = arith.cmpi ne, %rem3A_992, %ne3A_993 : i32
          %lt3A_995 = arith.constant 0 : i32
          %lt3A_996 = arith.cmpi slt, %rem3A_992, %lt3A_995 : i32
          %lt3A_997 = arith.constant 0 : i32
          %lt3A_998 = arith.cmpi slt, %select_n3A_991, %lt3A_997 : i32
          %ne3A_999 = arith.xori %lt3A_996, %lt3A_998 : i1
          %and3A_1000 = arith.andi %ne3A_999, %ne3A_994 : i1
          %add3A_1001 = arith.addi %rem3A_992, %select_n3A_991 : i32
          %select_n3A_1002 = arith.select %and3A_1000, %add3A_1001, %rem3A_992 : i32
          %ne3A_1003 = arith.cmpi ne, %select_n3A_946, %select_n3A_986 : i32
          %ne3A_1004 = arith.cmpi ne, %select_n3A_962, %select_n3A_1002 : i32
          %or3A_1005 = arith.constant false
          %or3A_1006 = arith.ori %or3A_1005, %ne3A_1003 : i1
          %or3A_1007 = arith.ori %or3A_1006, %ne3A_1004 : i1
          %or3A_1008 = arith.constant false
          %or3A_1009 = arith.ori %or3A_1007, %or3A_1008 : i1
          %not3A_1010 = arith.constant true
          %not3A_1011 = arith.xori %eq3A_257, %not3A_1010 : i1
          %and3A_1012 = arith.andi %or3A_1009, %not3A_1011 : i1
          %convert_element_type3A_1013 = arith.extui %and3A_1012 : i1 to i32
          %cond3A_1014 = arith.constant 0 : i32
          %cond3A_1015 = arith.cmpi ne, %convert_element_type3A_1013, %cond3A_1014 : i32
          scf.if %cond3A_1015 {
          } else {
          }
          %and3A_1016 = arith.constant false
          %and3A_1017 = arith.andi %and3A_1012, %and3A_1016 : i1
          %add3A_1018 = arith.constant 0 : i32
          %add3A_1019 = arith.addi %add3A_1018, %add3A_261 : i32
          %add3A_1020 = arith.constant 0 : i32
          %add3A_1021 = arith.addi %add3A_1020, %add3A_279 : i32
          %ne3A_1022 = arith.cmpi ne, %add3A_1019, %add3A_1021 : i32
          %or3A_1023 = arith.constant false
          %or3A_1024 = arith.ori %or3A_1023, %ne3A_1022 : i1
          %or3A_1025 = arith.ori %or3A_1024, %eq3A_260 : i1
          %add3A_1026 = arith.constant 1 : i32
          %add3A_1027 = arith.addi %while3A_248, %add3A_1026 : i32
          %select_n3A_1028 = arith.select %or3A_1025, %add3A_1027, %while3A_248 : i32
          %add3A_1029 = arith.constant 2500 : i32
          %add3A_1030 = arith.addi %add3A_1029, %add3A_261 : i32
          %add3A_1031 = arith.constant 2500 : i32
          %add3A_1032 = arith.addi %add3A_1031, %add3A_279 : i32
          %ne3A_1033 = arith.cmpi ne, %add3A_1030, %add3A_1032 : i32
          %or3A_1034 = arith.constant false
          %or3A_1035 = arith.ori %or3A_1034, %ne3A_1033 : i1
          %or3A_1036 = arith.ori %or3A_1035, %eq3A_260 : i1
          %add3A_1037 = arith.constant 1 : i32
          %add3A_1038 = arith.addi %while3A_250, %add3A_1037 : i32
          %select_n3A_1039 = arith.select %or3A_1036, %add3A_1038, %while3A_250 : i32
          %jit3A_1040 = arith.constant 25 : i32
          %div3A_1041 = arith.divsi %add3A_261, %jit3A_1040 : i32
          %sign3A_1042 = arith.constant 0 : i32
          %sign3A_1043 = arith.cmpi sgt, %add3A_261, %sign3A_1042 : i32
          %sign3A_1044 = arith.extui %sign3A_1043 : i1 to i32
          %sign3A_1045 = arith.constant 0 : i32
          %sign3A_1046 = arith.cmpi slt, %add3A_261, %sign3A_1045 : i32
          %sign3A_1047 = arith.extui %sign3A_1046 : i1 to i32
          %sign3A_1048 = arith.subi %sign3A_1044, %sign3A_1047 : i32
          %sign3A_1049 = arith.constant 0 : i32
          %sign3A_1050 = arith.cmpi sgt, %jit3A_1040, %sign3A_1049 : i32
          %sign3A_1051 = arith.extui %sign3A_1050 : i1 to i32
          %sign3A_1052 = arith.constant 0 : i32
          %sign3A_1053 = arith.cmpi slt, %jit3A_1040, %sign3A_1052 : i32
          %sign3A_1054 = arith.extui %sign3A_1053 : i1 to i32
          %sign3A_1055 = arith.subi %sign3A_1051, %sign3A_1054 : i32
          %ne3A_1056 = arith.cmpi ne, %sign3A_1048, %sign3A_1055 : i32
          %rem3A_1057 = arith.remsi %add3A_261, %jit3A_1040 : i32
          %ne3A_1058 = arith.constant 0 : i32
          %ne3A_1059 = arith.cmpi ne, %rem3A_1057, %ne3A_1058 : i32
          %and3A_1060 = arith.andi %ne3A_1056, %ne3A_1059 : i1
          %sub3A_1061 = arith.constant 1 : i32
          %sub3A_1062 = arith.subi %div3A_1041, %sub3A_1061 : i32
          %select_n3A_1063 = arith.select %and3A_1060, %sub3A_1062, %div3A_1041 : i32
          %jit3A_1064 = arith.constant 25 : i32
          %eq3A_1065 = arith.constant 0 : i32
          %eq3A_1066 = arith.cmpi eq, %jit3A_1064, %eq3A_1065 : i32
          %jit3A_1067 = arith.constant 1 : i32
          %select_n3A_1068 = arith.select %eq3A_1066, %jit3A_1067, %jit3A_1064 : i32
          %rem3A_1069 = arith.remsi %add3A_261, %select_n3A_1068 : i32
          %ne3A_1070 = arith.constant 0 : i32
          %ne3A_1071 = arith.cmpi ne, %rem3A_1069, %ne3A_1070 : i32
          %lt3A_1072 = arith.constant 0 : i32
          %lt3A_1073 = arith.cmpi slt, %rem3A_1069, %lt3A_1072 : i32
          %lt3A_1074 = arith.constant 0 : i32
          %lt3A_1075 = arith.cmpi slt, %select_n3A_1068, %lt3A_1074 : i32
          %ne3A_1076 = arith.xori %lt3A_1073, %lt3A_1075 : i1
          %and3A_1077 = arith.andi %ne3A_1076, %ne3A_1071 : i1
          %add3A_1078 = arith.addi %rem3A_1069, %select_n3A_1068 : i32
          %select_n3A_1079 = arith.select %and3A_1077, %add3A_1078, %rem3A_1069 : i32
          %jit3A_1080 = arith.constant 25 : i32
          %div3A_1081 = arith.divsi %add3A_279, %jit3A_1080 : i32
          %sign3A_1082 = arith.constant 0 : i32
          %sign3A_1083 = arith.cmpi sgt, %add3A_279, %sign3A_1082 : i32
          %sign3A_1084 = arith.extui %sign3A_1083 : i1 to i32
          %sign3A_1085 = arith.constant 0 : i32
          %sign3A_1086 = arith.cmpi slt, %add3A_279, %sign3A_1085 : i32
          %sign3A_1087 = arith.extui %sign3A_1086 : i1 to i32
          %sign3A_1088 = arith.subi %sign3A_1084, %sign3A_1087 : i32
          %sign3A_1089 = arith.constant 0 : i32
          %sign3A_1090 = arith.cmpi sgt, %jit3A_1080, %sign3A_1089 : i32
          %sign3A_1091 = arith.extui %sign3A_1090 : i1 to i32
          %sign3A_1092 = arith.constant 0 : i32
          %sign3A_1093 = arith.cmpi slt, %jit3A_1080, %sign3A_1092 : i32
          %sign3A_1094 = arith.extui %sign3A_1093 : i1 to i32
          %sign3A_1095 = arith.subi %sign3A_1091, %sign3A_1094 : i32
          %ne3A_1096 = arith.cmpi ne, %sign3A_1088, %sign3A_1095 : i32
          %rem3A_1097 = arith.remsi %add3A_279, %jit3A_1080 : i32
          %ne3A_1098 = arith.constant 0 : i32
          %ne3A_1099 = arith.cmpi ne, %rem3A_1097, %ne3A_1098 : i32
          %and3A_1100 = arith.andi %ne3A_1096, %ne3A_1099 : i1
          %sub3A_1101 = arith.constant 1 : i32
          %sub3A_1102 = arith.subi %div3A_1081, %sub3A_1101 : i32
          %select_n3A_1103 = arith.select %and3A_1100, %sub3A_1102, %div3A_1081 : i32
          %jit3A_1104 = arith.constant 25 : i32
          %eq3A_1105 = arith.constant 0 : i32
          %eq3A_1106 = arith.cmpi eq, %jit3A_1104, %eq3A_1105 : i32
          %jit3A_1107 = arith.constant 1 : i32
          %select_n3A_1108 = arith.select %eq3A_1106, %jit3A_1107, %jit3A_1104 : i32
          %rem3A_1109 = arith.remsi %add3A_279, %select_n3A_1108 : i32
          %ne3A_1110 = arith.constant 0 : i32
          %ne3A_1111 = arith.cmpi ne, %rem3A_1109, %ne3A_1110 : i32
          %lt3A_1112 = arith.constant 0 : i32
          %lt3A_1113 = arith.cmpi slt, %rem3A_1109, %lt3A_1112 : i32
          %lt3A_1114 = arith.constant 0 : i32
          %lt3A_1115 = arith.cmpi slt, %select_n3A_1108, %lt3A_1114 : i32
          %ne3A_1116 = arith.xori %lt3A_1113, %lt3A_1115 : i1
          %and3A_1117 = arith.andi %ne3A_1116, %ne3A_1111 : i1
          %add3A_1118 = arith.addi %rem3A_1109, %select_n3A_1108 : i32
          %select_n3A_1119 = arith.select %and3A_1117, %add3A_1118, %rem3A_1109 : i32
          %ne3A_1120 = arith.cmpi ne, %select_n3A_1063, %select_n3A_1103 : i32
          %ne3A_1121 = arith.cmpi ne, %select_n3A_1079, %select_n3A_1119 : i32
          %or3A_1122 = arith.constant false
          %or3A_1123 = arith.ori %or3A_1122, %ne3A_1120 : i1
          %or3A_1124 = arith.ori %or3A_1123, %ne3A_1121 : i1
          %or3A_1125 = arith.constant false
          %or3A_1126 = arith.ori %or3A_1124, %or3A_1125 : i1
          %or3A_1127 = arith.ori %or3A_1126, %eq3A_260 : i1
          %add3A_1128 = arith.constant 1 : i32
          %add3A_1129 = arith.addi %while3A_252, %add3A_1128 : i32
          %select_n3A_1130 = arith.select %or3A_1127, %add3A_1129, %while3A_252 : i32
          %add3A_1131 = arith.constant 1 : i32
          %add3A_1132 = arith.addi %while3A_253, %add3A_1131 : i32
          %select_n3A_1133 = arith.constant true
          %select_n3A_1134 = arith.select %select_n3A_1133, %add3A_1132, %while3A_253 : i32
          %eq3A_1135 = arith.cmpi eq, %select_n3A_1134, %select_n3A : i32
          %select_n3A_1136 = arith.constant 0 : i32
          %select_n3A_1137 = arith.select %eq3A_1135, %select_n3A_1136, %select_n3A_1134 : i32
          scf.yield %select_n3A_307, %select_n3A_1028, %select_n3A_330, %select_n3A_1039, %select_n3A_433, %select_n3A_1130, %select_n3A_1137 : i32, i32, i32, i32, i32, i32, i32
        }
        %sub3A_192 = arith.constant 1 : i32
        %sub3A_193 = arith.subi %while3A_191#6, %sub3A_192 : i32
        %select_n3A_194 = arith.constant true
        %select_n3A_195 = arith.select %select_n3A_194, %sub3A_193, %while3A_191#6 : i32
        %eq3A_196 = arith.constant -1 : i32
        %eq3A_197 = arith.cmpi eq, %select_n3A_195, %eq3A_196 : i32
        %sub3A_198 = arith.constant 1 : i32
        %sub3A_199 = arith.subi %select_n3A, %sub3A_198 : i32
        %select_n3A_200 = arith.select %eq3A_197, %sub3A_199, %select_n3A_195 : i32
        %sub3A_201 = arith.constant 1 : i32
        %sub3A_202 = arith.subi %mul3A_11, %sub3A_201 : i32
        %mul3A_203 = arith.constant 1 : i32
        %mul3A_204 = arith.muli %mul3A_203, %select_n3A : i32
        %eq3A_205 = arith.constant 0 : i32
        %eq3A_206 = arith.cmpi eq, %sub3A_202, %eq3A_205 : i32
        %sub3A_207 = arith.constant 1 : i32
        %sub3A_208 = arith.subi %mul3A_204, %sub3A_207 : i32
        %eq3A_209 = arith.cmpi eq, %sub3A_202, %sub3A_208 : i32
        %add3A_210 = arith.addi %select_n3A_200, %select_n3A_9 : i32
        %sub3A_211 = arith.constant 1 : i32
        %sub3A_212 = arith.subi %select_n3A_200, %sub3A_211 : i32
        %select_n3A_213 = arith.constant true
        %select_n3A_214 = arith.select %select_n3A_213, %sub3A_212, %select_n3A_200 : i32
        %eq3A_215 = arith.constant -1 : i32
        %eq3A_216 = arith.cmpi eq, %select_n3A_214, %eq3A_215 : i32
        %sub3A_217 = arith.constant 1 : i32
        %sub3A_218 = arith.subi %select_n3A, %sub3A_217 : i32
        %select_n3A_219 = arith.select %eq3A_216, %sub3A_218, %select_n3A_214 : i32
        %add3A_220 = arith.addi %select_n3A_219, %select_n3A_9 : i32
        %add3A_221 = arith.constant 1 : i32
        %add3A_222 = arith.addi %select_n3A_200, %add3A_221 : i32
        %select_n3A_223 = arith.constant true
        %select_n3A_224 = arith.select %select_n3A_223, %add3A_222, %select_n3A_200 : i32
        %eq3A_225 = arith.cmpi eq, %select_n3A_224, %select_n3A : i32
        %select_n3A_226 = arith.constant 0 : i32
        %select_n3A_227 = arith.select %eq3A_225, %select_n3A_226, %select_n3A_224 : i32
        %add3A_228 = arith.addi %select_n3A_227, %select_n3A_9 : i32
        %add3A_229 = arith.constant 1 : i32
        %add3A_230 = arith.addi %select_n3A_227, %add3A_229 : i32
        %select_n3A_231 = arith.constant true
        %select_n3A_232 = arith.select %select_n3A_231, %add3A_230, %select_n3A_227 : i32
        %eq3A_233 = arith.cmpi eq, %select_n3A_232, %select_n3A : i32
        %select_n3A_234 = arith.constant 0 : i32
        %select_n3A_235 = arith.select %eq3A_233, %select_n3A_234, %select_n3A_232 : i32
        %add3A_236 = arith.addi %select_n3A_235, %select_n3A_9 : i32
        %convert_element_type3A_237 = arith.extui %eq3A_209 : i1 to i32
        %cond3A_238 = arith.constant 0 : i32
        %cond3A_239 = arith.cmpi ne, %convert_element_type3A_237, %cond3A_238 : i32
        scf.if %cond3A_239 {
        } else {
        }
        %convert_element_type3A_240 = arith.extui %eq3A_209 : i1 to i32
        %cond3A_241 = arith.constant 0 : i32
        %cond3A_242 = arith.cmpi ne, %convert_element_type3A_240, %cond3A_241 : i32
        scf.if %cond3A_242 {
        } else {
        }
        %convert_element_type3A_243 = arith.extui %eq3A_209 : i1 to i32
        %cond3A_244 = arith.constant 0 : i32
        %cond3A_245 = arith.cmpi ne, %convert_element_type3A_243, %cond3A_244 : i32
        scf.if %cond3A_245 {
        } else {
        }
      } else {
      }
      tpu.yield
    }) : () -> ()
    %barrier3A_12 = arith.constant 0 : index
    tpu.barrier barrier_id(%barrier3A_12)
    %mul3A_13 = arith.constant 624 : i32
    %mul3A_14 = arith.muli %arg1, %mul3A_13 : i32
    %mul3A_15 = arith.constant 624 : i32
    %mul3A_16 = arith.muli %arg1, %mul3A_15 : i32
    "tpu.region"() ({
      %run_scoped3A = tpu.sem_alloc : memref<!tpu.dma_semaphore, #tpu.memory_space<semaphore_mem>>
      %dma_start3A = arith.constant 0 : i32
      %dma_start3A_19 = arith.constant 0 : i32
      %dma_start3A_20 = tpu.memref_slice %arg6[%arg0, %dma_start3A, %dma_start3A_19] : memref<2x10000x128xf32, #tpu.memory_space<hbm>> -> memref<1x10000x128xf32, #tpu.memory_space<hbm>>
      %dma_start3A_21 = tpu.memref_squeeze %dma_start3A_20 : memref<1x10000x128xf32, #tpu.memory_space<hbm>> -> memref<10000x128xf32, #tpu.memory_space<hbm>>
      %dma_start3A_22 = arith.constant 0 : i32
      %dma_start3A_23 = tpu.memref_slice %dma_start3A_21[%mul3A_16, %dma_start3A_22] : memref<10000x128xf32, #tpu.memory_space<hbm>> -> memref<624x128xf32, #tpu.memory_space<hbm>>
      %dma_start3A_24 = arith.constant 0 : i32
      %dma_start3A_25 = tpu.memref_slice %arg7[%mul3A_14, %dma_start3A_24] : memref<10000x128xf32, #tpu.memory_space<vmem_shared>> -> memref<624x128xf32, #tpu.memory_space<vmem_shared>>
      tpu.enqueue_dma source(%dma_start3A_25 : memref<624x128xf32, #tpu.memory_space<vmem_shared>>) target(%dma_start3A_23 : memref<624x128xf32, #tpu.memory_space<hbm>>) target_semaphore(%run_scoped3A : memref<!tpu.dma_semaphore, #tpu.memory_space<semaphore_mem>>)
      %dma_wait3A = arith.constant 0 : i32
      %dma_wait3A_26 = arith.constant 0 : i32
      %dma_wait3A_27 = tpu.memref_slice %arg6[%arg0, %dma_wait3A, %dma_wait3A_26] : memref<2x10000x128xf32, #tpu.memory_space<hbm>> -> memref<1x10000x128xf32, #tpu.memory_space<hbm>>
      %dma_wait3A_28 = tpu.memref_squeeze %dma_wait3A_27 : memref<1x10000x128xf32, #tpu.memory_space<hbm>> -> memref<10000x128xf32, #tpu.memory_space<hbm>>
      %dma_wait3A_29 = arith.constant 0 : i32
      %dma_wait3A_30 = tpu.memref_slice %dma_wait3A_28[%mul3A_16, %dma_wait3A_29] : memref<10000x128xf32, #tpu.memory_space<hbm>> -> memref<624x128xf32, #tpu.memory_space<hbm>>
      %dma_wait3A_31 = arith.constant 0 : i32
      %dma_wait3A_32 = tpu.memref_slice %arg7[%mul3A_14, %dma_wait3A_31] : memref<10000x128xf32, #tpu.memory_space<vmem_shared>> -> memref<624x128xf32, #tpu.memory_space<vmem_shared>>
      tpu.wait_dma2 semaphore(%run_scoped3A : memref<!tpu.dma_semaphore, #tpu.memory_space<semaphore_mem>>) src(%dma_wait3A_32 : memref<624x128xf32, #tpu.memory_space<vmem_shared>>) dst(%dma_wait3A_30 : memref<624x128xf32, #tpu.memory_space<hbm>>)
      tpu.yield
    }) : () -> ()
    %eq3A = arith.constant 15 : i32
    %eq3A_17 = arith.cmpi eq, %arg1, %eq3A : i32
    %convert_element_type3A = arith.extui %eq3A_17 : i1 to i32
    %cond3A = arith.constant 0 : i32
    %cond3A_18 = arith.cmpi ne, %convert_element_type3A, %cond3A : i32
    scf.if %cond3A_18 {
      "tpu.region"() ({
        %run_scoped3A = tpu.sem_alloc : memref<!tpu.dma_semaphore, #tpu.memory_space<semaphore_mem>>
        %dma_start3A = arith.constant 0 : i32
        %dma_start3A_19 = arith.constant 0 : i32
        %dma_start3A_20 = tpu.memref_slice %arg6[%arg0, %dma_start3A, %dma_start3A_19] : memref<2x10000x128xf32, #tpu.memory_space<hbm>> -> memref<1x10000x128xf32, #tpu.memory_space<hbm>>
        %dma_start3A_21 = tpu.memref_squeeze %dma_start3A_20 : memref<1x10000x128xf32, #tpu.memory_space<hbm>> -> memref<10000x128xf32, #tpu.memory_space<hbm>>
        %dma_start3A_22 = arith.constant 9984 : i32
        %dma_start3A_23 = arith.constant 0 : i32
        %dma_start3A_24 = tpu.memref_slice %dma_start3A_21[%dma_start3A_22, %dma_start3A_23] : memref<10000x128xf32, #tpu.memory_space<hbm>> -> memref<16x128xf32, #tpu.memory_space<hbm>>
        %dma_start3A_25 = arith.constant 9984 : i32
        %dma_start3A_26 = arith.constant 0 : i32
        %dma_start3A_27 = tpu.memref_slice %arg7[%dma_start3A_25, %dma_start3A_26] : memref<10000x128xf32, #tpu.memory_space<vmem_shared>> -> memref<16x128xf32, #tpu.memory_space<vmem_shared>>
        tpu.enqueue_dma source(%dma_start3A_27 : memref<16x128xf32, #tpu.memory_space<vmem_shared>>) target(%dma_start3A_24 : memref<16x128xf32, #tpu.memory_space<hbm>>) target_semaphore(%run_scoped3A : memref<!tpu.dma_semaphore, #tpu.memory_space<semaphore_mem>>)
        %dma_wait3A = arith.constant 0 : i32
        %dma_wait3A_28 = arith.constant 0 : i32
        %dma_wait3A_29 = tpu.memref_slice %arg6[%arg0, %dma_wait3A, %dma_wait3A_28] : memref<2x10000x128xf32, #tpu.memory_space<hbm>> -> memref<1x10000x128xf32, #tpu.memory_space<hbm>>
        %dma_wait3A_30 = tpu.memref_squeeze %dma_wait3A_29 : memref<1x10000x128xf32, #tpu.memory_space<hbm>> -> memref<10000x128xf32, #tpu.memory_space<hbm>>
        %dma_wait3A_31 = arith.constant 9984 : i32
        %dma_wait3A_32 = arith.constant 0 : i32
        %dma_wait3A_33 = tpu.memref_slice %dma_wait3A_30[%dma_wait3A_31, %dma_wait3A_32] : memref<10000x128xf32, #tpu.memory_space<hbm>> -> memref<16x128xf32, #tpu.memory_space<hbm>>
        %dma_wait3A_34 = arith.constant 9984 : i32
        %dma_wait3A_35 = arith.constant 0 : i32
        %dma_wait3A_36 = tpu.memref_slice %arg7[%dma_wait3A_34, %dma_wait3A_35] : memref<10000x128xf32, #tpu.memory_space<vmem_shared>> -> memref<16x128xf32, #tpu.memory_space<vmem_shared>>
        tpu.wait_dma2 semaphore(%run_scoped3A : memref<!tpu.dma_semaphore, #tpu.memory_space<semaphore_mem>>) src(%dma_wait3A_36 : memref<16x128xf32, #tpu.memory_space<vmem_shared>>) dst(%dma_wait3A_33 : memref<16x128xf32, #tpu.memory_space<hbm>>)
        tpu.yield
      }) : () -> ()
    } else {
    }
    return
  }
}

module attributes {stable_mosaic.version = 14 : i64} {
  func.func @_edge_body(%arg0: i32, %arg1: memref<3200x256xf32, #tpu.memory_space<vmem>>, %arg2: memref<3200x17xf32, #tpu.memory_space<vmem>>, %arg3: memref<256x256xbf16, #tpu.memory_space<vmem>>, %arg4: memref<17x256xbf16, #tpu.memory_space<vmem>>, %arg5: memref<1x256xf32, #tpu.memory_space<vmem>>, %arg6: memref<256x256xbf16, #tpu.memory_space<vmem>>, %arg7: memref<1x256xf32, #tpu.memory_space<vmem>>, %arg8: memref<256x1xbf16, #tpu.memory_space<vmem>>, %arg9: memref<3200x256xf32, #tpu.memory_space<vmem>>, %arg10: memref<1x25x128xf32, #tpu.memory_space<vmem>>) attributes {dimension_semantics = [#tpu.dimension_semantics<arbitrary>], iteration_bounds = array<i64: 100>, scalar_prefetch = 0 : i64, scratch_operands = 0 : i64, tpu.core_type = #tpu.core_type<tc>, window_params = [{transform_indices = @transform_0, window_bounds = array<i64: 3200, 256>}, {transform_indices = @transform_1, window_bounds = array<i64: 3200, 17>}, {pipeline_mode = #tpu.pipeline_mode<synchronous>, transform_indices = @transform_2, window_bounds = array<i64: 256, 256>}, {pipeline_mode = #tpu.pipeline_mode<synchronous>, transform_indices = @transform_3, window_bounds = array<i64: 17, 256>}, {pipeline_mode = #tpu.pipeline_mode<synchronous>, transform_indices = @transform_4, window_bounds = array<i64: 1, 256>}, {pipeline_mode = #tpu.pipeline_mode<synchronous>, transform_indices = @transform_5, window_bounds = array<i64: 256, 256>}, {pipeline_mode = #tpu.pipeline_mode<synchronous>, transform_indices = @transform_6, window_bounds = array<i64: 1, 256>}, {pipeline_mode = #tpu.pipeline_mode<synchronous>, transform_indices = @transform_7, window_bounds = array<i64: 256, 1>}, {transform_indices = @transform_8, window_bounds = array<i64: 3200, 256>}, {transform_indices = @transform_9, window_bounds = array<i64: 1, 25, 128>}]} {
    %get3A = arith.constant 0 : index
    %get3A_0 = arith.constant 0 : index
    %get3A_1 = vector.load %arg1[%get3A, %get3A_0] : memref<3200x256xf32, #tpu.memory_space<vmem>>, vector<3200x256xf32>
    %convert_element_type3A = arith.truncf %get3A_1 : vector<3200x256xf32> to vector<3200x256xbf16>
    %get3A_2 = arith.constant 0 : index
    %get3A_3 = arith.constant 0 : index
    %get3A_4 = vector.load %arg3[%get3A_2, %get3A_3] : memref<256x256xbf16, #tpu.memory_space<vmem>>, vector<256x256xbf16>
    %dot_general3A = arith.constant dense<0.000000e+00> : vector<3200x256xf32>
    %dot_general3A_5 = tpu.matmul %convert_element_type3A, %get3A_4, %dot_general3A {dimension_numbers = #tpu.dot_dimension_numbers<[1], [0], [0], [1], [0, 0, 1, 1], [], []>, transpose_lhs_hint = false} : vector<3200x256xbf16>, vector<256x256xbf16>, vector<3200x256xf32> -> vector<3200x256xf32>
    %get3A_6 = arith.constant 0 : index
    %get3A_7 = arith.constant 0 : index
    %get3A_8 = vector.load %arg2[%get3A_6, %get3A_7] : memref<3200x17xf32, #tpu.memory_space<vmem>>, vector<3200x17xf32>
    %convert_element_type3A_9 = arith.truncf %get3A_8 : vector<3200x17xf32> to vector<3200x17xbf16>
    %get3A_10 = arith.constant 0 : index
    %get3A_11 = arith.constant 0 : index
    %get3A_12 = vector.load %arg4[%get3A_10, %get3A_11] : memref<17x256xbf16, #tpu.memory_space<vmem>>, vector<17x256xbf16>
    %dot_general3A_13 = arith.constant dense<0.000000e+00> : vector<3200x256xf32>
    %dot_general3A_14 = tpu.matmul %convert_element_type3A_9, %get3A_12, %dot_general3A_13 {dimension_numbers = #tpu.dot_dimension_numbers<[1], [0], [0], [1], [0, 0, 1, 1], [], []>, transpose_lhs_hint = false} : vector<3200x17xbf16>, vector<17x256xbf16>, vector<3200x256xf32> -> vector<3200x256xf32>
    %add3A = arith.addf %dot_general3A_5, %dot_general3A_14 : vector<3200x256xf32>
    %get3A_15 = arith.constant 0 : index
    %get3A_16 = arith.constant 0 : index
    %get3A_17 = vector.load %arg5[%get3A_15, %get3A_16] : memref<1x256xf32, #tpu.memory_space<vmem>>, vector<1x256xf32>
    %add3A_18 = vector.broadcast %get3A_17 : vector<1x256xf32> to vector<3200x256xf32>
    %add3A_19 = arith.addf %add3A, %add3A_18 : vector<3200x256xf32>
    %max3A = arith.constant 0.000000e+00 : f32
    %max3A_20 = vector.broadcast %max3A : f32 to vector<3200x256xf32>
    %max3A_21 = arith.maximumf %add3A_19, %max3A_20 : vector<3200x256xf32>
    %swap3A = arith.constant 0 : index
    %swap3A_22 = arith.constant 0 : index
    %swap3A_23 = vector.load %arg9[%swap3A, %swap3A_22] : memref<3200x256xf32, #tpu.memory_space<vmem>>, vector<3200x256xf32>
    tpu.vector_store %arg9[%swap3A, %swap3A_22], %max3A_21 {strides = array<i32>} : memref<3200x256xf32, #tpu.memory_space<vmem>>, vector<3200x256xf32>,
    %convert_element_type3A_24 = arith.truncf %max3A_21 : vector<3200x256xf32> to vector<3200x256xbf16>
    %get3A_25 = arith.constant 0 : index
    %get3A_26 = arith.constant 0 : index
    %get3A_27 = vector.load %arg6[%get3A_25, %get3A_26] : memref<256x256xbf16, #tpu.memory_space<vmem>>, vector<256x256xbf16>
    %dot_general3A_28 = arith.constant dense<0.000000e+00> : vector<3200x256xf32>
    %dot_general3A_29 = tpu.matmul %convert_element_type3A_24, %get3A_27, %dot_general3A_28 {dimension_numbers = #tpu.dot_dimension_numbers<[1], [0], [0], [1], [0, 0, 1, 1], [], []>, transpose_lhs_hint = false} : vector<3200x256xbf16>, vector<256x256xbf16>, vector<3200x256xf32> -> vector<3200x256xf32>
    %get3A_30 = arith.constant 0 : index
    %get3A_31 = arith.constant 0 : index
    %get3A_32 = vector.load %arg7[%get3A_30, %get3A_31] : memref<1x256xf32, #tpu.memory_space<vmem>>, vector<1x256xf32>
    %add3A_33 = vector.broadcast %get3A_32 : vector<1x256xf32> to vector<3200x256xf32>
    %add3A_34 = arith.addf %dot_general3A_29, %add3A_33 : vector<3200x256xf32>
    %max3A_35 = arith.constant 0.000000e+00 : f32
    %max3A_36 = vector.broadcast %max3A_35 : f32 to vector<3200x256xf32>
    %max3A_37 = arith.maximumf %add3A_34, %max3A_36 : vector<3200x256xf32>
    %convert_element_type3A_38 = arith.truncf %max3A_37 : vector<3200x256xf32> to vector<3200x256xbf16>
    %get3A_39 = arith.constant 0 : index
    %get3A_40 = arith.constant 0 : index
    %get3A_41 = vector.load %arg8[%get3A_39, %get3A_40] : memref<256x1xbf16, #tpu.memory_space<vmem>>, vector<256x1xbf16>
    %dot_general3A_42 = arith.constant dense<0.000000e+00> : vector<3200x1xf32>
    %dot_general3A_43 = tpu.matmul %convert_element_type3A_38, %get3A_41, %dot_general3A_42 {dimension_numbers = #tpu.dot_dimension_numbers<[1], [0], [0], [1], [0, 0, 1, 1], [], []>, transpose_lhs_hint = false} : vector<3200x256xbf16>, vector<256x1xbf16>, vector<3200x1xf32> -> vector<3200x1xf32>
    %reshape3A = vector.shape_cast %dot_general3A_43 : vector<3200x1xf32> to vector<1x25x128xf32>
    %swap3A_44 = arith.constant 0 : index
    %swap3A_45 = arith.constant 0 : index
    %swap3A_46 = arith.constant 0 : index
    %swap3A_47 = vector.load %arg10[%swap3A_44, %swap3A_45, %swap3A_46] : memref<1x25x128xf32, #tpu.memory_space<vmem>>, vector<1x25x128xf32>
    tpu.vector_store %arg10[%swap3A_44, %swap3A_45, %swap3A_46], %reshape3A {strides = array<i32>} : memref<1x25x128xf32, #tpu.memory_space<vmem>>, vector<1x25x128xf32>,
    return
  }
  func.func @transform_0(%arg0: i32) -> (i32, i32) {
    %c0_i32 = arith.constant 0 : i32
    %c0_i32_0 = arith.constant 0 : i32
    return %arg0, %c0_i32 : i32, i32
  }
  func.func @transform_1(%arg0: i32) -> (i32, i32) {
    %add3A = arith.constant 0 : i32
    %add3A_0 = arith.addi %add3A, %arg0 : i32
    %c0_i32 = arith.constant 0 : i32
    %c0_i32_1 = arith.constant 0 : i32
    return %add3A_0, %c0_i32 : i32, i32
  }
  func.func @transform_2(%arg0: i32) -> (i32, i32) {
    %c0_i32 = arith.constant 0 : i32
    %c0_i32_0 = arith.constant 0 : i32
    %c0_i32_1 = arith.constant 0 : i32
    return %c0_i32, %c0_i32_0 : i32, i32
  }
  func.func @transform_3(%arg0: i32) -> (i32, i32) {
    %c0_i32 = arith.constant 0 : i32
    %c0_i32_0 = arith.constant 0 : i32
    %c0_i32_1 = arith.constant 0 : i32
    return %c0_i32, %c0_i32_0 : i32, i32
  }
  func.func @transform_4(%arg0: i32) -> (i32, i32) {
    %c0_i32 = arith.constant 0 : i32
    %c0_i32_0 = arith.constant 0 : i32
    %c0_i32_1 = arith.constant 0 : i32
    return %c0_i32, %c0_i32_0 : i32, i32
  }
  func.func @transform_5(%arg0: i32) -> (i32, i32) {
    %c0_i32 = arith.constant 0 : i32
    %c0_i32_0 = arith.constant 0 : i32
    %c0_i32_1 = arith.constant 0 : i32
    return %c0_i32, %c0_i32_0 : i32, i32
  }
  func.func @transform_6(%arg0: i32) -> (i32, i32) {
    %c0_i32 = arith.constant 0 : i32
    %c0_i32_0 = arith.constant 0 : i32
    %c0_i32_1 = arith.constant 0 : i32
    return %c0_i32, %c0_i32_0 : i32, i32
  }
  func.func @transform_7(%arg0: i32) -> (i32, i32) {
    %c0_i32 = arith.constant 0 : i32
    %c0_i32_0 = arith.constant 0 : i32
    %c0_i32_1 = arith.constant 0 : i32
    return %c0_i32, %c0_i32_0 : i32, i32
  }
  func.func @transform_8(%arg0: i32) -> (i32, i32) {
    %c0_i32 = arith.constant 0 : i32
    %c0_i32_0 = arith.constant 0 : i32
    return %arg0, %c0_i32 : i32, i32
  }
  func.func @transform_9(%arg0: i32) -> (i32, i32, i32) {
    %c0_i32 = arith.constant 0 : i32
    %c0_i32_0 = arith.constant 0 : i32
    %c0_i32_1 = arith.constant 0 : i32
    return %arg0, %c0_i32, %c0_i32_0 : i32, i32, i32
  }
}

module attributes {stable_mosaic.version = 14 : i64} {
  func.func @_node_body(%arg0: i32, %arg1: memref<1000x128xf32, #tpu.memory_space<vmem>>, %arg2: memref<1000x256xf32, #tpu.memory_space<vmem>>, %arg3: memref<1000x16xf32, #tpu.memory_space<vmem>>, %arg4: memref<1x1000x128xf32, #tpu.memory_space<vmem>>, %arg5: memref<1x1000x128xf32, #tpu.memory_space<vmem>>, %arg6: memref<128x256xbf16, #tpu.memory_space<vmem>>, %arg7: memref<256x256xbf16, #tpu.memory_space<vmem>>, %arg8: memref<1x256xf32, #tpu.memory_space<vmem>>, %arg9: memref<1000x256xf32, #tpu.memory_space<vmem>>, %arg10: memref<1000x16xf32, #tpu.memory_space<vmem>>) attributes {dimension_semantics = [#tpu.dimension_semantics<arbitrary>], iteration_bounds = array<i64: 10>, scalar_prefetch = 0 : i64, scratch_operands = 0 : i64, tpu.core_type = #tpu.core_type<tc>, window_params = [{transform_indices = @transform_0, window_bounds = array<i64: 1000, 128>}, {transform_indices = @transform_1, window_bounds = array<i64: 1000, 256>}, {transform_indices = @transform_2, window_bounds = array<i64: 1000, 16>}, {transform_indices = @transform_3, window_bounds = array<i64: 1, 1000, 128>}, {transform_indices = @transform_4, window_bounds = array<i64: 1, 1000, 128>}, {pipeline_mode = #tpu.pipeline_mode<synchronous>, transform_indices = @transform_5, window_bounds = array<i64: 128, 256>}, {pipeline_mode = #tpu.pipeline_mode<synchronous>, transform_indices = @transform_6, window_bounds = array<i64: 256, 256>}, {pipeline_mode = #tpu.pipeline_mode<synchronous>, transform_indices = @transform_7, window_bounds = array<i64: 1, 256>}, {transform_indices = @transform_8, window_bounds = array<i64: 1000, 256>}, {transform_indices = @transform_9, window_bounds = array<i64: 1000, 16>}]} {
    %get3A = arith.constant 0 : index
    %get3A_0 = arith.constant 0 : index
    %get3A_1 = vector.load %arg1[%get3A, %get3A_0] : memref<1000x128xf32, #tpu.memory_space<vmem>>, vector<1000x128xf32>
    %convert_element_type3A = arith.truncf %get3A_1 : vector<1000x128xf32> to vector<1000x128xbf16>
    %get3A_2 = arith.constant 0 : index
    %get3A_3 = arith.constant 0 : index
    %get3A_4 = vector.load %arg6[%get3A_2, %get3A_3] : memref<128x256xbf16, #tpu.memory_space<vmem>>, vector<128x256xbf16>
    %dot_general3A = arith.constant dense<0.000000e+00> : vector<1000x256xf32>
    %dot_general3A_5 = tpu.matmul %convert_element_type3A, %get3A_4, %dot_general3A {dimension_numbers = #tpu.dot_dimension_numbers<[1], [0], [0], [1], [0, 0, 1, 1], [], []>, transpose_lhs_hint = false} : vector<1000x128xbf16>, vector<128x256xbf16>, vector<1000x256xf32> -> vector<1000x256xf32>
    %get3A_6 = arith.constant 0 : index
    %get3A_7 = arith.constant 0 : index
    %get3A_8 = vector.load %arg2[%get3A_6, %get3A_7] : memref<1000x256xf32, #tpu.memory_space<vmem>>, vector<1000x256xf32>
    %convert_element_type3A_9 = arith.truncf %get3A_8 : vector<1000x256xf32> to vector<1000x256xbf16>
    %get3A_10 = arith.constant 0 : index
    %get3A_11 = arith.constant 0 : index
    %get3A_12 = vector.load %arg7[%get3A_10, %get3A_11] : memref<256x256xbf16, #tpu.memory_space<vmem>>, vector<256x256xbf16>
    %dot_general3A_13 = arith.constant dense<0.000000e+00> : vector<1000x256xf32>
    %dot_general3A_14 = tpu.matmul %convert_element_type3A_9, %get3A_12, %dot_general3A_13 {dimension_numbers = #tpu.dot_dimension_numbers<[1], [0], [0], [1], [0, 0, 1, 1], [], []>, transpose_lhs_hint = false} : vector<1000x256xbf16>, vector<256x256xbf16>, vector<1000x256xf32> -> vector<1000x256xf32>
    %add3A = arith.addf %dot_general3A_5, %dot_general3A_14 : vector<1000x256xf32>
    %get3A_15 = arith.constant 0 : index
    %get3A_16 = arith.constant 0 : index
    %get3A_17 = vector.load %arg8[%get3A_15, %get3A_16] : memref<1x256xf32, #tpu.memory_space<vmem>>, vector<1x256xf32>
    %add3A_18 = vector.broadcast %get3A_17 : vector<1x256xf32> to vector<1000x256xf32>
    %add3A_19 = arith.addf %add3A, %add3A_18 : vector<1000x256xf32>
    %max3A = arith.constant 0.000000e+00 : f32
    %max3A_20 = vector.broadcast %max3A : f32 to vector<1000x256xf32>
    %max3A_21 = arith.maximumf %add3A_19, %max3A_20 : vector<1000x256xf32>
    %swap3A = arith.constant 0 : index
    %swap3A_22 = arith.constant 0 : index
    %swap3A_23 = vector.load %arg9[%swap3A, %swap3A_22] : memref<1000x256xf32, #tpu.memory_space<vmem>>, vector<1000x256xf32>
    tpu.vector_store %arg9[%swap3A, %swap3A_22], %max3A_21 {strides = array<i32>} : memref<1000x256xf32, #tpu.memory_space<vmem>>, vector<1000x256xf32>,
    %get3A_24 = arith.constant 0 : index
    %get3A_25 = arith.constant 0 : index
    %get3A_26 = vector.load %arg3[%get3A_24, %get3A_25] : memref<1000x16xf32, #tpu.memory_space<vmem>>, vector<1000x16xf32>
    %get3A_27 = arith.constant 0 : index
    %get3A_28 = arith.constant 0 : index
    %get3A_29 = arith.constant 0 : index
    %get3A_30 = vector.load %arg4[%get3A_27, %get3A_28, %get3A_29] : memref<1x1000x128xf32, #tpu.memory_space<vmem>>, vector<1x1000x128xf32>
    %get3A_31 = vector.shape_cast %get3A_30 : vector<1x1000x128xf32> to vector<1000x128xf32>
    %slice3A = vector.extract_strided_slice %get3A_31 {offsets = [0, 0], sizes = [1000, 16], strides = [1, 1]} : vector<1000x128xf32> to vector<1000x16xf32>
    %add3A_32 = arith.addf %get3A_26, %slice3A : vector<1000x16xf32>
    %get3A_33 = arith.constant 0 : index
    %get3A_34 = arith.constant 0 : index
    %get3A_35 = arith.constant 0 : index
    %get3A_36 = vector.load %arg5[%get3A_33, %get3A_34, %get3A_35] : memref<1x1000x128xf32, #tpu.memory_space<vmem>>, vector<1x1000x128xf32>
    %get3A_37 = vector.shape_cast %get3A_36 : vector<1x1000x128xf32> to vector<1000x128xf32>
    %slice3A_38 = vector.extract_strided_slice %get3A_37 {offsets = [0, 0], sizes = [1000, 16], strides = [1, 1]} : vector<1000x128xf32> to vector<1000x16xf32>
    %add3A_39 = arith.addf %add3A_32, %slice3A_38 : vector<1000x16xf32>
    %swap3A_40 = arith.constant 0 : index
    %swap3A_41 = arith.constant 0 : index
    %swap3A_42 = vector.load %arg10[%swap3A_40, %swap3A_41] : memref<1000x16xf32, #tpu.memory_space<vmem>>, vector<1000x16xf32>
    tpu.vector_store %arg10[%swap3A_40, %swap3A_41], %add3A_39 {strides = array<i32>} : memref<1000x16xf32, #tpu.memory_space<vmem>>, vector<1000x16xf32>,
    return
  }
  func.func @transform_0(%arg0: i32) -> (i32, i32) {
    %c0_i32 = arith.constant 0 : i32
    %c0_i32_0 = arith.constant 0 : i32
    return %arg0, %c0_i32 : i32, i32
  }
  func.func @transform_1(%arg0: i32) -> (i32, i32) {
    %c0_i32 = arith.constant 0 : i32
    %c0_i32_0 = arith.constant 0 : i32
    return %arg0, %c0_i32 : i32, i32
  }
  func.func @transform_2(%arg0: i32) -> (i32, i32) {
    %c0_i32 = arith.constant 0 : i32
    %c0_i32_0 = arith.constant 0 : i32
    return %arg0, %c0_i32 : i32, i32
  }
  func.func @transform_3(%arg0: i32) -> (i32, i32, i32) {
    %c0_i32 = arith.constant 0 : i32
    %c0_i32_0 = arith.constant 0 : i32
    %c0_i32_1 = arith.constant 0 : i32
    return %c0_i32, %arg0, %c0_i32_0 : i32, i32, i32
  }
  func.func @transform_4(%arg0: i32) -> (i32, i32, i32) {
    %c1_i32 = arith.constant 1 : i32
    %c0_i32 = arith.constant 0 : i32
    %c0_i32_0 = arith.constant 0 : i32
    return %c1_i32, %arg0, %c0_i32 : i32, i32, i32
  }
  func.func @transform_5(%arg0: i32) -> (i32, i32) {
    %c0_i32 = arith.constant 0 : i32
    %c0_i32_0 = arith.constant 0 : i32
    %c0_i32_1 = arith.constant 0 : i32
    return %c0_i32, %c0_i32_0 : i32, i32
  }
  func.func @transform_6(%arg0: i32) -> (i32, i32) {
    %c0_i32 = arith.constant 0 : i32
    %c0_i32_0 = arith.constant 0 : i32
    %c0_i32_1 = arith.constant 0 : i32
    return %c0_i32, %c0_i32_0 : i32, i32
  }
  func.func @transform_7(%arg0: i32) -> (i32, i32) {
    %c0_i32 = arith.constant 0 : i32
    %c0_i32_0 = arith.constant 0 : i32
    %c0_i32_1 = arith.constant 0 : i32
    return %c0_i32, %c0_i32_0 : i32, i32
  }
  func.func @transform_8(%arg0: i32) -> (i32, i32) {
    %c0_i32 = arith.constant 0 : i32
    %c0_i32_0 = arith.constant 0 : i32
    return %arg0, %c0_i32 : i32, i32
  }
  func.func @transform_9(%arg0: i32) -> (i32, i32) {
    %c0_i32 = arith.constant 0 : i32
    %c0_i32_0 = arith.constant 0 : i32
    return %arg0, %c0_i32 : i32, i32
  }
}

</mosaic_0001>

<sc_bundles>
// kernel: kernel.10.cloned.1.call-start
scs
__scs_entry_jumppad:
0x0: {  	(pc) =	sbr.rel $0x88, $3  }
0x1: {  	(tag) =	ssettag $0x0;
	lr =	simm.s32 $0x1  }
0x2: {  	[smem:$0x3F96] =	sst lr;
	_ =	strace $0xD0000000  }
0x3: {  	_ = 	snop  }
0x4: {  	_ = 	snop  }
0x5: {  	_ = 	snop  }
0x6: {  	_ = 	snop  }
0x7: {  	_ = 	snop  }
__scs_overlays_trampoline_lowered:
0x8: {  	[smem:$0x3FA5] =	sst s0  }
0x9: {  	[smem:$0x3FA6] =	sst s1  }
0xa: {  	[smem:$0x3FA7] =	sst s2  }
0xb: {  	[smem:$0x3FA8] =	sst s3  }
0xc: {  	[smem:$0x3FA9] =	sst s4  }
0xd: {  	[smem:$0x3FAA] =	sst s5  }
0xe: {  	[smem:$0x3FAB] =	sst s6  }
0xf: {  	[smem:$0x3FAC] =	sst s7  }
0x10: {  	[smem:$0x3FAD] =	sst s8  }
0x11: {  	[smem:$0x3FAE] =	sst s9;
	s0 =	simm.s32 @!p0 $0x0  }
0x12: {  	s1 =	sld [smem:$0x3F94];
	s0 =	simm.s32 @p0 $0x1  }
0x13: {  	[smem:$0x3FAF] =	sst s0;
	s0 =	simm.s32 @!p1 $0x0  }
0x14: {  	s2 =	sld [smem:$0x3F93];
	s0 =	simm.s32 @p1 $0x1  }
0x15: {  	[smem:$0x3FB0] =	sst s0;
	s0 =	simm.s32 @!p2 $0x0  }
0x16: {  	s3 =	sld [smem:$0x3FDB];
	s0 =	simm.s32 @p2 $0x1  }
0x17: {  	s4 =	simm.s32 $0x1BF5;
	[smem:$0x3FB2] =	sst s0  }
0x18: {  	s0 =	sld [smem:$0x3F95];
	_ =	swait.ge [sflag:s4], $0x0  }
0x19: {  	s7 =	sld [smem:$0x3F96]  }
0x1a: {  	s8 =	sadd.s32 $0xFFFFE003, lr  }
0x1b: {  	s9 =	sadd.s32 $0xFFFFFEF7, lr;
	s5 =	simm.s32 $0xFFFFFFFF;
	p2 =	slt.u32 s8, $0xFFFFF086  }
0x1c: {  	p1 =	slt.u32 s9, $0xF7A;
	s5 =	simm.s32 @!p2 $0x0  }
0x1d: {  	s5 =	simm.s32 @p1 $0x1;
	p0 =	seq.s32 s7, s2  }
0x1e: {  	s7 =	smul.u32 @!p0 $0xF7A, s2;
	p2 =	seq.s32 @!p0 s5, $0x0  }
0x1f: {  	s9 =	smul.u32 $0xF7A, s1;
	s8 =	simm.s32 @!p0 $0x1BF5;
	p2 =	por !p2, p0  }
0x20: {  	[sflag:s8] =	ssyncset.s32 @!p0 $0xFFFFF086;
	s6 =	sadd.s32 @!p0 s3, s7;
	s7 =	simm.s32 @!p0 $0x108  }
0x21: {  	s3 =	sadd.s32 s3, s9;
	s6 =	sadd.s32 @!p0 $0x88, s6;
	s7 =	simm.s32 @p2 $0x1082  }
0x22: {  	[simem:s7], [sflag:s8] =	dma.local @!p0 [hbm:s6], $0xF7A  }
0x23: {  	s9 =	sor.u32 $0xD0000000, s2;
	s6 =	simm.s32 $0x108;
	_ =	swait.ge @!p0 [sflag:s8], $0x0  }
0x24: {  	s3 =	sadd.s32 $0x88, s3;
	s6 =	simm.s32 @!p1 $0x1082;
	[sflag:s4] =	ssyncset.s32 $0xFFFFF086  }
0x25: {  	[simem:s6], [sflag:s4] =	dma.local [hbm:s3], $0xF7A  }
0x26: {  	[smem:$0x3F96] =	sst s1;
	(tag) =	ssettag s2;
	_ =	strace s9  }
0x27: {  	s1 =	sld [smem:$0x3FA6]  }
0x28: {  	s2 =	sld [smem:$0x3FA7]  }
0x29: {  	s4 =	sld [smem:$0x3FA9]  }
0x2a: {  	p0 =	seq.s32 s5, $0x0;
	s5 =	sld [smem:$0x3FAA]  }
0x2b: {  	s6 =	sld [smem:$0x3FAB]  }
0x2c: {  	s7 =	sld [smem:$0x3FAC]  }
0x2d: {  	s3 =	simm.s32 $0x108;
	s8 =	sld [smem:$0x3FAD]  }
0x2e: {  	s3 =	simm.s32 @!p0 $0x1082;
	s9 =	sld [smem:$0x3FAE]  }
0x2f: {  	lr =	sadd.s32 s0, s3;
	s0 =	sld [smem:$0x3FA5]  }
0x30: {  	s3 =	sld [smem:$0x3FA8]  }
0x31: {  	[smem:$0x3FB1] =	sst s10  }
0x32: {  	s10 =	sld [smem:$0x3FAF];
	_ =	sdelay $0x3  }
0x33: {  	p0 =	seq.s32 s10, $0x1;
	s10 =	sld [smem:$0x3FB1];
	_ =	sdelay $0x3  }
0x34: {  	[smem:$0x3FB1] =	sst s10  }
0x35: {  	s10 =	sld [smem:$0x3FB0];
	_ =	sdelay $0x3  }
0x36: {  	p1 =	seq.s32 s10, $0x1;
	s10 =	sld [smem:$0x3FB1];
	_ =	sdelay $0x3  }
0x37: {  	[smem:$0x3FB1] =	sst s10  }
0x38: {  	s10 =	sld [smem:$0x3FB2]  }
0x39: {  	_ = 	snop;
	(pc) =	sbr.ind lr, $3  }
0x3a: {  	_ = 	snop  }
0x3b: {  	_ = 	snop  }
0x3c: {  	p2 =	seq.s32 s10, $0x1;
	s10 =	sld [smem:$0x3FB1]  }
0x3d: {  	_ =	shalt  }
0x3e: {  	_ =	shalt  }
0x3f: {  	_ =	shalt  }
0x40: {  	_ =	shalt  }
0x41: {  	_ =	shalt  }
0x42: {  	_ =	shalt  }
0x43: {  	_ =	shalt  }
0x44: {  	_ =	shalt  }
0x45: {  	_ =	shalt  }
0x46: {  	_ =	shalt  }
0x47: {  	_ =	shalt  }
0x48: {  	_ =	shalt  }
0x49: {  	_ =	shalt  }
0x4a: {  	_ =	shalt  }
0x4b: {  	_ =	shalt  }
0x4c: {  	_ =	shalt  }
0x4d: {  	_ =	shalt  }
0x4e: {  	_ =	shalt  }
0x4f: {  	_ =	shalt  }
0x50: {  	_ =	shalt  }
0x51: {  	_ =	shalt  }
0x52: {  	_ =	shalt  }
0x53: {  	_ =	shalt  }
0x54: {  	_ =	shalt  }
0x55: {  	_ =	shalt  }
0x56: {  	_ =	shalt  }
0x57: {  	_ =	shalt  }
0x58: {  	_ =	shalt  }
0x59: {  	_ =	shalt  }
0x5a: {  	_ =	shalt  }
0x5b: {  	_ =	shalt  }
0x5c: {  	_ =	shalt  }
0x5d: {  	_ =	shalt  }
0x5e: {  	_ =	shalt  }
0x5f: {  	_ =	shalt  }
0x60: {  	_ =	shalt  }
0x61: {  	_ =	shalt  }
0x62: {  	_ =	shalt  }
0x63: {  	_ =	shalt  }
0x64: {  	_ =	shalt  }
0x65: {  	_ =	shalt  }
0x66: {  	_ =	shalt  }
0x67: {  	_ =	shalt  }
0x68: {  	_ =	shalt  }
0x69: {  	_ =	shalt  }
0x6a: {  	_ =	shalt  }
0x6b: {  	_ =	shalt  }
0x6c: {  	_ =	shalt  }
0x6d: {  	_ =	shalt  }
0x6e: {  	_ =	shalt  }
0x6f: {  	_ =	shalt  }
0x70: {  	_ =	shalt  }
0x71: {  	_ =	shalt  }
0x72: {  	_ =	shalt  }
0x73: {  	_ =	shalt  }
0x74: {  	_ =	shalt  }
0x75: {  	_ =	shalt  }
0x76: {  	_ =	shalt  }
0x77: {  	_ =	shalt  }
0x78: {  	_ =	shalt  }
0x79: {  	_ =	shalt  }
0x7a: {  	_ =	shalt  }
0x7b: {  	_ =	shalt  }
0x7c: {  	_ =	shalt  }
0x7d: {  	_ =	shalt  }
0x7e: {  	_ =	shalt  }
0x7f: {  	_ =	shalt  }
0x80: {  	_ =	shalt  }
0x81: {  	_ =	shalt  }
0x82: {  	_ =	shalt  }
0x83: {  	_ =	shalt  }
0x84: {  	_ =	shalt  }
0x85: {  	_ =	shalt  }
0x86: {  	_ =	shalt  }
0x87: {  	_ =	shalt  }
.Lfunc_end0:
.L_simem_size_0:
called_computation.1_lowered:
.L_overlay_start_0:
0x88: {  	s2 =	sld [smem:$0x3FD9]  }
0x89: {  	s3 =	sld [smem:$0x3FFE];
	_ =	sdelay $0x1  }
0x8a: {  	s1 =	srdreg.scid  }
0x8b: {  	s0 =	sand.u32 $0x1, s1  }
0x8c: {  	s14 =	sshll.u32 s0, $0xA;
	s2 =	sadd.s32 s3, s2  }
0x8d: {  	s2 =	sadd.s32 s2, s14  }
0x8e: {  	[smem:$0x3FBD] =	sst s2  }
0x8f: {  	_ = 	snop  }
0x90: {  	s2 =	sld [smem:$0x3FD0];
	_ =	sdelay $0x2  }
0x91: {  	s15 =	simm.s32 $0xB;
	s4 =	simm.s32 $0x10  }
0x92: {  	[smem:s4], [sflag:s15] =	dma.local [hbm:s2], $0x1  }
0x93: {  	_ =	swait.eq [sflag:s15], $0x1  }
0x94: {  	[sflag:s15] =	ssyncset.done $0x0  }
0x95: {  	s16 =	sld [smem:$0x10];
	[sflag:s15] =	ssyncadd.s32 $0xFFFFFFFF  }
0x96: {  	s17 =	sld [smem:$0x11];
	(tm) =	ssettm $0x1  }
0x97: {  	s18 =	sld [smem:$0x3FFB];
	_ =	sdelay $0x3  }
0x98: {  	_ =	strace s18  }
0x99: {  	s4 =	sld [smem:$0x3FFC];
	_ =	sdelay $0x3  }
0x9a: {  	_ =	strace s4  }
0x9b: {  	s4 =	sld [smem:$0x3FFD];
	_ =	sdelay $0x3  }
0x9c: {  	_ =	strace s4  }
0x9d: {  	_ =	strace $0x8FFFFFFF  }
0x9e: {  	s19 =	sld [smem:$0x3FDB];
	_ =	sdelay $0x1  }
0x9f: {  	s5 =	simm.s32 $_scs_section_size  }
0xa0: {  	s6 =	simm.s32 $_size__tile_overlayer_lowered;
	s7 =	simm.s32 $_tile_overlayer_lowered  }
0xa1: {  	s22 =	simm.s32 $0x1BFF;
	s21 =	sshll.u32 s7, $0x1;
	s4 =	sadd.s32 s5, s19  }
0xa2: {  	s8 =	simm.s32 $0x0;
	s20 =	sshll.u32 s6, $0x1;
	s6 =	sadd.s32 s21, s4  }
0xa3: {  	[timem:s8], [sflag:s22] =	dma.local [hbm:s6], s20  }
0xa4: {  	_ =	swait.ge [sflag:s22], s20  }
0xa5: {  	s5 =	ssub.s32 $0x0, s20;
	[sflag:s22] =	ssyncset.done $0x0  }
0xa6: {  	[sflag:s22] =	ssyncadd.s32 s5;
	_ =	sdelay $0x1  }
0xa7: {  	s23 =	simm.s32 $0x1B8B  }
0xa8: {  	_ =	swait.ge [sflag:s23], $0x1  }
0xa9: {  	[sflag:s23] =	ssyncset.done $0x0  }
0xaa: {  	s25 =	simm.s32 $0x1B8E;
	s24 =	sld [smem:$0x3FFE];
	[sflag:s23] =	ssyncadd.s32 $0xFFFFFFFF  }
0xab: {  	s26 =	simm.s32 $execute0_lowered;
	[smem:$0x3FD2] =	sst s25  }
0xac: {  	s6 =	sshll.u32 s26, $0x1;
	_ =	strace $0x80000055;
	[dreg:$0x1] =	wrdreg $0xFFFFFFFF  }
0xad: {  	s28 =	simm.s32 $_size_execute0_lowered;
	s4 =	sadd.s32 s4, s6;
	[dreg:$0x0] =	wrdreg $0x0  }
0xae: {  	s6 =	sshll.u32 s28, $0x1;
	[dreg:$0x2] =	wrdreg s4  }
0xaf: {  	[dreg:$0x3] =	wrdreg s6  }
0xb0: {  	[dreg:$0x4] =	wrdreg $0xC0  }
0xb1: {  	_ =	task [dreg:s8], $0x5FFFF  }
0xb2: {  	[dreg:$0x1] =	wrdreg $0xFFFFFFFF  }
0xb3: {  	[dreg:$0x0] =	wrdreg $0x60  }
0xb4: {  	[dreg:$0x2] =	wrdreg s17  }
0xb5: {  	[dreg:$0x3] =	wrdreg s16  }
0xb6: {  	[dreg:$0x4] =	wrdreg s24  }
0xb7: {  	[dreg:$0x5] =	wrdreg $0x0  }
0xb8: {  	[dreg:$0x6] =	wrdreg $0x9  }
0xb9: {  	_ =	task.clear_ibuf [dreg:s8], $0x7FFFF;
	_ =	strace $0x90000055  }
0xba: {  	s29 =	simm.s32 $0x9;
	_ =	strace $0x8000005D  }
0xbb: {  	_ =	swait.ge [sflag:s29], $0x1  }
0xbc: {  	[sflag:s29] =	ssyncadd.s32 $0xFFFFFFFF  }
0xbd: {  	_ =	strace $0x9000005D  }
0xbe: {  	_ =	sfence  }
0xbf: {  	s30 =	sld [smem:$0x0];
	_ =	sdelay $0x2  }
0xc0: {  	s31 =	sshll.u32 s1, $0xD;
	s1 =	sshrl.u32 s1, $0x2  }
0xc1: {  	s3 =	sand.u32 $0x4000, s31;
	s1 =	sadd.s32 s1, s30  }
0xc2: {  	s0 =	sor.u32 s3, s0;
	s1 =	sshll.u32 s1, $0x11  }
0xc3: {  	s0 =	sor.u32 s1, s0  }
0xc4: {  	s0 =	sadd.s32 $0x8F2B, s0  }
0xc5: {  	[sflag:s0] =	ssyncadd.remote.s32 $0x1  }
0xc6: {  	_ =	sfence.sel $0xFFFF  }
0xc7: {  	[dreg:$0x0] =	wrdreg $0xFFFFFFFF;
	(pc) =	sbr.abs _section_cstart, $3  }
0xc8: {  	[dreg:$0x1] =	wrdreg $0xFFFFFFFF  }
0xc9: {  	_ =	task.clear_ibuf [dreg:s8], $0x2FFFF;
	_ =	strace $0x9FFFFFFF  }
0xca: {  	(tm) =	ssettm $0x7FFFFFFF  }
0xcb: {  	_ =	shalt  }
tec
execute0_lowered:
.L_overlay_start_1:
0x0: {  	(tag) =	ssettag $0x1  }
0x1: {  	s1 =	rddreg [dreg:$0x0]  }
0x2: {  	s2 =	rddreg [dreg:$0x1]  }
0x3: {  	s0 =	rddreg [dreg:$0x2]  }
0x4: {  	s3 =	rddreg [dreg:$0x3]  }
0x5: {  	s4 =	simm.s32 $0x0;
	s19 =	srdreg.scid;
	s15 =	stileid.u32  }
0x6: {  	s28 =	simm.s32 $0x1;
	s30 =	simm.s32 $0x0;
	s6 =	smul.u32 $0x4E200, s15  }
0x7: {  	[smem:$0x7FF] =	sst s4;
	s4 =	sand.u32 $0x1, s19;
	s8 =	smul.u32 $0x9C, s15  }
0x8: {  	s5 =	sadd.s32 $0xF200, s0;
	s0 =	sadd.s32 $0x11A00, s0;
	s9 =	smul.u32 $0x9D, s15  }
0x9: {  	s10 =	sshll.u32 s15, $0x6;
	p0 =	slt.u32 s15, $0x4;
	s12 =	smul.u32 $0x4E000, s15  }
0xa: {  	s14 =	smul.u32 $0x27000, s15;
	_ =	strace $0x80000056;
	[dreg:$0x5] =	wrdreg s5  }
0xb: {  	s20 =	ssub.s32 $0x2, s4;
	s26 =	sor.u32 $0x1C01, s10;
	s10 =	sshll.u32 s4, $0xA  }
0xc: {  	s4 =	sshll.u32 s4, $0x7;
	s7 =	sshrl.u32 s20, $0x1;
	s6 =	sshrl.u32 s6, $0x2  }
0xd: {  	s23 =	sshrl.u32 s12, $0x2;
	s24 =	sor.u32 s10, s14;
	s4 =	sadd.s32 s4, s0  }
0xe: {  	s5 =	ssub.s32 s20, s7;
	s7 =	sadd.s32 $0x4, s8;
	s6 =	sadd.s32 s6, s3  }
0xf: {  	s12 =	sshrl.u32 s24, $0x3;
	s4 =	sadd.s32 $0x4E000, s4;
	s7 =	smov.u32 @p0 s9  }
0x10: {  	s9 =	simm.s32 $0x9D;
	s0 =	sadd.s32 s0, s12;
	[dreg:$0x9] =	wrdreg s4  }
0x11: {  	s25 =	smax.u32 s5, $0x1;
	s29 =	sshrl.u32 s6, $0x3;
	[dreg:$0x8] =	wrdreg s0  }
0x12: {  	s11 =	sshll.u32 s7, $0xF;
	s9 =	simm.s32 @!p0 $0x9C;
	[dreg:$0xa] =	wrdreg s25  }
0x13: {  	s13 =	sshll.u32 s7, $0x4;
	s0 =	sadd.s32 $0x138000, s3;
	[dreg:$0xb] =	wrdreg s29  }
0x14: {  	p0 =	sne.s32 s15, $0xF;
	s11 =	sor.u32 s10, s11;
	s22 =	sadd.s32 s2, s13  }
0x15: {  	s0 =	sshrl.u32 @!p0 s0, $0x3;
	s11 =	sshrl.u32 s11, $0x3;
	[dreg:$0x7] =	wrdreg s22  }
0x16: {  	[dreg:$0xd] =	wrdreg s0;
	s21 =	sadd.s32 s1, s11;
	s11 =	sadd.s32 s23, s3  }
0x17: {  	s13 =	sadd.s32 $0xFFFFFFFF, s9;
	[dreg:$0x6] =	wrdreg s21;
	s31 =	sshrl.u32 s11, $0x3  }
0x18: {  	s22 =	simm.s32 $0x80;
	s23 =	simm.s32 $0x5;
	[dreg:$0xc] =	wrdreg s31  }
.LBB2_1:
0x19: {  	s0 =	rddreg [dreg:$0x5]  }
0x1a: {  	s4 =	rddreg [dreg:$0xb];
	s21 =	simm.s32 $0x400  }
0x1b: {  	[spmem:s4], [sflag:s26] =	dma.local [hbm:s0], $0x2710  }
0x1c: {  	s5 =	simm.s32 $0x800;
	s6 =	simm.s32 $0x13880;
	_ =	swait.ge [sflag:s28], $0x2710  }
0x1d: {  	s24 =	simm.s32 $0x0;
	s29 =	simm.s32 $0x1B880;
	[sflag:s28] =	ssyncset.done $0x0  }
0x1e: {  	s18 =	simm.s32 $0x1;
	s11 =	simm.s32 $0x0;
	[sflag:s28] =	ssyncadd.s32 $0xFFFFD8F0  }
0x1f: {  	p1 =	seq.s32 s9, $0x1;
	s31 =	simm.s32 $0x0;
	[bflag:$0x0] =	sbarrier.arrive $0xFFFF  }
0x20: {  	p4 =	sne.s32 s13, $0x1;
	p2 =	por $0x0, $0x0;
	_ =	strace $0x80000057  }
.Ltmp0:
0x21: {  	s4 =	simm.s32 $0x1;
	s20 =	rddreg [dreg:$0x6];
	(pc) =	sbr.rel @!p4 .LBB2_2-.Ltmp0, $4  }
0x22: {  	[tilespmem:s6], [sflag:$0x1] =	stream.strided.gather [hbm4b:s20+s21], $0x4000, s5, s21, $0x200038;
	[tilespmem:$0x1B980] =	vst v63  }
0x23: {  	s15 =	sand.u32 $0x1, s24;
	s4 =	simm.s32 @p1 $0x0;
	s25 =	rddreg [dreg:$0x7]  }
0x24: {  	[tilespmem:s29], [sflag:$0x3] =	stream.linear.gather [hbm4b:s25+s24], $0x80, $0x200038;
	[tilespmem:$0x1B980] =	vst v63  }
0x25: {  	s16 =	sand.u32 $0x80, s31;
	p3 =	seq.s32 s4, $0x0;
	_ =	strace $0x90000057  }
0x26: {  	s0 =	sadd.s32 @!p3 s7, s4  }
0x27: {  	p1 =	por p3, p3;
	p2 =	sne.s32 s4, $0x0;
	s20 =	sadd.s32 $0x1, s15  }
0x28: {  	p4 =	sne.s32 s13, $0x2;
	s24 =	sand.u32 $0x4000, s11;
	s25 =	sadd.s32 $0x3, s15  }
0x29: {  	s31 =	sadd.s32 $0x1, s4;
	s5 =	sshll.u32 @!p1 s0, $0xF;
	s6 =	simm.s32 @!p1 $0x800  }
0x2a: {  	s0 =	sshll.u32 @!p1 s0, $0x4;
	s12 =	sand.u32 @!p1 $0x1, s28;
	s14 =	simm.s32 @!p1 $0x400  }
0x2b: {  	s19 =	simm.s32 @!p1 $0x0;
	_ =	strace @!p1 $0x80000058;
	s5 =	sor.u32 @!p1 s10, s5  }
0x2c: {  	s17 =	sshll.u32 @!p1 s12, $0xE;
	s18 =	sadd.s32 @!p1 $0x1, s12;
	s5 =	sshrl.u32 @!p1 s5, $0x3  }
0x2d: {  	s0 =	sand.u32 @!p1 $0x1FFFFFF0, s0;
	s17 =	sor.u32 @!p1 $0x13880, s17;
	s5 =	sadd.s32 @!p1 s1, s5  }
0x2e: {  	[tilespmem:s17], [sflag:s18] =	stream.strided.gather @!p1 [hbm4b:s5+s14], $0x4000, s6, s14, $0x200038;
	[tilespmem:$0x1B980] =	vst v63  }
0x2f: {  	s0 =	sadd.s32 @!p1 s2, s0;
	s5 =	sshll.u32 @!p1 s12, $0x7;
	_ =	strace @!p1 $0x90000058  }
0x30: {  	s6 =	sadd.s32 @!p1 $0x3, s12;
	s5 =	sadd.s32 @!p1 $0x1B880, s5;
	_ =	strace @!p1 $0x80000059  }
0x31: {  	[tilespmem:s5], [sflag:s6] =	stream.linear.gather @!p1 [hbm4b:s0+s19], $0x80, $0x200038;
	[tilespmem:$0x1B980] =	vst v63  }
0x32: {  	s29 =	simm.s32 $0x1;
	s18 =	simm.s32 $0x2;
	_ =	strace @!p1 $0x90000059  }
0x33: {  	s12 =	sor.u32 $0x13880, s24;
	s14 =	sadd.s32 $0x1B880, s16;
	_ =	strace $0x8000005A  }
0x34: {  	s17 =	simm.s32 @!p1 $0x2;
	s0 =	simm.s32 $0x1;
	_ =	swait.ge [sflag:s20], $0x4000  }
0x35: {  	s5 =	simm.s32 @!p1 $0x1;
	s0 =	simm.s32 @!p2 $0x0;
	[sflag:s20] =	ssyncset.done $0x0  }
0x36: {  	p2 =	seq.s32 s31, s9;
	s5 =	simm.s32 @p1 $0x0;
	[sflag:s20] =	ssyncadd.s32 $0xFFFFC000  }
0x37: {  	s19 =	sadd.s32 $0x0, s0;
	s31 =	simm.s32 @p2 $0x0;
	_ =	strace $0x9000005A  }
.Ltmp1:
0x38: {  	p2 =	por $0x1, $0x1;
	_ =	strace $0x8000005B;
	(pc) =	sbr.rel @!p4 .LBB2_4-.Ltmp1, $4  }
0x39: {  	s21 =	sand.u32 $0x1, s19;
	s28 =	sshll.u32 s19, $0xE;
	_ =	swait.ge [sflag:s25], $0x80  }
0x3a: {  	s0 =	sshll.u32 s19, $0x7;
	p3 =	seq.s32 s4, s31;
	[sflag:s25] =	ssyncset.done $0x0  }
0x3b: {  	s6 =	sand.u32 $0x80, s0;
	s0 =	smov.u32 s19;
	[sflag:s25] =	ssyncadd.s32 $0xFFFFFF80  }
0x3c: {  	s20 =	sadd.s32 $0x1, s5;
	s5 =	smov.u32 s21;
	_ =	strace $0x9000005B  }
.LBB2_5:
0x3d: {  	s11 =	smov.u32 s29;
	s16 =	sadd.s32 @!p3 s7, s31;
	p4 =	sne.s32 s4, s31  }
0x3e: {  	s29 =	smov.u32 s17;
	s15 =	smov.u32 s21;
	s4 =	smov.u32 s31  }
0x3f: {  	s29 =	smov.u32 @p1 s11;
	s11 =	smov.u32 s6;
	p1 =	por p3, p3  }
0x40: {  	s6 =	sshll.u32 @!p1 s16, $0xF;
	s17 =	simm.s32 @!p1 $0x800;
	s16 =	sshll.u32 @!p1 s16, $0x4  }
0x41: {  	s21 =	sand.u32 @!p1 $0x1, s29;
	s24 =	simm.s32 @!p1 $0x400;
	s6 =	sor.u32 @!p1 s10, s6  }
0x42: {  	s25 =	sshll.u32 @!p1 s21, $0xE;
	s6 =	sshrl.u32 @!p1 s6, $0x3;
	_ =	strace $0x8000005C  }
0x43: {  	[spmem:s3] =	stream.indirect.scatter.add.f32 [tilespmem:s12], [sflag:$0x5], $0x80, s14, s22, $0x2000b8;
	[tilespmem:$0x1B980] =	vst v63  }
0x44: {  	s12 =	sor.u32 @!p1 $0x13880, s25;
	s6 =	sadd.s32 @!p1 s1, s6;
	_ =	swait.ge [sflag:s23], $0x4000  }
0x45: {  	s14 =	sadd.s32 @!p1 $0x1, s21;
	s21 =	sand.u32 @!p1 $0x1, s20;
	[sflag:s23] =	ssyncset.done $0x0  }
0x46: {  	s16 =	sand.u32 @!p1 $0x1FFFFFF0, s16;
	s25 =	simm.s32 @!p1 $0x0;
	[sflag:s23] =	ssyncadd.s32 $0xFFFFC000  }
0x47: {  	s16 =	sadd.s32 @!p1 s2, s16;
	s8 =	sshll.u32 @!p1 s21, $0x7;
	_ =	strace $0x9000005C  }
0x48: {  	s21 =	sadd.s32 @!p1 $0x3, s21;
	s8 =	sadd.s32 @!p1 $0x1B880, s8;
	_ =	strace @!p1 $0x80000058  }
0x49: {  	[tilespmem:s12], [sflag:s14] =	stream.strided.gather @!p1 [hbm4b:s6+s24], $0x4000, s17, s24, $0x200038;
	[tilespmem:$0x1B980] =	vst v63  }
0x4a: {  	s6 =	simm.s32 $0x1  }
0x4b: {  	s18 =	sadd.s32 $0x1, s18;
	_ =	strace @!p1 $0x90000058;
	s6 =	simm.s32 @!p4 $0x0  }
0x4c: {  	_ =	strace @!p1 $0x80000059;
	s19 =	sadd.s32 s6, s19;
	s0 =	sadd.s32 s6, s0  }
0x4d: {  	[tilespmem:s8], [sflag:s21] =	stream.linear.gather @!p1 [hbm4b:s16+s25], $0x80, $0x200038;
	[tilespmem:$0x1B980] =	vst v63  }
0x4e: {  	s8 =	sand.u32 $0x1, s19;
	s21 =	sand.u32 $0x1, s0;
	_ =	strace @!p1 $0x90000059  }
0x4f: {  	s14 =	sadd.s32 $0x1, s5;
	s12 =	sshll.u32 s19, $0xE;
	_ =	strace $0x8000005A  }
0x50: {  	p4 =	sne.s32 s13, s18;
	s5 =	sshll.u32 s0, $0x7;
	_ =	swait.ge [sflag:s14], $0x4000  }
0x51: {  	s6 =	sand.u32 $0x80, s5;
	s5 =	smov.u32 s8;
	[sflag:s14] =	ssyncset.done $0x0  }
0x52: {  	s8 =	sand.u32 $0x4000, s28;
	s28 =	smov.u32 s12;
	[sflag:s14] =	ssyncadd.s32 $0xFFFFC000  }
0x53: {  	s12 =	sor.u32 $0x13880, s8;
	s14 =	sadd.s32 $0x1B880, s11;
	_ =	strace $0x9000005A  }
.Ltmp2:
0x54: {  	s8 =	sadd.s32 $0x3, s15;
	_ =	strace $0x8000005B;
	(pc) =	sbr.rel @p4 .LBB2_5-.Ltmp2, $4  }
0x55: {  	s31 =	sadd.s32 $0x1, s31;
	s17 =	sadd.s32 @!p1 $0x1, s29;
	_ =	swait.ge [sflag:s8], $0x80  }
0x56: {  	p3 =	seq.s32 s31, s9;
	s11 =	simm.s32 @!p1 $0x1;
	[sflag:s8] =	ssyncset.done $0x0  }
0x57: {  	s31 =	simm.s32 @p3 $0x0;
	s11 =	simm.s32 @p1 $0x0;
	[sflag:s8] =	ssyncadd.s32 $0xFFFFFF80  }
0x58: {  	p3 =	seq.s32 s4, s31;
	s20 =	sadd.s32 s20, s11;
	_ =	strace $0x9000005B  }
0x59: {  	s15 =	smov.u32 s21  }
0x5a: {  	s16 =	smov.u32 s6;
	s11 =	smov.u32 s28;
	s28 =	simm.s32 $0x1  }
.LBB2_7:
0x5b: {  	p1 =	por !p1, !p2;
	s6 =	sadd.s32 @!p3 s7, s31;
	_ =	strace @p2 $0x8000005C  }
0x5c: {  	s29 =	smov.u32 @p1 s17;
	p1 =	por p3, p3;
	s17 =	simm.s32 $0x1  }
0x5d: {  	[spmem:s3] =	stream.indirect.scatter.add.f32 @p2 [tilespmem:s12], [sflag:$0x5], $0x80, s14, s22, $0x2000b8;
	[tilespmem:$0x1B980] =	vst v63  }
0x5e: {  	s8 =	sshll.u32 @!p1 s6, $0xF;
	s12 =	simm.s32 @!p1 $0x800;
	s17 =	smov.u32 @p2 s29  }
0x5f: {  	_ =	swait.ge @p2 [sflag:s23], $0x4000;
	s21 =	simm.s32 @!p1 $0x400;
	s6 =	sshll.u32 @!p1 s6, $0x4  }
0x60: {  	s8 =	sor.u32 @!p1 s10, s8;
	s14 =	sand.u32 @!p1 $0x1, s17;
	[sflag:s23] =	ssyncset.done @p2 $0x0  }
0x61: {  	s6 =	sand.u32 @!p1 $0x1FFFFFF0, s6;
	s24 =	sshll.u32 @!p1 s14, $0xE;
	[sflag:s23] =	ssyncadd.s32 @p2 $0xFFFFC000  }
0x62: {  	s8 =	sshrl.u32 @!p1 s8, $0x3;
	s14 =	sadd.s32 @!p1 $0x1, s14;
	_ =	strace @p2 $0x9000005C  }
0x63: {  	s24 =	sor.u32 @!p1 $0x13880, s24;
	s8 =	sadd.s32 @!p1 s1, s8;
	_ =	strace @!p1 $0x80000058  }
0x64: {  	[tilespmem:s24], [sflag:s14] =	stream.strided.gather @!p1 [hbm4b:s8+s21], $0x4000, s12, s21, $0x200038;
	[tilespmem:$0x1B980] =	vst v63  }
0x65: {  	s6 =	sadd.s32 @!p1 s2, s6;
	s8 =	sand.u32 @!p1 $0x1, s20  }
0x66: {  	s12 =	simm.s32 @!p1 $0x0;
	s14 =	sshll.u32 @!p1 s8, $0x7;
	_ =	strace @!p1 $0x90000058  }
0x67: {  	s8 =	sadd.s32 @!p1 $0x3, s8;
	s14 =	sadd.s32 @!p1 $0x1B880, s14;
	_ =	strace @!p1 $0x80000059  }
0x68: {  	[tilespmem:s14], [sflag:s8] =	stream.linear.gather @!p1 [hbm4b:s6+s12], $0x80, $0x200038;
	[tilespmem:$0x1B980] =	vst v63  }
0x69: {  	_ =	strace @!p1 $0x90000059  }
0x6a: {  	s5 =	sadd.s32 $0x1, s5;
	_ =	strace $0x8000005A  }
0x6b: {  	_ =	swait.ge [sflag:s5], $0x4000  }
0x6c: {  	[sflag:s5] =	ssyncset.done $0x0  }
0x6d: {  	[sflag:s5] =	ssyncadd.s32 $0xFFFFC000  }
0x6e: {  	_ =	strace $0x9000005A  }
0x6f: {  	s14 =	sadd.s32 $0x3, s15;
	_ =	strace $0x8000005B  }
0x70: {  	_ =	swait.ge [sflag:s14], $0x80  }
0x71: {  	[sflag:s14] =	ssyncset.done $0x0  }
0x72: {  	[sflag:s14] =	ssyncadd.s32 $0xFFFFFF80  }
0x73: {  	s15 =	sand.u32 $0x4000, s11;
	_ =	strace $0x9000005B  }
0x74: {  	s16 =	sadd.s32 $0x1B880, s16;
	s5 =	sor.u32 $0x13880, s15;
	_ =	strace $0x8000005C  }
0x75: {  	[spmem:s3] =	stream.indirect.scatter.add.f32 [tilespmem:s5], [sflag:$0x5], $0x80, s16, s22, $0x2000b8;
	[tilespmem:$0x1B980] =	vst v63  }
0x76: {  	s5 =	sadd.s32 $0x1, s31  }
0x77: {  	p2 =	seq.s32 s5, s9  }
0x78: {  	_ =	swait.ge [sflag:s23], $0x4000;
	s5 =	simm.s32 @p2 $0x0;
	p2 =	sge.u32 s18, s13  }
0x79: {  	[sflag:s23] =	ssyncset.done $0x0;
	p3 =	seq.s32 @!p2 s31, s5  }
0x7a: {  	s6 =	sadd.s32 @!p1 $0x1, s17;
	[sflag:s23] =	ssyncadd.s32 $0xFFFFC000;
	p2 =	por p3, p2  }
0x7b: {  	s6 =	smov.u32 @p1 s17;
	_ =	strace $0x9000005C;
	s5 =	sadd.s32 @!p2 s7, s5  }
0x7c: {  	s6 =	sand.u32 @!p2 $0x1, s6;
	_ =	strace @!p2 $0x80000058;
	s8 =	sshll.u32 @!p2 s5, $0xF  }
0x7d: {  	s12 =	simm.s32 @!p2 $0x400;
	s14 =	simm.s32 @!p2 $0x800;
	s8 =	sor.u32 @!p2 s10, s8  }
0x7e: {  	s11 =	sshll.u32 @!p2 s6, $0xE;
	s6 =	sadd.s32 @!p2 $0x1, s6;
	s8 =	sshrl.u32 @!p2 s8, $0x3  }
0x7f: {  	s5 =	sshll.u32 @!p2 s5, $0x4;
	s11 =	sor.u32 @!p2 $0x13880, s11;
	s8 =	sadd.s32 @!p2 s1, s8  }
0x80: {  	[tilespmem:s11], [sflag:s6] =	stream.strided.gather @!p2 [hbm4b:s8+s12], $0x4000, s14, s12, $0x200038;
	[tilespmem:$0x1B980] =	vst v63  }
0x81: {  	s5 =	sand.u32 @!p2 $0x1FFFFFF0, s5;
	s6 =	simm.s32 @!p1 $0x1  }
0x82: {  	s5 =	sadd.s32 @!p2 s2, s5;
	s6 =	simm.s32 @p1 $0x0  }
0x83: {  	s11 =	simm.s32 @!p2 $0x0;
	_ =	strace @!p2 $0x90000058;
	s6 =	sadd.s32 s20, s6  }
0x84: {  	p1 =	sne.s32 s4, s31;
	s4 =	simm.s32 $0x1;
	s6 =	sand.u32 @!p2 $0x1, s6  }
0x85: {  	_ =	strace @!p2 $0x80000059;
	s4 =	simm.s32 @!p1 $0x0;
	s8 =	sshll.u32 @!p2 s6, $0x7  }
0x86: {  	s18 =	sadd.s32 s4, s19;
	s6 =	sadd.s32 @!p2 $0x3, s6;
	s8 =	sadd.s32 @!p2 $0x1B880, s8  }
0x87: {  	[tilespmem:s8], [sflag:s6] =	stream.linear.gather @!p2 [hbm4b:s5+s11], $0x80, $0x200038;
	[tilespmem:$0x1B980] =	vst v63  }
0x88: {  	s19 =	sand.u32 $0x1, s18;
	_ =	strace @!p2 $0x90000059  }
0x89: {  	s6 =	sadd.s32 $0x1, s19;
	_ =	strace $0x8000005A  }
0x8a: {  	_ =	swait.ge [sflag:s6], $0x4000  }
0x8b: {  	[sflag:s6] =	ssyncset.done $0x0  }
0x8c: {  	s0 =	sadd.s32 s4, s0;
	[sflag:s6] =	ssyncadd.s32 $0xFFFFC000  }
0x8d: {  	s4 =	sand.u32 $0x1, s0;
	_ =	strace $0x9000005A  }
0x8e: {  	s4 =	sadd.s32 $0x3, s4;
	_ =	strace $0x8000005B  }
0x8f: {  	_ =	swait.ge [sflag:s4], $0x80  }
0x90: {  	[sflag:s4] =	ssyncset.done $0x0  }
0x91: {  	s20 =	sshll.u32 s18, $0xE;
	s0 =	sshll.u32 s0, $0x7;
	[sflag:s4] =	ssyncadd.s32 $0xFFFFFF80  }
0x92: {  	s0 =	sand.u32 $0x80, s0;
	s4 =	sand.u32 $0x4000, s20;
	_ =	strace $0x9000005B  }
0x93: {  	s0 =	sadd.s32 $0x1B880, s0;
	s4 =	sor.u32 $0x13880, s4;
	_ =	strace $0x8000005C  }
0x94: {  	[spmem:s3] =	stream.indirect.scatter.add.f32 [tilespmem:s4], [sflag:$0x5], $0x80, s0, s22, $0x2000b8;
	[tilespmem:$0x1B980] =	vst v63  }
0x95: {  	_ =	swait.ge [sflag:s23], $0x4000  }
0x96: {  	[sflag:s23] =	ssyncset.done $0x0  }
0x97: {  	[sflag:s23] =	ssyncadd.s32 $0xFFFFC000  }
0x98: {  	_ =	strace $0x9000005C  }
0x99: {  	[bflag:$0x0] =	sbarrier.arrive $0xFFFF  }
0x9a: {  	s21 =	rddreg [dreg:$0x8]  }
0x9b: {  	s25 =	simm.s32 $0x8;
	s29 =	simm.s32 $0x100;
	s24 =	rddreg [dreg:$0xc]  }
0x9c: {  	[hbm:s21@s29], [sflag:s26] =	dma.strided [spmem:s24@s22], $0x2700, s25, $0x10   }
0x9d: {  	s5 =	simm.s32 @!p0 $0x80;
	_ =	swait.ge [sflag:s28], $0x2700  }
0x9e: {  	s0 =	simm.s32 @!p0 $0x8;
	[sflag:s28] =	ssyncset.done $0x0;
	s6 =	rddreg [dreg:$0x9]  }
0x9f: {  	s4 =	simm.s32 @!p0 $0x100;
	s8 =	rddreg [dreg:$0xd];
	[sflag:s28] =	ssyncadd.s32 $0xFFFFD900  }
0xa0: {  	[hbm:s6@s4], [sflag:s26] =	dma.strided @!p0 [spmem:s8@s5], $0x100, s0, $0x10   }
0xa1: {  	s0 =	simm.s32 @!p0 $0x1  }
0xa2: {  	_ =	swait.ge @!p0 [sflag:s0], $0x100  }
0xa3: {  	s30 =	sadd.s32 $0x1, s30;
	s31 =	rddreg [dreg:$0xa]  }
0xa4: {  	p1 =	sne.s32 s30, s31  }
.Ltmp3:
0xa5: {  	_ = 	snop;
	(pc) =	sbr.rel @p1 .LBB2_1-.Ltmp3, $4  }
.Ltmp4:
0xa6: {  	_ = 	snop;
	(pc) =	sbr.rel @!p1 .LBB2_8-.Ltmp4, $4  }
0xa7: {  	_ = 	snop  }
0xa8: {  	[sflag:s0] =	ssyncset.done @!p0 $0x0  }
0xa9: {  	[sflag:s0] =	ssyncadd.s32 @!p0 $0xFFFFFF00  }
0xaa: {  	_ = 	snop  }
.LBB2_2:
.Ltmp5:
0xab: {  	(pc) =	sbr.rel .LBB2_7-.Ltmp5, $4  }
0xac: {  	_ = 	snop  }
0xad: {  	s31 =	smov.u32 s4  }
0xae: {  	s4 =	simm.s32 $0x0;
	s29 =	simm.s32 $0x1;
	s20 =	simm.s32 $0x1  }
0xaf: {  	s19 =	simm.s32 $0x0;
	s0 =	simm.s32 $0x0;
	s5 =	smov.u32 s15  }
.LBB2_4:
.Ltmp6:
0xb0: {  	(pc) =	sbr.rel .LBB2_7-.Ltmp6, $4  }
0xb1: {  	_ = 	snop  }
0xb2: {  	s29 =	simm.s32 $0x1  }
0xb3: {  	s15 =	smov.u32 s21;
	s16 =	smov.u32 s6;
	s0 =	smov.u32 s19  }
0xb4: {  	s5 =	smov.u32 s21;
	s11 =	smov.u32 s28;
	s28 =	simm.s32 $0x1  }
.LBB2_8:
0xb5: {  	_ =	sfence.sel $0x180000  }
0xb6: {  	[bflag:$0x0] =	sbarrier.arrive $0xFFFF  }
0xb7: {  	_ =	strace $0x90000056  }
0xb8: {  	s0 =	stileid.u32;
	[bflag:$0x2] =	sbarrier.arrive $0xFFFF  }
0xb9: {  	p0 =	sne.s32 s0, $0x0;
	s0 =	rddreg [dreg:$0x4]  }
0xba: {  	s0 =	sadd.s32 @!p0 $0x100000, s0  }
0xbb: {  	[sflag:s0] =	ssyncadd.tile.s32 @!p0 $0x1;
	_ =	shalt  }
.Lfunc_end2:
_tile_overlayer_lowered:
.L_overlay_start_2:
0xbc: {  	(tag) =	ssettag $0x2  }
0xbd: {  	s0 =	rddreg [dreg:$0x0];
	s2 =	stileid.u32  }
0xbe: {  	s1 =	rddreg [dreg:$0x1];
	p0 =	sne.s32 s2, $0x0  }
0xbf: {  	s3 =	rddreg [dreg:$0x2];
	[bflag:$0x3] =	sbarrier.arrive $0xFFFF;
	s2 =	simm.s32 @!p0 $0x1C01  }
0xc0: {  	[timem:s3], [sflag:s2] =	dma.local @!p0 [hbm:s0], s1  }
0xc1: {  	s0 =	simm.s32 @!p0 $0x1  }
0xc2: {  	_ =	swait.ge @!p0 [sflag:s0], s1  }
0xc3: {  	s1 =	ssub.s32 @!p0 $0x0, s1;
	[sflag:s0] =	ssyncset.done @!p0 $0x0  }
0xc4: {  	[sflag:s0] =	ssyncadd.s32 @!p0 s1  }
0xc5: {  	[bflag:$0x3] =	sbarrier.arrive $0xFFFF  }
0xc6: {  	_ =	shalt  }

// kernel: kernel.13.cloned.1.call-start
scs
__scs_entry_jumppad:
0x0: {  	(pc) =	sbr.rel $0x88, $3  }
0x1: {  	(tag) =	ssettag $0x0;
	lr =	simm.s32 $0x1  }
0x2: {  	[smem:$0x3F96] =	sst lr;
	_ =	strace $0xD0000000  }
0x3: {  	_ = 	snop  }
0x4: {  	_ = 	snop  }
0x5: {  	_ = 	snop  }
0x6: {  	_ = 	snop  }
0x7: {  	_ = 	snop  }
__scs_overlays_trampoline_lowered:
0x8: {  	[smem:$0x3FA5] =	sst s0  }
0x9: {  	[smem:$0x3FA6] =	sst s1  }
0xa: {  	[smem:$0x3FA7] =	sst s2  }
0xb: {  	[smem:$0x3FA8] =	sst s3  }
0xc: {  	[smem:$0x3FA9] =	sst s4  }
0xd: {  	[smem:$0x3FAA] =	sst s5  }
0xe: {  	[smem:$0x3FAB] =	sst s6  }
0xf: {  	[smem:$0x3FAC] =	sst s7  }
0x10: {  	[smem:$0x3FAD] =	sst s8  }
0x11: {  	[smem:$0x3FAE] =	sst s9;
	s0 =	simm.s32 @!p0 $0x0  }
0x12: {  	s1 =	sld [smem:$0x3F94];
	s0 =	simm.s32 @p0 $0x1  }
0x13: {  	[smem:$0x3FAF] =	sst s0;
	s0 =	simm.s32 @!p1 $0x0  }
0x14: {  	s2 =	sld [smem:$0x3F93];
	s0 =	simm.s32 @p1 $0x1  }
0x15: {  	[smem:$0x3FB0] =	sst s0;
	s0 =	simm.s32 @!p2 $0x0  }
0x16: {  	s3 =	sld [smem:$0x3FDB];
	s0 =	simm.s32 @p2 $0x1  }
0x17: {  	s4 =	simm.s32 $0x1BF5;
	[smem:$0x3FB2] =	sst s0  }
0x18: {  	s0 =	sld [smem:$0x3F95];
	_ =	swait.ge [sflag:s4], $0x0  }
0x19: {  	s7 =	sld [smem:$0x3F96]  }
0x1a: {  	s8 =	sadd.s32 $0xFFFFE003, lr  }
0x1b: {  	s9 =	sadd.s32 $0xFFFFFEF7, lr;
	s5 =	simm.s32 $0xFFFFFFFF;
	p2 =	slt.u32 s8, $0xFFFFF086  }
0x1c: {  	p1 =	slt.u32 s9, $0xF7A;
	s5 =	simm.s32 @!p2 $0x0  }
0x1d: {  	s5 =	simm.s32 @p1 $0x1;
	p0 =	seq.s32 s7, s2  }
0x1e: {  	s7 =	smul.u32 @!p0 $0xF7A, s2;
	p2 =	seq.s32 @!p0 s5, $0x0  }
0x1f: {  	s9 =	smul.u32 $0xF7A, s1;
	s8 =	simm.s32 @!p0 $0x1BF5;
	p2 =	por !p2, p0  }
0x20: {  	[sflag:s8] =	ssyncset.s32 @!p0 $0xFFFFF086;
	s6 =	sadd.s32 @!p0 s3, s7;
	s7 =	simm.s32 @!p0 $0x108  }
0x21: {  	s3 =	sadd.s32 s3, s9;
	s6 =	sadd.s32 @!p0 $0x88, s6;
	s7 =	simm.s32 @p2 $0x1082  }
0x22: {  	[simem:s7], [sflag:s8] =	dma.local @!p0 [hbm:s6], $0xF7A  }
0x23: {  	s9 =	sor.u32 $0xD0000000, s2;
	s6 =	simm.s32 $0x108;
	_ =	swait.ge @!p0 [sflag:s8], $0x0  }
0x24: {  	s3 =	sadd.s32 $0x88, s3;
	s6 =	simm.s32 @!p1 $0x1082;
	[sflag:s4] =	ssyncset.s32 $0xFFFFF086  }
0x25: {  	[simem:s6], [sflag:s4] =	dma.local [hbm:s3], $0xF7A  }
0x26: {  	[smem:$0x3F96] =	sst s1;
	(tag) =	ssettag s2;
	_ =	strace s9  }
0x27: {  	s1 =	sld [smem:$0x3FA6]  }
0x28: {  	s2 =	sld [smem:$0x3FA7]  }
0x29: {  	s4 =	sld [smem:$0x3FA9]  }
0x2a: {  	p0 =	seq.s32 s5, $0x0;
	s5 =	sld [smem:$0x3FAA]  }
0x2b: {  	s6 =	sld [smem:$0x3FAB]  }
0x2c: {  	s7 =	sld [smem:$0x3FAC]  }
0x2d: {  	s3 =	simm.s32 $0x108;
	s8 =	sld [smem:$0x3FAD]  }
0x2e: {  	s3 =	simm.s32 @!p0 $0x1082;
	s9 =	sld [smem:$0x3FAE]  }
0x2f: {  	lr =	sadd.s32 s0, s3;
	s0 =	sld [smem:$0x3FA5]  }
0x30: {  	s3 =	sld [smem:$0x3FA8]  }
0x31: {  	[smem:$0x3FB1] =	sst s10  }
0x32: {  	s10 =	sld [smem:$0x3FAF];
	_ =	sdelay $0x3  }
0x33: {  	p0 =	seq.s32 s10, $0x1;
	s10 =	sld [smem:$0x3FB1];
	_ =	sdelay $0x3  }
0x34: {  	[smem:$0x3FB1] =	sst s10  }
0x35: {  	s10 =	sld [smem:$0x3FB0];
	_ =	sdelay $0x3  }
0x36: {  	p1 =	seq.s32 s10, $0x1;
	s10 =	sld [smem:$0x3FB1];
	_ =	sdelay $0x3  }
0x37: {  	[smem:$0x3FB1] =	sst s10  }
0x38: {  	s10 =	sld [smem:$0x3FB2]  }
0x39: {  	_ = 	snop;
	(pc) =	sbr.ind lr, $3  }
0x3a: {  	_ = 	snop  }
0x3b: {  	_ = 	snop  }
0x3c: {  	p2 =	seq.s32 s10, $0x1;
	s10 =	sld [smem:$0x3FB1]  }
0x3d: {  	_ =	shalt  }
0x3e: {  	_ =	shalt  }
0x3f: {  	_ =	shalt  }
0x40: {  	_ =	shalt  }
0x41: {  	_ =	shalt  }
0x42: {  	_ =	shalt  }
0x43: {  	_ =	shalt  }
0x44: {  	_ =	shalt  }
0x45: {  	_ =	shalt  }
0x46: {  	_ =	shalt  }
0x47: {  	_ =	shalt  }
0x48: {  	_ =	shalt  }
0x49: {  	_ =	shalt  }
0x4a: {  	_ =	shalt  }
0x4b: {  	_ =	shalt  }
0x4c: {  	_ =	shalt  }
0x4d: {  	_ =	shalt  }
0x4e: {  	_ =	shalt  }
0x4f: {  	_ =	shalt  }
0x50: {  	_ =	shalt  }
0x51: {  	_ =	shalt  }
0x52: {  	_ =	shalt  }
0x53: {  	_ =	shalt  }
0x54: {  	_ =	shalt  }
0x55: {  	_ =	shalt  }
0x56: {  	_ =	shalt  }
0x57: {  	_ =	shalt  }
0x58: {  	_ =	shalt  }
0x59: {  	_ =	shalt  }
0x5a: {  	_ =	shalt  }
0x5b: {  	_ =	shalt  }
0x5c: {  	_ =	shalt  }
0x5d: {  	_ =	shalt  }
0x5e: {  	_ =	shalt  }
0x5f: {  	_ =	shalt  }
0x60: {  	_ =	shalt  }
0x61: {  	_ =	shalt  }
0x62: {  	_ =	shalt  }
0x63: {  	_ =	shalt  }
0x64: {  	_ =	shalt  }
0x65: {  	_ =	shalt  }
0x66: {  	_ =	shalt  }
0x67: {  	_ =	shalt  }
0x68: {  	_ =	shalt  }
0x69: {  	_ =	shalt  }
0x6a: {  	_ =	shalt  }
0x6b: {  	_ =	shalt  }
0x6c: {  	_ =	shalt  }
0x6d: {  	_ =	shalt  }
0x6e: {  	_ =	shalt  }
0x6f: {  	_ =	shalt  }
0x70: {  	_ =	shalt  }
0x71: {  	_ =	shalt  }
0x72: {  	_ =	shalt  }
0x73: {  	_ =	shalt  }
0x74: {  	_ =	shalt  }
0x75: {  	_ =	shalt  }
0x76: {  	_ =	shalt  }
0x77: {  	_ =	shalt  }
0x78: {  	_ =	shalt  }
0x79: {  	_ =	shalt  }
0x7a: {  	_ =	shalt  }
0x7b: {  	_ =	shalt  }
0x7c: {  	_ =	shalt  }
0x7d: {  	_ =	shalt  }
0x7e: {  	_ =	shalt  }
0x7f: {  	_ =	shalt  }
0x80: {  	_ =	shalt  }
0x81: {  	_ =	shalt  }
0x82: {  	_ =	shalt  }
0x83: {  	_ =	shalt  }
0x84: {  	_ =	shalt  }
0x85: {  	_ =	shalt  }
0x86: {  	_ =	shalt  }
0x87: {  	_ =	shalt  }
.Lfunc_end0:
.L_simem_size_0:
called_computation.2_lowered:
.L_overlay_start_0:
0x88: {  	s2 =	sld [smem:$0x3FD9]  }
0x89: {  	s3 =	sld [smem:$0x3FFE];
	_ =	sdelay $0x1  }
0x8a: {  	s1 =	srdreg.scid  }
0x8b: {  	s0 =	sand.u32 $0x1, s1  }
0x8c: {  	s15 =	sshll.u32 s0, $0xA;
	s2 =	sadd.s32 s3, s2  }
0x8d: {  	s2 =	sadd.s32 s2, s15  }
0x8e: {  	[smem:$0x3FBD] =	sst s2  }
0x8f: {  	_ = 	snop  }
0x90: {  	s16 =	sld [smem:$0x3FD0];
	_ =	sdelay $0x2  }
0x91: {  	s4 =	simm.s32 $0xB;
	s5 =	simm.s32 $0x10;
	s2 =	sld [smem:$0x3FC6]  }
0x92: {  	[smem:s5], [sflag:s4] =	dma.local [hbm:s16], $0x1  }
0x93: {  	_ =	swait.eq [sflag:s4], $0x1  }
0x94: {  	[sflag:s4] =	ssyncset.done $0x0  }
0x95: {  	[sflag:s4] =	ssyncadd.s32 $0xFFFFFFFF  }
0x96: {  	s17 =	sld [smem:$0x10];
	(tm) =	ssettm $0x1  }
0x97: {  	s18 =	sld [smem:$0x3FFB];
	_ =	sdelay $0x3  }
0x98: {  	_ =	strace s18  }
0x99: {  	s3 =	sld [smem:$0x3FFC];
	_ =	sdelay $0x3  }
0x9a: {  	_ =	strace s3  }
0x9b: {  	s3 =	sld [smem:$0x3FFD];
	_ =	sdelay $0x3  }
0x9c: {  	_ =	strace s3  }
0x9d: {  	_ =	strace $0x8FFFFFFF  }
0x9e: {  	s19 =	sld [smem:$0x3FDB];
	_ =	sdelay $0x1  }
0x9f: {  	s20 =	simm.s32 $_scs_section_size  }
0xa0: {  	s6 =	simm.s32 $_size__tile_overlayer_lowered;
	s7 =	simm.s32 $_tile_overlayer_lowered  }
0xa1: {  	s8 =	simm.s32 $0x1BFF;
	s21 =	sshll.u32 s7, $0x1;
	s5 =	sadd.s32 s20, s19  }
0xa2: {  	s22 =	simm.s32 $0x0;
	s6 =	sshll.u32 s6, $0x1;
	s7 =	sadd.s32 s21, s5  }
0xa3: {  	[timem:s22], [sflag:s8] =	dma.local [hbm:s7], s6  }
0xa4: {  	_ =	swait.ge [sflag:s8], s6  }
0xa5: {  	s6 =	ssub.s32 $0x0, s6;
	[sflag:s8] =	ssyncset.done $0x0  }
0xa6: {  	[sflag:s8] =	ssyncadd.s32 s6;
	_ =	sdelay $0x1  }
0xa7: {  	s23 =	simm.s32 $0x1B8B  }
0xa8: {  	_ =	swait.ge [sflag:s23], $0x1  }
0xa9: {  	[sflag:s23] =	ssyncset.done $0x0  }
0xaa: {  	[sflag:s23] =	ssyncadd.s32 $0xFFFFFFFF  }
0xab: {  	s6 =	sld [smem:$0x0]  }
0xac: {  	s7 =	sand.u32 $0xFFFFFFFE, s1  }
0xad: {  	p0 =	sne.s32 s1, s7  }
0xae: {  	s7 =	sshll.u32 @p0 s7, $0xE  }
0xaf: {  	s7 =	sadd.s32 @p0 $0x11B8D, s7;
	s8 =	sshll.u32 @p0 s6, $0x11  }
0xb0: {  	s7 =	sor.u32 @p0 s8, s7  }
0xb1: {  	[sflag:s7] =	ssyncadd.remote.s32 @p0 $0x1;
	_ =	sdelay $0x1  }
0xb2: {  	s7 =	simm.s32 @p0 $0x1B8D  }
0xb3: {  	_ =	swait.eq @p0 [sflag:s7], $0x1  }
0xb4: {  	[sflag:s7] =	ssyncadd.s32 @p0 $0xFFFFFFFF  }
0xb5: {  	s8 =	sshll.u32 @!p0 s1, $0xE  }
0xb6: {  	s8 =	sor.u32 @!p0 $0x4000, s8;
	s7 =	simm.s32 @!p0 $0x1B8D  }
0xb7: {  	s6 =	sshll.u32 @!p0 s6, $0x11;
	s8 =	sadd.s32 @!p0 $0x11B8D, s8;
	_ =	swait.eq @!p0 [sflag:s7], $0x1  }
0xb8: {  	s6 =	sor.u32 @!p0 s6, s8;
	[sflag:s7] =	ssyncadd.s32 @!p0 $0xFFFFFFFF  }
0xb9: {  	s25 =	simm.s32 $0x1B8E;
	s24 =	sld [smem:$0x3FFE];
	[sflag:s6] =	ssyncadd.remote.s32 @!p0 $0x1  }
0xba: {  	s26 =	simm.s32 $execute0_lowered;
	[smem:$0x3FD2] =	sst s25  }
0xbb: {  	s7 =	sshll.u32 s26, $0x1;
	_ =	strace $0x8000005E;
	[dreg:$0x1] =	wrdreg $0xFFFFFFFF  }
0xbc: {  	s28 =	simm.s32 $_size_execute0_lowered;
	s5 =	sadd.s32 s5, s7;
	[dreg:$0x0] =	wrdreg $0x0  }
0xbd: {  	s7 =	sshll.u32 s28, $0x1;
	[dreg:$0x2] =	wrdreg s5  }
0xbe: {  	[dreg:$0x3] =	wrdreg s7  }
0xbf: {  	[dreg:$0x4] =	wrdreg $0xC0  }
0xc0: {  	_ =	task [dreg:s22], $0x5FFFF  }
0xc1: {  	[dreg:$0x1] =	wrdreg $0xFFFFFFFF  }
0xc2: {  	[dreg:$0x0] =	wrdreg $0x60  }
0xc3: {  	[dreg:$0x2] =	wrdreg s24  }
0xc4: {  	[dreg:$0x3] =	wrdreg s17  }
0xc5: {  	[dreg:$0x4] =	wrdreg s2  }
0xc6: {  	[dreg:$0x5] =	wrdreg $0x0  }
0xc7: {  	[dreg:$0x6] =	wrdreg $0xA  }
0xc8: {  	_ =	task.clear_ibuf [dreg:s22], $0x7FFFF;
	_ =	strace $0x9000005E  }
0xc9: {  	s29 =	simm.s32 $0xA;
	_ =	strace $0x80000068  }
0xca: {  	_ =	swait.ge [sflag:s29], $0x1  }
0xcb: {  	[sflag:s29] =	ssyncadd.s32 $0xFFFFFFFF  }
0xcc: {  	_ =	strace $0x90000068  }
0xcd: {  	_ =	sfence  }
0xce: {  	s30 =	sld [smem:$0x0];
	_ =	sdelay $0x2  }
0xcf: {  	s31 =	sshll.u32 s1, $0xD;
	s1 =	sshrl.u32 s1, $0x2  }
0xd0: {  	s4 =	sand.u32 $0x4000, s31;
	s1 =	sadd.s32 s1, s30  }
0xd1: {  	s0 =	sor.u32 s4, s0;
	s1 =	sshll.u32 s1, $0x11  }
0xd2: {  	s0 =	sor.u32 s1, s0  }
0xd3: {  	s0 =	sadd.s32 $0x8F2B, s0  }
0xd4: {  	[sflag:s0] =	ssyncadd.remote.s32 $0x1  }
0xd5: {  	_ =	sfence.sel $0xFFFF  }
0xd6: {  	[dreg:$0x0] =	wrdreg $0xFFFFFFFF;
	(pc) =	sbr.abs _section_cstart, $3  }
0xd7: {  	[dreg:$0x1] =	wrdreg $0xFFFFFFFF  }
0xd8: {  	_ =	task.clear_ibuf [dreg:s22], $0x2FFFF;
	_ =	strace $0x9FFFFFFF  }
0xd9: {  	(tm) =	ssettm $0x7FFFFFFF  }
tec
execute0_lowered:
.L_overlay_start_1:
0x0: {  	(tag) =	ssettag $0x1  }
0x1: {  	s0 =	rddreg [dreg:$0x0];
	s4 =	stileid.u32  }
0x2: {  	s2 =	rddreg [dreg:$0x1];
	s1 =	smul.u32 $0x9C, s4  }
0x3: {  	s6 =	rddreg [dreg:$0x3];
	s3 =	smul.u32 $0x9D, s4  }
0x4: {  	s7 =	simm.s32 $0x0;
	s20 =	srdreg.scid;
	s9 =	smul.u32 $0x4E200, s4  }
0x5: {  	p0 =	slt.u32 s4, $0x4;
	[smem:$0x7FF] =	sst s7;
	s24 =	smul.u32 $0x4E000, s4  }
0x6: {  	s7 =	sadd.s32 $0x2A00, s0;
	s10 =	sadd.s32 $0xF200, s0;
	s28 =	smul.u32 $0x2700, s4  }
0x7: {  	s30 =	sshll.u32 s4, $0x6;
	_ =	strace $0x8000005F;
	[dreg:$0x5] =	wrdreg s10  }
0x8: {  	s10 =	simm.s32 $0x0;
	s5 =	sadd.s32 $0x4, s1;
	s1 =	sand.u32 $0x1, s20  }
0x9: {  	s9 =	sshrl.u32 s9, $0x2;
	s26 =	sshrl.u32 s24, $0x2;
	s20 =	simm.s32 $0x13880  }
0xa: {  	s5 =	smov.u32 @p0 s3;
	s8 =	smul.u32 $0x27100, s1;
	s21 =	ssub.s32 $0x2, s1  }
0xb: {  	s23 =	sadd.s32 s9, s6;
	s9 =	simm.s32 $0x9D;
	s13 =	sshll.u32 s1, $0x6  }
0xc: {  	s3 =	smul.u32 $0x147B, s5;
	s22 =	sshrl.u32 s21, $0x1;
	s12 =	sshll.u32 s5, $0x4  }
0xd: {  	s9 =	simm.s32 @!p0 $0x9C;
	s15 =	sor.u32 $0x10, s13;
	s16 =	sor.u32 $0x20, s13  }
0xe: {  	s17 =	sor.u32 $0x30, s13;
	s31 =	sshrl.u32 s23, $0x3;
	p0 =	sne.s32 s4, $0xF  }
0xf: {  	s0 =	sadd.s32 s8, s0;
	s8 =	ssub.s32 s21, s22;
	s12 =	sadd.s32 s2, s12  }
0x10: {  	s14 =	sadd.s32 $0xFFFFFFFF, s9;
	[dreg:$0xc] =	wrdreg s31;
	s3 =	sshrl.u32 s3, $0x11  }
0x11: {  	[dreg:$0x6] =	wrdreg s12;
	s12 =	sadd.s32 $0x9C40, s12;
	s25 =	sadd.s32 $0x5FC00, s0  }
0x12: {  	s29 =	smax.u32 s8, $0x1;
	s11 =	smul.u32 $0x19, s3;
	[dreg:$0x7] =	wrdreg s12  }
0x13: {  	s0 =	sadd.s32 s26, s6;
	s8 =	sor.u32 $0x1C01, s30;
	[dreg:$0xa] =	wrdreg s29  }
0x14: {  	s26 =	simm.s32 $0x1D680;
	[dreg:$0x9] =	wrdreg s25;
	s11 =	ssub.s32 s5, s11  }
0x15: {  	v0 =	vlaneseq.u32;
	s1 =	sadd.s32 s28, s25;
	[dreg:$0xb] =	wrdreg s8;
	s11 =	sshll.u32 s11, $0x4  }
0x16: {  	v0 =	vmul.u32 $0x80, v0;
	s0 =	sshrl.u32 s0, $0x3;
	[dreg:$0xd] =	wrdreg s1;
	s11 =	sand.u32 $0xFFF0, s11  }
0x17: {  	s3 =	sshll.u32 s3, $0x9;
	[dreg:$0xe] =	wrdreg s0;
	s11 =	sadd.s32 s11, s7  }
0x18: {  	v1 =	vor.u32 $0x1, v0;
	v2 =	vor.u32 $0x2, v0;
	s0 =	simm.s32 @!p0 $0x0;
	s1 =	simm.s32 $0x40;
	s3 =	sadd.s32 s3, s11  }
0x19: {  	v3 =	vor.u32 $0x800, v0;
	v4 =	vor.u32 $0x801, v0;
	v5 =	vor.u32 $0x802, v0;
	s0 =	simm.s32 @p0 $0x1;
	[dreg:$0x8] =	wrdreg s3;
	s3 =	sadd.s32 $0x138000, s6  }
0x1a: {  	v6 =	vor.u32 $0x1000, v0;
	v7 =	vor.u32 $0x1001, v0;
	v8 =	vor.u32 $0x1002, v0;
	[smem:$0x7FD] =	sst s0;
	s11 =	simm.s32 $0x1;
	s0 =	sshrl.u32 @!p0 s3, $0x3  }
0x1b: {  	v9 =	vor.u32 $0x1800, v0;
	v10 =	vor.u32 $0x1801, v0;
	v11 =	vor.u32 $0x1802, v0;
	s3 =	simm.s32 $0x7;
	[dreg:$0xf] =	wrdreg s0;
	s0 =	simm.s32 $0x1F680  }
.LBB2_1:
0x1c: {  	[dreg:$0x10] =	wrdreg s10  }
0x1d: {  	s4 =	rddreg [dreg:$0x2];
	s6 =	simm.s32 $0x0  }
0x1e: {  	[tilespmem:s20], [sflag:$0x1] =	stream.linear.gather [hbm4b:s4+s6], $0x9E00, $0x38;
	[tilespmem:$0x1FA00] =	vst v63  }
0x1f: {  	_ =	swait.ge [sflag:s11], $0x9E00  }
0x20: {  	[sflag:s11] =	ssyncset.done $0x0;
	s19 =	rddreg [dreg:$0x5]  }
0x21: {  	s21 =	rddreg [dreg:$0xc];
	[sflag:s11] =	ssyncadd.s32 $0xFFFF6200  }
0x22: {  	[spmem:s21], [sflag:s8] =	dma.local [hbm:s19], $0x2710  }
0x23: {  	_ =	swait.ge [sflag:s11], $0x2710  }
0x24: {  	[sflag:s11] =	ssyncset.done $0x0  }
0x25: {  	[sflag:s11] =	ssyncadd.s32 $0xFFFFD8F0  }
0x26: {  	[tilespmem:s26], [sflag:$0x1] =	stream.linear.gather [hbm4b:s19+s6], $0x2000, $0x38;
	[tilespmem:$0x1FA00] =	vst v63  }
0x27: {  	_ =	swait.ge [sflag:s11], $0x2000  }
0x28: {  	[sflag:s11] =	ssyncset.done $0x0  }
0x29: {  	[sflag:s11] =	ssyncadd.s32 $0xFFFFE000  }
0x2a: {  	s23 =	simm.s32 $0x1F700;
	[bflag:$0x0] =	sbarrier.arrive $0xFFFF  }
0x2b: {  	s25 =	simm.s32 $0x1F800;
	s31 =	simm.s32 $0x1F900;
	_ =	strace $0x80000060  }
0x2c: {  	s29 =	simm.s32 $0x0;
	s30 =	simm.s32 $0x1;
	s22 =	rddreg [dreg:$0x6]  }
0x2d: {  	[tilespmem:s23], [sflag:$0x1] =	stream.linear.gather [hbm4b:s22+s6], $0x80, $0x200038;
	[tilespmem:$0x1FA00] =	vst v63  }
0x2e: {  	s12 =	simm.s32 $0x1;
	s10 =	simm.s32 $0x0;
	s24 =	rddreg [dreg:$0x7]  }
0x2f: {  	[tilespmem:s25], [sflag:$0x3] =	stream.linear.gather [hbm4b:s24+s6], $0x80, $0x200038;
	[tilespmem:$0x1FA00] =	vst v63  }
0x30: {  	s19 =	simm.s32 $0x0;
	s11 =	simm.s32 $0x0;
	s28 =	rddreg [dreg:$0x8]  }
0x31: {  	[tilespmem:s31], [sflag:$0x5] =	stream.linear.gather [hbm4b:s28+s6], $0x80, $0x200038;
	[tilespmem:$0x1FA00] =	vst v63  }
0x32: {  	s22 =	simm.s32 $0x0;
	s23 =	simm.s32 $0x1;
	_ =	strace $0x90000060  }
.LBB2_2:
0x33: {  	s18 =	sadd.s32 $0x1, s22  }
0x34: {  	p1 =	seq.s32 s18, s9  }
0x35: {  	s18 =	simm.s32 @p1 $0x0;
	p1 =	sge.u32 s19, s14  }
0x36: {  	p0 =	seq.s32 @!p1 s22, s18  }
0x37: {  	s4 =	simm.s32 @!p0 $0x0;
	p3 =	por p0, p1  }
0x38: {  	s24 =	sadd.s32 s5, s18;
	s4 =	simm.s32 @p0 $0x1;
	s8 =	sand.u32 @!p3 $0x1, s23  }
0x39: {  	s6 =	sshll.u32 @!p3 s24, $0x4;
	s21 =	simm.s32 @!p3 $0x0;
	[smem:$0x7FC] =	sst s4  }
0x3a: {  	s25 =	sshll.u32 @!p3 s8, $0x7;
	s6 =	sand.u32 @!p3 $0x1FFFFFF0, s6;
	s8 =	sadd.s32 @!p3 $0x1, s8  }
0x3b: {  	_ =	strace @!p3 $0x80000061;
	s25 =	sor.u32 @!p3 $0x1F700, s25;
	s6 =	sadd.s32 @!p3 s2, s6  }
0x3c: {  	[tilespmem:s25], [sflag:s8] =	stream.linear.gather @!p3 [hbm4b:s6+s21], $0x80, $0x200038;
	[tilespmem:$0x1FA00] =	vst v63  }
0x3d: {  	s6 =	sadd.s32 s5, s22;
	s8 =	sand.u32 @!p3 $0x1, s12  }
0x3e: {  	s25 =	sshll.u32 @!p3 s24, $0x7;
	_ =	strace @!p3 $0x90000061;
	s31 =	sshll.u32 @!p3 s8, $0x7  }
0x3f: {  	s25 =	sadd.s32 @!p3 $0x4E200, s25;
	s28 =	smulhi.u32 $0x51EB851F, s6;
	s4 =	sshra.s32 s6, $0x1F  }
0x40: {  	s8 =	sadd.s32 @!p3 $0x3, s8;
	_ =	strace @!p3 $0x80000062;
	s25 =	sshrl.u32 @!p3 s25, $0x3  }
0x41: {  	s31 =	sor.u32 @!p3 $0x1F800, s31;
	s4 =	smul.u32 $0x51EB851F, s4;
	s25 =	sadd.s32 @!p3 s2, s25  }
0x42: {  	[tilespmem:s31], [sflag:s8] =	stream.linear.gather @!p3 [hbm4b:s25+s21], $0x80, $0x200038;
	[tilespmem:$0x1FA00] =	vst v63  }
0x43: {  	s31 =	smulhi.u32 $0x51EB851F, s24;
	s25 =	sshra.s32 s24, $0x1F  }
0x44: {  	s4 =	sadd.s32 s4, s28;
	s21 =	smul.u32 $0x51EB851F, s25  }
0x45: {  	s28 =	sshrl.u32 s4, $0x1F;
	s4 =	sshra.s32 s4, $0x3  }
0x46: {  	s4 =	sadd.s32 s28, s4;
	s8 =	sadd.s32 s21, s31  }
0x47: {  	s25 =	smul.u32 $0xFFFFFFE7, s4;
	s21 =	sshrl.u32 s8, $0x1F;
	s31 =	sshra.s32 s8, $0x3  }
0x48: {  	s21 =	sadd.s32 s21, s31  }
0x49: {  	s8 =	sadd.s32 s6, s25;
	s31 =	smul.u32 $0xFFFFFFE7, s21  }
0x4a: {  	p0 =	slt.s32 s24, $0x1;
	p4 =	slt.s32 s6, $0x1;
	p5 =	sne.s32 s8, $0x0  }
0x4b: {  	s25 =	simm.s32 $0x1;
	p4 =	por !p4, !p5;
	s6 =	sadd.s32 s24, s31  }
0x4c: {  	p6 =	slt.s32 s8, $0x0;
	p4 =	por !p4, !p4;
	p2 =	sne.s32 s6, $0x0  }
0x4d: {  	s25 =	simm.s32 @!p4 $0x0;
	s28 =	sadd.s32 $0x19, s6;
	p4 =	por !p0, !p2  }
0x4e: {  	s24 =	ssub.s32 s4, s25;
	s25 =	simm.s32 $0x1;
	p4 =	por !p4, !p4  }
0x4f: {  	s4 =	sadd.s32 $0x19, s8;
	s25 =	simm.s32 @!p4 $0x0;
	p4 =	slt.s32 s6, $0x0  }
0x50: {  	s8 =	smov.u32 @p6 s4;
	s4 =	ssub.s32 s21, s25;
	s6 =	smov.u32 @p4 s28  }
0x51: {  	p6 =	sne.s32 s24, s4;
	p0 =	sne.s32 s8, s6  }
0x52: {  	p2 =	slt.u32 s19, s14;
	p4 =	por p0, p6  }
0x53: {  	p5 =	por !p2, !p4  }
0x54: {  	s25 =	sadd.s32 $0xFFFFFFFF, s22;
	p6 =	seq.s32 s22, $0x0;
	p5 =	por !p5, !p5  }
0x55: {  	_ =	strace @!p3 $0x90000062;
	s25 =	smov.u32 @p6 s14;
	s6 =	sshll.u32 @p5 s6, $0x7  }
0x56: {  	p6 =	seq.s32 s19, $0x0;
	s4 =	sshll.u32 @p5 s4, $0xC;
	s21 =	sand.u32 @p5 $0xFFFFFC00, s6  }
0x57: {  	p0 =	seq.s32 @!p6 s22, s25;
	s6 =	sand.u32 @p5 $0x380, s6;
	s4 =	sadd.s32 @p5 s21, s4  }
0x58: {  	_ =	strace @p5 $0x80000063;
	s21 =	sand.u32 @p5 $0x1, s30;
	s4 =	sor.u32 @p5 s6, s4  }
0x59: {  	s28 =	simm.s32 @p5 $0x0;
	s6 =	sshll.u32 @p5 s21, $0x7;
	s4 =	sshrl.u32 @p5 s4, $0x3  }
0x5a: {  	s21 =	sadd.s32 @p5 $0x5, s21;
	s6 =	sor.u32 @p5 $0x1F900, s6;
	s4 =	sadd.s32 @p5 s7, s4  }
0x5b: {  	[tilespmem:s6], [sflag:s21] =	stream.linear.gather @p5 [hbm4b:s4+s28], $0x80, $0x200038;
	[tilespmem:$0x1FA00] =	vst v63  }
0x5c: {  	p0 =	por p6, !p0;
	s28 =	sadd.s32 s5, s25  }
0x5d: {  	s4 =	sand.u32 @p0 $0x1, s10;
	_ =	strace @p5 $0x90000063;
	s31 =	smulhi.u32 $0x51EB851F, s28  }
0x5e: {  	s4 =	sadd.s32 @p0 $0x1, s4;
	s25 =	sshra.s32 s28, $0x1F;
	_ =	strace @p0 $0x80000064  }
0x5f: {  	s21 =	smul.u32 $0x51EB851F, s25;
	_ =	swait.ge @p0 [sflag:s4], $0x80  }
0x60: {  	[sflag:s4] =	ssyncset.done @p0 $0x0  }
0x61: {  	s6 =	sadd.s32 s21, s31;
	[sflag:s4] =	ssyncadd.s32 @p0 $0xFFFFFF80;
	s4 =	sand.u32 @p0 $0x1, s11  }
0x62: {  	s21 =	sshrl.u32 s6, $0x1F;
	s6 =	sshra.s32 s6, $0x3;
	_ =	strace @p0 $0x90000064  }
0x63: {  	s4 =	sadd.s32 @p0 $0x3, s4;
	s6 =	sadd.s32 s21, s6;
	_ =	strace @p0 $0x80000065  }
0x64: {  	s21 =	smul.u32 $0xFFFFFFE7, s6;
	_ =	swait.ge @p0 [sflag:s4], $0x80  }
0x65: {  	[sflag:s4] =	ssyncset.done @p0 $0x0  }
0x66: {  	s21 =	sadd.s32 s28, s21;
	[sflag:s4] =	ssyncadd.s32 @p0 $0xFFFFFF80  }
0x67: {  	p2 =	sne.s32 s21, $0x0;
	_ =	strace @p0 $0x90000065;
	p0 =	slt.s32 s28, $0x1  }
0x68: {  	s4 =	sadd.s32 $0x19, s21;
	p0 =	por !p0, !p2;
	p2 =	slt.s32 s21, $0x0  }
0x69: {  	p0 =	por !p0, !p0;
	s21 =	smov.u32 @p2 s4;
	s4 =	simm.s32 $0x1  }
0x6a: {  	s4 =	simm.s32 @!p0 $0x0;
	p0 =	sne.s32 @!p6 s8, s21  }
0x6b: {  	s4 =	ssub.s32 s6, s4;
	p0 =	por p6, p0  }
0x6c: {  	p2 =	seq.s32 @!p0 s24, s4  }
0x6d: {  	p0 =	por p0, !p2  }
0x6e: {  	s4 =	sand.u32 @p0 $0x1, s29  }
0x6f: {  	_ =	strace @p0 $0x80000066;
	s4 =	sadd.s32 @p0 $0x5, s4  }
0x70: {  	_ =	swait.ge @p0 [sflag:s4], $0x80  }
0x71: {  	s28 =	sshll.u32 s10, $0x7;
	[sflag:s4] =	ssyncset.done @p0 $0x0  }
0x72: {  	s31 =	sshll.u32 s11, $0x7;
	[sflag:s4] =	ssyncadd.s32 @p0 $0xFFFFFF80;
	s4 =	sand.u32 $0x80, s28  }
0x73: {  	s8 =	sand.u32 $0x80, s31;
	_ =	strace @p0 $0x90000066;
	s24 =	sor.u32 $0x1F700, s4  }
0x74: {  	s25 =	sor.u32 $0x1F800, s8;
	_ =	strace $0x80000067;
	s21 =	sor.u32 s13, s24  }
0x75: {  	s4 =	sor.u32 s13, s25;
	v12 =	vld [tilespmem:s21+$0x0]  }
0x76: {  	v13 =	vld [tilespmem:s4+$0x0];
	_ =	sdelay $0x3  }
0x77: {  	v14 =	vshll.u32 v12, $0x2  }
0x78: {  	v15 =	vand.u32 $0x7F, v12;
	v16 =	vshll.u32 v13, $0x2;
	v14 =	vand.u32 $0xFFFFFE00, v14  }
0x79: {  	s28 =	sshll.u32 s29, $0x7;
	v13 =	vand.u32 $0x7F, v13;
	v29 =	vand.u32 $0xFFFFFE00, v16;
	v14 =	vor.u32 v15, v14  }
0x7a: {  	s4 =	sand.u32 $0x80, s28;
	v13 =	vor.u32 v13, v29  }
0x7b: {  	s8 =	sor.u32 $0x1F900, s4  }
0x7c: {  	s4 =	sor.u32 s13, s8  }
0x7d: {  	v30 =	vld [tilespmem:s4+$0x0];
	[tilespmem:$0x1F680] =	vst v12  }
0x7e: {  	v12 =	vld.idx.msk [tilespmem:v14+s20+$0x0], $0xffff  }
0x7f: {  	v31 =	vld.idx.msk [tilespmem:v13+s20+$0x0], $0xffff;
	_ =	sdelay $0x4  }
0x80: {  	v32 =	vor.u32 $0x80, v14;
	v12 =	vsub.f32 v12, v31  }
0x81: {  	v17 =	vor.u32 $0x80, v13  }
0x82: {  	v12 =	vmul.f32 v12, v30;
	_ =	sdelay $0x1  }
0x83: {  	[tilespmem:v0+s26+$0x0] =	vst.idx.msk $0xffff, v12  }
0x84: {  	v12 =	vld.idx.msk [tilespmem:v32+s20+$0x0], $0xffff  }
0x85: {  	v33 =	vld.idx.msk [tilespmem:v17+s20+$0x0], $0xffff;
	_ =	sdelay $0x4  }
0x86: {  	v14 =	vor.u32 $0x100, v14;
	v12 =	vsub.f32 v12, v33  }
0x87: {  	v13 =	vor.u32 $0x100, v13  }
0x88: {  	v12 =	vmul.f32 v12, v30;
	_ =	sdelay $0x1  }
0x89: {  	[tilespmem:v1+s26+$0x0] =	vst.idx.msk $0xffff, v12  }
0x8a: {  	v12 =	vld.idx.msk [tilespmem:v14+s20+$0x0], $0xffff  }
0x8b: {  	v13 =	vld.idx.msk [tilespmem:v13+s20+$0x0], $0xffff;
	_ =	sdelay $0x4  }
0x8c: {  	v12 =	vsub.f32 v12, v13;
	_ =	sdelay $0x1  }
0x8d: {  	v12 =	vmul.f32 v12, v30;
	_ =	sdelay $0x1  }
0x8e: {  	s31 =	sor.u32 s15, s24;
	[tilespmem:v2+s26+$0x0] =	vst.idx.msk $0xffff, v12  }
0x8f: {  	s6 =	sor.u32 s15, s25;
	v12 =	vld [tilespmem:s31+$0x0]  }
0x90: {  	v34 =	vld [tilespmem:s6+$0x0];
	_ =	sdelay $0x3  }
0x91: {  	v35 =	vshll.u32 v12, $0x2  }
0x92: {  	v36 =	vand.u32 $0x7F, v12;
	v37 =	vshll.u32 v34, $0x2;
	v14 =	vand.u32 $0xFFFFFE00, v35  }
0x93: {  	v13 =	vand.u32 $0x7F, v34;
	v38 =	vand.u32 $0xFFFFFE00, v37;
	v14 =	vor.u32 v36, v14  }
0x94: {  	v13 =	vor.u32 v13, v38;
	_ =	sdelay $0x1  }
0x95: {  	s21 =	sor.u32 s15, s8  }
0x96: {  	v39 =	vld [tilespmem:s21+$0x0];
	[tilespmem:$0x1F690] =	vst v12  }
0x97: {  	v12 =	vld.idx.msk [tilespmem:v14+s20+$0x0], $0xffff  }
0x98: {  	v40 =	vld.idx.msk [tilespmem:v13+s20+$0x0], $0xffff;
	_ =	sdelay $0x4  }
0x99: {  	v41 =	vor.u32 $0x80, v14;
	v12 =	vsub.f32 v12, v40  }
0x9a: {  	v42 =	vor.u32 $0x80, v13  }
0x9b: {  	v12 =	vmul.f32 v12, v39;
	_ =	sdelay $0x1  }
0x9c: {  	[tilespmem:v3+s26+$0x0] =	vst.idx.msk $0xffff, v12  }
0x9d: {  	v12 =	vld.idx.msk [tilespmem:v41+s20+$0x0], $0xffff  }
0x9e: {  	v43 =	vld.idx.msk [tilespmem:v42+s20+$0x0], $0xffff;
	_ =	sdelay $0x4  }
0x9f: {  	v14 =	vor.u32 $0x100, v14;
	v12 =	vsub.f32 v12, v43  }
0xa0: {  	v13 =	vor.u32 $0x100, v13  }
0xa1: {  	v12 =	vmul.f32 v12, v39;
	_ =	sdelay $0x1  }
0xa2: {  	[tilespmem:v4+s26+$0x0] =	vst.idx.msk $0xffff, v12  }
0xa3: {  	v12 =	vld.idx.msk [tilespmem:v14+s20+$0x0], $0xffff  }
0xa4: {  	v13 =	vld.idx.msk [tilespmem:v13+s20+$0x0], $0xffff;
	_ =	sdelay $0x4  }
0xa5: {  	v12 =	vsub.f32 v12, v13;
	_ =	sdelay $0x1  }
0xa6: {  	v12 =	vmul.f32 v12, v39;
	_ =	sdelay $0x1  }
0xa7: {  	s28 =	sor.u32 s16, s24;
	[tilespmem:v5+s26+$0x0] =	vst.idx.msk $0xffff, v12  }
0xa8: {  	s31 =	sor.u32 s16, s25;
	v12 =	vld [tilespmem:s28+$0x0]  }
0xa9: {  	v44 =	vld [tilespmem:s31+$0x0];
	_ =	sdelay $0x3  }
0xaa: {  	v45 =	vshll.u32 v12, $0x2  }
0xab: {  	v46 =	vand.u32 $0x7F, v12;
	v47 =	vshll.u32 v44, $0x2;
	v14 =	vand.u32 $0xFFFFFE00, v45  }
0xac: {  	v13 =	vand.u32 $0x7F, v44;
	v48 =	vand.u32 $0xFFFFFE00, v47;
	v14 =	vor.u32 v46, v14  }
0xad: {  	v13 =	vor.u32 v13, v48;
	_ =	sdelay $0x1  }
0xae: {  	s6 =	sor.u32 s16, s8  }
0xaf: {  	v49 =	vld [tilespmem:s6+$0x0];
	[tilespmem:$0x1F6A0] =	vst v12  }
0xb0: {  	v12 =	vld.idx.msk [tilespmem:v14+s20+$0x0], $0xffff  }
0xb1: {  	v50 =	vld.idx.msk [tilespmem:v13+s20+$0x0], $0xffff;
	_ =	sdelay $0x4  }
0xb2: {  	v51 =	vor.u32 $0x80, v14;
	v12 =	vsub.f32 v12, v50  }
0xb3: {  	v52 =	vor.u32 $0x80, v13  }
0xb4: {  	v12 =	vmul.f32 v12, v49;
	_ =	sdelay $0x1  }
0xb5: {  	[tilespmem:v6+s26+$0x0] =	vst.idx.msk $0xffff, v12  }
0xb6: {  	v12 =	vld.idx.msk [tilespmem:v51+s20+$0x0], $0xffff  }
0xb7: {  	v53 =	vld.idx.msk [tilespmem:v52+s20+$0x0], $0xffff;
	_ =	sdelay $0x4  }
0xb8: {  	v14 =	vor.u32 $0x100, v14;
	v12 =	vsub.f32 v12, v53  }
0xb9: {  	v13 =	vor.u32 $0x100, v13  }
0xba: {  	v12 =	vmul.f32 v12, v49;
	_ =	sdelay $0x1  }
0xbb: {  	[tilespmem:v7+s26+$0x0] =	vst.idx.msk $0xffff, v12  }
0xbc: {  	v12 =	vld.idx.msk [tilespmem:v14+s20+$0x0], $0xffff  }
0xbd: {  	v13 =	vld.idx.msk [tilespmem:v13+s20+$0x0], $0xffff;
	_ =	sdelay $0x4  }
0xbe: {  	v12 =	vsub.f32 v12, v13;
	_ =	sdelay $0x1  }
0xbf: {  	v12 =	vmul.f32 v12, v49;
	_ =	sdelay $0x1  }
0xc0: {  	s21 =	sor.u32 s17, s24;
	[tilespmem:v8+s26+$0x0] =	vst.idx.msk $0xffff, v12  }
0xc1: {  	s24 =	sor.u32 s17, s25;
	v12 =	vld [tilespmem:s21+$0x0]  }
0xc2: {  	v54 =	vld [tilespmem:s24+$0x0];
	_ =	sdelay $0x3  }
0xc3: {  	v55 =	vshll.u32 v12, $0x2  }
0xc4: {  	v56 =	vand.u32 $0x7F, v12;
	v57 =	vshll.u32 v54, $0x2;
	v14 =	vand.u32 $0xFFFFFE00, v55  }
0xc5: {  	v13 =	vand.u32 $0x7F, v54;
	v58 =	vand.u32 $0xFFFFFE00, v57;
	v14 =	vor.u32 v56, v14  }
0xc6: {  	v13 =	vor.u32 v13, v58;
	_ =	sdelay $0x1  }
0xc7: {  	s25 =	sor.u32 s17, s8  }
0xc8: {  	v59 =	vld [tilespmem:s25+$0x0];
	[tilespmem:$0x1F6B0] =	vst v12  }
0xc9: {  	v12 =	vld.idx.msk [tilespmem:v14+s20+$0x0], $0xffff  }
0xca: {  	v60 =	vld.idx.msk [tilespmem:v13+s20+$0x0], $0xffff;
	_ =	sdelay $0x4  }
0xcb: {  	v61 =	vor.u32 $0x80, v14;
	v12 =	vsub.f32 v12, v60  }
0xcc: {  	v62 =	vor.u32 $0x80, v13  }
0xcd: {  	v12 =	vmul.f32 v12, v59;
	_ =	sdelay $0x1  }
0xce: {  	[tilespmem:v9+s26+$0x0] =	vst.idx.msk $0xffff, v12  }
0xcf: {  	v12 =	vld.idx.msk [tilespmem:v61+s20+$0x0], $0xffff  }
0xd0: {  	v63 =	vld.idx.msk [tilespmem:v62+s20+$0x0], $0xffff;
	_ =	sdelay $0x4  }
0xd1: {  	v14 =	vor.u32 $0x100, v14;
	v12 =	vsub.f32 v12, v63  }
0xd2: {  	v13 =	vor.u32 $0x100, v13  }
0xd3: {  	v12 =	vmul.f32 v12, v59;
	_ =	sdelay $0x1  }
0xd4: {  	[tilespmem:v10+s26+$0x0] =	vst.idx.msk $0xffff, v12  }
0xd5: {  	v12 =	vld.idx.msk [tilespmem:v14+s20+$0x0], $0xffff  }
0xd6: {  	s28 =	sld [smem:$0x7FC];
	v13 =	vld.idx.msk [tilespmem:v13+s20+$0x0], $0xffff;
	_ =	sdelay $0x2  }
0xd7: {  	s4 =	sadd.s32 @!p3 $0x1, s23;
	p3 =	seq.s32 s28, $0x1  }
0xd8: {  	s6 =	smov.u32 s23;
	p0 =	por !p3, p1  }
0xd9: {  	p6 =	seq.s32 s14, s19;
	s6 =	smov.u32 @p0 s4;
	s4 =	simm.s32 $0x0;
	v12 =	vsub.f32 v12, v13  }
0xda: {  	s19 =	sadd.s32 $0x1, s19;
	s8 =	simm.s32 $0x1;
	s4 =	simm.s32 @p0 $0x1  }
0xdb: {  	s8 =	simm.s32 @!p5 $0x0;
	p5 =	sne.s32 s22, s18;
	s4 =	simm.s32 @p1 $0x0;
	v12 =	vmul.f32 v12, v59  }
0xdc: {  	p0 =	por p6, p5;
	s12 =	sadd.s32 s12, s4;
	s4 =	simm.s32 $0x1  }
0xdd: {  	s31 =	rddreg [dreg:$0x3];
	s4 =	simm.s32 @!p0 $0x0;
	p0 =	sne.s32 s9, s19;
	[tilespmem:v11+s26+$0x0] =	vst.idx.msk $0xffff, v12  }
0xde: {  	[spmem:s31] =	stream.indirect.scatter.add.f32 [tilespmem:s26], [sflag:$0x7], $0x80, s0, s1, $0x2000b8;
	[tilespmem:$0x1FA00] =	vst v63  }
.Ltmp0:
0xdf: {  	s30 =	sadd.s32 s8, s30;
	s8 =	simm.s32 $0x1;
	(pc) =	sbr.rel @p0 .LBB2_2-.Ltmp0, $4  }
0xe0: {  	s6 =	smov.u32 @p1 s23;
	p1 =	por p6, p4;
	_ =	swait.ge [sflag:s3], $0x2000  }
0xe1: {  	s22 =	smov.u32 s18;
	s8 =	simm.s32 @!p1 $0x0;
	[sflag:s3] =	ssyncset.done $0x0  }
0xe2: {  	s23 =	smov.u32 s6;
	s29 =	sadd.s32 s8, s29;
	[sflag:s3] =	ssyncadd.s32 $0xFFFFE000  }
0xe3: {  	s10 =	sadd.s32 s4, s10;
	s11 =	sadd.s32 s4, s11;
	_ =	strace $0x90000067  }
0xe4: {  	[bflag:$0x0] =	sbarrier.arrive $0xFFFF  }
0xe5: {  	s8 =	rddreg [dreg:$0xb]  }
0xe6: {  	s4 =	rddreg [dreg:$0xd]  }
0xe7: {  	s11 =	simm.s32 $0x1;
	s6 =	rddreg [dreg:$0xe]  }
0xe8: {  	[hbm:s4], [sflag:s8] =	dma.local [spmem:s6], $0x2700  }
0xe9: {  	_ =	swait.ge [sflag:s11], $0x2700  }
0xea: {  	s30 =	sld [smem:$0x7FD];
	_ =	sdelay $0x2  }
0xeb: {  	[sflag:s11] =	ssyncset.done $0x0;
	s4 =	rddreg [dreg:$0x9];
	p1 =	seq.s32 s30, $0x1  }
0xec: {  	s6 =	rddreg [dreg:$0xf];
	[sflag:s11] =	ssyncadd.s32 $0xFFFFD900;
	s4 =	sadd.s32 @!p1 $0x27000, s4  }
0xed: {  	[hbm:s4], [sflag:s8] =	dma.local @!p1 [spmem:s6], $0x100  }
0xee: {  	s4 =	simm.s32 @!p1 $0x1  }
0xef: {  	_ =	swait.ge @!p1 [sflag:s4], $0x100  }
0xf0: {  	s10 =	rddreg [dreg:$0x10]  }
0xf1: {  	s31 =	rddreg [dreg:$0xa];
	s10 =	sadd.s32 $0x1, s10  }
0xf2: {  	p0 =	sne.s32 s10, s31  }
.Ltmp1:
0xf3: {  	_ = 	snop;
	(pc) =	sbr.rel @p0 .LBB2_1-.Ltmp1, $3  }
0xf4: {  	_ =	sdelay $0x1  }
0xf5: {  	[sflag:s4] =	ssyncset.done @!p1 $0x0  }
0xf6: {  	[sflag:s4] =	ssyncadd.s32 @!p1 $0xFFFFFF00  }
0xf7: {  	_ =	sfence.sel $0x180000  }
0xf8: {  	[bflag:$0x0] =	sbarrier.arrive $0xFFFF  }
0xf9: {  	_ =	strace $0x9000005F  }
0xfa: {  	s0 =	stileid.u32;
	[bflag:$0x2] =	sbarrier.arrive $0xFFFF  }
0xfb: {  	p0 =	sne.s32 s0, $0x0;
	s0 =	rddreg [dreg:$0x4]  }
0xfc: {  	s0 =	sadd.s32 @!p0 $0x100000, s0  }
0xfd: {  	[sflag:s0] =	ssyncadd.tile.s32 @!p0 $0x1;
	_ =	shalt  }
.Lfunc_end2:
_tile_overlayer_lowered:
.L_overlay_start_2:
0xfe: {  	(tag) =	ssettag $0x2  }
0xff: {  	s0 =	rddreg [dreg:$0x0];
	s2 =	stileid.u32  }
0x100: {  	s1 =	rddreg [dreg:$0x1];
	p0 =	sne.s32 s2, $0x0  }
0x101: {  	s3 =	rddreg [dreg:$0x2];
	[bflag:$0x3] =	sbarrier.arrive $0xFFFF;
	s2 =	simm.s32 @!p0 $0x1C01  }
0x102: {  	[timem:s3], [sflag:s2] =	dma.local @!p0 [hbm:s0], s1  }
0x103: {  	s0 =	simm.s32 @!p0 $0x1  }
0x104: {  	_ =	swait.ge @!p0 [sflag:s0], s1  }
0x105: {  	s1 =	ssub.s32 @!p0 $0x0, s1;
	[sflag:s0] =	ssyncset.done @!p0 $0x0  }
0x106: {  	[sflag:s0] =	ssyncadd.s32 @!p0 s1  }
0x107: {  	[bflag:$0x3] =	sbarrier.arrive $0xFFFF  }
0x108: {  	_ =	shalt  }

// kernel: kernel.7.cloned.1.call-start
scs
__scs_entry_jumppad:
0x0: {  	(pc) =	sbr.rel $0x88, $3  }
0x1: {  	(tag) =	ssettag $0x0;
	lr =	simm.s32 $0x1  }
0x2: {  	[smem:$0x3F96] =	sst lr;
	_ =	strace $0xD0000000  }
0x3: {  	_ = 	snop  }
0x4: {  	_ = 	snop  }
0x5: {  	_ = 	snop  }
0x6: {  	_ = 	snop  }
0x7: {  	_ = 	snop  }
__scs_overlays_trampoline_lowered:
0x8: {  	[smem:$0x3FA5] =	sst s0  }
0x9: {  	[smem:$0x3FA6] =	sst s1  }
0xa: {  	[smem:$0x3FA7] =	sst s2  }
0xb: {  	[smem:$0x3FA8] =	sst s3  }
0xc: {  	[smem:$0x3FA9] =	sst s4  }
0xd: {  	[smem:$0x3FAA] =	sst s5  }
0xe: {  	[smem:$0x3FAB] =	sst s6  }
0xf: {  	[smem:$0x3FAC] =	sst s7  }
0x10: {  	[smem:$0x3FAD] =	sst s8  }
0x11: {  	[smem:$0x3FAE] =	sst s9;
	s0 =	simm.s32 @!p0 $0x0  }
0x12: {  	s1 =	sld [smem:$0x3F94];
	s0 =	simm.s32 @p0 $0x1  }
0x13: {  	[smem:$0x3FAF] =	sst s0;
	s0 =	simm.s32 @!p1 $0x0  }
0x14: {  	s2 =	sld [smem:$0x3F93];
	s0 =	simm.s32 @p1 $0x1  }
0x15: {  	[smem:$0x3FB0] =	sst s0;
	s0 =	simm.s32 @!p2 $0x0  }
0x16: {  	s3 =	sld [smem:$0x3FDB];
	s0 =	simm.s32 @p2 $0x1  }
0x17: {  	s4 =	simm.s32 $0x1BF5;
	[smem:$0x3FB2] =	sst s0  }
0x18: {  	s0 =	sld [smem:$0x3F95];
	_ =	swait.ge [sflag:s4], $0x0  }
0x19: {  	s7 =	sld [smem:$0x3F96]  }
0x1a: {  	s8 =	sadd.s32 $0xFFFFE003, lr  }
0x1b: {  	s9 =	sadd.s32 $0xFFFFFEF7, lr;
	s5 =	simm.s32 $0xFFFFFFFF;
	p2 =	slt.u32 s8, $0xFFFFF086  }
0x1c: {  	p1 =	slt.u32 s9, $0xF7A;
	s5 =	simm.s32 @!p2 $0x0  }
0x1d: {  	s5 =	simm.s32 @p1 $0x1;
	p0 =	seq.s32 s7, s2  }
0x1e: {  	s7 =	smul.u32 @!p0 $0xF7A, s2;
	p2 =	seq.s32 @!p0 s5, $0x0  }
0x1f: {  	s9 =	smul.u32 $0xF7A, s1;
	s8 =	simm.s32 @!p0 $0x1BF5;
	p2 =	por !p2, p0  }
0x20: {  	[sflag:s8] =	ssyncset.s32 @!p0 $0xFFFFF086;
	s6 =	sadd.s32 @!p0 s3, s7;
	s7 =	simm.s32 @!p0 $0x108  }
0x21: {  	s3 =	sadd.s32 s3, s9;
	s6 =	sadd.s32 @!p0 $0x88, s6;
	s7 =	simm.s32 @p2 $0x1082  }
0x22: {  	[simem:s7], [sflag:s8] =	dma.local @!p0 [hbm:s6], $0xF7A  }
0x23: {  	s9 =	sor.u32 $0xD0000000, s2;
	s6 =	simm.s32 $0x108;
	_ =	swait.ge @!p0 [sflag:s8], $0x0  }
0x24: {  	s3 =	sadd.s32 $0x88, s3;
	s6 =	simm.s32 @!p1 $0x1082;
	[sflag:s4] =	ssyncset.s32 $0xFFFFF086  }
0x25: {  	[simem:s6], [sflag:s4] =	dma.local [hbm:s3], $0xF7A  }
0x26: {  	[smem:$0x3F96] =	sst s1;
	(tag) =	ssettag s2;
	_ =	strace s9  }
0x27: {  	s1 =	sld [smem:$0x3FA6]  }
0x28: {  	s2 =	sld [smem:$0x3FA7]  }
0x29: {  	s4 =	sld [smem:$0x3FA9]  }
0x2a: {  	p0 =	seq.s32 s5, $0x0;
	s5 =	sld [smem:$0x3FAA]  }
0x2b: {  	s6 =	sld [smem:$0x3FAB]  }
0x2c: {  	s7 =	sld [smem:$0x3FAC]  }
0x2d: {  	s3 =	simm.s32 $0x108;
	s8 =	sld [smem:$0x3FAD]  }
0x2e: {  	s3 =	simm.s32 @!p0 $0x1082;
	s9 =	sld [smem:$0x3FAE]  }
0x2f: {  	lr =	sadd.s32 s0, s3;
	s0 =	sld [smem:$0x3FA5]  }
0x30: {  	s3 =	sld [smem:$0x3FA8]  }
0x31: {  	[smem:$0x3FB1] =	sst s10  }
0x32: {  	s10 =	sld [smem:$0x3FAF];
	_ =	sdelay $0x3  }
0x33: {  	p0 =	seq.s32 s10, $0x1;
	s10 =	sld [smem:$0x3FB1];
	_ =	sdelay $0x3  }
0x34: {  	[smem:$0x3FB1] =	sst s10  }
0x35: {  	s10 =	sld [smem:$0x3FB0];
	_ =	sdelay $0x3  }
0x36: {  	p1 =	seq.s32 s10, $0x1;
	s10 =	sld [smem:$0x3FB1];
	_ =	sdelay $0x3  }
0x37: {  	[smem:$0x3FB1] =	sst s10  }
0x38: {  	s10 =	sld [smem:$0x3FB2]  }
0x39: {  	_ = 	snop;
	(pc) =	sbr.ind lr, $3  }
0x3a: {  	_ = 	snop  }
0x3b: {  	_ = 	snop  }
0x3c: {  	p2 =	seq.s32 s10, $0x1;
	s10 =	sld [smem:$0x3FB1]  }
0x3d: {  	_ =	shalt  }
0x3e: {  	_ =	shalt  }
0x3f: {  	_ =	shalt  }
0x40: {  	_ =	shalt  }
0x41: {  	_ =	shalt  }
0x42: {  	_ =	shalt  }
0x43: {  	_ =	shalt  }
0x44: {  	_ =	shalt  }
0x45: {  	_ =	shalt  }
0x46: {  	_ =	shalt  }
0x47: {  	_ =	shalt  }
0x48: {  	_ =	shalt  }
0x49: {  	_ =	shalt  }
0x4a: {  	_ =	shalt  }
0x4b: {  	_ =	shalt  }
0x4c: {  	_ =	shalt  }
0x4d: {  	_ =	shalt  }
0x4e: {  	_ =	shalt  }
0x4f: {  	_ =	shalt  }
0x50: {  	_ =	shalt  }
0x51: {  	_ =	shalt  }
0x52: {  	_ =	shalt  }
0x53: {  	_ =	shalt  }
0x54: {  	_ =	shalt  }
0x55: {  	_ =	shalt  }
0x56: {  	_ =	shalt  }
0x57: {  	_ =	shalt  }
0x58: {  	_ =	shalt  }
0x59: {  	_ =	shalt  }
0x5a: {  	_ =	shalt  }
0x5b: {  	_ =	shalt  }
0x5c: {  	_ =	shalt  }
0x5d: {  	_ =	shalt  }
0x5e: {  	_ =	shalt  }
0x5f: {  	_ =	shalt  }
0x60: {  	_ =	shalt  }
0x61: {  	_ =	shalt  }
0x62: {  	_ =	shalt  }
0x63: {  	_ =	shalt  }
0x64: {  	_ =	shalt  }
0x65: {  	_ =	shalt  }
0x66: {  	_ =	shalt  }
0x67: {  	_ =	shalt  }
0x68: {  	_ =	shalt  }
0x69: {  	_ =	shalt  }
0x6a: {  	_ =	shalt  }
0x6b: {  	_ =	shalt  }
0x6c: {  	_ =	shalt  }
0x6d: {  	_ =	shalt  }
0x6e: {  	_ =	shalt  }
0x6f: {  	_ =	shalt  }
0x70: {  	_ =	shalt  }
0x71: {  	_ =	shalt  }
0x72: {  	_ =	shalt  }
0x73: {  	_ =	shalt  }
0x74: {  	_ =	shalt  }
0x75: {  	_ =	shalt  }
0x76: {  	_ =	shalt  }
0x77: {  	_ =	shalt  }
0x78: {  	_ =	shalt  }
0x79: {  	_ =	shalt  }
0x7a: {  	_ =	shalt  }
0x7b: {  	_ =	shalt  }
0x7c: {  	_ =	shalt  }
0x7d: {  	_ =	shalt  }
0x7e: {  	_ =	shalt  }
0x7f: {  	_ =	shalt  }
0x80: {  	_ =	shalt  }
0x81: {  	_ =	shalt  }
0x82: {  	_ =	shalt  }
0x83: {  	_ =	shalt  }
0x84: {  	_ =	shalt  }
0x85: {  	_ =	shalt  }
0x86: {  	_ =	shalt  }
0x87: {  	_ =	shalt  }
.Lfunc_end0:
.L_simem_size_0:
called_computation_lowered:
.L_overlay_start_0:
0x88: {  	s2 =	sld [smem:$0x3FD9]  }
0x89: {  	s3 =	sld [smem:$0x3FFE];
	_ =	sdelay $0x1  }
0x8a: {  	s1 =	srdreg.scid  }
0x8b: {  	s0 =	sand.u32 $0x1, s1  }
0x8c: {  	s14 =	sshll.u32 s0, $0xA;
	s2 =	sadd.s32 s3, s2  }
0x8d: {  	s2 =	sadd.s32 s2, s14  }
0x8e: {  	[smem:$0x3FBD] =	sst s2  }
0x8f: {  	_ = 	snop  }
0x90: {  	s2 =	sld [smem:$0x3FD0];
	_ =	sdelay $0x2  }
0x91: {  	s4 =	simm.s32 $0xB;
	s5 =	simm.s32 $0x10;
	s15 =	sld [smem:$0x3FC9]  }
0x92: {  	[smem:s5], [sflag:s4] =	dma.local [hbm:s2], $0x1  }
0x93: {  	_ =	swait.eq [sflag:s4], $0x1  }
0x94: {  	[sflag:s4] =	ssyncset.done $0x0  }
0x95: {  	[sflag:s4] =	ssyncadd.s32 $0xFFFFFFFF  }
0x96: {  	s16 =	sld [smem:$0x10];
	(tm) =	ssettm $0x1  }
0x97: {  	s17 =	sld [smem:$0x3FFB];
	_ =	sdelay $0x3  }
0x98: {  	_ =	strace s17  }
0x99: {  	s4 =	sld [smem:$0x3FFC];
	_ =	sdelay $0x3  }
0x9a: {  	_ =	strace s4  }
0x9b: {  	s4 =	sld [smem:$0x3FFD];
	_ =	sdelay $0x3  }
0x9c: {  	_ =	strace s4  }
0x9d: {  	_ =	strace $0x8FFFFFFF  }
0x9e: {  	s18 =	sld [smem:$0x3FDB];
	_ =	sdelay $0x1  }
0x9f: {  	s19 =	simm.s32 $_scs_section_size  }
0xa0: {  	s6 =	simm.s32 $_size__tile_overlayer_lowered;
	s7 =	simm.s32 $_tile_overlayer_lowered  }
0xa1: {  	s22 =	simm.s32 $0x1BFF;
	s21 =	sshll.u32 s7, $0x1;
	s4 =	sadd.s32 s19, s18  }
0xa2: {  	s8 =	simm.s32 $0x0;
	s20 =	sshll.u32 s6, $0x1;
	s6 =	sadd.s32 s21, s4  }
0xa3: {  	[timem:s8], [sflag:s22] =	dma.local [hbm:s6], s20  }
0xa4: {  	_ =	swait.ge [sflag:s22], s20  }
0xa5: {  	s5 =	ssub.s32 $0x0, s20;
	[sflag:s22] =	ssyncset.done $0x0  }
0xa6: {  	[sflag:s22] =	ssyncadd.s32 s5;
	_ =	sdelay $0x1  }
0xa7: {  	s23 =	simm.s32 $0x1B8B  }
0xa8: {  	_ =	swait.ge [sflag:s23], $0x1  }
0xa9: {  	[sflag:s23] =	ssyncset.done $0x0  }
0xaa: {  	s25 =	simm.s32 $0x1B8E;
	s24 =	sld [smem:$0x3FFE];
	[sflag:s23] =	ssyncadd.s32 $0xFFFFFFFF  }
0xab: {  	s26 =	simm.s32 $execute0_lowered;
	[smem:$0x3FD2] =	sst s25  }
0xac: {  	s6 =	sshll.u32 s26, $0x1;
	_ =	strace $0x80000046;
	[dreg:$0x1] =	wrdreg $0xFFFFFFFF  }
0xad: {  	s28 =	simm.s32 $_size_execute0_lowered;
	s4 =	sadd.s32 s4, s6;
	[dreg:$0x0] =	wrdreg $0x0  }
0xae: {  	s6 =	sshll.u32 s28, $0x1;
	[dreg:$0x2] =	wrdreg s4  }
0xaf: {  	[dreg:$0x3] =	wrdreg s6  }
0xb0: {  	[dreg:$0x4] =	wrdreg $0xC0  }
0xb1: {  	_ =	task [dreg:s8], $0x5FFFF  }
0xb2: {  	[dreg:$0x1] =	wrdreg $0xFFFFFFFF  }
0xb3: {  	[dreg:$0x0] =	wrdreg $0x60  }
0xb4: {  	[dreg:$0x2] =	wrdreg s15  }
0xb5: {  	[dreg:$0x3] =	wrdreg s16  }
0xb6: {  	[dreg:$0x4] =	wrdreg s24  }
0xb7: {  	[dreg:$0x5] =	wrdreg $0x9  }
0xb8: {  	_ =	task.clear_ibuf [dreg:s8], $0x6FFFF;
	_ =	strace $0x90000046  }
0xb9: {  	s29 =	simm.s32 $0x9;
	_ =	strace $0x80000054  }
0xba: {  	_ =	swait.ge [sflag:s29], $0x1  }
0xbb: {  	[sflag:s29] =	ssyncadd.s32 $0xFFFFFFFF  }
0xbc: {  	_ =	strace $0x90000054  }
0xbd: {  	_ =	sfence  }
0xbe: {  	s30 =	sld [smem:$0x0];
	_ =	sdelay $0x2  }
0xbf: {  	s31 =	sshll.u32 s1, $0xD;
	s1 =	sshrl.u32 s1, $0x2  }
0xc0: {  	s3 =	sand.u32 $0x4000, s31;
	s1 =	sadd.s32 s1, s30  }
0xc1: {  	s0 =	sor.u32 s3, s0;
	s1 =	sshll.u32 s1, $0x11  }
0xc2: {  	s0 =	sor.u32 s1, s0  }
0xc3: {  	s0 =	sadd.s32 $0x8F2B, s0  }
0xc4: {  	[sflag:s0] =	ssyncadd.remote.s32 $0x1  }
0xc5: {  	_ =	sfence.sel $0xFFFF  }
0xc6: {  	[dreg:$0x0] =	wrdreg $0xFFFFFFFF;
	(pc) =	sbr.abs _section_cstart, $3  }
0xc7: {  	[dreg:$0x1] =	wrdreg $0xFFFFFFFF  }
0xc8: {  	_ =	task.clear_ibuf [dreg:s8], $0x2FFFF;
	_ =	strace $0x9FFFFFFF  }
0xc9: {  	(tm) =	ssettm $0x7FFFFFFF  }
tec
execute0_lowered:
.L_overlay_start_1:
0x0: {  	(tag) =	ssettag $0x1  }
0x1: {  	s1 =	rddreg [dreg:$0x0]  }
0x2: {  	s0 =	srdreg.scid;
	s3 =	rddreg [dreg:$0x1]  }
0x3: {  	s5 =	stileid.u32;
	s4 =	rddreg [dreg:$0x2];
	s0 =	sand.u32 $0x1, s0  }
0x4: {  	s6 =	simm.s32 $0x0;
	s7 =	simm.s32 $0x4F;
	s2 =	sshll.u32 s0, $0x4  }
0x5: {  	s14 =	simm.s32 $0x80;
	s15 =	simm.s32 $0x9;
	s2 =	sor.u32 s5, s2  }
0x6: {  	s16 =	simm.s32 $0x400;
	s17 =	simm.s32 $0x800;
	s5 =	smul.u32 $0x4E, s2  }
0x7: {  	s18 =	simm.s32 $0x0;
	[smem:$0x7FF] =	sst s6;
	s6 =	smul.u32 $0x4F, s2  }
0x8: {  	s0 =	ssub.s32 $0x2, s0;
	p0 =	slt.u32 s2, $0x4;
	s5 =	sadd.s32 $0x4, s5  }
0x9: {  	s11 =	sadd.s32 $0x2A80, s4;
	s30 =	sshrl.u32 s0, $0x1;
	s5 =	smov.u32 @p0 s6  }
0xa: {  	_ =	strace $0x80000047;
	s0 =	ssub.s32 s0, s30;
	s31 =	sshll.u32 s5, $0x4  }
0xb: {  	s7 =	simm.s32 @!p0 $0x4E;
	s12 =	smax.u32 s0, $0x1;
	s8 =	sand.u32 $0x1FFFFFF0, s31  }
0xc: {  	s10 =	sadd.s32 $0xFFFFFFFF, s7;
	s2 =	sadd.s32 s31, s3;
	s8 =	sadd.s32 s3, s8  }
0xd: {  	s6 =	sadd.s32 $0x2A00, s4;
	s9 =	sadd.s32 $0x9C40, s2;
	[dreg:$0x4] =	wrdreg s8  }
.LBB2_1:
0xe: {  	_ =	strace $0x80000048;
	s0 =	simm.s32 $0x0;
	s31 =	simm.s32 $0x100  }
0xf: {  	s29 =	simm.s32 $0x1;
	s30 =	simm.s32 $0x0;
	s19 =	simm.s32 $0x0  }
0x10: {  	s20 =	simm.s32 $0x0;
	s26 =	simm.s32 $0x0;
	s2 =	rddreg [dreg:$0x4]  }
0x11: {  	[tilespmem:s0], [sflag:$0x1] =	stream.linear.gather [hbm4b:s2+s0], $0x80, $0x200038;
	[tilespmem:$0x10200] =	vst v63  }
0x12: {  	s21 =	simm.s32 $0x0;
	s22 =	simm.s32 $0x0;
	s23 =	simm.s32 $0x1  }
0x13: {  	[tilespmem:s31], [sflag:$0x3] =	stream.linear.gather [hbm4b:s9+s0], $0x80, $0x200038;
	[tilespmem:$0x10200] =	vst v63  }
0x14: {  	s24 =	simm.s32 $0x0;
	s25 =	simm.s32 $0x0;
	_ =	strace $0x90000048  }
.LBB2_2:
0x15: {  	s28 =	sadd.s32 $0x1, s30  }
0x16: {  	p0 =	seq.s32 s28, s7  }
0x17: {  	s28 =	simm.s32 @p0 $0x0;
	p0 =	sge.u32 s25, s10  }
0x18: {  	p1 =	seq.s32 @!p0 s30, s28  }
0x19: {  	p2 =	por p1, p0  }
0x1a: {  	s0 =	sadd.s32 @!p2 s5, s28;
	s2 =	sand.u32 @!p2 $0x1, s29  }
0x1b: {  	_ =	strace @!p2 $0x80000049;
	s31 =	simm.s32 @!p2 $0x0;
	s4 =	sshll.u32 @!p2 s0, $0x4  }
0x1c: {  	s13 =	sshll.u32 @!p2 s2, $0x7;
	s0 =	sshll.u32 @!p2 s0, $0x7;
	s4 =	sand.u32 @!p2 $0x1FFFFFF0, s4  }
0x1d: {  	s2 =	sadd.s32 @!p2 $0x1, s2;
	s0 =	sadd.s32 @!p2 $0x4E200, s0;
	s4 =	sadd.s32 @!p2 s3, s4  }
0x1e: {  	[tilespmem:s13], [sflag:s2] =	stream.linear.gather @!p2 [hbm4b:s4+s31], $0x80, $0x200038;
	[tilespmem:$0x10200] =	vst v63  }
0x1f: {  	s0 =	sshrl.u32 @!p2 s0, $0x3;
	s2 =	sand.u32 @!p2 $0x1, s23  }
0x20: {  	s0 =	sadd.s32 @!p2 s3, s0;
	_ =	strace @!p2 $0x90000049;
	s4 =	sshll.u32 @!p2 s2, $0x7  }
0x21: {  	s2 =	sadd.s32 @!p2 $0x3, s2;
	_ =	strace @!p2 $0x8000004A;
	s4 =	sor.u32 @!p2 $0x100, s4  }
0x22: {  	[tilespmem:s4], [sflag:s2] =	stream.linear.gather @!p2 [hbm4b:s0+s31], $0x80, $0x200038;
	[tilespmem:$0x10200] =	vst v63  }
0x23: {  	s4 =	sand.u32 $0x1, s24;
	_ =	strace @!p2 $0x9000004A  }
0x24: {  	s0 =	sadd.s32 $0x1, s4;
	_ =	strace $0x8000004B  }
0x25: {  	_ =	swait.ge [sflag:s0], $0x80  }
0x26: {  	[sflag:s0] =	ssyncset.done $0x0  }
0x27: {  	[sflag:s0] =	ssyncadd.s32 $0xFFFFFF80  }
0x28: {  	s8 =	sand.u32 $0x1, s22;
	_ =	strace $0x9000004B  }
0x29: {  	s0 =	sadd.s32 $0x3, s8;
	_ =	strace $0x8000004C  }
0x2a: {  	_ =	swait.ge [sflag:s0], $0x80  }
0x2b: {  	p3 =	seq.s32 s10, s25;
	[sflag:s0] =	ssyncset.done $0x0  }
0x2c: {  	p4 =	seq.s32 @!p3 s30, s28;
	s2 =	sand.u32 $0x1, s21;
	[sflag:s0] =	ssyncadd.s32 $0xFFFFFF80  }
0x2d: {  	s31 =	sshll.u32 s24, $0x7;
	s13 =	sshll.u32 s2, $0xE;
	_ =	strace $0x9000004C  }
0x2e: {  	s4 =	sand.u32 $0x80, s31;
	s13 =	sor.u32 $0x200, s13;
	_ =	strace $0x8000004D  }
0x2f: {  	[tilespmem:s13], [sflag:$0x9] =	stream.indirect.gather [hbm4b:s1+s14], $0x80, s4, s14, $0x2000b8;
	[tilespmem:$0x10200] =	vst v63  }
0x30: {  	s8 =	sshll.u32 s22, $0x7;
	s0 =	sand.u32 $0x1, s20;
	_ =	swait.ge [sflag:s15], $0x4000  }
0x31: {  	s8 =	sand.u32 $0x80, s8;
	s31 =	sshll.u32 s0, $0xE;
	[sflag:s15] =	ssyncset.done $0x0  }
0x32: {  	s8 =	sor.u32 $0x100, s8;
	s4 =	sor.u32 $0x8200, s31;
	[sflag:s15] =	ssyncadd.s32 $0xFFFFC000  }
0x33: {  	[tilespmem:s4], [sflag:$0x9] =	stream.indirect.gather [hbm4b:s1+s14], $0x80, s8, s14, $0x2000b8;
	[tilespmem:$0x10200] =	vst v63  }
0x34: {  	p3 =	por p3, !p4;
	_ =	swait.ge [sflag:s15], $0x4000  }
0x35: {  	s8 =	sadd.s32 @p3 s5, s30;
	[sflag:s15] =	ssyncset.done $0x0  }
0x36: {  	s8 =	sshll.u32 @p3 s8, $0xC;
	[sflag:s15] =	ssyncadd.s32 $0xFFFFC000  }
0x37: {  	p1 =	por !p1, p0;
	s8 =	sand.u32 @p3 $0x1FFFF000, s8;
	_ =	strace $0x9000004D  }
0x38: {  	s2 =	sadd.s32 @p3 $0x5, s2;
	s30 =	sadd.s32 @p3 s6, s8;
	_ =	strace @p3 $0x8000004E  }
0x39: {  	[hbm4b:s30+s16] =	stream.strided.scatter @p3 [tilespmem:s13], [sflag:s2], $0x4000, s17, s16, $0x200038;
	[tilespmem:$0x10200] =	vst v63  }
0x3a: {  	s21 =	sadd.s32 @p3 $0x1, s21;
	s0 =	sadd.s32 @p3 $0x7, s0;
	_ =	strace @p3 $0x9000004E  }
0x3b: {  	s31 =	simm.s32 $0x0;
	s2 =	sadd.s32 @p3 s8, s11;
	_ =	strace @p3 $0x8000004F  }
0x3c: {  	[hbm4b:s2+s16] =	stream.strided.scatter @p3 [tilespmem:s4], [sflag:s0], $0x4000, s17, s16, $0x200038;
	[tilespmem:$0x10200] =	vst v63  }
0x3d: {  	s31 =	simm.s32 @p3 $0x1;
	_ =	strace @p3 $0x9000004F;
	p3 =	seq.s32 s25, $0x0  }
0x3e: {  	s20 =	sadd.s32 s20, s31;
	s24 =	sadd.s32 s24, s31;
	s0 =	sand.u32 @!p3 $0x1, s26  }
0x3f: {  	s22 =	sadd.s32 s22, s31;
	_ =	strace @!p3 $0x80000050;
	s0 =	sadd.s32 @!p3 $0x5, s0  }
0x40: {  	s8 =	smov.u32 s29;
	s2 =	sadd.s32 @!p2 $0x1, s29;
	_ =	swait.ge @!p3 [sflag:s0], $0x4000  }
0x41: {  	s8 =	smov.u32 @p1 s2;
	s25 =	sadd.s32 $0x1, s25;
	[sflag:s0] =	ssyncset.done @!p3 $0x0  }
0x42: {  	s4 =	sand.u32 @!p3 $0x1, s19;
	[sflag:s0] =	ssyncadd.s32 @!p3 $0xFFFFC000;
	s0 =	simm.s32 $0x0  }
0x43: {  	s8 =	smov.u32 @p0 s29;
	s2 =	simm.s32 @!p3 $0x1;
	s0 =	simm.s32 @p1 $0x1  }
0x44: {  	_ =	strace @!p3 $0x90000050;
	s0 =	simm.s32 @p0 $0x0;
	p0 =	sne.s32 s7, s25  }
.Ltmp0:
0x45: {  	s4 =	sadd.s32 @!p3 $0x7, s4;
	_ =	strace @!p3 $0x80000051;
	(pc) =	sbr.rel @p0 .LBB2_2-.Ltmp0, $4  }
0x46: {  	s30 =	smov.u32 s28;
	s2 =	simm.s32 @p3 $0x0;
	_ =	swait.ge @!p3 [sflag:s4], $0x4000  }
0x47: {  	s23 =	sadd.s32 s23, s0;
	s0 =	sadd.s32 @!p3 $0x1, s26;
	[sflag:s4] =	ssyncset.done @!p3 $0x0  }
0x48: {  	s29 =	smov.u32 s8;
	s0 =	smov.u32 @p3 s26;
	[sflag:s4] =	ssyncadd.s32 @!p3 $0xFFFFC000  }
0x49: {  	s19 =	sadd.s32 s19, s2;
	s26 =	smov.u32 s0;
	_ =	strace @!p3 $0x90000051  }
0x4a: {  	s0 =	sand.u32 $0x1, s0  }
0x4b: {  	_ =	strace $0x80000052;
	s0 =	sadd.s32 $0x5, s0  }
0x4c: {  	_ =	swait.ge [sflag:s0], $0x4000  }
0x4d: {  	[sflag:s0] =	ssyncset.done $0x0  }
0x4e: {  	s18 =	sadd.s32 $0x1, s18;
	[sflag:s0] =	ssyncadd.s32 $0xFFFFC000  }
0x4f: {  	s31 =	sand.u32 $0x1, s19;
	p0 =	sne.s32 s18, s12;
	_ =	strace $0x90000052  }
.Ltmp1:
0x50: {  	s0 =	sadd.s32 $0x7, s31;
	_ =	strace $0x80000053;
	(pc) =	sbr.rel @p0 .LBB2_1-.Ltmp1, $4  }
0x51: {  	_ =	swait.ge [sflag:s0], $0x4000  }
0x52: {  	[sflag:s0] =	ssyncset.done $0x0  }
0x53: {  	[sflag:s0] =	ssyncadd.s32 $0xFFFFC000  }
0x54: {  	_ =	strace $0x90000053  }
0x55: {  	_ =	sfence.sel $0x180000  }
0x56: {  	[bflag:$0x0] =	sbarrier.arrive $0xFFFF  }
0x57: {  	_ =	strace $0x90000047  }
0x58: {  	s0 =	stileid.u32;
	[bflag:$0x2] =	sbarrier.arrive $0xFFFF  }
0x59: {  	p0 =	sne.s32 s0, $0x0;
	s0 =	rddreg [dreg:$0x3]  }
0x5a: {  	s0 =	sadd.s32 @!p0 $0x100000, s0  }
0x5b: {  	[sflag:s0] =	ssyncadd.tile.s32 @!p0 $0x1;
	_ =	shalt  }
.Lfunc_end2:
_tile_overlayer_lowered:
.L_overlay_start_2:
0x5c: {  	(tag) =	ssettag $0x2  }
0x5d: {  	s0 =	rddreg [dreg:$0x0];
	s2 =	stileid.u32  }
0x5e: {  	s1 =	rddreg [dreg:$0x1];
	p0 =	sne.s32 s2, $0x0  }
0x5f: {  	s3 =	rddreg [dreg:$0x2];
	[bflag:$0x3] =	sbarrier.arrive $0xFFFF;
	s2 =	simm.s32 @!p0 $0x1C01  }
0x60: {  	[timem:s3], [sflag:s2] =	dma.local @!p0 [hbm:s0], s1  }
0x61: {  	s0 =	simm.s32 @!p0 $0x1  }
0x62: {  	_ =	swait.ge @!p0 [sflag:s0], s1  }
0x63: {  	s1 =	ssub.s32 @!p0 $0x0, s1;
	[sflag:s0] =	ssyncset.done @!p0 $0x0  }
0x64: {  	[sflag:s0] =	ssyncadd.s32 @!p0 s1  }
0x65: {  	[bflag:$0x3] =	sbarrier.arrive $0xFFFF  }
0x66: {  	_ =	shalt  }

</sc_bundles>
